<compile_context>
chip_gen: v7x
topology: tpu7x:2x2x1
jax: 0.10.2.dev20260603
libtpu: 0.0.44.dev20260713+nightly
codegen_flags: <defaults>
</compile_context>

<pallas_src>
import functools

import jax
import jax.numpy as jnp
from jax import lax
from jax.experimental import pallas as pl
from jax.experimental.pallas import tpu as pltpu
from jax.experimental.pallas import tpu_sc as plsc

_B = 16384
_F = 26
_V = 100000
_D = 64
_H1 = 256
_H2 = 128

_NC = 2
_NS = 16
_NW = _NC * _NS
_BPW = _B // _NW
_CB = 32
_NBLK = _BPW // _CB


def _sc_bi_interaction(x_t, tab128):
    mesh = plsc.VectorSubcoreMesh(core_axis_name="c", subcore_axis_name="s")

    HSL = 256
    NH = _BPW // HSL
    NBH = HSL // _CB

    @functools.partial(
        pl.kernel,
        out_type=jax.ShapeDtypeStruct((_B, _D), jnp.float32),
        mesh=mesh,
        scratch_types=[
            pltpu.VMEM((_F, HSL), jnp.int32),
            pltpu.VMEM((_F, _CB), jnp.int32),
            pltpu.VMEM((_F, _CB, 2 * _D), jnp.float32),
            pltpu.VMEM((_CB, _D), jnp.float32),
            pltpu.SemaphoreType.DMA,
        ],
        compiler_params=pltpu.CompilerParams(use_tc_tiling_on_sc=True,
                                             needs_layout_passes=False),
    )
    def sc_kernel(x_hbm, tab_hbm, out_hbm, xw, idxb, rows, bi, sem):
        wid = lax.axis_index("s") * _NC + lax.axis_index("c")
        base = wid * _BPW

        def half_body(h, _):
            h0 = base + h * HSL
            pltpu.sync_copy(x_hbm.at[:, pl.ds(h0, HSL)], xw)

            def block_body(blk, _):
                lo = blk * _CB
                b0 = h0 + lo
                for f in range(_F):
                    for j in range(_CB // 16):
                        idxb[f, pl.ds(j * 16, 16)] = (
                            xw[f, pl.ds(lo + j * 16, 16)] + f * _V)
                copies = [
                    pltpu.async_copy(tab_hbm.at[idxb.at[f]], rows.at[f], sem)
                    for f in range(_F)
                ]
                for c in copies:
                    c.wait()

                def elem_body(c, _):
                    for dd in range(_D // 16):
                        s = jnp.zeros((16,), jnp.float32)
                        ss = jnp.zeros((16,), jnp.float32)
                        for f in range(_F):
                            r = rows[f, c, pl.ds(dd * 16, 16)]
                            s = s + r
                            ss = ss + r * r
                        bi[c, pl.ds(dd * 16, 16)] = 0.5 * (s * s - ss)
                    return ()

                lax.fori_loop(0, _CB, elem_body, ())
                pltpu.sync_copy(bi, out_hbm.at[pl.ds(b0, _CB)])
                return ()

            lax.fori_loop(0, NBH, block_body, ())
            return ()

        lax.fori_loop(0, NH, half_body, ())

    return sc_kernel(x_t, tab128)


_VC = 16384
_NVC = -(-_V // _VC)


def _tc_relayout(tab_t):

    def body(in_ref, out_ref):
        x = in_ref[0]
        xt = jnp.transpose(x)
        out_ref[0] = jnp.concatenate([xt, xt], axis=1)

    return pl.pallas_call(
        body,
        grid=(_F, _NVC),
        in_specs=[pl.BlockSpec((1, _D, _VC), lambda f, v: (f, 0, v))],
        out_specs=pl.BlockSpec((1, _VC, 2 * _D), lambda f, v: (f, v, 0)),
        out_shape=jax.ShapeDtypeStruct((_F, _V, 2 * _D), jnp.float32),
    )(tab_t)


def _tc_head(bi, x, W1, b1, W2, b2, W3t, b3, Wlt, bl):
    BT = 512
    grid = (_B // BT,)

    def body(bi_ref, x_ref, w1_ref, b1_ref, w2_ref, b2_ref, w3_ref,
             b3_ref, wl_ref, bl_ref, out_ref):
        h = jnp.dot(bi_ref[...], w1_ref[...],
                    preferred_element_type=jnp.float32) + b1_ref[...]
        h = jnp.maximum(h, 0.0)
        h = jnp.dot(h, w2_ref[...],
                    preferred_element_type=jnp.float32) + b2_ref[...]
        h = jnp.maximum(h, 0.0)
        deep = jnp.sum(h * w3_ref[...], axis=1, keepdims=True)
        xf = x_ref[...].astype(jnp.float32)
        lin = jnp.dot(xf, wl_ref[...])
        z = lin + deep + b3_ref[0, 0] + bl_ref[0, 0]
        out_ref[...] = jax.nn.sigmoid(z)

    return pl.pallas_call(
        body,
        grid=grid,
        in_specs=[
            pl.BlockSpec((BT, _D), lambda i: (i, 0)),
            pl.BlockSpec((BT, _F), lambda i: (i, 0)),
            pl.BlockSpec((_D, _H1), lambda i: (0, 0)),
            pl.BlockSpec((1, _H1), lambda i: (0, 0)),
            pl.BlockSpec((_H1, _H2), lambda i: (0, 0)),
            pl.BlockSpec((1, _H2), lambda i: (0, 0)),
            pl.BlockSpec((1, _H2), lambda i: (0, 0)),
            pl.BlockSpec((1, 1), lambda i: (0, 0)),
            pl.BlockSpec((_F, 1), lambda i: (0, 0)),
            pl.BlockSpec((1, 1), lambda i: (0, 0)),
        ],
        out_specs=pl.BlockSpec((BT, 1), lambda i: (i, 0)),
        out_shape=jax.ShapeDtypeStruct((_B, 1), jnp.float32),
    )(bi, x, W1, b1, W2, b2, W3t, b3, Wlt, bl)


def kernel(x, tables, Wl, bl, W1, b1, W2, b2, W3, b3):
    x = x.astype(jnp.int32)
    x_t = x.T
    tab_t = jnp.swapaxes(tables, 1, 2)
    tab128 = _tc_relayout(tab_t).reshape(_F * _V, 2 * _D)
    bi = _sc_bi_interaction(x_t, tab128)
    return _tc_head(
        bi, x, W1, b1.reshape(1, _H1), W2, b2.reshape(1, _H2),
        W3.reshape(1, _H2), b3.reshape(1, 1), Wl,
        bl.reshape(1, 1),
    )

# --- scband reference (transcript-rebuilt; emitter-appended) ---
"""Pipeline reference for scband-neural-factorization-machine-9552007266584 (READ-ONLY COPY).

The authoritative reference and input builder live on the scoring server;
editing this copy changes nothing except your own understanding.
"""

import jax, jax.numpy as jnp
import numpy as np

B = 16384
F = 26
V = 100000
D = 64
H1 = 256
H2 = 128

def setup_inputs(seed: int = 0) -> dict:
    key = jax.random.key(seed)
    ks = jax.random.split(key, 10)
    x = jax.random.randint(ks[0], (B, F), 0, V, dtype=jnp.int64) if jax.config.jax_enable_x64 else jax.random.randint(ks[0], (B, F), 0, V, dtype=jnp.int32)
    tables = jax.random.normal(ks[1], (F, V, D), dtype=jnp.float32) * 0.01
    tables = tables.at[:, 0, :].set(0.0)  # padding_idx=0 rows are zero
    Wl = jax.random.normal(ks[2], (F, 1), dtype=jnp.float32) * 0.05
    bl = jnp.zeros((1,), dtype=jnp.float32)
    W1 = jax.random.normal(ks[3], (D, H1), dtype=jnp.float32) * (1.0 / np.sqrt(D))
    b1 = jnp.zeros((H1,), dtype=jnp.float32)
    W2 = jax.random.normal(ks[4], (H1, H2), dtype=jnp.float32) * (1.0 / np.sqrt(H1))
    b2 = jnp.zeros((H2,), dtype=jnp.float32)
    W3 = jax.random.normal(ks[5], (H2, 1), dtype=jnp.float32) * (1.0 / np.sqrt(H2))
    b3 = jnp.zeros((1,), dtype=jnp.float32)
    return {"x": x, "tables": tables, "Wl": Wl, "bl": bl, "W1": W1, "b1": b1, "W2": W2, "b2": b2, "W3": W3, "b3": b3}

def reference(x, tables, Wl, bl, W1, b1, W2, b2, W3, b3):
    # per-field embedding lookup: tables[f, x[:, f]] for all fields
    field_idx = jnp.arange(F)[None, :]               # [1, F]
    embed_x = tables[field_idx, x]                   # [B, F, D] gather
    # FM bi-interaction
    summed = jnp.sum(embed_x, axis=1)                # [B, D]
    summed_square = jnp.sum(embed_x ** 2, axis=1)    # [B, D]
    bi_interaction = 0.5 * (summed ** 2 - summed_square)
    # deep MLP (dropout is identity in eval mode)
    h = jax.nn.relu(bi_interaction @ W1 + b1)
    h = jax.nn.relu(h @ W2 + b2)
    deep_output = h @ W3 + b3                        # [B, 1]
    # linear part on raw (float-cast) ids, matching the torch module
    linear_output = x.astype(jnp.float32) @ Wl + bl  # [B, 1]
    return jax.nn.sigmoid(linear_output + deep_output)

if __name__ == "__main__":
    import jax
    _d = setup_inputs()
    print(jax.jit(kernel)(*tuple(_d.values())))

</pallas_src>

<mosaic_0001>
#map = affine_map<(d0, d1) -> (0, 0)>
module attributes {stable_mosaic.version = 14 : i64} {
  func.func @sc_kernel(%arg0: i32, %arg1: i32, %arg2: memref<26x16384xi32, #tpu.memory_space<hbm>>, %arg3: memref<2600000x128xf32, #tpu.memory_space<hbm>>, %arg4: memref<16384x64xf32, #tpu.memory_space<hbm>>, %arg5: memref<26x256xi32, #tpu.memory_space<vmem>>, %arg6: memref<26x32xi32, #tpu.memory_space<vmem>>, %arg7: memref<26x32x128xf32, #tpu.memory_space<vmem>>, %arg8: memref<32x64xf32, #tpu.memory_space<vmem>>, %arg9: memref<!tpu.dma_semaphore, #tpu.memory_space<semaphore_mem>>) attributes {dimension_semantics = [#tpu.dimension_semantics<core_parallel>, #tpu.dimension_semantics<subcore_parallel>], iteration_bounds = array<i64: 2, 16>, scalar_prefetch = 0 : i64, scratch_operands = 5 : i64, tpu.core_type = #tpu.core_type<sc_vector_subcore>, window_params = [{transform_indices = #map}, {transform_indices = #map}, {transform_indices = #map}]} {
    %mul3A = arith.constant 2 : i32
    %mul3A_0 = arith.muli %arg1, %mul3A : i32
    %add3A = arith.addi %mul3A_0, %arg0 : i32
    %mul3A_1 = arith.constant 512 : i32
    %mul3A_2 = arith.muli %add3A, %mul3A_1 : i32
    %scan3A = arith.constant 0 : i32
    %scan3A_3 = arith.constant 2 : i32
    %scan3A_4 = arith.addi %scan3A, %scan3A_3 : i32
    %scan3A_5 = arith.constant 1 : i32
    scf.for %scan3A_7 = %scan3A to %scan3A_4 step %scan3A_5  : i32 {
      %mul3A_8 = arith.constant 256 : i32
      %mul3A_9 = arith.muli %scan3A_7, %mul3A_8 : i32
      %add3A_10 = arith.addi %mul3A_2, %mul3A_9 : i32
      "tpu.region"() ({
        %run_scoped3A = tpu.sem_alloc : memref<!tpu.dma_semaphore, #tpu.memory_space<semaphore_mem>>
        %dma_start3A = arith.constant 0 : i32
        %dma_start3A_16 = tpu.memref_slice %arg2[%dma_start3A, %add3A_10] : memref<26x16384xi32, #tpu.memory_space<hbm>> -> memref<26x256xi32, #tpu.memory_space<hbm>>
        %dma_start3A_17 = arith.constant 0 : i32
        %dma_start3A_18 = tpu.memref_slice %arg2[%dma_start3A_17, %add3A_10] : memref<26x16384xi32, #tpu.memory_space<hbm>> -> memref<26x256xi32, #tpu.memory_space<hbm>>
        tpu.enqueue_dma source(%dma_start3A_18 : memref<26x256xi32, #tpu.memory_space<hbm>>) target(%arg5 : memref<26x256xi32, #tpu.memory_space<vmem>>) target_semaphore(%run_scoped3A : memref<!tpu.dma_semaphore, #tpu.memory_space<semaphore_mem>>)
        %dma_wait3A = arith.constant 0 : i32
        %dma_wait3A_19 = tpu.memref_slice %arg2[%dma_wait3A, %add3A_10] : memref<26x16384xi32, #tpu.memory_space<hbm>> -> memref<26x256xi32, #tpu.memory_space<hbm>>
        %dma_wait3A_20 = arith.constant 0 : i32
        %dma_wait3A_21 = tpu.memref_slice %arg2[%dma_wait3A_20, %add3A_10] : memref<26x16384xi32, #tpu.memory_space<hbm>> -> memref<26x256xi32, #tpu.memory_space<hbm>>
        tpu.wait_dma2 semaphore(%run_scoped3A : memref<!tpu.dma_semaphore, #tpu.memory_space<semaphore_mem>>) src(%dma_wait3A_21 : memref<26x256xi32, #tpu.memory_space<hbm>>) dst(%arg5 : memref<26x256xi32, #tpu.memory_space<vmem>>)
        tpu.yield
      }) : () -> ()
      %scan3A_11 = arith.constant 0 : i32
      %scan3A_12 = arith.constant 8 : i32
      %scan3A_13 = arith.addi %scan3A_11, %scan3A_12 : i32
      %scan3A_14 = arith.constant 1 : i32
      scf.for %scan3A_16 = %scan3A_11 to %scan3A_13 step %scan3A_14  : i32 {
        %mul3A_17 = arith.constant 32 : i32
        %mul3A_18 = arith.muli %scan3A_16, %mul3A_17 : i32
        %add3A_19 = arith.addi %add3A_10, %mul3A_18 : i32
        %add3A_20 = arith.constant 0 : i32
        %add3A_21 = arith.addi %mul3A_18, %add3A_20 : i32
        %get3A = arith.constant 0 : i32
        %get3A_22 = arith.index_cast %get3A : i32 to index
        %get3A_23 = arith.index_cast %add3A_21 : i32 to index
        %get3A_24 = tpu.vector_load %arg5[%get3A_22, %get3A_23] {strides = array<i32>} : memref<26x256xi32, #tpu.memory_space<vmem>>, vector<16xi32>,
        %add3A_25 = arith.constant 0 : i32
        %add3A_26 = vector.broadcast %add3A_25 : i32 to vector<16xi32>
        %add3A_27 = arith.addi %get3A_24, %add3A_26 : vector<16xi32>
        %swap3A = arith.constant 0 : i32
        %swap3A_28 = arith.index_cast %swap3A : i32 to index
        %swap3A_29 = arith.constant 0 : index
        %swap3A_30 = tpu.vector_load %arg6[%swap3A_28, %swap3A_29] {strides = array<i32>} : memref<26x32xi32, #tpu.memory_space<vmem>>, vector<16xi32>,
        tpu.vector_store %arg6[%swap3A_28, %swap3A_29], %add3A_27 {strides = array<i32>} : memref<26x32xi32, #tpu.memory_space<vmem>>, vector<16xi32>,
        %add3A_31 = arith.constant 16 : i32
        %add3A_32 = arith.addi %mul3A_18, %add3A_31 : i32
        %get3A_33 = arith.constant 0 : i32
        %get3A_34 = arith.index_cast %get3A_33 : i32 to index
        %get3A_35 = arith.index_cast %add3A_32 : i32 to index
        %get3A_36 = tpu.vector_load %arg5[%get3A_34, %get3A_35] {strides = array<i32>} : memref<26x256xi32, #tpu.memory_space<vmem>>, vector<16xi32>,
        %add3A_37 = arith.constant 0 : i32
        %add3A_38 = vector.broadcast %add3A_37 : i32 to vector<16xi32>
        %add3A_39 = arith.addi %get3A_36, %add3A_38 : vector<16xi32>
        %swap3A_40 = arith.constant 0 : i32
        %swap3A_41 = arith.index_cast %swap3A_40 : i32 to index
        %swap3A_42 = arith.constant 16 : index
        %swap3A_43 = tpu.vector_load %arg6[%swap3A_41, %swap3A_42] {strides = array<i32>} : memref<26x32xi32, #tpu.memory_space<vmem>>, vector<16xi32>,
        tpu.vector_store %arg6[%swap3A_41, %swap3A_42], %add3A_39 {strides = array<i32>} : memref<26x32xi32, #tpu.memory_space<vmem>>, vector<16xi32>,
        %add3A_44 = arith.constant 0 : i32
        %add3A_45 = arith.addi %mul3A_18, %add3A_44 : i32
        %get3A_46 = arith.constant 1 : i32
        %get3A_47 = arith.index_cast %get3A_46 : i32 to index
        %get3A_48 = arith.index_cast %add3A_45 : i32 to index
        %get3A_49 = tpu.vector_load %arg5[%get3A_47, %get3A_48] {strides = array<i32>} : memref<26x256xi32, #tpu.memory_space<vmem>>, vector<16xi32>,
        %add3A_50 = arith.constant 100000 : i32
        %add3A_51 = vector.broadcast %add3A_50 : i32 to vector<16xi32>
        %add3A_52 = arith.addi %get3A_49, %add3A_51 : vector<16xi32>
        %swap3A_53 = arith.constant 1 : i32
        %swap3A_54 = arith.index_cast %swap3A_53 : i32 to index
        %swap3A_55 = arith.constant 0 : index
        %swap3A_56 = tpu.vector_load %arg6[%swap3A_54, %swap3A_55] {strides = array<i32>} : memref<26x32xi32, #tpu.memory_space<vmem>>, vector<16xi32>,
        tpu.vector_store %arg6[%swap3A_54, %swap3A_55], %add3A_52 {strides = array<i32>} : memref<26x32xi32, #tpu.memory_space<vmem>>, vector<16xi32>,
        %add3A_57 = arith.constant 16 : i32
        %add3A_58 = arith.addi %mul3A_18, %add3A_57 : i32
        %get3A_59 = arith.constant 1 : i32
        %get3A_60 = arith.index_cast %get3A_59 : i32 to index
        %get3A_61 = arith.index_cast %add3A_58 : i32 to index
        %get3A_62 = tpu.vector_load %arg5[%get3A_60, %get3A_61] {strides = array<i32>} : memref<26x256xi32, #tpu.memory_space<vmem>>, vector<16xi32>,
        %add3A_63 = arith.constant 100000 : i32
        %add3A_64 = vector.broadcast %add3A_63 : i32 to vector<16xi32>
        %add3A_65 = arith.addi %get3A_62, %add3A_64 : vector<16xi32>
        %swap3A_66 = arith.constant 1 : i32
        %swap3A_67 = arith.index_cast %swap3A_66 : i32 to index
        %swap3A_68 = arith.constant 16 : index
        %swap3A_69 = tpu.vector_load %arg6[%swap3A_67, %swap3A_68] {strides = array<i32>} : memref<26x32xi32, #tpu.memory_space<vmem>>, vector<16xi32>,
        tpu.vector_store %arg6[%swap3A_67, %swap3A_68], %add3A_65 {strides = array<i32>} : memref<26x32xi32, #tpu.memory_space<vmem>>, vector<16xi32>,
        %add3A_70 = arith.constant 0 : i32
        %add3A_71 = arith.addi %mul3A_18, %add3A_70 : i32
        %get3A_72 = arith.constant 2 : i32
        %get3A_73 = arith.index_cast %get3A_72 : i32 to index
        %get3A_74 = arith.index_cast %add3A_71 : i32 to index
        %get3A_75 = tpu.vector_load %arg5[%get3A_73, %get3A_74] {strides = array<i32>} : memref<26x256xi32, #tpu.memory_space<vmem>>, vector<16xi32>,
        %add3A_76 = arith.constant 200000 : i32
        %add3A_77 = vector.broadcast %add3A_76 : i32 to vector<16xi32>
        %add3A_78 = arith.addi %get3A_75, %add3A_77 : vector<16xi32>
        %swap3A_79 = arith.constant 2 : i32
        %swap3A_80 = arith.index_cast %swap3A_79 : i32 to index
        %swap3A_81 = arith.constant 0 : index
        %swap3A_82 = tpu.vector_load %arg6[%swap3A_80, %swap3A_81] {strides = array<i32>} : memref<26x32xi32, #tpu.memory_space<vmem>>, vector<16xi32>,
        tpu.vector_store %arg6[%swap3A_80, %swap3A_81], %add3A_78 {strides = array<i32>} : memref<26x32xi32, #tpu.memory_space<vmem>>, vector<16xi32>,
        %add3A_83 = arith.constant 16 : i32
        %add3A_84 = arith.addi %mul3A_18, %add3A_83 : i32
        %get3A_85 = arith.constant 2 : i32
        %get3A_86 = arith.index_cast %get3A_85 : i32 to index
        %get3A_87 = arith.index_cast %add3A_84 : i32 to index
        %get3A_88 = tpu.vector_load %arg5[%get3A_86, %get3A_87] {strides = array<i32>} : memref<26x256xi32, #tpu.memory_space<vmem>>, vector<16xi32>,
        %add3A_89 = arith.constant 200000 : i32
        %add3A_90 = vector.broadcast %add3A_89 : i32 to vector<16xi32>
        %add3A_91 = arith.addi %get3A_88, %add3A_90 : vector<16xi32>
        %swap3A_92 = arith.constant 2 : i32
        %swap3A_93 = arith.index_cast %swap3A_92 : i32 to index
        %swap3A_94 = arith.constant 16 : index
        %swap3A_95 = tpu.vector_load %arg6[%swap3A_93, %swap3A_94] {strides = array<i32>} : memref<26x32xi32, #tpu.memory_space<vmem>>, vector<16xi32>,
        tpu.vector_store %arg6[%swap3A_93, %swap3A_94], %add3A_91 {strides = array<i32>} : memref<26x32xi32, #tpu.memory_space<vmem>>, vector<16xi32>,
        %add3A_96 = arith.constant 0 : i32
        %add3A_97 = arith.addi %mul3A_18, %add3A_96 : i32
        %get3A_98 = arith.constant 3 : i32
        %get3A_99 = arith.index_cast %get3A_98 : i32 to index
        %get3A_100 = arith.index_cast %add3A_97 : i32 to index
        %get3A_101 = tpu.vector_load %arg5[%get3A_99, %get3A_100] {strides = array<i32>} : memref<26x256xi32, #tpu.memory_space<vmem>>, vector<16xi32>,
        %add3A_102 = arith.constant 300000 : i32
        %add3A_103 = vector.broadcast %add3A_102 : i32 to vector<16xi32>
        %add3A_104 = arith.addi %get3A_101, %add3A_103 : vector<16xi32>
        %swap3A_105 = arith.constant 3 : i32
        %swap3A_106 = arith.index_cast %swap3A_105 : i32 to index
        %swap3A_107 = arith.constant 0 : index
        %swap3A_108 = tpu.vector_load %arg6[%swap3A_106, %swap3A_107] {strides = array<i32>} : memref<26x32xi32, #tpu.memory_space<vmem>>, vector<16xi32>,
        tpu.vector_store %arg6[%swap3A_106, %swap3A_107], %add3A_104 {strides = array<i32>} : memref<26x32xi32, #tpu.memory_space<vmem>>, vector<16xi32>,
        %add3A_109 = arith.constant 16 : i32
        %add3A_110 = arith.addi %mul3A_18, %add3A_109 : i32
        %get3A_111 = arith.constant 3 : i32
        %get3A_112 = arith.index_cast %get3A_111 : i32 to index
        %get3A_113 = arith.index_cast %add3A_110 : i32 to index
        %get3A_114 = tpu.vector_load %arg5[%get3A_112, %get3A_113] {strides = array<i32>} : memref<26x256xi32, #tpu.memory_space<vmem>>, vector<16xi32>,
        %add3A_115 = arith.constant 300000 : i32
        %add3A_116 = vector.broadcast %add3A_115 : i32 to vector<16xi32>
        %add3A_117 = arith.addi %get3A_114, %add3A_116 : vector<16xi32>
        %swap3A_118 = arith.constant 3 : i32
        %swap3A_119 = arith.index_cast %swap3A_118 : i32 to index
        %swap3A_120 = arith.constant 16 : index
        %swap3A_121 = tpu.vector_load %arg6[%swap3A_119, %swap3A_120] {strides = array<i32>} : memref<26x32xi32, #tpu.memory_space<vmem>>, vector<16xi32>,
        tpu.vector_store %arg6[%swap3A_119, %swap3A_120], %add3A_117 {strides = array<i32>} : memref<26x32xi32, #tpu.memory_space<vmem>>, vector<16xi32>,
        %add3A_122 = arith.constant 0 : i32
        %add3A_123 = arith.addi %mul3A_18, %add3A_122 : i32
        %get3A_124 = arith.constant 4 : i32
        %get3A_125 = arith.index_cast %get3A_124 : i32 to index
        %get3A_126 = arith.index_cast %add3A_123 : i32 to index
        %get3A_127 = tpu.vector_load %arg5[%get3A_125, %get3A_126] {strides = array<i32>} : memref<26x256xi32, #tpu.memory_space<vmem>>, vector<16xi32>,
        %add3A_128 = arith.constant 400000 : i32
        %add3A_129 = vector.broadcast %add3A_128 : i32 to vector<16xi32>
        %add3A_130 = arith.addi %get3A_127, %add3A_129 : vector<16xi32>
        %swap3A_131 = arith.constant 4 : i32
        %swap3A_132 = arith.index_cast %swap3A_131 : i32 to index
        %swap3A_133 = arith.constant 0 : index
        %swap3A_134 = tpu.vector_load %arg6[%swap3A_132, %swap3A_133] {strides = array<i32>} : memref<26x32xi32, #tpu.memory_space<vmem>>, vector<16xi32>,
        tpu.vector_store %arg6[%swap3A_132, %swap3A_133], %add3A_130 {strides = array<i32>} : memref<26x32xi32, #tpu.memory_space<vmem>>, vector<16xi32>,
        %add3A_135 = arith.constant 16 : i32
        %add3A_136 = arith.addi %mul3A_18, %add3A_135 : i32
        %get3A_137 = arith.constant 4 : i32
        %get3A_138 = arith.index_cast %get3A_137 : i32 to index
        %get3A_139 = arith.index_cast %add3A_136 : i32 to index
        %get3A_140 = tpu.vector_load %arg5[%get3A_138, %get3A_139] {strides = array<i32>} : memref<26x256xi32, #tpu.memory_space<vmem>>, vector<16xi32>,
        %add3A_141 = arith.constant 400000 : i32
        %add3A_142 = vector.broadcast %add3A_141 : i32 to vector<16xi32>
        %add3A_143 = arith.addi %get3A_140, %add3A_142 : vector<16xi32>
        %swap3A_144 = arith.constant 4 : i32
        %swap3A_145 = arith.index_cast %swap3A_144 : i32 to index
        %swap3A_146 = arith.constant 16 : index
        %swap3A_147 = tpu.vector_load %arg6[%swap3A_145, %swap3A_146] {strides = array<i32>} : memref<26x32xi32, #tpu.memory_space<vmem>>, vector<16xi32>,
        tpu.vector_store %arg6[%swap3A_145, %swap3A_146], %add3A_143 {strides = array<i32>} : memref<26x32xi32, #tpu.memory_space<vmem>>, vector<16xi32>,
        %add3A_148 = arith.constant 0 : i32
        %add3A_149 = arith.addi %mul3A_18, %add3A_148 : i32
        %get3A_150 = arith.constant 5 : i32
        %get3A_151 = arith.index_cast %get3A_150 : i32 to index
        %get3A_152 = arith.index_cast %add3A_149 : i32 to index
        %get3A_153 = tpu.vector_load %arg5[%get3A_151, %get3A_152] {strides = array<i32>} : memref<26x256xi32, #tpu.memory_space<vmem>>, vector<16xi32>,
        %add3A_154 = arith.constant 500000 : i32
        %add3A_155 = vector.broadcast %add3A_154 : i32 to vector<16xi32>
        %add3A_156 = arith.addi %get3A_153, %add3A_155 : vector<16xi32>
        %swap3A_157 = arith.constant 5 : i32
        %swap3A_158 = arith.index_cast %swap3A_157 : i32 to index
        %swap3A_159 = arith.constant 0 : index
        %swap3A_160 = tpu.vector_load %arg6[%swap3A_158, %swap3A_159] {strides = array<i32>} : memref<26x32xi32, #tpu.memory_space<vmem>>, vector<16xi32>,
        tpu.vector_store %arg6[%swap3A_158, %swap3A_159], %add3A_156 {strides = array<i32>} : memref<26x32xi32, #tpu.memory_space<vmem>>, vector<16xi32>,
        %add3A_161 = arith.constant 16 : i32
        %add3A_162 = arith.addi %mul3A_18, %add3A_161 : i32
        %get3A_163 = arith.constant 5 : i32
        %get3A_164 = arith.index_cast %get3A_163 : i32 to index
        %get3A_165 = arith.index_cast %add3A_162 : i32 to index
        %get3A_166 = tpu.vector_load %arg5[%get3A_164, %get3A_165] {strides = array<i32>} : memref<26x256xi32, #tpu.memory_space<vmem>>, vector<16xi32>,
        %add3A_167 = arith.constant 500000 : i32
        %add3A_168 = vector.broadcast %add3A_167 : i32 to vector<16xi32>
        %add3A_169 = arith.addi %get3A_166, %add3A_168 : vector<16xi32>
        %swap3A_170 = arith.constant 5 : i32
        %swap3A_171 = arith.index_cast %swap3A_170 : i32 to index
        %swap3A_172 = arith.constant 16 : index
        %swap3A_173 = tpu.vector_load %arg6[%swap3A_171, %swap3A_172] {strides = array<i32>} : memref<26x32xi32, #tpu.memory_space<vmem>>, vector<16xi32>,
        tpu.vector_store %arg6[%swap3A_171, %swap3A_172], %add3A_169 {strides = array<i32>} : memref<26x32xi32, #tpu.memory_space<vmem>>, vector<16xi32>,
        %add3A_174 = arith.constant 0 : i32
        %add3A_175 = arith.addi %mul3A_18, %add3A_174 : i32
        %get3A_176 = arith.constant 6 : i32
        %get3A_177 = arith.index_cast %get3A_176 : i32 to index
        %get3A_178 = arith.index_cast %add3A_175 : i32 to index
        %get3A_179 = tpu.vector_load %arg5[%get3A_177, %get3A_178] {strides = array<i32>} : memref<26x256xi32, #tpu.memory_space<vmem>>, vector<16xi32>,
        %add3A_180 = arith.constant 600000 : i32
        %add3A_181 = vector.broadcast %add3A_180 : i32 to vector<16xi32>
        %add3A_182 = arith.addi %get3A_179, %add3A_181 : vector<16xi32>
        %swap3A_183 = arith.constant 6 : i32
        %swap3A_184 = arith.index_cast %swap3A_183 : i32 to index
        %swap3A_185 = arith.constant 0 : index
        %swap3A_186 = tpu.vector_load %arg6[%swap3A_184, %swap3A_185] {strides = array<i32>} : memref<26x32xi32, #tpu.memory_space<vmem>>, vector<16xi32>,
        tpu.vector_store %arg6[%swap3A_184, %swap3A_185], %add3A_182 {strides = array<i32>} : memref<26x32xi32, #tpu.memory_space<vmem>>, vector<16xi32>,
        %add3A_187 = arith.constant 16 : i32
        %add3A_188 = arith.addi %mul3A_18, %add3A_187 : i32
        %get3A_189 = arith.constant 6 : i32
        %get3A_190 = arith.index_cast %get3A_189 : i32 to index
        %get3A_191 = arith.index_cast %add3A_188 : i32 to index
        %get3A_192 = tpu.vector_load %arg5[%get3A_190, %get3A_191] {strides = array<i32>} : memref<26x256xi32, #tpu.memory_space<vmem>>, vector<16xi32>,
        %add3A_193 = arith.constant 600000 : i32
        %add3A_194 = vector.broadcast %add3A_193 : i32 to vector<16xi32>
        %add3A_195 = arith.addi %get3A_192, %add3A_194 : vector<16xi32>
        %swap3A_196 = arith.constant 6 : i32
        %swap3A_197 = arith.index_cast %swap3A_196 : i32 to index
        %swap3A_198 = arith.constant 16 : index
        %swap3A_199 = tpu.vector_load %arg6[%swap3A_197, %swap3A_198] {strides = array<i32>} : memref<26x32xi32, #tpu.memory_space<vmem>>, vector<16xi32>,
        tpu.vector_store %arg6[%swap3A_197, %swap3A_198], %add3A_195 {strides = array<i32>} : memref<26x32xi32, #tpu.memory_space<vmem>>, vector<16xi32>,
        %add3A_200 = arith.constant 0 : i32
        %add3A_201 = arith.addi %mul3A_18, %add3A_200 : i32
        %get3A_202 = arith.constant 7 : i32
        %get3A_203 = arith.index_cast %get3A_202 : i32 to index
        %get3A_204 = arith.index_cast %add3A_201 : i32 to index
        %get3A_205 = tpu.vector_load %arg5[%get3A_203, %get3A_204] {strides = array<i32>} : memref<26x256xi32, #tpu.memory_space<vmem>>, vector<16xi32>,
        %add3A_206 = arith.constant 700000 : i32
        %add3A_207 = vector.broadcast %add3A_206 : i32 to vector<16xi32>
        %add3A_208 = arith.addi %get3A_205, %add3A_207 : vector<16xi32>
        %swap3A_209 = arith.constant 7 : i32
        %swap3A_210 = arith.index_cast %swap3A_209 : i32 to index
        %swap3A_211 = arith.constant 0 : index
        %swap3A_212 = tpu.vector_load %arg6[%swap3A_210, %swap3A_211] {strides = array<i32>} : memref<26x32xi32, #tpu.memory_space<vmem>>, vector<16xi32>,
        tpu.vector_store %arg6[%swap3A_210, %swap3A_211], %add3A_208 {strides = array<i32>} : memref<26x32xi32, #tpu.memory_space<vmem>>, vector<16xi32>,
        %add3A_213 = arith.constant 16 : i32
        %add3A_214 = arith.addi %mul3A_18, %add3A_213 : i32
        %get3A_215 = arith.constant 7 : i32
        %get3A_216 = arith.index_cast %get3A_215 : i32 to index
        %get3A_217 = arith.index_cast %add3A_214 : i32 to index
        %get3A_218 = tpu.vector_load %arg5[%get3A_216, %get3A_217] {strides = array<i32>} : memref<26x256xi32, #tpu.memory_space<vmem>>, vector<16xi32>,
        %add3A_219 = arith.constant 700000 : i32
        %add3A_220 = vector.broadcast %add3A_219 : i32 to vector<16xi32>
        %add3A_221 = arith.addi %get3A_218, %add3A_220 : vector<16xi32>
        %swap3A_222 = arith.constant 7 : i32
        %swap3A_223 = arith.index_cast %swap3A_222 : i32 to index
        %swap3A_224 = arith.constant 16 : index
        %swap3A_225 = tpu.vector_load %arg6[%swap3A_223, %swap3A_224] {strides = array<i32>} : memref<26x32xi32, #tpu.memory_space<vmem>>, vector<16xi32>,
        tpu.vector_store %arg6[%swap3A_223, %swap3A_224], %add3A_221 {strides = array<i32>} : memref<26x32xi32, #tpu.memory_space<vmem>>, vector<16xi32>,
        %add3A_226 = arith.constant 0 : i32
        %add3A_227 = arith.addi %mul3A_18, %add3A_226 : i32
        %get3A_228 = arith.constant 8 : i32
        %get3A_229 = arith.index_cast %get3A_228 : i32 to index
        %get3A_230 = arith.index_cast %add3A_227 : i32 to index
        %get3A_231 = tpu.vector_load %arg5[%get3A_229, %get3A_230] {strides = array<i32>} : memref<26x256xi32, #tpu.memory_space<vmem>>, vector<16xi32>,
        %add3A_232 = arith.constant 800000 : i32
        %add3A_233 = vector.broadcast %add3A_232 : i32 to vector<16xi32>
        %add3A_234 = arith.addi %get3A_231, %add3A_233 : vector<16xi32>
        %swap3A_235 = arith.constant 8 : i32
        %swap3A_236 = arith.index_cast %swap3A_235 : i32 to index
        %swap3A_237 = arith.constant 0 : index
        %swap3A_238 = tpu.vector_load %arg6[%swap3A_236, %swap3A_237] {strides = array<i32>} : memref<26x32xi32, #tpu.memory_space<vmem>>, vector<16xi32>,
        tpu.vector_store %arg6[%swap3A_236, %swap3A_237], %add3A_234 {strides = array<i32>} : memref<26x32xi32, #tpu.memory_space<vmem>>, vector<16xi32>,
        %add3A_239 = arith.constant 16 : i32
        %add3A_240 = arith.addi %mul3A_18, %add3A_239 : i32
        %get3A_241 = arith.constant 8 : i32
        %get3A_242 = arith.index_cast %get3A_241 : i32 to index
        %get3A_243 = arith.index_cast %add3A_240 : i32 to index
        %get3A_244 = tpu.vector_load %arg5[%get3A_242, %get3A_243] {strides = array<i32>} : memref<26x256xi32, #tpu.memory_space<vmem>>, vector<16xi32>,
        %add3A_245 = arith.constant 800000 : i32
        %add3A_246 = vector.broadcast %add3A_245 : i32 to vector<16xi32>
        %add3A_247 = arith.addi %get3A_244, %add3A_246 : vector<16xi32>
        %swap3A_248 = arith.constant 8 : i32
        %swap3A_249 = arith.index_cast %swap3A_248 : i32 to index
        %swap3A_250 = arith.constant 16 : index
        %swap3A_251 = tpu.vector_load %arg6[%swap3A_249, %swap3A_250] {strides = array<i32>} : memref<26x32xi32, #tpu.memory_space<vmem>>, vector<16xi32>,
        tpu.vector_store %arg6[%swap3A_249, %swap3A_250], %add3A_247 {strides = array<i32>} : memref<26x32xi32, #tpu.memory_space<vmem>>, vector<16xi32>,
        %add3A_252 = arith.constant 0 : i32
        %add3A_253 = arith.addi %mul3A_18, %add3A_252 : i32
        %get3A_254 = arith.constant 9 : i32
        %get3A_255 = arith.index_cast %get3A_254 : i32 to index
        %get3A_256 = arith.index_cast %add3A_253 : i32 to index
        %get3A_257 = tpu.vector_load %arg5[%get3A_255, %get3A_256] {strides = array<i32>} : memref<26x256xi32, #tpu.memory_space<vmem>>, vector<16xi32>,
        %add3A_258 = arith.constant 900000 : i32
        %add3A_259 = vector.broadcast %add3A_258 : i32 to vector<16xi32>
        %add3A_260 = arith.addi %get3A_257, %add3A_259 : vector<16xi32>
        %swap3A_261 = arith.constant 9 : i32
        %swap3A_262 = arith.index_cast %swap3A_261 : i32 to index
        %swap3A_263 = arith.constant 0 : index
        %swap3A_264 = tpu.vector_load %arg6[%swap3A_262, %swap3A_263] {strides = array<i32>} : memref<26x32xi32, #tpu.memory_space<vmem>>, vector<16xi32>,
        tpu.vector_store %arg6[%swap3A_262, %swap3A_263], %add3A_260 {strides = array<i32>} : memref<26x32xi32, #tpu.memory_space<vmem>>, vector<16xi32>,
        %add3A_265 = arith.constant 16 : i32
        %add3A_266 = arith.addi %mul3A_18, %add3A_265 : i32
        %get3A_267 = arith.constant 9 : i32
        %get3A_268 = arith.index_cast %get3A_267 : i32 to index
        %get3A_269 = arith.index_cast %add3A_266 : i32 to index
        %get3A_270 = tpu.vector_load %arg5[%get3A_268, %get3A_269] {strides = array<i32>} : memref<26x256xi32, #tpu.memory_space<vmem>>, vector<16xi32>,
        %add3A_271 = arith.constant 900000 : i32
        %add3A_272 = vector.broadcast %add3A_271 : i32 to vector<16xi32>
        %add3A_273 = arith.addi %get3A_270, %add3A_272 : vector<16xi32>
        %swap3A_274 = arith.constant 9 : i32
        %swap3A_275 = arith.index_cast %swap3A_274 : i32 to index
        %swap3A_276 = arith.constant 16 : index
        %swap3A_277 = tpu.vector_load %arg6[%swap3A_275, %swap3A_276] {strides = array<i32>} : memref<26x32xi32, #tpu.memory_space<vmem>>, vector<16xi32>,
        tpu.vector_store %arg6[%swap3A_275, %swap3A_276], %add3A_273 {strides = array<i32>} : memref<26x32xi32, #tpu.memory_space<vmem>>, vector<16xi32>,
        %add3A_278 = arith.constant 0 : i32
        %add3A_279 = arith.addi %mul3A_18, %add3A_278 : i32
        %get3A_280 = arith.constant 10 : i32
        %get3A_281 = arith.index_cast %get3A_280 : i32 to index
        %get3A_282 = arith.index_cast %add3A_279 : i32 to index
        %get3A_283 = tpu.vector_load %arg5[%get3A_281, %get3A_282] {strides = array<i32>} : memref<26x256xi32, #tpu.memory_space<vmem>>, vector<16xi32>,
        %add3A_284 = arith.constant 1000000 : i32
        %add3A_285 = vector.broadcast %add3A_284 : i32 to vector<16xi32>
        %add3A_286 = arith.addi %get3A_283, %add3A_285 : vector<16xi32>
        %swap3A_287 = arith.constant 10 : i32
        %swap3A_288 = arith.index_cast %swap3A_287 : i32 to index
        %swap3A_289 = arith.constant 0 : index
        %swap3A_290 = tpu.vector_load %arg6[%swap3A_288, %swap3A_289] {strides = array<i32>} : memref<26x32xi32, #tpu.memory_space<vmem>>, vector<16xi32>,
        tpu.vector_store %arg6[%swap3A_288, %swap3A_289], %add3A_286 {strides = array<i32>} : memref<26x32xi32, #tpu.memory_space<vmem>>, vector<16xi32>,
        %add3A_291 = arith.constant 16 : i32
        %add3A_292 = arith.addi %mul3A_18, %add3A_291 : i32
        %get3A_293 = arith.constant 10 : i32
        %get3A_294 = arith.index_cast %get3A_293 : i32 to index
        %get3A_295 = arith.index_cast %add3A_292 : i32 to index
        %get3A_296 = tpu.vector_load %arg5[%get3A_294, %get3A_295] {strides = array<i32>} : memref<26x256xi32, #tpu.memory_space<vmem>>, vector<16xi32>,
        %add3A_297 = arith.constant 1000000 : i32
        %add3A_298 = vector.broadcast %add3A_297 : i32 to vector<16xi32>
        %add3A_299 = arith.addi %get3A_296, %add3A_298 : vector<16xi32>
        %swap3A_300 = arith.constant 10 : i32
        %swap3A_301 = arith.index_cast %swap3A_300 : i32 to index
        %swap3A_302 = arith.constant 16 : index
        %swap3A_303 = tpu.vector_load %arg6[%swap3A_301, %swap3A_302] {strides = array<i32>} : memref<26x32xi32, #tpu.memory_space<vmem>>, vector<16xi32>,
        tpu.vector_store %arg6[%swap3A_301, %swap3A_302], %add3A_299 {strides = array<i32>} : memref<26x32xi32, #tpu.memory_space<vmem>>, vector<16xi32>,
        %add3A_304 = arith.constant 0 : i32
        %add3A_305 = arith.addi %mul3A_18, %add3A_304 : i32
        %get3A_306 = arith.constant 11 : i32
        %get3A_307 = arith.index_cast %get3A_306 : i32 to index
        %get3A_308 = arith.index_cast %add3A_305 : i32 to index
        %get3A_309 = tpu.vector_load %arg5[%get3A_307, %get3A_308] {strides = array<i32>} : memref<26x256xi32, #tpu.memory_space<vmem>>, vector<16xi32>,
        %add3A_310 = arith.constant 1100000 : i32
        %add3A_311 = vector.broadcast %add3A_310 : i32 to vector<16xi32>
        %add3A_312 = arith.addi %get3A_309, %add3A_311 : vector<16xi32>
        %swap3A_313 = arith.constant 11 : i32
        %swap3A_314 = arith.index_cast %swap3A_313 : i32 to index
        %swap3A_315 = arith.constant 0 : index
        %swap3A_316 = tpu.vector_load %arg6[%swap3A_314, %swap3A_315] {strides = array<i32>} : memref<26x32xi32, #tpu.memory_space<vmem>>, vector<16xi32>,
        tpu.vector_store %arg6[%swap3A_314, %swap3A_315], %add3A_312 {strides = array<i32>} : memref<26x32xi32, #tpu.memory_space<vmem>>, vector<16xi32>,
        %add3A_317 = arith.constant 16 : i32
        %add3A_318 = arith.addi %mul3A_18, %add3A_317 : i32
        %get3A_319 = arith.constant 11 : i32
        %get3A_320 = arith.index_cast %get3A_319 : i32 to index
        %get3A_321 = arith.index_cast %add3A_318 : i32 to index
        %get3A_322 = tpu.vector_load %arg5[%get3A_320, %get3A_321] {strides = array<i32>} : memref<26x256xi32, #tpu.memory_space<vmem>>, vector<16xi32>,
        %add3A_323 = arith.constant 1100000 : i32
        %add3A_324 = vector.broadcast %add3A_323 : i32 to vector<16xi32>
        %add3A_325 = arith.addi %get3A_322, %add3A_324 : vector<16xi32>
        %swap3A_326 = arith.constant 11 : i32
        %swap3A_327 = arith.index_cast %swap3A_326 : i32 to index
        %swap3A_328 = arith.constant 16 : index
        %swap3A_329 = tpu.vector_load %arg6[%swap3A_327, %swap3A_328] {strides = array<i32>} : memref<26x32xi32, #tpu.memory_space<vmem>>, vector<16xi32>,
        tpu.vector_store %arg6[%swap3A_327, %swap3A_328], %add3A_325 {strides = array<i32>} : memref<26x32xi32, #tpu.memory_space<vmem>>, vector<16xi32>,
        %add3A_330 = arith.constant 0 : i32
        %add3A_331 = arith.addi %mul3A_18, %add3A_330 : i32
        %get3A_332 = arith.constant 12 : i32
        %get3A_333 = arith.index_cast %get3A_332 : i32 to index
        %get3A_334 = arith.index_cast %add3A_331 : i32 to index
        %get3A_335 = tpu.vector_load %arg5[%get3A_333, %get3A_334] {strides = array<i32>} : memref<26x256xi32, #tpu.memory_space<vmem>>, vector<16xi32>,
        %add3A_336 = arith.constant 1200000 : i32
        %add3A_337 = vector.broadcast %add3A_336 : i32 to vector<16xi32>
        %add3A_338 = arith.addi %get3A_335, %add3A_337 : vector<16xi32>
        %swap3A_339 = arith.constant 12 : i32
        %swap3A_340 = arith.index_cast %swap3A_339 : i32 to index
        %swap3A_341 = arith.constant 0 : index
        %swap3A_342 = tpu.vector_load %arg6[%swap3A_340, %swap3A_341] {strides = array<i32>} : memref<26x32xi32, #tpu.memory_space<vmem>>, vector<16xi32>,
        tpu.vector_store %arg6[%swap3A_340, %swap3A_341], %add3A_338 {strides = array<i32>} : memref<26x32xi32, #tpu.memory_space<vmem>>, vector<16xi32>,
        %add3A_343 = arith.constant 16 : i32
        %add3A_344 = arith.addi %mul3A_18, %add3A_343 : i32
        %get3A_345 = arith.constant 12 : i32
        %get3A_346 = arith.index_cast %get3A_345 : i32 to index
        %get3A_347 = arith.index_cast %add3A_344 : i32 to index
        %get3A_348 = tpu.vector_load %arg5[%get3A_346, %get3A_347] {strides = array<i32>} : memref<26x256xi32, #tpu.memory_space<vmem>>, vector<16xi32>,
        %add3A_349 = arith.constant 1200000 : i32
        %add3A_350 = vector.broadcast %add3A_349 : i32 to vector<16xi32>
        %add3A_351 = arith.addi %get3A_348, %add3A_350 : vector<16xi32>
        %swap3A_352 = arith.constant 12 : i32
        %swap3A_353 = arith.index_cast %swap3A_352 : i32 to index
        %swap3A_354 = arith.constant 16 : index
        %swap3A_355 = tpu.vector_load %arg6[%swap3A_353, %swap3A_354] {strides = array<i32>} : memref<26x32xi32, #tpu.memory_space<vmem>>, vector<16xi32>,
        tpu.vector_store %arg6[%swap3A_353, %swap3A_354], %add3A_351 {strides = array<i32>} : memref<26x32xi32, #tpu.memory_space<vmem>>, vector<16xi32>,
        %add3A_356 = arith.constant 0 : i32
        %add3A_357 = arith.addi %mul3A_18, %add3A_356 : i32
        %get3A_358 = arith.constant 13 : i32
        %get3A_359 = arith.index_cast %get3A_358 : i32 to index
        %get3A_360 = arith.index_cast %add3A_357 : i32 to index
        %get3A_361 = tpu.vector_load %arg5[%get3A_359, %get3A_360] {strides = array<i32>} : memref<26x256xi32, #tpu.memory_space<vmem>>, vector<16xi32>,
        %add3A_362 = arith.constant 1300000 : i32
        %add3A_363 = vector.broadcast %add3A_362 : i32 to vector<16xi32>
        %add3A_364 = arith.addi %get3A_361, %add3A_363 : vector<16xi32>
        %swap3A_365 = arith.constant 13 : i32
        %swap3A_366 = arith.index_cast %swap3A_365 : i32 to index
        %swap3A_367 = arith.constant 0 : index
        %swap3A_368 = tpu.vector_load %arg6[%swap3A_366, %swap3A_367] {strides = array<i32>} : memref<26x32xi32, #tpu.memory_space<vmem>>, vector<16xi32>,
        tpu.vector_store %arg6[%swap3A_366, %swap3A_367], %add3A_364 {strides = array<i32>} : memref<26x32xi32, #tpu.memory_space<vmem>>, vector<16xi32>,
        %add3A_369 = arith.constant 16 : i32
        %add3A_370 = arith.addi %mul3A_18, %add3A_369 : i32
        %get3A_371 = arith.constant 13 : i32
        %get3A_372 = arith.index_cast %get3A_371 : i32 to index
        %get3A_373 = arith.index_cast %add3A_370 : i32 to index
        %get3A_374 = tpu.vector_load %arg5[%get3A_372, %get3A_373] {strides = array<i32>} : memref<26x256xi32, #tpu.memory_space<vmem>>, vector<16xi32>,
        %add3A_375 = arith.constant 1300000 : i32
        %add3A_376 = vector.broadcast %add3A_375 : i32 to vector<16xi32>
        %add3A_377 = arith.addi %get3A_374, %add3A_376 : vector<16xi32>
        %swap3A_378 = arith.constant 13 : i32
        %swap3A_379 = arith.index_cast %swap3A_378 : i32 to index
        %swap3A_380 = arith.constant 16 : index
        %swap3A_381 = tpu.vector_load %arg6[%swap3A_379, %swap3A_380] {strides = array<i32>} : memref<26x32xi32, #tpu.memory_space<vmem>>, vector<16xi32>,
        tpu.vector_store %arg6[%swap3A_379, %swap3A_380], %add3A_377 {strides = array<i32>} : memref<26x32xi32, #tpu.memory_space<vmem>>, vector<16xi32>,
        %add3A_382 = arith.constant 0 : i32
        %add3A_383 = arith.addi %mul3A_18, %add3A_382 : i32
        %get3A_384 = arith.constant 14 : i32
        %get3A_385 = arith.index_cast %get3A_384 : i32 to index
        %get3A_386 = arith.index_cast %add3A_383 : i32 to index
        %get3A_387 = tpu.vector_load %arg5[%get3A_385, %get3A_386] {strides = array<i32>} : memref<26x256xi32, #tpu.memory_space<vmem>>, vector<16xi32>,
        %add3A_388 = arith.constant 1400000 : i32
        %add3A_389 = vector.broadcast %add3A_388 : i32 to vector<16xi32>
        %add3A_390 = arith.addi %get3A_387, %add3A_389 : vector<16xi32>
        %swap3A_391 = arith.constant 14 : i32
        %swap3A_392 = arith.index_cast %swap3A_391 : i32 to index
        %swap3A_393 = arith.constant 0 : index
        %swap3A_394 = tpu.vector_load %arg6[%swap3A_392, %swap3A_393] {strides = array<i32>} : memref<26x32xi32, #tpu.memory_space<vmem>>, vector<16xi32>,
        tpu.vector_store %arg6[%swap3A_392, %swap3A_393], %add3A_390 {strides = array<i32>} : memref<26x32xi32, #tpu.memory_space<vmem>>, vector<16xi32>,
        %add3A_395 = arith.constant 16 : i32
        %add3A_396 = arith.addi %mul3A_18, %add3A_395 : i32
        %get3A_397 = arith.constant 14 : i32
        %get3A_398 = arith.index_cast %get3A_397 : i32 to index
        %get3A_399 = arith.index_cast %add3A_396 : i32 to index
        %get3A_400 = tpu.vector_load %arg5[%get3A_398, %get3A_399] {strides = array<i32>} : memref<26x256xi32, #tpu.memory_space<vmem>>, vector<16xi32>,
        %add3A_401 = arith.constant 1400000 : i32
        %add3A_402 = vector.broadcast %add3A_401 : i32 to vector<16xi32>
        %add3A_403 = arith.addi %get3A_400, %add3A_402 : vector<16xi32>
        %swap3A_404 = arith.constant 14 : i32
        %swap3A_405 = arith.index_cast %swap3A_404 : i32 to index
        %swap3A_406 = arith.constant 16 : index
        %swap3A_407 = tpu.vector_load %arg6[%swap3A_405, %swap3A_406] {strides = array<i32>} : memref<26x32xi32, #tpu.memory_space<vmem>>, vector<16xi32>,
        tpu.vector_store %arg6[%swap3A_405, %swap3A_406], %add3A_403 {strides = array<i32>} : memref<26x32xi32, #tpu.memory_space<vmem>>, vector<16xi32>,
        %add3A_408 = arith.constant 0 : i32
        %add3A_409 = arith.addi %mul3A_18, %add3A_408 : i32
        %get3A_410 = arith.constant 15 : i32
        %get3A_411 = arith.index_cast %get3A_410 : i32 to index
        %get3A_412 = arith.index_cast %add3A_409 : i32 to index
        %get3A_413 = tpu.vector_load %arg5[%get3A_411, %get3A_412] {strides = array<i32>} : memref<26x256xi32, #tpu.memory_space<vmem>>, vector<16xi32>,
        %add3A_414 = arith.constant 1500000 : i32
        %add3A_415 = vector.broadcast %add3A_414 : i32 to vector<16xi32>
        %add3A_416 = arith.addi %get3A_413, %add3A_415 : vector<16xi32>
        %swap3A_417 = arith.constant 15 : i32
        %swap3A_418 = arith.index_cast %swap3A_417 : i32 to index
        %swap3A_419 = arith.constant 0 : index
        %swap3A_420 = tpu.vector_load %arg6[%swap3A_418, %swap3A_419] {strides = array<i32>} : memref<26x32xi32, #tpu.memory_space<vmem>>, vector<16xi32>,
        tpu.vector_store %arg6[%swap3A_418, %swap3A_419], %add3A_416 {strides = array<i32>} : memref<26x32xi32, #tpu.memory_space<vmem>>, vector<16xi32>,
        %add3A_421 = arith.constant 16 : i32
        %add3A_422 = arith.addi %mul3A_18, %add3A_421 : i32
        %get3A_423 = arith.constant 15 : i32
        %get3A_424 = arith.index_cast %get3A_423 : i32 to index
        %get3A_425 = arith.index_cast %add3A_422 : i32 to index
        %get3A_426 = tpu.vector_load %arg5[%get3A_424, %get3A_425] {strides = array<i32>} : memref<26x256xi32, #tpu.memory_space<vmem>>, vector<16xi32>,
        %add3A_427 = arith.constant 1500000 : i32
        %add3A_428 = vector.broadcast %add3A_427 : i32 to vector<16xi32>
        %add3A_429 = arith.addi %get3A_426, %add3A_428 : vector<16xi32>
        %swap3A_430 = arith.constant 15 : i32
        %swap3A_431 = arith.index_cast %swap3A_430 : i32 to index
        %swap3A_432 = arith.constant 16 : index
        %swap3A_433 = tpu.vector_load %arg6[%swap3A_431, %swap3A_432] {strides = array<i32>} : memref<26x32xi32, #tpu.memory_space<vmem>>, vector<16xi32>,
        tpu.vector_store %arg6[%swap3A_431, %swap3A_432], %add3A_429 {strides = array<i32>} : memref<26x32xi32, #tpu.memory_space<vmem>>, vector<16xi32>,
        %add3A_434 = arith.constant 0 : i32
        %add3A_435 = arith.addi %mul3A_18, %add3A_434 : i32
        %get3A_436 = arith.constant 16 : i32
        %get3A_437 = arith.index_cast %get3A_436 : i32 to index
        %get3A_438 = arith.index_cast %add3A_435 : i32 to index
        %get3A_439 = tpu.vector_load %arg5[%get3A_437, %get3A_438] {strides = array<i32>} : memref<26x256xi32, #tpu.memory_space<vmem>>, vector<16xi32>,
        %add3A_440 = arith.constant 1600000 : i32
        %add3A_441 = vector.broadcast %add3A_440 : i32 to vector<16xi32>
        %add3A_442 = arith.addi %get3A_439, %add3A_441 : vector<16xi32>
        %swap3A_443 = arith.constant 16 : i32
        %swap3A_444 = arith.index_cast %swap3A_443 : i32 to index
        %swap3A_445 = arith.constant 0 : index
        %swap3A_446 = tpu.vector_load %arg6[%swap3A_444, %swap3A_445] {strides = array<i32>} : memref<26x32xi32, #tpu.memory_space<vmem>>, vector<16xi32>,
        tpu.vector_store %arg6[%swap3A_444, %swap3A_445], %add3A_442 {strides = array<i32>} : memref<26x32xi32, #tpu.memory_space<vmem>>, vector<16xi32>,
        %add3A_447 = arith.constant 16 : i32
        %add3A_448 = arith.addi %mul3A_18, %add3A_447 : i32
        %get3A_449 = arith.constant 16 : i32
        %get3A_450 = arith.index_cast %get3A_449 : i32 to index
        %get3A_451 = arith.index_cast %add3A_448 : i32 to index
        %get3A_452 = tpu.vector_load %arg5[%get3A_450, %get3A_451] {strides = array<i32>} : memref<26x256xi32, #tpu.memory_space<vmem>>, vector<16xi32>,
        %add3A_453 = arith.constant 1600000 : i32
        %add3A_454 = vector.broadcast %add3A_453 : i32 to vector<16xi32>
        %add3A_455 = arith.addi %get3A_452, %add3A_454 : vector<16xi32>
        %swap3A_456 = arith.constant 16 : i32
        %swap3A_457 = arith.index_cast %swap3A_456 : i32 to index
        %swap3A_458 = arith.constant 16 : index
        %swap3A_459 = tpu.vector_load %arg6[%swap3A_457, %swap3A_458] {strides = array<i32>} : memref<26x32xi32, #tpu.memory_space<vmem>>, vector<16xi32>,
        tpu.vector_store %arg6[%swap3A_457, %swap3A_458], %add3A_455 {strides = array<i32>} : memref<26x32xi32, #tpu.memory_space<vmem>>, vector<16xi32>,
        %add3A_460 = arith.constant 0 : i32
        %add3A_461 = arith.addi %mul3A_18, %add3A_460 : i32
        %get3A_462 = arith.constant 17 : i32
        %get3A_463 = arith.index_cast %get3A_462 : i32 to index
        %get3A_464 = arith.index_cast %add3A_461 : i32 to index
        %get3A_465 = tpu.vector_load %arg5[%get3A_463, %get3A_464] {strides = array<i32>} : memref<26x256xi32, #tpu.memory_space<vmem>>, vector<16xi32>,
        %add3A_466 = arith.constant 1700000 : i32
        %add3A_467 = vector.broadcast %add3A_466 : i32 to vector<16xi32>
        %add3A_468 = arith.addi %get3A_465, %add3A_467 : vector<16xi32>
        %swap3A_469 = arith.constant 17 : i32
        %swap3A_470 = arith.index_cast %swap3A_469 : i32 to index
        %swap3A_471 = arith.constant 0 : index
        %swap3A_472 = tpu.vector_load %arg6[%swap3A_470, %swap3A_471] {strides = array<i32>} : memref<26x32xi32, #tpu.memory_space<vmem>>, vector<16xi32>,
        tpu.vector_store %arg6[%swap3A_470, %swap3A_471], %add3A_468 {strides = array<i32>} : memref<26x32xi32, #tpu.memory_space<vmem>>, vector<16xi32>,
        %add3A_473 = arith.constant 16 : i32
        %add3A_474 = arith.addi %mul3A_18, %add3A_473 : i32
        %get3A_475 = arith.constant 17 : i32
        %get3A_476 = arith.index_cast %get3A_475 : i32 to index
        %get3A_477 = arith.index_cast %add3A_474 : i32 to index
        %get3A_478 = tpu.vector_load %arg5[%get3A_476, %get3A_477] {strides = array<i32>} : memref<26x256xi32, #tpu.memory_space<vmem>>, vector<16xi32>,
        %add3A_479 = arith.constant 1700000 : i32
        %add3A_480 = vector.broadcast %add3A_479 : i32 to vector<16xi32>
        %add3A_481 = arith.addi %get3A_478, %add3A_480 : vector<16xi32>
        %swap3A_482 = arith.constant 17 : i32
        %swap3A_483 = arith.index_cast %swap3A_482 : i32 to index
        %swap3A_484 = arith.constant 16 : index
        %swap3A_485 = tpu.vector_load %arg6[%swap3A_483, %swap3A_484] {strides = array<i32>} : memref<26x32xi32, #tpu.memory_space<vmem>>, vector<16xi32>,
        tpu.vector_store %arg6[%swap3A_483, %swap3A_484], %add3A_481 {strides = array<i32>} : memref<26x32xi32, #tpu.memory_space<vmem>>, vector<16xi32>,
        %add3A_486 = arith.constant 0 : i32
        %add3A_487 = arith.addi %mul3A_18, %add3A_486 : i32
        %get3A_488 = arith.constant 18 : i32
        %get3A_489 = arith.index_cast %get3A_488 : i32 to index
        %get3A_490 = arith.index_cast %add3A_487 : i32 to index
        %get3A_491 = tpu.vector_load %arg5[%get3A_489, %get3A_490] {strides = array<i32>} : memref<26x256xi32, #tpu.memory_space<vmem>>, vector<16xi32>,
        %add3A_492 = arith.constant 1800000 : i32
        %add3A_493 = vector.broadcast %add3A_492 : i32 to vector<16xi32>
        %add3A_494 = arith.addi %get3A_491, %add3A_493 : vector<16xi32>
        %swap3A_495 = arith.constant 18 : i32
        %swap3A_496 = arith.index_cast %swap3A_495 : i32 to index
        %swap3A_497 = arith.constant 0 : index
        %swap3A_498 = tpu.vector_load %arg6[%swap3A_496, %swap3A_497] {strides = array<i32>} : memref<26x32xi32, #tpu.memory_space<vmem>>, vector<16xi32>,
        tpu.vector_store %arg6[%swap3A_496, %swap3A_497], %add3A_494 {strides = array<i32>} : memref<26x32xi32, #tpu.memory_space<vmem>>, vector<16xi32>,
        %add3A_499 = arith.constant 16 : i32
        %add3A_500 = arith.addi %mul3A_18, %add3A_499 : i32
        %get3A_501 = arith.constant 18 : i32
        %get3A_502 = arith.index_cast %get3A_501 : i32 to index
        %get3A_503 = arith.index_cast %add3A_500 : i32 to index
        %get3A_504 = tpu.vector_load %arg5[%get3A_502, %get3A_503] {strides = array<i32>} : memref<26x256xi32, #tpu.memory_space<vmem>>, vector<16xi32>,
        %add3A_505 = arith.constant 1800000 : i32
        %add3A_506 = vector.broadcast %add3A_505 : i32 to vector<16xi32>
        %add3A_507 = arith.addi %get3A_504, %add3A_506 : vector<16xi32>
        %swap3A_508 = arith.constant 18 : i32
        %swap3A_509 = arith.index_cast %swap3A_508 : i32 to index
        %swap3A_510 = arith.constant 16 : index
        %swap3A_511 = tpu.vector_load %arg6[%swap3A_509, %swap3A_510] {strides = array<i32>} : memref<26x32xi32, #tpu.memory_space<vmem>>, vector<16xi32>,
        tpu.vector_store %arg6[%swap3A_509, %swap3A_510], %add3A_507 {strides = array<i32>} : memref<26x32xi32, #tpu.memory_space<vmem>>, vector<16xi32>,
        %add3A_512 = arith.constant 0 : i32
        %add3A_513 = arith.addi %mul3A_18, %add3A_512 : i32
        %get3A_514 = arith.constant 19 : i32
        %get3A_515 = arith.index_cast %get3A_514 : i32 to index
        %get3A_516 = arith.index_cast %add3A_513 : i32 to index
        %get3A_517 = tpu.vector_load %arg5[%get3A_515, %get3A_516] {strides = array<i32>} : memref<26x256xi32, #tpu.memory_space<vmem>>, vector<16xi32>,
        %add3A_518 = arith.constant 1900000 : i32
        %add3A_519 = vector.broadcast %add3A_518 : i32 to vector<16xi32>
        %add3A_520 = arith.addi %get3A_517, %add3A_519 : vector<16xi32>
        %swap3A_521 = arith.constant 19 : i32
        %swap3A_522 = arith.index_cast %swap3A_521 : i32 to index
        %swap3A_523 = arith.constant 0 : index
        %swap3A_524 = tpu.vector_load %arg6[%swap3A_522, %swap3A_523] {strides = array<i32>} : memref<26x32xi32, #tpu.memory_space<vmem>>, vector<16xi32>,
        tpu.vector_store %arg6[%swap3A_522, %swap3A_523], %add3A_520 {strides = array<i32>} : memref<26x32xi32, #tpu.memory_space<vmem>>, vector<16xi32>,
        %add3A_525 = arith.constant 16 : i32
        %add3A_526 = arith.addi %mul3A_18, %add3A_525 : i32
        %get3A_527 = arith.constant 19 : i32
        %get3A_528 = arith.index_cast %get3A_527 : i32 to index
        %get3A_529 = arith.index_cast %add3A_526 : i32 to index
        %get3A_530 = tpu.vector_load %arg5[%get3A_528, %get3A_529] {strides = array<i32>} : memref<26x256xi32, #tpu.memory_space<vmem>>, vector<16xi32>,
        %add3A_531 = arith.constant 1900000 : i32
        %add3A_532 = vector.broadcast %add3A_531 : i32 to vector<16xi32>
        %add3A_533 = arith.addi %get3A_530, %add3A_532 : vector<16xi32>
        %swap3A_534 = arith.constant 19 : i32
        %swap3A_535 = arith.index_cast %swap3A_534 : i32 to index
        %swap3A_536 = arith.constant 16 : index
        %swap3A_537 = tpu.vector_load %arg6[%swap3A_535, %swap3A_536] {strides = array<i32>} : memref<26x32xi32, #tpu.memory_space<vmem>>, vector<16xi32>,
        tpu.vector_store %arg6[%swap3A_535, %swap3A_536], %add3A_533 {strides = array<i32>} : memref<26x32xi32, #tpu.memory_space<vmem>>, vector<16xi32>,
        %add3A_538 = arith.constant 0 : i32
        %add3A_539 = arith.addi %mul3A_18, %add3A_538 : i32
        %get3A_540 = arith.constant 20 : i32
        %get3A_541 = arith.index_cast %get3A_540 : i32 to index
        %get3A_542 = arith.index_cast %add3A_539 : i32 to index
        %get3A_543 = tpu.vector_load %arg5[%get3A_541, %get3A_542] {strides = array<i32>} : memref<26x256xi32, #tpu.memory_space<vmem>>, vector<16xi32>,
        %add3A_544 = arith.constant 2000000 : i32
        %add3A_545 = vector.broadcast %add3A_544 : i32 to vector<16xi32>
        %add3A_546 = arith.addi %get3A_543, %add3A_545 : vector<16xi32>
        %swap3A_547 = arith.constant 20 : i32
        %swap3A_548 = arith.index_cast %swap3A_547 : i32 to index
        %swap3A_549 = arith.constant 0 : index
        %swap3A_550 = tpu.vector_load %arg6[%swap3A_548, %swap3A_549] {strides = array<i32>} : memref<26x32xi32, #tpu.memory_space<vmem>>, vector<16xi32>,
        tpu.vector_store %arg6[%swap3A_548, %swap3A_549], %add3A_546 {strides = array<i32>} : memref<26x32xi32, #tpu.memory_space<vmem>>, vector<16xi32>,
        %add3A_551 = arith.constant 16 : i32
        %add3A_552 = arith.addi %mul3A_18, %add3A_551 : i32
        %get3A_553 = arith.constant 20 : i32
        %get3A_554 = arith.index_cast %get3A_553 : i32 to index
        %get3A_555 = arith.index_cast %add3A_552 : i32 to index
        %get3A_556 = tpu.vector_load %arg5[%get3A_554, %get3A_555] {strides = array<i32>} : memref<26x256xi32, #tpu.memory_space<vmem>>, vector<16xi32>,
        %add3A_557 = arith.constant 2000000 : i32
        %add3A_558 = vector.broadcast %add3A_557 : i32 to vector<16xi32>
        %add3A_559 = arith.addi %get3A_556, %add3A_558 : vector<16xi32>
        %swap3A_560 = arith.constant 20 : i32
        %swap3A_561 = arith.index_cast %swap3A_560 : i32 to index
        %swap3A_562 = arith.constant 16 : index
        %swap3A_563 = tpu.vector_load %arg6[%swap3A_561, %swap3A_562] {strides = array<i32>} : memref<26x32xi32, #tpu.memory_space<vmem>>, vector<16xi32>,
        tpu.vector_store %arg6[%swap3A_561, %swap3A_562], %add3A_559 {strides = array<i32>} : memref<26x32xi32, #tpu.memory_space<vmem>>, vector<16xi32>,
        %add3A_564 = arith.constant 0 : i32
        %add3A_565 = arith.addi %mul3A_18, %add3A_564 : i32
        %get3A_566 = arith.constant 21 : i32
        %get3A_567 = arith.index_cast %get3A_566 : i32 to index
        %get3A_568 = arith.index_cast %add3A_565 : i32 to index
        %get3A_569 = tpu.vector_load %arg5[%get3A_567, %get3A_568] {strides = array<i32>} : memref<26x256xi32, #tpu.memory_space<vmem>>, vector<16xi32>,
        %add3A_570 = arith.constant 2100000 : i32
        %add3A_571 = vector.broadcast %add3A_570 : i32 to vector<16xi32>
        %add3A_572 = arith.addi %get3A_569, %add3A_571 : vector<16xi32>
        %swap3A_573 = arith.constant 21 : i32
        %swap3A_574 = arith.index_cast %swap3A_573 : i32 to index
        %swap3A_575 = arith.constant 0 : index
        %swap3A_576 = tpu.vector_load %arg6[%swap3A_574, %swap3A_575] {strides = array<i32>} : memref<26x32xi32, #tpu.memory_space<vmem>>, vector<16xi32>,
        tpu.vector_store %arg6[%swap3A_574, %swap3A_575], %add3A_572 {strides = array<i32>} : memref<26x32xi32, #tpu.memory_space<vmem>>, vector<16xi32>,
        %add3A_577 = arith.constant 16 : i32
        %add3A_578 = arith.addi %mul3A_18, %add3A_577 : i32
        %get3A_579 = arith.constant 21 : i32
        %get3A_580 = arith.index_cast %get3A_579 : i32 to index
        %get3A_581 = arith.index_cast %add3A_578 : i32 to index
        %get3A_582 = tpu.vector_load %arg5[%get3A_580, %get3A_581] {strides = array<i32>} : memref<26x256xi32, #tpu.memory_space<vmem>>, vector<16xi32>,
        %add3A_583 = arith.constant 2100000 : i32
        %add3A_584 = vector.broadcast %add3A_583 : i32 to vector<16xi32>
        %add3A_585 = arith.addi %get3A_582, %add3A_584 : vector<16xi32>
        %swap3A_586 = arith.constant 21 : i32
        %swap3A_587 = arith.index_cast %swap3A_586 : i32 to index
        %swap3A_588 = arith.constant 16 : index
        %swap3A_589 = tpu.vector_load %arg6[%swap3A_587, %swap3A_588] {strides = array<i32>} : memref<26x32xi32, #tpu.memory_space<vmem>>, vector<16xi32>,
        tpu.vector_store %arg6[%swap3A_587, %swap3A_588], %add3A_585 {strides = array<i32>} : memref<26x32xi32, #tpu.memory_space<vmem>>, vector<16xi32>,
        %add3A_590 = arith.constant 0 : i32
        %add3A_591 = arith.addi %mul3A_18, %add3A_590 : i32
        %get3A_592 = arith.constant 22 : i32
        %get3A_593 = arith.index_cast %get3A_592 : i32 to index
        %get3A_594 = arith.index_cast %add3A_591 : i32 to index
        %get3A_595 = tpu.vector_load %arg5[%get3A_593, %get3A_594] {strides = array<i32>} : memref<26x256xi32, #tpu.memory_space<vmem>>, vector<16xi32>,
        %add3A_596 = arith.constant 2200000 : i32
        %add3A_597 = vector.broadcast %add3A_596 : i32 to vector<16xi32>
        %add3A_598 = arith.addi %get3A_595, %add3A_597 : vector<16xi32>
        %swap3A_599 = arith.constant 22 : i32
        %swap3A_600 = arith.index_cast %swap3A_599 : i32 to index
        %swap3A_601 = arith.constant 0 : index
        %swap3A_602 = tpu.vector_load %arg6[%swap3A_600, %swap3A_601] {strides = array<i32>} : memref<26x32xi32, #tpu.memory_space<vmem>>, vector<16xi32>,
        tpu.vector_store %arg6[%swap3A_600, %swap3A_601], %add3A_598 {strides = array<i32>} : memref<26x32xi32, #tpu.memory_space<vmem>>, vector<16xi32>,
        %add3A_603 = arith.constant 16 : i32
        %add3A_604 = arith.addi %mul3A_18, %add3A_603 : i32
        %get3A_605 = arith.constant 22 : i32
        %get3A_606 = arith.index_cast %get3A_605 : i32 to index
        %get3A_607 = arith.index_cast %add3A_604 : i32 to index
        %get3A_608 = tpu.vector_load %arg5[%get3A_606, %get3A_607] {strides = array<i32>} : memref<26x256xi32, #tpu.memory_space<vmem>>, vector<16xi32>,
        %add3A_609 = arith.constant 2200000 : i32
        %add3A_610 = vector.broadcast %add3A_609 : i32 to vector<16xi32>
        %add3A_611 = arith.addi %get3A_608, %add3A_610 : vector<16xi32>
        %swap3A_612 = arith.constant 22 : i32
        %swap3A_613 = arith.index_cast %swap3A_612 : i32 to index
        %swap3A_614 = arith.constant 16 : index
        %swap3A_615 = tpu.vector_load %arg6[%swap3A_613, %swap3A_614] {strides = array<i32>} : memref<26x32xi32, #tpu.memory_space<vmem>>, vector<16xi32>,
        tpu.vector_store %arg6[%swap3A_613, %swap3A_614], %add3A_611 {strides = array<i32>} : memref<26x32xi32, #tpu.memory_space<vmem>>, vector<16xi32>,
        %add3A_616 = arith.constant 0 : i32
        %add3A_617 = arith.addi %mul3A_18, %add3A_616 : i32
        %get3A_618 = arith.constant 23 : i32
        %get3A_619 = arith.index_cast %get3A_618 : i32 to index
        %get3A_620 = arith.index_cast %add3A_617 : i32 to index
        %get3A_621 = tpu.vector_load %arg5[%get3A_619, %get3A_620] {strides = array<i32>} : memref<26x256xi32, #tpu.memory_space<vmem>>, vector<16xi32>,
        %add3A_622 = arith.constant 2300000 : i32
        %add3A_623 = vector.broadcast %add3A_622 : i32 to vector<16xi32>
        %add3A_624 = arith.addi %get3A_621, %add3A_623 : vector<16xi32>
        %swap3A_625 = arith.constant 23 : i32
        %swap3A_626 = arith.index_cast %swap3A_625 : i32 to index
        %swap3A_627 = arith.constant 0 : index
        %swap3A_628 = tpu.vector_load %arg6[%swap3A_626, %swap3A_627] {strides = array<i32>} : memref<26x32xi32, #tpu.memory_space<vmem>>, vector<16xi32>,
        tpu.vector_store %arg6[%swap3A_626, %swap3A_627], %add3A_624 {strides = array<i32>} : memref<26x32xi32, #tpu.memory_space<vmem>>, vector<16xi32>,
        %add3A_629 = arith.constant 16 : i32
        %add3A_630 = arith.addi %mul3A_18, %add3A_629 : i32
        %get3A_631 = arith.constant 23 : i32
        %get3A_632 = arith.index_cast %get3A_631 : i32 to index
        %get3A_633 = arith.index_cast %add3A_630 : i32 to index
        %get3A_634 = tpu.vector_load %arg5[%get3A_632, %get3A_633] {strides = array<i32>} : memref<26x256xi32, #tpu.memory_space<vmem>>, vector<16xi32>,
        %add3A_635 = arith.constant 2300000 : i32
        %add3A_636 = vector.broadcast %add3A_635 : i32 to vector<16xi32>
        %add3A_637 = arith.addi %get3A_634, %add3A_636 : vector<16xi32>
        %swap3A_638 = arith.constant 23 : i32
        %swap3A_639 = arith.index_cast %swap3A_638 : i32 to index
        %swap3A_640 = arith.constant 16 : index
        %swap3A_641 = tpu.vector_load %arg6[%swap3A_639, %swap3A_640] {strides = array<i32>} : memref<26x32xi32, #tpu.memory_space<vmem>>, vector<16xi32>,
        tpu.vector_store %arg6[%swap3A_639, %swap3A_640], %add3A_637 {strides = array<i32>} : memref<26x32xi32, #tpu.memory_space<vmem>>, vector<16xi32>,
        %add3A_642 = arith.constant 0 : i32
        %add3A_643 = arith.addi %mul3A_18, %add3A_642 : i32
        %get3A_644 = arith.constant 24 : i32
        %get3A_645 = arith.index_cast %get3A_644 : i32 to index
        %get3A_646 = arith.index_cast %add3A_643 : i32 to index
        %get3A_647 = tpu.vector_load %arg5[%get3A_645, %get3A_646] {strides = array<i32>} : memref<26x256xi32, #tpu.memory_space<vmem>>, vector<16xi32>,
        %add3A_648 = arith.constant 2400000 : i32
        %add3A_649 = vector.broadcast %add3A_648 : i32 to vector<16xi32>
        %add3A_650 = arith.addi %get3A_647, %add3A_649 : vector<16xi32>
        %swap3A_651 = arith.constant 24 : i32
        %swap3A_652 = arith.index_cast %swap3A_651 : i32 to index
        %swap3A_653 = arith.constant 0 : index
        %swap3A_654 = tpu.vector_load %arg6[%swap3A_652, %swap3A_653] {strides = array<i32>} : memref<26x32xi32, #tpu.memory_space<vmem>>, vector<16xi32>,
        tpu.vector_store %arg6[%swap3A_652, %swap3A_653], %add3A_650 {strides = array<i32>} : memref<26x32xi32, #tpu.memory_space<vmem>>, vector<16xi32>,
        %add3A_655 = arith.constant 16 : i32
        %add3A_656 = arith.addi %mul3A_18, %add3A_655 : i32
        %get3A_657 = arith.constant 24 : i32
        %get3A_658 = arith.index_cast %get3A_657 : i32 to index
        %get3A_659 = arith.index_cast %add3A_656 : i32 to index
        %get3A_660 = tpu.vector_load %arg5[%get3A_658, %get3A_659] {strides = array<i32>} : memref<26x256xi32, #tpu.memory_space<vmem>>, vector<16xi32>,
        %add3A_661 = arith.constant 2400000 : i32
        %add3A_662 = vector.broadcast %add3A_661 : i32 to vector<16xi32>
        %add3A_663 = arith.addi %get3A_660, %add3A_662 : vector<16xi32>
        %swap3A_664 = arith.constant 24 : i32
        %swap3A_665 = arith.index_cast %swap3A_664 : i32 to index
        %swap3A_666 = arith.constant 16 : index
        %swap3A_667 = tpu.vector_load %arg6[%swap3A_665, %swap3A_666] {strides = array<i32>} : memref<26x32xi32, #tpu.memory_space<vmem>>, vector<16xi32>,
        tpu.vector_store %arg6[%swap3A_665, %swap3A_666], %add3A_663 {strides = array<i32>} : memref<26x32xi32, #tpu.memory_space<vmem>>, vector<16xi32>,
        %add3A_668 = arith.constant 0 : i32
        %add3A_669 = arith.addi %mul3A_18, %add3A_668 : i32
        %get3A_670 = arith.constant 25 : i32
        %get3A_671 = arith.index_cast %get3A_670 : i32 to index
        %get3A_672 = arith.index_cast %add3A_669 : i32 to index
        %get3A_673 = tpu.vector_load %arg5[%get3A_671, %get3A_672] {strides = array<i32>} : memref<26x256xi32, #tpu.memory_space<vmem>>, vector<16xi32>,
        %add3A_674 = arith.constant 2500000 : i32
        %add3A_675 = vector.broadcast %add3A_674 : i32 to vector<16xi32>
        %add3A_676 = arith.addi %get3A_673, %add3A_675 : vector<16xi32>
        %swap3A_677 = arith.constant 25 : i32
        %swap3A_678 = arith.index_cast %swap3A_677 : i32 to index
        %swap3A_679 = arith.constant 0 : index
        %swap3A_680 = tpu.vector_load %arg6[%swap3A_678, %swap3A_679] {strides = array<i32>} : memref<26x32xi32, #tpu.memory_space<vmem>>, vector<16xi32>,
        tpu.vector_store %arg6[%swap3A_678, %swap3A_679], %add3A_676 {strides = array<i32>} : memref<26x32xi32, #tpu.memory_space<vmem>>, vector<16xi32>,
        %add3A_681 = arith.constant 16 : i32
        %add3A_682 = arith.addi %mul3A_18, %add3A_681 : i32
        %get3A_683 = arith.constant 25 : i32
        %get3A_684 = arith.index_cast %get3A_683 : i32 to index
        %get3A_685 = arith.index_cast %add3A_682 : i32 to index
        %get3A_686 = tpu.vector_load %arg5[%get3A_684, %get3A_685] {strides = array<i32>} : memref<26x256xi32, #tpu.memory_space<vmem>>, vector<16xi32>,
        %add3A_687 = arith.constant 2500000 : i32
        %add3A_688 = vector.broadcast %add3A_687 : i32 to vector<16xi32>
        %add3A_689 = arith.addi %get3A_686, %add3A_688 : vector<16xi32>
        %swap3A_690 = arith.constant 25 : i32
        %swap3A_691 = arith.index_cast %swap3A_690 : i32 to index
        %swap3A_692 = arith.constant 16 : index
        %swap3A_693 = tpu.vector_load %arg6[%swap3A_691, %swap3A_692] {strides = array<i32>} : memref<26x32xi32, #tpu.memory_space<vmem>>, vector<16xi32>,
        tpu.vector_store %arg6[%swap3A_691, %swap3A_692], %add3A_689 {strides = array<i32>} : memref<26x32xi32, #tpu.memory_space<vmem>>, vector<16xi32>,
        %dma_start3A = arith.constant 0 : i32
        %dma_start3A_694 = arith.constant 0 : i32
        %dma_start3A_695 = arith.constant 0 : i32
        %dma_start3A_696 = arith.constant 0 : i32
        %dma_start3A_697 = tpu.memref_slice %arg7[%dma_start3A_694, %dma_start3A_695, %dma_start3A_696] : memref<26x32x128xf32, #tpu.memory_space<vmem>> -> memref<1x32x128xf32, #tpu.memory_space<vmem>>
        %dma_start3A_698 = tpu.memref_squeeze %dma_start3A_697 : memref<1x32x128xf32, #tpu.memory_space<vmem>> -> memref<32x128xf32, #tpu.memory_space<vmem>>
        %dma_start3A_699 = arith.constant 0 : i32
        %dma_start3A_700 = tpu.memref_slice %arg6[%dma_start3A, %dma_start3A_699] : memref<26x32xi32, #tpu.memory_space<vmem>> -> memref<1x32xi32, #tpu.memory_space<vmem>>
        %dma_start3A_701 = tpu.memref_squeeze %dma_start3A_700 : memref<1x32xi32, #tpu.memory_space<vmem>> -> memref<32xi32, #tpu.memory_space<vmem>>
        %dma_start3A_702 = arith.constant 0 : i32
        %dma_start3A_703 = arith.constant 0 : i32
        %dma_start3A_704 = tpu.memref_slice %arg3[%dma_start3A_702, %dma_start3A_703] : memref<2600000x128xf32, #tpu.memory_space<hbm>> -> memref<2600000x128xf32, #tpu.memory_space<hbm>>
        tpu.enqueue_indirect_dma source(%dma_start3A_704 : memref<2600000x128xf32, #tpu.memory_space<hbm>>) target(%dma_start3A_698 : memref<32x128xf32, #tpu.memory_space<vmem>>) offsets(%dma_start3A_701 : memref<32xi32, #tpu.memory_space<vmem>>) semaphore(%arg9 : memref<!tpu.dma_semaphore, #tpu.memory_space<semaphore_mem>>)
        %dma_start3A_705 = arith.constant 1 : i32
        %dma_start3A_706 = arith.constant 1 : i32
        %dma_start3A_707 = arith.constant 0 : i32
        %dma_start3A_708 = arith.constant 0 : i32
        %dma_start3A_709 = tpu.memref_slice %arg7[%dma_start3A_706, %dma_start3A_707, %dma_start3A_708] : memref<26x32x128xf32, #tpu.memory_space<vmem>> -> memref<1x32x128xf32, #tpu.memory_space<vmem>>
        %dma_start3A_710 = tpu.memref_squeeze %dma_start3A_709 : memref<1x32x128xf32, #tpu.memory_space<vmem>> -> memref<32x128xf32, #tpu.memory_space<vmem>>
        %dma_start3A_711 = arith.constant 0 : i32
        %dma_start3A_712 = tpu.memref_slice %arg6[%dma_start3A_705, %dma_start3A_711] : memref<26x32xi32, #tpu.memory_space<vmem>> -> memref<1x32xi32, #tpu.memory_space<vmem>>
        %dma_start3A_713 = tpu.memref_squeeze %dma_start3A_712 : memref<1x32xi32, #tpu.memory_space<vmem>> -> memref<32xi32, #tpu.memory_space<vmem>>
        %dma_start3A_714 = arith.constant 0 : i32
        %dma_start3A_715 = arith.constant 0 : i32
        %dma_start3A_716 = tpu.memref_slice %arg3[%dma_start3A_714, %dma_start3A_715] : memref<2600000x128xf32, #tpu.memory_space<hbm>> -> memref<2600000x128xf32, #tpu.memory_space<hbm>>
        tpu.enqueue_indirect_dma source(%dma_start3A_716 : memref<2600000x128xf32, #tpu.memory_space<hbm>>) target(%dma_start3A_710 : memref<32x128xf32, #tpu.memory_space<vmem>>) offsets(%dma_start3A_713 : memref<32xi32, #tpu.memory_space<vmem>>) semaphore(%arg9 : memref<!tpu.dma_semaphore, #tpu.memory_space<semaphore_mem>>)
        %dma_start3A_717 = arith.constant 2 : i32
        %dma_start3A_718 = arith.constant 2 : i32
        %dma_start3A_719 = arith.constant 0 : i32
        %dma_start3A_720 = arith.constant 0 : i32
        %dma_start3A_721 = tpu.memref_slice %arg7[%dma_start3A_718, %dma_start3A_719, %dma_start3A_720] : memref<26x32x128xf32, #tpu.memory_space<vmem>> -> memref<1x32x128xf32, #tpu.memory_space<vmem>>
        %dma_start3A_722 = tpu.memref_squeeze %dma_start3A_721 : memref<1x32x128xf32, #tpu.memory_space<vmem>> -> memref<32x128xf32, #tpu.memory_space<vmem>>
        %dma_start3A_723 = arith.constant 0 : i32
        %dma_start3A_724 = tpu.memref_slice %arg6[%dma_start3A_717, %dma_start3A_723] : memref<26x32xi32, #tpu.memory_space<vmem>> -> memref<1x32xi32, #tpu.memory_space<vmem>>
        %dma_start3A_725 = tpu.memref_squeeze %dma_start3A_724 : memref<1x32xi32, #tpu.memory_space<vmem>> -> memref<32xi32, #tpu.memory_space<vmem>>
        %dma_start3A_726 = arith.constant 0 : i32
        %dma_start3A_727 = arith.constant 0 : i32
        %dma_start3A_728 = tpu.memref_slice %arg3[%dma_start3A_726, %dma_start3A_727] : memref<2600000x128xf32, #tpu.memory_space<hbm>> -> memref<2600000x128xf32, #tpu.memory_space<hbm>>
        tpu.enqueue_indirect_dma source(%dma_start3A_728 : memref<2600000x128xf32, #tpu.memory_space<hbm>>) target(%dma_start3A_722 : memref<32x128xf32, #tpu.memory_space<vmem>>) offsets(%dma_start3A_725 : memref<32xi32, #tpu.memory_space<vmem>>) semaphore(%arg9 : memref<!tpu.dma_semaphore, #tpu.memory_space<semaphore_mem>>)
        %dma_start3A_729 = arith.constant 3 : i32
        %dma_start3A_730 = arith.constant 3 : i32
        %dma_start3A_731 = arith.constant 0 : i32
        %dma_start3A_732 = arith.constant 0 : i32
        %dma_start3A_733 = tpu.memref_slice %arg7[%dma_start3A_730, %dma_start3A_731, %dma_start3A_732] : memref<26x32x128xf32, #tpu.memory_space<vmem>> -> memref<1x32x128xf32, #tpu.memory_space<vmem>>
        %dma_start3A_734 = tpu.memref_squeeze %dma_start3A_733 : memref<1x32x128xf32, #tpu.memory_space<vmem>> -> memref<32x128xf32, #tpu.memory_space<vmem>>
        %dma_start3A_735 = arith.constant 0 : i32
        %dma_start3A_736 = tpu.memref_slice %arg6[%dma_start3A_729, %dma_start3A_735] : memref<26x32xi32, #tpu.memory_space<vmem>> -> memref<1x32xi32, #tpu.memory_space<vmem>>
        %dma_start3A_737 = tpu.memref_squeeze %dma_start3A_736 : memref<1x32xi32, #tpu.memory_space<vmem>> -> memref<32xi32, #tpu.memory_space<vmem>>
        %dma_start3A_738 = arith.constant 0 : i32
        %dma_start3A_739 = arith.constant 0 : i32
        %dma_start3A_740 = tpu.memref_slice %arg3[%dma_start3A_738, %dma_start3A_739] : memref<2600000x128xf32, #tpu.memory_space<hbm>> -> memref<2600000x128xf32, #tpu.memory_space<hbm>>
        tpu.enqueue_indirect_dma source(%dma_start3A_740 : memref<2600000x128xf32, #tpu.memory_space<hbm>>) target(%dma_start3A_734 : memref<32x128xf32, #tpu.memory_space<vmem>>) offsets(%dma_start3A_737 : memref<32xi32, #tpu.memory_space<vmem>>) semaphore(%arg9 : memref<!tpu.dma_semaphore, #tpu.memory_space<semaphore_mem>>)
        %dma_start3A_741 = arith.constant 4 : i32
        %dma_start3A_742 = arith.constant 4 : i32
        %dma_start3A_743 = arith.constant 0 : i32
        %dma_start3A_744 = arith.constant 0 : i32
        %dma_start3A_745 = tpu.memref_slice %arg7[%dma_start3A_742, %dma_start3A_743, %dma_start3A_744] : memref<26x32x128xf32, #tpu.memory_space<vmem>> -> memref<1x32x128xf32, #tpu.memory_space<vmem>>
        %dma_start3A_746 = tpu.memref_squeeze %dma_start3A_745 : memref<1x32x128xf32, #tpu.memory_space<vmem>> -> memref<32x128xf32, #tpu.memory_space<vmem>>
        %dma_start3A_747 = arith.constant 0 : i32
        %dma_start3A_748 = tpu.memref_slice %arg6[%dma_start3A_741, %dma_start3A_747] : memref<26x32xi32, #tpu.memory_space<vmem>> -> memref<1x32xi32, #tpu.memory_space<vmem>>
        %dma_start3A_749 = tpu.memref_squeeze %dma_start3A_748 : memref<1x32xi32, #tpu.memory_space<vmem>> -> memref<32xi32, #tpu.memory_space<vmem>>
        %dma_start3A_750 = arith.constant 0 : i32
        %dma_start3A_751 = arith.constant 0 : i32
        %dma_start3A_752 = tpu.memref_slice %arg3[%dma_start3A_750, %dma_start3A_751] : memref<2600000x128xf32, #tpu.memory_space<hbm>> -> memref<2600000x128xf32, #tpu.memory_space<hbm>>
        tpu.enqueue_indirect_dma source(%dma_start3A_752 : memref<2600000x128xf32, #tpu.memory_space<hbm>>) target(%dma_start3A_746 : memref<32x128xf32, #tpu.memory_space<vmem>>) offsets(%dma_start3A_749 : memref<32xi32, #tpu.memory_space<vmem>>) semaphore(%arg9 : memref<!tpu.dma_semaphore, #tpu.memory_space<semaphore_mem>>)
        %dma_start3A_753 = arith.constant 5 : i32
        %dma_start3A_754 = arith.constant 5 : i32
        %dma_start3A_755 = arith.constant 0 : i32
        %dma_start3A_756 = arith.constant 0 : i32
        %dma_start3A_757 = tpu.memref_slice %arg7[%dma_start3A_754, %dma_start3A_755, %dma_start3A_756] : memref<26x32x128xf32, #tpu.memory_space<vmem>> -> memref<1x32x128xf32, #tpu.memory_space<vmem>>
        %dma_start3A_758 = tpu.memref_squeeze %dma_start3A_757 : memref<1x32x128xf32, #tpu.memory_space<vmem>> -> memref<32x128xf32, #tpu.memory_space<vmem>>
        %dma_start3A_759 = arith.constant 0 : i32
        %dma_start3A_760 = tpu.memref_slice %arg6[%dma_start3A_753, %dma_start3A_759] : memref<26x32xi32, #tpu.memory_space<vmem>> -> memref<1x32xi32, #tpu.memory_space<vmem>>
        %dma_start3A_761 = tpu.memref_squeeze %dma_start3A_760 : memref<1x32xi32, #tpu.memory_space<vmem>> -> memref<32xi32, #tpu.memory_space<vmem>>
        %dma_start3A_762 = arith.constant 0 : i32
        %dma_start3A_763 = arith.constant 0 : i32
        %dma_start3A_764 = tpu.memref_slice %arg3[%dma_start3A_762, %dma_start3A_763] : memref<2600000x128xf32, #tpu.memory_space<hbm>> -> memref<2600000x128xf32, #tpu.memory_space<hbm>>
        tpu.enqueue_indirect_dma source(%dma_start3A_764 : memref<2600000x128xf32, #tpu.memory_space<hbm>>) target(%dma_start3A_758 : memref<32x128xf32, #tpu.memory_space<vmem>>) offsets(%dma_start3A_761 : memref<32xi32, #tpu.memory_space<vmem>>) semaphore(%arg9 : memref<!tpu.dma_semaphore, #tpu.memory_space<semaphore_mem>>)
        %dma_start3A_765 = arith.constant 6 : i32
        %dma_start3A_766 = arith.constant 6 : i32
        %dma_start3A_767 = arith.constant 0 : i32
        %dma_start3A_768 = arith.constant 0 : i32
        %dma_start3A_769 = tpu.memref_slice %arg7[%dma_start3A_766, %dma_start3A_767, %dma_start3A_768] : memref<26x32x128xf32, #tpu.memory_space<vmem>> -> memref<1x32x128xf32, #tpu.memory_space<vmem>>
        %dma_start3A_770 = tpu.memref_squeeze %dma_start3A_769 : memref<1x32x128xf32, #tpu.memory_space<vmem>> -> memref<32x128xf32, #tpu.memory_space<vmem>>
        %dma_start3A_771 = arith.constant 0 : i32
        %dma_start3A_772 = tpu.memref_slice %arg6[%dma_start3A_765, %dma_start3A_771] : memref<26x32xi32, #tpu.memory_space<vmem>> -> memref<1x32xi32, #tpu.memory_space<vmem>>
        %dma_start3A_773 = tpu.memref_squeeze %dma_start3A_772 : memref<1x32xi32, #tpu.memory_space<vmem>> -> memref<32xi32, #tpu.memory_space<vmem>>
        %dma_start3A_774 = arith.constant 0 : i32
        %dma_start3A_775 = arith.constant 0 : i32
        %dma_start3A_776 = tpu.memref_slice %arg3[%dma_start3A_774, %dma_start3A_775] : memref<2600000x128xf32, #tpu.memory_space<hbm>> -> memref<2600000x128xf32, #tpu.memory_space<hbm>>
        tpu.enqueue_indirect_dma source(%dma_start3A_776 : memref<2600000x128xf32, #tpu.memory_space<hbm>>) target(%dma_start3A_770 : memref<32x128xf32, #tpu.memory_space<vmem>>) offsets(%dma_start3A_773 : memref<32xi32, #tpu.memory_space<vmem>>) semaphore(%arg9 : memref<!tpu.dma_semaphore, #tpu.memory_space<semaphore_mem>>)
        %dma_start3A_777 = arith.constant 7 : i32
        %dma_start3A_778 = arith.constant 7 : i32
        %dma_start3A_779 = arith.constant 0 : i32
        %dma_start3A_780 = arith.constant 0 : i32
        %dma_start3A_781 = tpu.memref_slice %arg7[%dma_start3A_778, %dma_start3A_779, %dma_start3A_780] : memref<26x32x128xf32, #tpu.memory_space<vmem>> -> memref<1x32x128xf32, #tpu.memory_space<vmem>>
        %dma_start3A_782 = tpu.memref_squeeze %dma_start3A_781 : memref<1x32x128xf32, #tpu.memory_space<vmem>> -> memref<32x128xf32, #tpu.memory_space<vmem>>
        %dma_start3A_783 = arith.constant 0 : i32
        %dma_start3A_784 = tpu.memref_slice %arg6[%dma_start3A_777, %dma_start3A_783] : memref<26x32xi32, #tpu.memory_space<vmem>> -> memref<1x32xi32, #tpu.memory_space<vmem>>
        %dma_start3A_785 = tpu.memref_squeeze %dma_start3A_784 : memref<1x32xi32, #tpu.memory_space<vmem>> -> memref<32xi32, #tpu.memory_space<vmem>>
        %dma_start3A_786 = arith.constant 0 : i32
        %dma_start3A_787 = arith.constant 0 : i32
        %dma_start3A_788 = tpu.memref_slice %arg3[%dma_start3A_786, %dma_start3A_787] : memref<2600000x128xf32, #tpu.memory_space<hbm>> -> memref<2600000x128xf32, #tpu.memory_space<hbm>>
        tpu.enqueue_indirect_dma source(%dma_start3A_788 : memref<2600000x128xf32, #tpu.memory_space<hbm>>) target(%dma_start3A_782 : memref<32x128xf32, #tpu.memory_space<vmem>>) offsets(%dma_start3A_785 : memref<32xi32, #tpu.memory_space<vmem>>) semaphore(%arg9 : memref<!tpu.dma_semaphore, #tpu.memory_space<semaphore_mem>>)
        %dma_start3A_789 = arith.constant 8 : i32
        %dma_start3A_790 = arith.constant 8 : i32
        %dma_start3A_791 = arith.constant 0 : i32
        %dma_start3A_792 = arith.constant 0 : i32
        %dma_start3A_793 = tpu.memref_slice %arg7[%dma_start3A_790, %dma_start3A_791, %dma_start3A_792] : memref<26x32x128xf32, #tpu.memory_space<vmem>> -> memref<1x32x128xf32, #tpu.memory_space<vmem>>
        %dma_start3A_794 = tpu.memref_squeeze %dma_start3A_793 : memref<1x32x128xf32, #tpu.memory_space<vmem>> -> memref<32x128xf32, #tpu.memory_space<vmem>>
        %dma_start3A_795 = arith.constant 0 : i32
        %dma_start3A_796 = tpu.memref_slice %arg6[%dma_start3A_789, %dma_start3A_795] : memref<26x32xi32, #tpu.memory_space<vmem>> -> memref<1x32xi32, #tpu.memory_space<vmem>>
        %dma_start3A_797 = tpu.memref_squeeze %dma_start3A_796 : memref<1x32xi32, #tpu.memory_space<vmem>> -> memref<32xi32, #tpu.memory_space<vmem>>
        %dma_start3A_798 = arith.constant 0 : i32
        %dma_start3A_799 = arith.constant 0 : i32
        %dma_start3A_800 = tpu.memref_slice %arg3[%dma_start3A_798, %dma_start3A_799] : memref<2600000x128xf32, #tpu.memory_space<hbm>> -> memref<2600000x128xf32, #tpu.memory_space<hbm>>
        tpu.enqueue_indirect_dma source(%dma_start3A_800 : memref<2600000x128xf32, #tpu.memory_space<hbm>>) target(%dma_start3A_794 : memref<32x128xf32, #tpu.memory_space<vmem>>) offsets(%dma_start3A_797 : memref<32xi32, #tpu.memory_space<vmem>>) semaphore(%arg9 : memref<!tpu.dma_semaphore, #tpu.memory_space<semaphore_mem>>)
        %dma_start3A_801 = arith.constant 9 : i32
        %dma_start3A_802 = arith.constant 9 : i32
        %dma_start3A_803 = arith.constant 0 : i32
        %dma_start3A_804 = arith.constant 0 : i32
        %dma_start3A_805 = tpu.memref_slice %arg7[%dma_start3A_802, %dma_start3A_803, %dma_start3A_804] : memref<26x32x128xf32, #tpu.memory_space<vmem>> -> memref<1x32x128xf32, #tpu.memory_space<vmem>>
        %dma_start3A_806 = tpu.memref_squeeze %dma_start3A_805 : memref<1x32x128xf32, #tpu.memory_space<vmem>> -> memref<32x128xf32, #tpu.memory_space<vmem>>
        %dma_start3A_807 = arith.constant 0 : i32
        %dma_start3A_808 = tpu.memref_slice %arg6[%dma_start3A_801, %dma_start3A_807] : memref<26x32xi32, #tpu.memory_space<vmem>> -> memref<1x32xi32, #tpu.memory_space<vmem>>
        %dma_start3A_809 = tpu.memref_squeeze %dma_start3A_808 : memref<1x32xi32, #tpu.memory_space<vmem>> -> memref<32xi32, #tpu.memory_space<vmem>>
        %dma_start3A_810 = arith.constant 0 : i32
        %dma_start3A_811 = arith.constant 0 : i32
        %dma_start3A_812 = tpu.memref_slice %arg3[%dma_start3A_810, %dma_start3A_811] : memref<2600000x128xf32, #tpu.memory_space<hbm>> -> memref<2600000x128xf32, #tpu.memory_space<hbm>>
        tpu.enqueue_indirect_dma source(%dma_start3A_812 : memref<2600000x128xf32, #tpu.memory_space<hbm>>) target(%dma_start3A_806 : memref<32x128xf32, #tpu.memory_space<vmem>>) offsets(%dma_start3A_809 : memref<32xi32, #tpu.memory_space<vmem>>) semaphore(%arg9 : memref<!tpu.dma_semaphore, #tpu.memory_space<semaphore_mem>>)
        %dma_start3A_813 = arith.constant 10 : i32
        %dma_start3A_814 = arith.constant 10 : i32
        %dma_start3A_815 = arith.constant 0 : i32
        %dma_start3A_816 = arith.constant 0 : i32
        %dma_start3A_817 = tpu.memref_slice %arg7[%dma_start3A_814, %dma_start3A_815, %dma_start3A_816] : memref<26x32x128xf32, #tpu.memory_space<vmem>> -> memref<1x32x128xf32, #tpu.memory_space<vmem>>
        %dma_start3A_818 = tpu.memref_squeeze %dma_start3A_817 : memref<1x32x128xf32, #tpu.memory_space<vmem>> -> memref<32x128xf32, #tpu.memory_space<vmem>>
        %dma_start3A_819 = arith.constant 0 : i32
        %dma_start3A_820 = tpu.memref_slice %arg6[%dma_start3A_813, %dma_start3A_819] : memref<26x32xi32, #tpu.memory_space<vmem>> -> memref<1x32xi32, #tpu.memory_space<vmem>>
        %dma_start3A_821 = tpu.memref_squeeze %dma_start3A_820 : memref<1x32xi32, #tpu.memory_space<vmem>> -> memref<32xi32, #tpu.memory_space<vmem>>
        %dma_start3A_822 = arith.constant 0 : i32
        %dma_start3A_823 = arith.constant 0 : i32
        %dma_start3A_824 = tpu.memref_slice %arg3[%dma_start3A_822, %dma_start3A_823] : memref<2600000x128xf32, #tpu.memory_space<hbm>> -> memref<2600000x128xf32, #tpu.memory_space<hbm>>
        tpu.enqueue_indirect_dma source(%dma_start3A_824 : memref<2600000x128xf32, #tpu.memory_space<hbm>>) target(%dma_start3A_818 : memref<32x128xf32, #tpu.memory_space<vmem>>) offsets(%dma_start3A_821 : memref<32xi32, #tpu.memory_space<vmem>>) semaphore(%arg9 : memref<!tpu.dma_semaphore, #tpu.memory_space<semaphore_mem>>)
        %dma_start3A_825 = arith.constant 11 : i32
        %dma_start3A_826 = arith.constant 11 : i32
        %dma_start3A_827 = arith.constant 0 : i32
        %dma_start3A_828 = arith.constant 0 : i32
        %dma_start3A_829 = tpu.memref_slice %arg7[%dma_start3A_826, %dma_start3A_827, %dma_start3A_828] : memref<26x32x128xf32, #tpu.memory_space<vmem>> -> memref<1x32x128xf32, #tpu.memory_space<vmem>>
        %dma_start3A_830 = tpu.memref_squeeze %dma_start3A_829 : memref<1x32x128xf32, #tpu.memory_space<vmem>> -> memref<32x128xf32, #tpu.memory_space<vmem>>
        %dma_start3A_831 = arith.constant 0 : i32
        %dma_start3A_832 = tpu.memref_slice %arg6[%dma_start3A_825, %dma_start3A_831] : memref<26x32xi32, #tpu.memory_space<vmem>> -> memref<1x32xi32, #tpu.memory_space<vmem>>
        %dma_start3A_833 = tpu.memref_squeeze %dma_start3A_832 : memref<1x32xi32, #tpu.memory_space<vmem>> -> memref<32xi32, #tpu.memory_space<vmem>>
        %dma_start3A_834 = arith.constant 0 : i32
        %dma_start3A_835 = arith.constant 0 : i32
        %dma_start3A_836 = tpu.memref_slice %arg3[%dma_start3A_834, %dma_start3A_835] : memref<2600000x128xf32, #tpu.memory_space<hbm>> -> memref<2600000x128xf32, #tpu.memory_space<hbm>>
        tpu.enqueue_indirect_dma source(%dma_start3A_836 : memref<2600000x128xf32, #tpu.memory_space<hbm>>) target(%dma_start3A_830 : memref<32x128xf32, #tpu.memory_space<vmem>>) offsets(%dma_start3A_833 : memref<32xi32, #tpu.memory_space<vmem>>) semaphore(%arg9 : memref<!tpu.dma_semaphore, #tpu.memory_space<semaphore_mem>>)
        %dma_start3A_837 = arith.constant 12 : i32
        %dma_start3A_838 = arith.constant 12 : i32
        %dma_start3A_839 = arith.constant 0 : i32
        %dma_start3A_840 = arith.constant 0 : i32
        %dma_start3A_841 = tpu.memref_slice %arg7[%dma_start3A_838, %dma_start3A_839, %dma_start3A_840] : memref<26x32x128xf32, #tpu.memory_space<vmem>> -> memref<1x32x128xf32, #tpu.memory_space<vmem>>
        %dma_start3A_842 = tpu.memref_squeeze %dma_start3A_841 : memref<1x32x128xf32, #tpu.memory_space<vmem>> -> memref<32x128xf32, #tpu.memory_space<vmem>>
        %dma_start3A_843 = arith.constant 0 : i32
        %dma_start3A_844 = tpu.memref_slice %arg6[%dma_start3A_837, %dma_start3A_843] : memref<26x32xi32, #tpu.memory_space<vmem>> -> memref<1x32xi32, #tpu.memory_space<vmem>>
        %dma_start3A_845 = tpu.memref_squeeze %dma_start3A_844 : memref<1x32xi32, #tpu.memory_space<vmem>> -> memref<32xi32, #tpu.memory_space<vmem>>
        %dma_start3A_846 = arith.constant 0 : i32
        %dma_start3A_847 = arith.constant 0 : i32
        %dma_start3A_848 = tpu.memref_slice %arg3[%dma_start3A_846, %dma_start3A_847] : memref<2600000x128xf32, #tpu.memory_space<hbm>> -> memref<2600000x128xf32, #tpu.memory_space<hbm>>
        tpu.enqueue_indirect_dma source(%dma_start3A_848 : memref<2600000x128xf32, #tpu.memory_space<hbm>>) target(%dma_start3A_842 : memref<32x128xf32, #tpu.memory_space<vmem>>) offsets(%dma_start3A_845 : memref<32xi32, #tpu.memory_space<vmem>>) semaphore(%arg9 : memref<!tpu.dma_semaphore, #tpu.memory_space<semaphore_mem>>)
        %dma_start3A_849 = arith.constant 13 : i32
        %dma_start3A_850 = arith.constant 13 : i32
        %dma_start3A_851 = arith.constant 0 : i32
        %dma_start3A_852 = arith.constant 0 : i32
        %dma_start3A_853 = tpu.memref_slice %arg7[%dma_start3A_850, %dma_start3A_851, %dma_start3A_852] : memref<26x32x128xf32, #tpu.memory_space<vmem>> -> memref<1x32x128xf32, #tpu.memory_space<vmem>>
        %dma_start3A_854 = tpu.memref_squeeze %dma_start3A_853 : memref<1x32x128xf32, #tpu.memory_space<vmem>> -> memref<32x128xf32, #tpu.memory_space<vmem>>
        %dma_start3A_855 = arith.constant 0 : i32
        %dma_start3A_856 = tpu.memref_slice %arg6[%dma_start3A_849, %dma_start3A_855] : memref<26x32xi32, #tpu.memory_space<vmem>> -> memref<1x32xi32, #tpu.memory_space<vmem>>
        %dma_start3A_857 = tpu.memref_squeeze %dma_start3A_856 : memref<1x32xi32, #tpu.memory_space<vmem>> -> memref<32xi32, #tpu.memory_space<vmem>>
        %dma_start3A_858 = arith.constant 0 : i32
        %dma_start3A_859 = arith.constant 0 : i32
        %dma_start3A_860 = tpu.memref_slice %arg3[%dma_start3A_858, %dma_start3A_859] : memref<2600000x128xf32, #tpu.memory_space<hbm>> -> memref<2600000x128xf32, #tpu.memory_space<hbm>>
        tpu.enqueue_indirect_dma source(%dma_start3A_860 : memref<2600000x128xf32, #tpu.memory_space<hbm>>) target(%dma_start3A_854 : memref<32x128xf32, #tpu.memory_space<vmem>>) offsets(%dma_start3A_857 : memref<32xi32, #tpu.memory_space<vmem>>) semaphore(%arg9 : memref<!tpu.dma_semaphore, #tpu.memory_space<semaphore_mem>>)
        %dma_start3A_861 = arith.constant 14 : i32
        %dma_start3A_862 = arith.constant 14 : i32
        %dma_start3A_863 = arith.constant 0 : i32
        %dma_start3A_864 = arith.constant 0 : i32
        %dma_start3A_865 = tpu.memref_slice %arg7[%dma_start3A_862, %dma_start3A_863, %dma_start3A_864] : memref<26x32x128xf32, #tpu.memory_space<vmem>> -> memref<1x32x128xf32, #tpu.memory_space<vmem>>
        %dma_start3A_866 = tpu.memref_squeeze %dma_start3A_865 : memref<1x32x128xf32, #tpu.memory_space<vmem>> -> memref<32x128xf32, #tpu.memory_space<vmem>>
        %dma_start3A_867 = arith.constant 0 : i32
        %dma_start3A_868 = tpu.memref_slice %arg6[%dma_start3A_861, %dma_start3A_867] : memref<26x32xi32, #tpu.memory_space<vmem>> -> memref<1x32xi32, #tpu.memory_space<vmem>>
        %dma_start3A_869 = tpu.memref_squeeze %dma_start3A_868 : memref<1x32xi32, #tpu.memory_space<vmem>> -> memref<32xi32, #tpu.memory_space<vmem>>
        %dma_start3A_870 = arith.constant 0 : i32
        %dma_start3A_871 = arith.constant 0 : i32
        %dma_start3A_872 = tpu.memref_slice %arg3[%dma_start3A_870, %dma_start3A_871] : memref<2600000x128xf32, #tpu.memory_space<hbm>> -> memref<2600000x128xf32, #tpu.memory_space<hbm>>
        tpu.enqueue_indirect_dma source(%dma_start3A_872 : memref<2600000x128xf32, #tpu.memory_space<hbm>>) target(%dma_start3A_866 : memref<32x128xf32, #tpu.memory_space<vmem>>) offsets(%dma_start3A_869 : memref<32xi32, #tpu.memory_space<vmem>>) semaphore(%arg9 : memref<!tpu.dma_semaphore, #tpu.memory_space<semaphore_mem>>)
        %dma_start3A_873 = arith.constant 15 : i32
        %dma_start3A_874 = arith.constant 15 : i32
        %dma_start3A_875 = arith.constant 0 : i32
        %dma_start3A_876 = arith.constant 0 : i32
        %dma_start3A_877 = tpu.memref_slice %arg7[%dma_start3A_874, %dma_start3A_875, %dma_start3A_876] : memref<26x32x128xf32, #tpu.memory_space<vmem>> -> memref<1x32x128xf32, #tpu.memory_space<vmem>>
        %dma_start3A_878 = tpu.memref_squeeze %dma_start3A_877 : memref<1x32x128xf32, #tpu.memory_space<vmem>> -> memref<32x128xf32, #tpu.memory_space<vmem>>
        %dma_start3A_879 = arith.constant 0 : i32
        %dma_start3A_880 = tpu.memref_slice %arg6[%dma_start3A_873, %dma_start3A_879] : memref<26x32xi32, #tpu.memory_space<vmem>> -> memref<1x32xi32, #tpu.memory_space<vmem>>
        %dma_start3A_881 = tpu.memref_squeeze %dma_start3A_880 : memref<1x32xi32, #tpu.memory_space<vmem>> -> memref<32xi32, #tpu.memory_space<vmem>>
        %dma_start3A_882 = arith.constant 0 : i32
        %dma_start3A_883 = arith.constant 0 : i32
        %dma_start3A_884 = tpu.memref_slice %arg3[%dma_start3A_882, %dma_start3A_883] : memref<2600000x128xf32, #tpu.memory_space<hbm>> -> memref<2600000x128xf32, #tpu.memory_space<hbm>>
        tpu.enqueue_indirect_dma source(%dma_start3A_884 : memref<2600000x128xf32, #tpu.memory_space<hbm>>) target(%dma_start3A_878 : memref<32x128xf32, #tpu.memory_space<vmem>>) offsets(%dma_start3A_881 : memref<32xi32, #tpu.memory_space<vmem>>) semaphore(%arg9 : memref<!tpu.dma_semaphore, #tpu.memory_space<semaphore_mem>>)
        %dma_start3A_885 = arith.constant 16 : i32
        %dma_start3A_886 = arith.constant 16 : i32
        %dma_start3A_887 = arith.constant 0 : i32
        %dma_start3A_888 = arith.constant 0 : i32
        %dma_start3A_889 = tpu.memref_slice %arg7[%dma_start3A_886, %dma_start3A_887, %dma_start3A_888] : memref<26x32x128xf32, #tpu.memory_space<vmem>> -> memref<1x32x128xf32, #tpu.memory_space<vmem>>
        %dma_start3A_890 = tpu.memref_squeeze %dma_start3A_889 : memref<1x32x128xf32, #tpu.memory_space<vmem>> -> memref<32x128xf32, #tpu.memory_space<vmem>>
        %dma_start3A_891 = arith.constant 0 : i32
        %dma_start3A_892 = tpu.memref_slice %arg6[%dma_start3A_885, %dma_start3A_891] : memref<26x32xi32, #tpu.memory_space<vmem>> -> memref<1x32xi32, #tpu.memory_space<vmem>>
        %dma_start3A_893 = tpu.memref_squeeze %dma_start3A_892 : memref<1x32xi32, #tpu.memory_space<vmem>> -> memref<32xi32, #tpu.memory_space<vmem>>
        %dma_start3A_894 = arith.constant 0 : i32
        %dma_start3A_895 = arith.constant 0 : i32
        %dma_start3A_896 = tpu.memref_slice %arg3[%dma_start3A_894, %dma_start3A_895] : memref<2600000x128xf32, #tpu.memory_space<hbm>> -> memref<2600000x128xf32, #tpu.memory_space<hbm>>
        tpu.enqueue_indirect_dma source(%dma_start3A_896 : memref<2600000x128xf32, #tpu.memory_space<hbm>>) target(%dma_start3A_890 : memref<32x128xf32, #tpu.memory_space<vmem>>) offsets(%dma_start3A_893 : memref<32xi32, #tpu.memory_space<vmem>>) semaphore(%arg9 : memref<!tpu.dma_semaphore, #tpu.memory_space<semaphore_mem>>)
        %dma_start3A_897 = arith.constant 17 : i32
        %dma_start3A_898 = arith.constant 17 : i32
        %dma_start3A_899 = arith.constant 0 : i32
        %dma_start3A_900 = arith.constant 0 : i32
        %dma_start3A_901 = tpu.memref_slice %arg7[%dma_start3A_898, %dma_start3A_899, %dma_start3A_900] : memref<26x32x128xf32, #tpu.memory_space<vmem>> -> memref<1x32x128xf32, #tpu.memory_space<vmem>>
        %dma_start3A_902 = tpu.memref_squeeze %dma_start3A_901 : memref<1x32x128xf32, #tpu.memory_space<vmem>> -> memref<32x128xf32, #tpu.memory_space<vmem>>
        %dma_start3A_903 = arith.constant 0 : i32
        %dma_start3A_904 = tpu.memref_slice %arg6[%dma_start3A_897, %dma_start3A_903] : memref<26x32xi32, #tpu.memory_space<vmem>> -> memref<1x32xi32, #tpu.memory_space<vmem>>
        %dma_start3A_905 = tpu.memref_squeeze %dma_start3A_904 : memref<1x32xi32, #tpu.memory_space<vmem>> -> memref<32xi32, #tpu.memory_space<vmem>>
        %dma_start3A_906 = arith.constant 0 : i32
        %dma_start3A_907 = arith.constant 0 : i32
        %dma_start3A_908 = tpu.memref_slice %arg3[%dma_start3A_906, %dma_start3A_907] : memref<2600000x128xf32, #tpu.memory_space<hbm>> -> memref<2600000x128xf32, #tpu.memory_space<hbm>>
        tpu.enqueue_indirect_dma source(%dma_start3A_908 : memref<2600000x128xf32, #tpu.memory_space<hbm>>) target(%dma_start3A_902 : memref<32x128xf32, #tpu.memory_space<vmem>>) offsets(%dma_start3A_905 : memref<32xi32, #tpu.memory_space<vmem>>) semaphore(%arg9 : memref<!tpu.dma_semaphore, #tpu.memory_space<semaphore_mem>>)
        %dma_start3A_909 = arith.constant 18 : i32
        %dma_start3A_910 = arith.constant 18 : i32
        %dma_start3A_911 = arith.constant 0 : i32
        %dma_start3A_912 = arith.constant 0 : i32
        %dma_start3A_913 = tpu.memref_slice %arg7[%dma_start3A_910, %dma_start3A_911, %dma_start3A_912] : memref<26x32x128xf32, #tpu.memory_space<vmem>> -> memref<1x32x128xf32, #tpu.memory_space<vmem>>
        %dma_start3A_914 = tpu.memref_squeeze %dma_start3A_913 : memref<1x32x128xf32, #tpu.memory_space<vmem>> -> memref<32x128xf32, #tpu.memory_space<vmem>>
        %dma_start3A_915 = arith.constant 0 : i32
        %dma_start3A_916 = tpu.memref_slice %arg6[%dma_start3A_909, %dma_start3A_915] : memref<26x32xi32, #tpu.memory_space<vmem>> -> memref<1x32xi32, #tpu.memory_space<vmem>>
        %dma_start3A_917 = tpu.memref_squeeze %dma_start3A_916 : memref<1x32xi32, #tpu.memory_space<vmem>> -> memref<32xi32, #tpu.memory_space<vmem>>
        %dma_start3A_918 = arith.constant 0 : i32
        %dma_start3A_919 = arith.constant 0 : i32
        %dma_start3A_920 = tpu.memref_slice %arg3[%dma_start3A_918, %dma_start3A_919] : memref<2600000x128xf32, #tpu.memory_space<hbm>> -> memref<2600000x128xf32, #tpu.memory_space<hbm>>
        tpu.enqueue_indirect_dma source(%dma_start3A_920 : memref<2600000x128xf32, #tpu.memory_space<hbm>>) target(%dma_start3A_914 : memref<32x128xf32, #tpu.memory_space<vmem>>) offsets(%dma_start3A_917 : memref<32xi32, #tpu.memory_space<vmem>>) semaphore(%arg9 : memref<!tpu.dma_semaphore, #tpu.memory_space<semaphore_mem>>)
        %dma_start3A_921 = arith.constant 19 : i32
        %dma_start3A_922 = arith.constant 19 : i32
        %dma_start3A_923 = arith.constant 0 : i32
        %dma_start3A_924 = arith.constant 0 : i32
        %dma_start3A_925 = tpu.memref_slice %arg7[%dma_start3A_922, %dma_start3A_923, %dma_start3A_924] : memref<26x32x128xf32, #tpu.memory_space<vmem>> -> memref<1x32x128xf32, #tpu.memory_space<vmem>>
        %dma_start3A_926 = tpu.memref_squeeze %dma_start3A_925 : memref<1x32x128xf32, #tpu.memory_space<vmem>> -> memref<32x128xf32, #tpu.memory_space<vmem>>
        %dma_start3A_927 = arith.constant 0 : i32
        %dma_start3A_928 = tpu.memref_slice %arg6[%dma_start3A_921, %dma_start3A_927] : memref<26x32xi32, #tpu.memory_space<vmem>> -> memref<1x32xi32, #tpu.memory_space<vmem>>
        %dma_start3A_929 = tpu.memref_squeeze %dma_start3A_928 : memref<1x32xi32, #tpu.memory_space<vmem>> -> memref<32xi32, #tpu.memory_space<vmem>>
        %dma_start3A_930 = arith.constant 0 : i32
        %dma_start3A_931 = arith.constant 0 : i32
        %dma_start3A_932 = tpu.memref_slice %arg3[%dma_start3A_930, %dma_start3A_931] : memref<2600000x128xf32, #tpu.memory_space<hbm>> -> memref<2600000x128xf32, #tpu.memory_space<hbm>>
        tpu.enqueue_indirect_dma source(%dma_start3A_932 : memref<2600000x128xf32, #tpu.memory_space<hbm>>) target(%dma_start3A_926 : memref<32x128xf32, #tpu.memory_space<vmem>>) offsets(%dma_start3A_929 : memref<32xi32, #tpu.memory_space<vmem>>) semaphore(%arg9 : memref<!tpu.dma_semaphore, #tpu.memory_space<semaphore_mem>>)
        %dma_start3A_933 = arith.constant 20 : i32
        %dma_start3A_934 = arith.constant 20 : i32
        %dma_start3A_935 = arith.constant 0 : i32
        %dma_start3A_936 = arith.constant 0 : i32
        %dma_start3A_937 = tpu.memref_slice %arg7[%dma_start3A_934, %dma_start3A_935, %dma_start3A_936] : memref<26x32x128xf32, #tpu.memory_space<vmem>> -> memref<1x32x128xf32, #tpu.memory_space<vmem>>
        %dma_start3A_938 = tpu.memref_squeeze %dma_start3A_937 : memref<1x32x128xf32, #tpu.memory_space<vmem>> -> memref<32x128xf32, #tpu.memory_space<vmem>>
        %dma_start3A_939 = arith.constant 0 : i32
        %dma_start3A_940 = tpu.memref_slice %arg6[%dma_start3A_933, %dma_start3A_939] : memref<26x32xi32, #tpu.memory_space<vmem>> -> memref<1x32xi32, #tpu.memory_space<vmem>>
        %dma_start3A_941 = tpu.memref_squeeze %dma_start3A_940 : memref<1x32xi32, #tpu.memory_space<vmem>> -> memref<32xi32, #tpu.memory_space<vmem>>
        %dma_start3A_942 = arith.constant 0 : i32
        %dma_start3A_943 = arith.constant 0 : i32
        %dma_start3A_944 = tpu.memref_slice %arg3[%dma_start3A_942, %dma_start3A_943] : memref<2600000x128xf32, #tpu.memory_space<hbm>> -> memref<2600000x128xf32, #tpu.memory_space<hbm>>
        tpu.enqueue_indirect_dma source(%dma_start3A_944 : memref<2600000x128xf32, #tpu.memory_space<hbm>>) target(%dma_start3A_938 : memref<32x128xf32, #tpu.memory_space<vmem>>) offsets(%dma_start3A_941 : memref<32xi32, #tpu.memory_space<vmem>>) semaphore(%arg9 : memref<!tpu.dma_semaphore, #tpu.memory_space<semaphore_mem>>)
        %dma_start3A_945 = arith.constant 21 : i32
        %dma_start3A_946 = arith.constant 21 : i32
        %dma_start3A_947 = arith.constant 0 : i32
        %dma_start3A_948 = arith.constant 0 : i32
        %dma_start3A_949 = tpu.memref_slice %arg7[%dma_start3A_946, %dma_start3A_947, %dma_start3A_948] : memref<26x32x128xf32, #tpu.memory_space<vmem>> -> memref<1x32x128xf32, #tpu.memory_space<vmem>>
        %dma_start3A_950 = tpu.memref_squeeze %dma_start3A_949 : memref<1x32x128xf32, #tpu.memory_space<vmem>> -> memref<32x128xf32, #tpu.memory_space<vmem>>
        %dma_start3A_951 = arith.constant 0 : i32
        %dma_start3A_952 = tpu.memref_slice %arg6[%dma_start3A_945, %dma_start3A_951] : memref<26x32xi32, #tpu.memory_space<vmem>> -> memref<1x32xi32, #tpu.memory_space<vmem>>
        %dma_start3A_953 = tpu.memref_squeeze %dma_start3A_952 : memref<1x32xi32, #tpu.memory_space<vmem>> -> memref<32xi32, #tpu.memory_space<vmem>>
        %dma_start3A_954 = arith.constant 0 : i32
        %dma_start3A_955 = arith.constant 0 : i32
        %dma_start3A_956 = tpu.memref_slice %arg3[%dma_start3A_954, %dma_start3A_955] : memref<2600000x128xf32, #tpu.memory_space<hbm>> -> memref<2600000x128xf32, #tpu.memory_space<hbm>>
        tpu.enqueue_indirect_dma source(%dma_start3A_956 : memref<2600000x128xf32, #tpu.memory_space<hbm>>) target(%dma_start3A_950 : memref<32x128xf32, #tpu.memory_space<vmem>>) offsets(%dma_start3A_953 : memref<32xi32, #tpu.memory_space<vmem>>) semaphore(%arg9 : memref<!tpu.dma_semaphore, #tpu.memory_space<semaphore_mem>>)
        %dma_start3A_957 = arith.constant 22 : i32
        %dma_start3A_958 = arith.constant 22 : i32
        %dma_start3A_959 = arith.constant 0 : i32
        %dma_start3A_960 = arith.constant 0 : i32
        %dma_start3A_961 = tpu.memref_slice %arg7[%dma_start3A_958, %dma_start3A_959, %dma_start3A_960] : memref<26x32x128xf32, #tpu.memory_space<vmem>> -> memref<1x32x128xf32, #tpu.memory_space<vmem>>
        %dma_start3A_962 = tpu.memref_squeeze %dma_start3A_961 : memref<1x32x128xf32, #tpu.memory_space<vmem>> -> memref<32x128xf32, #tpu.memory_space<vmem>>
        %dma_start3A_963 = arith.constant 0 : i32
        %dma_start3A_964 = tpu.memref_slice %arg6[%dma_start3A_957, %dma_start3A_963] : memref<26x32xi32, #tpu.memory_space<vmem>> -> memref<1x32xi32, #tpu.memory_space<vmem>>
        %dma_start3A_965 = tpu.memref_squeeze %dma_start3A_964 : memref<1x32xi32, #tpu.memory_space<vmem>> -> memref<32xi32, #tpu.memory_space<vmem>>
        %dma_start3A_966 = arith.constant 0 : i32
        %dma_start3A_967 = arith.constant 0 : i32
        %dma_start3A_968 = tpu.memref_slice %arg3[%dma_start3A_966, %dma_start3A_967] : memref<2600000x128xf32, #tpu.memory_space<hbm>> -> memref<2600000x128xf32, #tpu.memory_space<hbm>>
        tpu.enqueue_indirect_dma source(%dma_start3A_968 : memref<2600000x128xf32, #tpu.memory_space<hbm>>) target(%dma_start3A_962 : memref<32x128xf32, #tpu.memory_space<vmem>>) offsets(%dma_start3A_965 : memref<32xi32, #tpu.memory_space<vmem>>) semaphore(%arg9 : memref<!tpu.dma_semaphore, #tpu.memory_space<semaphore_mem>>)
        %dma_start3A_969 = arith.constant 23 : i32
        %dma_start3A_970 = arith.constant 23 : i32
        %dma_start3A_971 = arith.constant 0 : i32
        %dma_start3A_972 = arith.constant 0 : i32
        %dma_start3A_973 = tpu.memref_slice %arg7[%dma_start3A_970, %dma_start3A_971, %dma_start3A_972] : memref<26x32x128xf32, #tpu.memory_space<vmem>> -> memref<1x32x128xf32, #tpu.memory_space<vmem>>
        %dma_start3A_974 = tpu.memref_squeeze %dma_start3A_973 : memref<1x32x128xf32, #tpu.memory_space<vmem>> -> memref<32x128xf32, #tpu.memory_space<vmem>>
        %dma_start3A_975 = arith.constant 0 : i32
        %dma_start3A_976 = tpu.memref_slice %arg6[%dma_start3A_969, %dma_start3A_975] : memref<26x32xi32, #tpu.memory_space<vmem>> -> memref<1x32xi32, #tpu.memory_space<vmem>>
        %dma_start3A_977 = tpu.memref_squeeze %dma_start3A_976 : memref<1x32xi32, #tpu.memory_space<vmem>> -> memref<32xi32, #tpu.memory_space<vmem>>
        %dma_start3A_978 = arith.constant 0 : i32
        %dma_start3A_979 = arith.constant 0 : i32
        %dma_start3A_980 = tpu.memref_slice %arg3[%dma_start3A_978, %dma_start3A_979] : memref<2600000x128xf32, #tpu.memory_space<hbm>> -> memref<2600000x128xf32, #tpu.memory_space<hbm>>
        tpu.enqueue_indirect_dma source(%dma_start3A_980 : memref<2600000x128xf32, #tpu.memory_space<hbm>>) target(%dma_start3A_974 : memref<32x128xf32, #tpu.memory_space<vmem>>) offsets(%dma_start3A_977 : memref<32xi32, #tpu.memory_space<vmem>>) semaphore(%arg9 : memref<!tpu.dma_semaphore, #tpu.memory_space<semaphore_mem>>)
        %dma_start3A_981 = arith.constant 24 : i32
        %dma_start3A_982 = arith.constant 24 : i32
        %dma_start3A_983 = arith.constant 0 : i32
        %dma_start3A_984 = arith.constant 0 : i32
        %dma_start3A_985 = tpu.memref_slice %arg7[%dma_start3A_982, %dma_start3A_983, %dma_start3A_984] : memref<26x32x128xf32, #tpu.memory_space<vmem>> -> memref<1x32x128xf32, #tpu.memory_space<vmem>>
        %dma_start3A_986 = tpu.memref_squeeze %dma_start3A_985 : memref<1x32x128xf32, #tpu.memory_space<vmem>> -> memref<32x128xf32, #tpu.memory_space<vmem>>
        %dma_start3A_987 = arith.constant 0 : i32
        %dma_start3A_988 = tpu.memref_slice %arg6[%dma_start3A_981, %dma_start3A_987] : memref<26x32xi32, #tpu.memory_space<vmem>> -> memref<1x32xi32, #tpu.memory_space<vmem>>
        %dma_start3A_989 = tpu.memref_squeeze %dma_start3A_988 : memref<1x32xi32, #tpu.memory_space<vmem>> -> memref<32xi32, #tpu.memory_space<vmem>>
        %dma_start3A_990 = arith.constant 0 : i32
        %dma_start3A_991 = arith.constant 0 : i32
        %dma_start3A_992 = tpu.memref_slice %arg3[%dma_start3A_990, %dma_start3A_991] : memref<2600000x128xf32, #tpu.memory_space<hbm>> -> memref<2600000x128xf32, #tpu.memory_space<hbm>>
        tpu.enqueue_indirect_dma source(%dma_start3A_992 : memref<2600000x128xf32, #tpu.memory_space<hbm>>) target(%dma_start3A_986 : memref<32x128xf32, #tpu.memory_space<vmem>>) offsets(%dma_start3A_989 : memref<32xi32, #tpu.memory_space<vmem>>) semaphore(%arg9 : memref<!tpu.dma_semaphore, #tpu.memory_space<semaphore_mem>>)
        %dma_start3A_993 = arith.constant 25 : i32
        %dma_start3A_994 = arith.constant 25 : i32
        %dma_start3A_995 = arith.constant 0 : i32
        %dma_start3A_996 = arith.constant 0 : i32
        %dma_start3A_997 = tpu.memref_slice %arg7[%dma_start3A_994, %dma_start3A_995, %dma_start3A_996] : memref<26x32x128xf32, #tpu.memory_space<vmem>> -> memref<1x32x128xf32, #tpu.memory_space<vmem>>
        %dma_start3A_998 = tpu.memref_squeeze %dma_start3A_997 : memref<1x32x128xf32, #tpu.memory_space<vmem>> -> memref<32x128xf32, #tpu.memory_space<vmem>>
        %dma_start3A_999 = arith.constant 0 : i32
        %dma_start3A_1000 = tpu.memref_slice %arg6[%dma_start3A_993, %dma_start3A_999] : memref<26x32xi32, #tpu.memory_space<vmem>> -> memref<1x32xi32, #tpu.memory_space<vmem>>
        %dma_start3A_1001 = tpu.memref_squeeze %dma_start3A_1000 : memref<1x32xi32, #tpu.memory_space<vmem>> -> memref<32xi32, #tpu.memory_space<vmem>>
        %dma_start3A_1002 = arith.constant 0 : i32
        %dma_start3A_1003 = arith.constant 0 : i32
        %dma_start3A_1004 = tpu.memref_slice %arg3[%dma_start3A_1002, %dma_start3A_1003] : memref<2600000x128xf32, #tpu.memory_space<hbm>> -> memref<2600000x128xf32, #tpu.memory_space<hbm>>
        tpu.enqueue_indirect_dma source(%dma_start3A_1004 : memref<2600000x128xf32, #tpu.memory_space<hbm>>) target(%dma_start3A_998 : memref<32x128xf32, #tpu.memory_space<vmem>>) offsets(%dma_start3A_1001 : memref<32xi32, #tpu.memory_space<vmem>>) semaphore(%arg9 : memref<!tpu.dma_semaphore, #tpu.memory_space<semaphore_mem>>)
        %dma_wait3A = arith.constant 0 : i32
        %dma_wait3A_1005 = arith.constant 0 : i32
        %dma_wait3A_1006 = arith.constant 0 : i32
        %dma_wait3A_1007 = arith.constant 0 : i32
        %dma_wait3A_1008 = tpu.memref_slice %arg7[%dma_wait3A_1005, %dma_wait3A_1006, %dma_wait3A_1007] : memref<26x32x128xf32, #tpu.memory_space<vmem>> -> memref<1x32x128xf32, #tpu.memory_space<vmem>>
        %dma_wait3A_1009 = tpu.memref_squeeze %dma_wait3A_1008 : memref<1x32x128xf32, #tpu.memory_space<vmem>> -> memref<32x128xf32, #tpu.memory_space<vmem>>
        %dma_wait3A_1010 = arith.constant 0 : i32
        %dma_wait3A_1011 = tpu.memref_slice %arg6[%dma_wait3A, %dma_wait3A_1010] : memref<26x32xi32, #tpu.memory_space<vmem>> -> memref<1x32xi32, #tpu.memory_space<vmem>>
        %dma_wait3A_1012 = tpu.memref_squeeze %dma_wait3A_1011 : memref<1x32xi32, #tpu.memory_space<vmem>> -> memref<32xi32, #tpu.memory_space<vmem>>
        %dma_wait3A_1013 = arith.constant 0 : i32
        %dma_wait3A_1014 = arith.constant 0 : i32
        %dma_wait3A_1015 = tpu.memref_slice %arg3[%dma_wait3A_1013, %dma_wait3A_1014] : memref<2600000x128xf32, #tpu.memory_space<hbm>> -> memref<2600000x128xf32, #tpu.memory_space<hbm>>
        tpu.wait_indirect_dma semaphore(%arg9 : memref<!tpu.dma_semaphore, #tpu.memory_space<semaphore_mem>>) src(%dma_wait3A_1015 : memref<2600000x128xf32, #tpu.memory_space<hbm>>) dst(%dma_wait3A_1009 : memref<32x128xf32, #tpu.memory_space<vmem>>)
        %dma_wait3A_1016 = arith.constant 1 : i32
        %dma_wait3A_1017 = arith.constant 1 : i32
        %dma_wait3A_1018 = arith.constant 0 : i32
        %dma_wait3A_1019 = arith.constant 0 : i32
        %dma_wait3A_1020 = tpu.memref_slice %arg7[%dma_wait3A_1017, %dma_wait3A_1018, %dma_wait3A_1019] : memref<26x32x128xf32, #tpu.memory_space<vmem>> -> memref<1x32x128xf32, #tpu.memory_space<vmem>>
        %dma_wait3A_1021 = tpu.memref_squeeze %dma_wait3A_1020 : memref<1x32x128xf32, #tpu.memory_space<vmem>> -> memref<32x128xf32, #tpu.memory_space<vmem>>
        %dma_wait3A_1022 = arith.constant 0 : i32
        %dma_wait3A_1023 = tpu.memref_slice %arg6[%dma_wait3A_1016, %dma_wait3A_1022] : memref<26x32xi32, #tpu.memory_space<vmem>> -> memref<1x32xi32, #tpu.memory_space<vmem>>
        %dma_wait3A_1024 = tpu.memref_squeeze %dma_wait3A_1023 : memref<1x32xi32, #tpu.memory_space<vmem>> -> memref<32xi32, #tpu.memory_space<vmem>>
        %dma_wait3A_1025 = arith.constant 0 : i32
        %dma_wait3A_1026 = arith.constant 0 : i32
        %dma_wait3A_1027 = tpu.memref_slice %arg3[%dma_wait3A_1025, %dma_wait3A_1026] : memref<2600000x128xf32, #tpu.memory_space<hbm>> -> memref<2600000x128xf32, #tpu.memory_space<hbm>>
        tpu.wait_indirect_dma semaphore(%arg9 : memref<!tpu.dma_semaphore, #tpu.memory_space<semaphore_mem>>) src(%dma_wait3A_1027 : memref<2600000x128xf32, #tpu.memory_space<hbm>>) dst(%dma_wait3A_1021 : memref<32x128xf32, #tpu.memory_space<vmem>>)
        %dma_wait3A_1028 = arith.constant 2 : i32
        %dma_wait3A_1029 = arith.constant 2 : i32
        %dma_wait3A_1030 = arith.constant 0 : i32
        %dma_wait3A_1031 = arith.constant 0 : i32
        %dma_wait3A_1032 = tpu.memref_slice %arg7[%dma_wait3A_1029, %dma_wait3A_1030, %dma_wait3A_1031] : memref<26x32x128xf32, #tpu.memory_space<vmem>> -> memref<1x32x128xf32, #tpu.memory_space<vmem>>
        %dma_wait3A_1033 = tpu.memref_squeeze %dma_wait3A_1032 : memref<1x32x128xf32, #tpu.memory_space<vmem>> -> memref<32x128xf32, #tpu.memory_space<vmem>>
        %dma_wait3A_1034 = arith.constant 0 : i32
        %dma_wait3A_1035 = tpu.memref_slice %arg6[%dma_wait3A_1028, %dma_wait3A_1034] : memref<26x32xi32, #tpu.memory_space<vmem>> -> memref<1x32xi32, #tpu.memory_space<vmem>>
        %dma_wait3A_1036 = tpu.memref_squeeze %dma_wait3A_1035 : memref<1x32xi32, #tpu.memory_space<vmem>> -> memref<32xi32, #tpu.memory_space<vmem>>
        %dma_wait3A_1037 = arith.constant 0 : i32
        %dma_wait3A_1038 = arith.constant 0 : i32
        %dma_wait3A_1039 = tpu.memref_slice %arg3[%dma_wait3A_1037, %dma_wait3A_1038] : memref<2600000x128xf32, #tpu.memory_space<hbm>> -> memref<2600000x128xf32, #tpu.memory_space<hbm>>
        tpu.wait_indirect_dma semaphore(%arg9 : memref<!tpu.dma_semaphore, #tpu.memory_space<semaphore_mem>>) src(%dma_wait3A_1039 : memref<2600000x128xf32, #tpu.memory_space<hbm>>) dst(%dma_wait3A_1033 : memref<32x128xf32, #tpu.memory_space<vmem>>)
        %dma_wait3A_1040 = arith.constant 3 : i32
        %dma_wait3A_1041 = arith.constant 3 : i32
        %dma_wait3A_1042 = arith.constant 0 : i32
        %dma_wait3A_1043 = arith.constant 0 : i32
        %dma_wait3A_1044 = tpu.memref_slice %arg7[%dma_wait3A_1041, %dma_wait3A_1042, %dma_wait3A_1043] : memref<26x32x128xf32, #tpu.memory_space<vmem>> -> memref<1x32x128xf32, #tpu.memory_space<vmem>>
        %dma_wait3A_1045 = tpu.memref_squeeze %dma_wait3A_1044 : memref<1x32x128xf32, #tpu.memory_space<vmem>> -> memref<32x128xf32, #tpu.memory_space<vmem>>
        %dma_wait3A_1046 = arith.constant 0 : i32
        %dma_wait3A_1047 = tpu.memref_slice %arg6[%dma_wait3A_1040, %dma_wait3A_1046] : memref<26x32xi32, #tpu.memory_space<vmem>> -> memref<1x32xi32, #tpu.memory_space<vmem>>
        %dma_wait3A_1048 = tpu.memref_squeeze %dma_wait3A_1047 : memref<1x32xi32, #tpu.memory_space<vmem>> -> memref<32xi32, #tpu.memory_space<vmem>>
        %dma_wait3A_1049 = arith.constant 0 : i32
        %dma_wait3A_1050 = arith.constant 0 : i32
        %dma_wait3A_1051 = tpu.memref_slice %arg3[%dma_wait3A_1049, %dma_wait3A_1050] : memref<2600000x128xf32, #tpu.memory_space<hbm>> -> memref<2600000x128xf32, #tpu.memory_space<hbm>>
        tpu.wait_indirect_dma semaphore(%arg9 : memref<!tpu.dma_semaphore, #tpu.memory_space<semaphore_mem>>) src(%dma_wait3A_1051 : memref<2600000x128xf32, #tpu.memory_space<hbm>>) dst(%dma_wait3A_1045 : memref<32x128xf32, #tpu.memory_space<vmem>>)
        %dma_wait3A_1052 = arith.constant 4 : i32
        %dma_wait3A_1053 = arith.constant 4 : i32
        %dma_wait3A_1054 = arith.constant 0 : i32
        %dma_wait3A_1055 = arith.constant 0 : i32
        %dma_wait3A_1056 = tpu.memref_slice %arg7[%dma_wait3A_1053, %dma_wait3A_1054, %dma_wait3A_1055] : memref<26x32x128xf32, #tpu.memory_space<vmem>> -> memref<1x32x128xf32, #tpu.memory_space<vmem>>
        %dma_wait3A_1057 = tpu.memref_squeeze %dma_wait3A_1056 : memref<1x32x128xf32, #tpu.memory_space<vmem>> -> memref<32x128xf32, #tpu.memory_space<vmem>>
        %dma_wait3A_1058 = arith.constant 0 : i32
        %dma_wait3A_1059 = tpu.memref_slice %arg6[%dma_wait3A_1052, %dma_wait3A_1058] : memref<26x32xi32, #tpu.memory_space<vmem>> -> memref<1x32xi32, #tpu.memory_space<vmem>>
        %dma_wait3A_1060 = tpu.memref_squeeze %dma_wait3A_1059 : memref<1x32xi32, #tpu.memory_space<vmem>> -> memref<32xi32, #tpu.memory_space<vmem>>
        %dma_wait3A_1061 = arith.constant 0 : i32
        %dma_wait3A_1062 = arith.constant 0 : i32
        %dma_wait3A_1063 = tpu.memref_slice %arg3[%dma_wait3A_1061, %dma_wait3A_1062] : memref<2600000x128xf32, #tpu.memory_space<hbm>> -> memref<2600000x128xf32, #tpu.memory_space<hbm>>
        tpu.wait_indirect_dma semaphore(%arg9 : memref<!tpu.dma_semaphore, #tpu.memory_space<semaphore_mem>>) src(%dma_wait3A_1063 : memref<2600000x128xf32, #tpu.memory_space<hbm>>) dst(%dma_wait3A_1057 : memref<32x128xf32, #tpu.memory_space<vmem>>)
        %dma_wait3A_1064 = arith.constant 5 : i32
        %dma_wait3A_1065 = arith.constant 5 : i32
        %dma_wait3A_1066 = arith.constant 0 : i32
        %dma_wait3A_1067 = arith.constant 0 : i32
        %dma_wait3A_1068 = tpu.memref_slice %arg7[%dma_wait3A_1065, %dma_wait3A_1066, %dma_wait3A_1067] : memref<26x32x128xf32, #tpu.memory_space<vmem>> -> memref<1x32x128xf32, #tpu.memory_space<vmem>>
        %dma_wait3A_1069 = tpu.memref_squeeze %dma_wait3A_1068 : memref<1x32x128xf32, #tpu.memory_space<vmem>> -> memref<32x128xf32, #tpu.memory_space<vmem>>
        %dma_wait3A_1070 = arith.constant 0 : i32
        %dma_wait3A_1071 = tpu.memref_slice %arg6[%dma_wait3A_1064, %dma_wait3A_1070] : memref<26x32xi32, #tpu.memory_space<vmem>> -> memref<1x32xi32, #tpu.memory_space<vmem>>
        %dma_wait3A_1072 = tpu.memref_squeeze %dma_wait3A_1071 : memref<1x32xi32, #tpu.memory_space<vmem>> -> memref<32xi32, #tpu.memory_space<vmem>>
        %dma_wait3A_1073 = arith.constant 0 : i32
        %dma_wait3A_1074 = arith.constant 0 : i32
        %dma_wait3A_1075 = tpu.memref_slice %arg3[%dma_wait3A_1073, %dma_wait3A_1074] : memref<2600000x128xf32, #tpu.memory_space<hbm>> -> memref<2600000x128xf32, #tpu.memory_space<hbm>>
        tpu.wait_indirect_dma semaphore(%arg9 : memref<!tpu.dma_semaphore, #tpu.memory_space<semaphore_mem>>) src(%dma_wait3A_1075 : memref<2600000x128xf32, #tpu.memory_space<hbm>>) dst(%dma_wait3A_1069 : memref<32x128xf32, #tpu.memory_space<vmem>>)
        %dma_wait3A_1076 = arith.constant 6 : i32
        %dma_wait3A_1077 = arith.constant 6 : i32
        %dma_wait3A_1078 = arith.constant 0 : i32
        %dma_wait3A_1079 = arith.constant 0 : i32
        %dma_wait3A_1080 = tpu.memref_slice %arg7[%dma_wait3A_1077, %dma_wait3A_1078, %dma_wait3A_1079] : memref<26x32x128xf32, #tpu.memory_space<vmem>> -> memref<1x32x128xf32, #tpu.memory_space<vmem>>
        %dma_wait3A_1081 = tpu.memref_squeeze %dma_wait3A_1080 : memref<1x32x128xf32, #tpu.memory_space<vmem>> -> memref<32x128xf32, #tpu.memory_space<vmem>>
        %dma_wait3A_1082 = arith.constant 0 : i32
        %dma_wait3A_1083 = tpu.memref_slice %arg6[%dma_wait3A_1076, %dma_wait3A_1082] : memref<26x32xi32, #tpu.memory_space<vmem>> -> memref<1x32xi32, #tpu.memory_space<vmem>>
        %dma_wait3A_1084 = tpu.memref_squeeze %dma_wait3A_1083 : memref<1x32xi32, #tpu.memory_space<vmem>> -> memref<32xi32, #tpu.memory_space<vmem>>
        %dma_wait3A_1085 = arith.constant 0 : i32
        %dma_wait3A_1086 = arith.constant 0 : i32
        %dma_wait3A_1087 = tpu.memref_slice %arg3[%dma_wait3A_1085, %dma_wait3A_1086] : memref<2600000x128xf32, #tpu.memory_space<hbm>> -> memref<2600000x128xf32, #tpu.memory_space<hbm>>
        tpu.wait_indirect_dma semaphore(%arg9 : memref<!tpu.dma_semaphore, #tpu.memory_space<semaphore_mem>>) src(%dma_wait3A_1087 : memref<2600000x128xf32, #tpu.memory_space<hbm>>) dst(%dma_wait3A_1081 : memref<32x128xf32, #tpu.memory_space<vmem>>)
        %dma_wait3A_1088 = arith.constant 7 : i32
        %dma_wait3A_1089 = arith.constant 7 : i32
        %dma_wait3A_1090 = arith.constant 0 : i32
        %dma_wait3A_1091 = arith.constant 0 : i32
        %dma_wait3A_1092 = tpu.memref_slice %arg7[%dma_wait3A_1089, %dma_wait3A_1090, %dma_wait3A_1091] : memref<26x32x128xf32, #tpu.memory_space<vmem>> -> memref<1x32x128xf32, #tpu.memory_space<vmem>>
        %dma_wait3A_1093 = tpu.memref_squeeze %dma_wait3A_1092 : memref<1x32x128xf32, #tpu.memory_space<vmem>> -> memref<32x128xf32, #tpu.memory_space<vmem>>
        %dma_wait3A_1094 = arith.constant 0 : i32
        %dma_wait3A_1095 = tpu.memref_slice %arg6[%dma_wait3A_1088, %dma_wait3A_1094] : memref<26x32xi32, #tpu.memory_space<vmem>> -> memref<1x32xi32, #tpu.memory_space<vmem>>
        %dma_wait3A_1096 = tpu.memref_squeeze %dma_wait3A_1095 : memref<1x32xi32, #tpu.memory_space<vmem>> -> memref<32xi32, #tpu.memory_space<vmem>>
        %dma_wait3A_1097 = arith.constant 0 : i32
        %dma_wait3A_1098 = arith.constant 0 : i32
        %dma_wait3A_1099 = tpu.memref_slice %arg3[%dma_wait3A_1097, %dma_wait3A_1098] : memref<2600000x128xf32, #tpu.memory_space<hbm>> -> memref<2600000x128xf32, #tpu.memory_space<hbm>>
        tpu.wait_indirect_dma semaphore(%arg9 : memref<!tpu.dma_semaphore, #tpu.memory_space<semaphore_mem>>) src(%dma_wait3A_1099 : memref<2600000x128xf32, #tpu.memory_space<hbm>>) dst(%dma_wait3A_1093 : memref<32x128xf32, #tpu.memory_space<vmem>>)
        %dma_wait3A_1100 = arith.constant 8 : i32
        %dma_wait3A_1101 = arith.constant 8 : i32
        %dma_wait3A_1102 = arith.constant 0 : i32
        %dma_wait3A_1103 = arith.constant 0 : i32
        %dma_wait3A_1104 = tpu.memref_slice %arg7[%dma_wait3A_1101, %dma_wait3A_1102, %dma_wait3A_1103] : memref<26x32x128xf32, #tpu.memory_space<vmem>> -> memref<1x32x128xf32, #tpu.memory_space<vmem>>
        %dma_wait3A_1105 = tpu.memref_squeeze %dma_wait3A_1104 : memref<1x32x128xf32, #tpu.memory_space<vmem>> -> memref<32x128xf32, #tpu.memory_space<vmem>>
        %dma_wait3A_1106 = arith.constant 0 : i32
        %dma_wait3A_1107 = tpu.memref_slice %arg6[%dma_wait3A_1100, %dma_wait3A_1106] : memref<26x32xi32, #tpu.memory_space<vmem>> -> memref<1x32xi32, #tpu.memory_space<vmem>>
        %dma_wait3A_1108 = tpu.memref_squeeze %dma_wait3A_1107 : memref<1x32xi32, #tpu.memory_space<vmem>> -> memref<32xi32, #tpu.memory_space<vmem>>
        %dma_wait3A_1109 = arith.constant 0 : i32
        %dma_wait3A_1110 = arith.constant 0 : i32
        %dma_wait3A_1111 = tpu.memref_slice %arg3[%dma_wait3A_1109, %dma_wait3A_1110] : memref<2600000x128xf32, #tpu.memory_space<hbm>> -> memref<2600000x128xf32, #tpu.memory_space<hbm>>
        tpu.wait_indirect_dma semaphore(%arg9 : memref<!tpu.dma_semaphore, #tpu.memory_space<semaphore_mem>>) src(%dma_wait3A_1111 : memref<2600000x128xf32, #tpu.memory_space<hbm>>) dst(%dma_wait3A_1105 : memref<32x128xf32, #tpu.memory_space<vmem>>)
        %dma_wait3A_1112 = arith.constant 9 : i32
        %dma_wait3A_1113 = arith.constant 9 : i32
        %dma_wait3A_1114 = arith.constant 0 : i32
        %dma_wait3A_1115 = arith.constant 0 : i32
        %dma_wait3A_1116 = tpu.memref_slice %arg7[%dma_wait3A_1113, %dma_wait3A_1114, %dma_wait3A_1115] : memref<26x32x128xf32, #tpu.memory_space<vmem>> -> memref<1x32x128xf32, #tpu.memory_space<vmem>>
        %dma_wait3A_1117 = tpu.memref_squeeze %dma_wait3A_1116 : memref<1x32x128xf32, #tpu.memory_space<vmem>> -> memref<32x128xf32, #tpu.memory_space<vmem>>
        %dma_wait3A_1118 = arith.constant 0 : i32
        %dma_wait3A_1119 = tpu.memref_slice %arg6[%dma_wait3A_1112, %dma_wait3A_1118] : memref<26x32xi32, #tpu.memory_space<vmem>> -> memref<1x32xi32, #tpu.memory_space<vmem>>
        %dma_wait3A_1120 = tpu.memref_squeeze %dma_wait3A_1119 : memref<1x32xi32, #tpu.memory_space<vmem>> -> memref<32xi32, #tpu.memory_space<vmem>>
        %dma_wait3A_1121 = arith.constant 0 : i32
        %dma_wait3A_1122 = arith.constant 0 : i32
        %dma_wait3A_1123 = tpu.memref_slice %arg3[%dma_wait3A_1121, %dma_wait3A_1122] : memref<2600000x128xf32, #tpu.memory_space<hbm>> -> memref<2600000x128xf32, #tpu.memory_space<hbm>>
        tpu.wait_indirect_dma semaphore(%arg9 : memref<!tpu.dma_semaphore, #tpu.memory_space<semaphore_mem>>) src(%dma_wait3A_1123 : memref<2600000x128xf32, #tpu.memory_space<hbm>>) dst(%dma_wait3A_1117 : memref<32x128xf32, #tpu.memory_space<vmem>>)
        %dma_wait3A_1124 = arith.constant 10 : i32
        %dma_wait3A_1125 = arith.constant 10 : i32
        %dma_wait3A_1126 = arith.constant 0 : i32
        %dma_wait3A_1127 = arith.constant 0 : i32
        %dma_wait3A_1128 = tpu.memref_slice %arg7[%dma_wait3A_1125, %dma_wait3A_1126, %dma_wait3A_1127] : memref<26x32x128xf32, #tpu.memory_space<vmem>> -> memref<1x32x128xf32, #tpu.memory_space<vmem>>
        %dma_wait3A_1129 = tpu.memref_squeeze %dma_wait3A_1128 : memref<1x32x128xf32, #tpu.memory_space<vmem>> -> memref<32x128xf32, #tpu.memory_space<vmem>>
        %dma_wait3A_1130 = arith.constant 0 : i32
        %dma_wait3A_1131 = tpu.memref_slice %arg6[%dma_wait3A_1124, %dma_wait3A_1130] : memref<26x32xi32, #tpu.memory_space<vmem>> -> memref<1x32xi32, #tpu.memory_space<vmem>>
        %dma_wait3A_1132 = tpu.memref_squeeze %dma_wait3A_1131 : memref<1x32xi32, #tpu.memory_space<vmem>> -> memref<32xi32, #tpu.memory_space<vmem>>
        %dma_wait3A_1133 = arith.constant 0 : i32
        %dma_wait3A_1134 = arith.constant 0 : i32
        %dma_wait3A_1135 = tpu.memref_slice %arg3[%dma_wait3A_1133, %dma_wait3A_1134] : memref<2600000x128xf32, #tpu.memory_space<hbm>> -> memref<2600000x128xf32, #tpu.memory_space<hbm>>
        tpu.wait_indirect_dma semaphore(%arg9 : memref<!tpu.dma_semaphore, #tpu.memory_space<semaphore_mem>>) src(%dma_wait3A_1135 : memref<2600000x128xf32, #tpu.memory_space<hbm>>) dst(%dma_wait3A_1129 : memref<32x128xf32, #tpu.memory_space<vmem>>)
        %dma_wait3A_1136 = arith.constant 11 : i32
        %dma_wait3A_1137 = arith.constant 11 : i32
        %dma_wait3A_1138 = arith.constant 0 : i32
        %dma_wait3A_1139 = arith.constant 0 : i32
        %dma_wait3A_1140 = tpu.memref_slice %arg7[%dma_wait3A_1137, %dma_wait3A_1138, %dma_wait3A_1139] : memref<26x32x128xf32, #tpu.memory_space<vmem>> -> memref<1x32x128xf32, #tpu.memory_space<vmem>>
        %dma_wait3A_1141 = tpu.memref_squeeze %dma_wait3A_1140 : memref<1x32x128xf32, #tpu.memory_space<vmem>> -> memref<32x128xf32, #tpu.memory_space<vmem>>
        %dma_wait3A_1142 = arith.constant 0 : i32
        %dma_wait3A_1143 = tpu.memref_slice %arg6[%dma_wait3A_1136, %dma_wait3A_1142] : memref<26x32xi32, #tpu.memory_space<vmem>> -> memref<1x32xi32, #tpu.memory_space<vmem>>
        %dma_wait3A_1144 = tpu.memref_squeeze %dma_wait3A_1143 : memref<1x32xi32, #tpu.memory_space<vmem>> -> memref<32xi32, #tpu.memory_space<vmem>>
        %dma_wait3A_1145 = arith.constant 0 : i32
        %dma_wait3A_1146 = arith.constant 0 : i32
        %dma_wait3A_1147 = tpu.memref_slice %arg3[%dma_wait3A_1145, %dma_wait3A_1146] : memref<2600000x128xf32, #tpu.memory_space<hbm>> -> memref<2600000x128xf32, #tpu.memory_space<hbm>>
        tpu.wait_indirect_dma semaphore(%arg9 : memref<!tpu.dma_semaphore, #tpu.memory_space<semaphore_mem>>) src(%dma_wait3A_1147 : memref<2600000x128xf32, #tpu.memory_space<hbm>>) dst(%dma_wait3A_1141 : memref<32x128xf32, #tpu.memory_space<vmem>>)
        %dma_wait3A_1148 = arith.constant 12 : i32
        %dma_wait3A_1149 = arith.constant 12 : i32
        %dma_wait3A_1150 = arith.constant 0 : i32
        %dma_wait3A_1151 = arith.constant 0 : i32
        %dma_wait3A_1152 = tpu.memref_slice %arg7[%dma_wait3A_1149, %dma_wait3A_1150, %dma_wait3A_1151] : memref<26x32x128xf32, #tpu.memory_space<vmem>> -> memref<1x32x128xf32, #tpu.memory_space<vmem>>
        %dma_wait3A_1153 = tpu.memref_squeeze %dma_wait3A_1152 : memref<1x32x128xf32, #tpu.memory_space<vmem>> -> memref<32x128xf32, #tpu.memory_space<vmem>>
        %dma_wait3A_1154 = arith.constant 0 : i32
        %dma_wait3A_1155 = tpu.memref_slice %arg6[%dma_wait3A_1148, %dma_wait3A_1154] : memref<26x32xi32, #tpu.memory_space<vmem>> -> memref<1x32xi32, #tpu.memory_space<vmem>>
        %dma_wait3A_1156 = tpu.memref_squeeze %dma_wait3A_1155 : memref<1x32xi32, #tpu.memory_space<vmem>> -> memref<32xi32, #tpu.memory_space<vmem>>
        %dma_wait3A_1157 = arith.constant 0 : i32
        %dma_wait3A_1158 = arith.constant 0 : i32
        %dma_wait3A_1159 = tpu.memref_slice %arg3[%dma_wait3A_1157, %dma_wait3A_1158] : memref<2600000x128xf32, #tpu.memory_space<hbm>> -> memref<2600000x128xf32, #tpu.memory_space<hbm>>
        tpu.wait_indirect_dma semaphore(%arg9 : memref<!tpu.dma_semaphore, #tpu.memory_space<semaphore_mem>>) src(%dma_wait3A_1159 : memref<2600000x128xf32, #tpu.memory_space<hbm>>) dst(%dma_wait3A_1153 : memref<32x128xf32, #tpu.memory_space<vmem>>)
        %dma_wait3A_1160 = arith.constant 13 : i32
        %dma_wait3A_1161 = arith.constant 13 : i32
        %dma_wait3A_1162 = arith.constant 0 : i32
        %dma_wait3A_1163 = arith.constant 0 : i32
        %dma_wait3A_1164 = tpu.memref_slice %arg7[%dma_wait3A_1161, %dma_wait3A_1162, %dma_wait3A_1163] : memref<26x32x128xf32, #tpu.memory_space<vmem>> -> memref<1x32x128xf32, #tpu.memory_space<vmem>>
        %dma_wait3A_1165 = tpu.memref_squeeze %dma_wait3A_1164 : memref<1x32x128xf32, #tpu.memory_space<vmem>> -> memref<32x128xf32, #tpu.memory_space<vmem>>
        %dma_wait3A_1166 = arith.constant 0 : i32
        %dma_wait3A_1167 = tpu.memref_slice %arg6[%dma_wait3A_1160, %dma_wait3A_1166] : memref<26x32xi32, #tpu.memory_space<vmem>> -> memref<1x32xi32, #tpu.memory_space<vmem>>
        %dma_wait3A_1168 = tpu.memref_squeeze %dma_wait3A_1167 : memref<1x32xi32, #tpu.memory_space<vmem>> -> memref<32xi32, #tpu.memory_space<vmem>>
        %dma_wait3A_1169 = arith.constant 0 : i32
        %dma_wait3A_1170 = arith.constant 0 : i32
        %dma_wait3A_1171 = tpu.memref_slice %arg3[%dma_wait3A_1169, %dma_wait3A_1170] : memref<2600000x128xf32, #tpu.memory_space<hbm>> -> memref<2600000x128xf32, #tpu.memory_space<hbm>>
        tpu.wait_indirect_dma semaphore(%arg9 : memref<!tpu.dma_semaphore, #tpu.memory_space<semaphore_mem>>) src(%dma_wait3A_1171 : memref<2600000x128xf32, #tpu.memory_space<hbm>>) dst(%dma_wait3A_1165 : memref<32x128xf32, #tpu.memory_space<vmem>>)
        %dma_wait3A_1172 = arith.constant 14 : i32
        %dma_wait3A_1173 = arith.constant 14 : i32
        %dma_wait3A_1174 = arith.constant 0 : i32
        %dma_wait3A_1175 = arith.constant 0 : i32
        %dma_wait3A_1176 = tpu.memref_slice %arg7[%dma_wait3A_1173, %dma_wait3A_1174, %dma_wait3A_1175] : memref<26x32x128xf32, #tpu.memory_space<vmem>> -> memref<1x32x128xf32, #tpu.memory_space<vmem>>
        %dma_wait3A_1177 = tpu.memref_squeeze %dma_wait3A_1176 : memref<1x32x128xf32, #tpu.memory_space<vmem>> -> memref<32x128xf32, #tpu.memory_space<vmem>>
        %dma_wait3A_1178 = arith.constant 0 : i32
        %dma_wait3A_1179 = tpu.memref_slice %arg6[%dma_wait3A_1172, %dma_wait3A_1178] : memref<26x32xi32, #tpu.memory_space<vmem>> -> memref<1x32xi32, #tpu.memory_space<vmem>>
        %dma_wait3A_1180 = tpu.memref_squeeze %dma_wait3A_1179 : memref<1x32xi32, #tpu.memory_space<vmem>> -> memref<32xi32, #tpu.memory_space<vmem>>
        %dma_wait3A_1181 = arith.constant 0 : i32
        %dma_wait3A_1182 = arith.constant 0 : i32
        %dma_wait3A_1183 = tpu.memref_slice %arg3[%dma_wait3A_1181, %dma_wait3A_1182] : memref<2600000x128xf32, #tpu.memory_space<hbm>> -> memref<2600000x128xf32, #tpu.memory_space<hbm>>
        tpu.wait_indirect_dma semaphore(%arg9 : memref<!tpu.dma_semaphore, #tpu.memory_space<semaphore_mem>>) src(%dma_wait3A_1183 : memref<2600000x128xf32, #tpu.memory_space<hbm>>) dst(%dma_wait3A_1177 : memref<32x128xf32, #tpu.memory_space<vmem>>)
        %dma_wait3A_1184 = arith.constant 15 : i32
        %dma_wait3A_1185 = arith.constant 15 : i32
        %dma_wait3A_1186 = arith.constant 0 : i32
        %dma_wait3A_1187 = arith.constant 0 : i32
        %dma_wait3A_1188 = tpu.memref_slice %arg7[%dma_wait3A_1185, %dma_wait3A_1186, %dma_wait3A_1187] : memref<26x32x128xf32, #tpu.memory_space<vmem>> -> memref<1x32x128xf32, #tpu.memory_space<vmem>>
        %dma_wait3A_1189 = tpu.memref_squeeze %dma_wait3A_1188 : memref<1x32x128xf32, #tpu.memory_space<vmem>> -> memref<32x128xf32, #tpu.memory_space<vmem>>
        %dma_wait3A_1190 = arith.constant 0 : i32
        %dma_wait3A_1191 = tpu.memref_slice %arg6[%dma_wait3A_1184, %dma_wait3A_1190] : memref<26x32xi32, #tpu.memory_space<vmem>> -> memref<1x32xi32, #tpu.memory_space<vmem>>
        %dma_wait3A_1192 = tpu.memref_squeeze %dma_wait3A_1191 : memref<1x32xi32, #tpu.memory_space<vmem>> -> memref<32xi32, #tpu.memory_space<vmem>>
        %dma_wait3A_1193 = arith.constant 0 : i32
        %dma_wait3A_1194 = arith.constant 0 : i32
        %dma_wait3A_1195 = tpu.memref_slice %arg3[%dma_wait3A_1193, %dma_wait3A_1194] : memref<2600000x128xf32, #tpu.memory_space<hbm>> -> memref<2600000x128xf32, #tpu.memory_space<hbm>>
        tpu.wait_indirect_dma semaphore(%arg9 : memref<!tpu.dma_semaphore, #tpu.memory_space<semaphore_mem>>) src(%dma_wait3A_1195 : memref<2600000x128xf32, #tpu.memory_space<hbm>>) dst(%dma_wait3A_1189 : memref<32x128xf32, #tpu.memory_space<vmem>>)
        %dma_wait3A_1196 = arith.constant 16 : i32
        %dma_wait3A_1197 = arith.constant 16 : i32
        %dma_wait3A_1198 = arith.constant 0 : i32
        %dma_wait3A_1199 = arith.constant 0 : i32
        %dma_wait3A_1200 = tpu.memref_slice %arg7[%dma_wait3A_1197, %dma_wait3A_1198, %dma_wait3A_1199] : memref<26x32x128xf32, #tpu.memory_space<vmem>> -> memref<1x32x128xf32, #tpu.memory_space<vmem>>
        %dma_wait3A_1201 = tpu.memref_squeeze %dma_wait3A_1200 : memref<1x32x128xf32, #tpu.memory_space<vmem>> -> memref<32x128xf32, #tpu.memory_space<vmem>>
        %dma_wait3A_1202 = arith.constant 0 : i32
        %dma_wait3A_1203 = tpu.memref_slice %arg6[%dma_wait3A_1196, %dma_wait3A_1202] : memref<26x32xi32, #tpu.memory_space<vmem>> -> memref<1x32xi32, #tpu.memory_space<vmem>>
        %dma_wait3A_1204 = tpu.memref_squeeze %dma_wait3A_1203 : memref<1x32xi32, #tpu.memory_space<vmem>> -> memref<32xi32, #tpu.memory_space<vmem>>
        %dma_wait3A_1205 = arith.constant 0 : i32
        %dma_wait3A_1206 = arith.constant 0 : i32
        %dma_wait3A_1207 = tpu.memref_slice %arg3[%dma_wait3A_1205, %dma_wait3A_1206] : memref<2600000x128xf32, #tpu.memory_space<hbm>> -> memref<2600000x128xf32, #tpu.memory_space<hbm>>
        tpu.wait_indirect_dma semaphore(%arg9 : memref<!tpu.dma_semaphore, #tpu.memory_space<semaphore_mem>>) src(%dma_wait3A_1207 : memref<2600000x128xf32, #tpu.memory_space<hbm>>) dst(%dma_wait3A_1201 : memref<32x128xf32, #tpu.memory_space<vmem>>)
        %dma_wait3A_1208 = arith.constant 17 : i32
        %dma_wait3A_1209 = arith.constant 17 : i32
        %dma_wait3A_1210 = arith.constant 0 : i32
        %dma_wait3A_1211 = arith.constant 0 : i32
        %dma_wait3A_1212 = tpu.memref_slice %arg7[%dma_wait3A_1209, %dma_wait3A_1210, %dma_wait3A_1211] : memref<26x32x128xf32, #tpu.memory_space<vmem>> -> memref<1x32x128xf32, #tpu.memory_space<vmem>>
        %dma_wait3A_1213 = tpu.memref_squeeze %dma_wait3A_1212 : memref<1x32x128xf32, #tpu.memory_space<vmem>> -> memref<32x128xf32, #tpu.memory_space<vmem>>
        %dma_wait3A_1214 = arith.constant 0 : i32
        %dma_wait3A_1215 = tpu.memref_slice %arg6[%dma_wait3A_1208, %dma_wait3A_1214] : memref<26x32xi32, #tpu.memory_space<vmem>> -> memref<1x32xi32, #tpu.memory_space<vmem>>
        %dma_wait3A_1216 = tpu.memref_squeeze %dma_wait3A_1215 : memref<1x32xi32, #tpu.memory_space<vmem>> -> memref<32xi32, #tpu.memory_space<vmem>>
        %dma_wait3A_1217 = arith.constant 0 : i32
        %dma_wait3A_1218 = arith.constant 0 : i32
        %dma_wait3A_1219 = tpu.memref_slice %arg3[%dma_wait3A_1217, %dma_wait3A_1218] : memref<2600000x128xf32, #tpu.memory_space<hbm>> -> memref<2600000x128xf32, #tpu.memory_space<hbm>>
        tpu.wait_indirect_dma semaphore(%arg9 : memref<!tpu.dma_semaphore, #tpu.memory_space<semaphore_mem>>) src(%dma_wait3A_1219 : memref<2600000x128xf32, #tpu.memory_space<hbm>>) dst(%dma_wait3A_1213 : memref<32x128xf32, #tpu.memory_space<vmem>>)
        %dma_wait3A_1220 = arith.constant 18 : i32
        %dma_wait3A_1221 = arith.constant 18 : i32
        %dma_wait3A_1222 = arith.constant 0 : i32
        %dma_wait3A_1223 = arith.constant 0 : i32
        %dma_wait3A_1224 = tpu.memref_slice %arg7[%dma_wait3A_1221, %dma_wait3A_1222, %dma_wait3A_1223] : memref<26x32x128xf32, #tpu.memory_space<vmem>> -> memref<1x32x128xf32, #tpu.memory_space<vmem>>
        %dma_wait3A_1225 = tpu.memref_squeeze %dma_wait3A_1224 : memref<1x32x128xf32, #tpu.memory_space<vmem>> -> memref<32x128xf32, #tpu.memory_space<vmem>>
        %dma_wait3A_1226 = arith.constant 0 : i32
        %dma_wait3A_1227 = tpu.memref_slice %arg6[%dma_wait3A_1220, %dma_wait3A_1226] : memref<26x32xi32, #tpu.memory_space<vmem>> -> memref<1x32xi32, #tpu.memory_space<vmem>>
        %dma_wait3A_1228 = tpu.memref_squeeze %dma_wait3A_1227 : memref<1x32xi32, #tpu.memory_space<vmem>> -> memref<32xi32, #tpu.memory_space<vmem>>
        %dma_wait3A_1229 = arith.constant 0 : i32
        %dma_wait3A_1230 = arith.constant 0 : i32
        %dma_wait3A_1231 = tpu.memref_slice %arg3[%dma_wait3A_1229, %dma_wait3A_1230] : memref<2600000x128xf32, #tpu.memory_space<hbm>> -> memref<2600000x128xf32, #tpu.memory_space<hbm>>
        tpu.wait_indirect_dma semaphore(%arg9 : memref<!tpu.dma_semaphore, #tpu.memory_space<semaphore_mem>>) src(%dma_wait3A_1231 : memref<2600000x128xf32, #tpu.memory_space<hbm>>) dst(%dma_wait3A_1225 : memref<32x128xf32, #tpu.memory_space<vmem>>)
        %dma_wait3A_1232 = arith.constant 19 : i32
        %dma_wait3A_1233 = arith.constant 19 : i32
        %dma_wait3A_1234 = arith.constant 0 : i32
        %dma_wait3A_1235 = arith.constant 0 : i32
        %dma_wait3A_1236 = tpu.memref_slice %arg7[%dma_wait3A_1233, %dma_wait3A_1234, %dma_wait3A_1235] : memref<26x32x128xf32, #tpu.memory_space<vmem>> -> memref<1x32x128xf32, #tpu.memory_space<vmem>>
        %dma_wait3A_1237 = tpu.memref_squeeze %dma_wait3A_1236 : memref<1x32x128xf32, #tpu.memory_space<vmem>> -> memref<32x128xf32, #tpu.memory_space<vmem>>
        %dma_wait3A_1238 = arith.constant 0 : i32
        %dma_wait3A_1239 = tpu.memref_slice %arg6[%dma_wait3A_1232, %dma_wait3A_1238] : memref<26x32xi32, #tpu.memory_space<vmem>> -> memref<1x32xi32, #tpu.memory_space<vmem>>
        %dma_wait3A_1240 = tpu.memref_squeeze %dma_wait3A_1239 : memref<1x32xi32, #tpu.memory_space<vmem>> -> memref<32xi32, #tpu.memory_space<vmem>>
        %dma_wait3A_1241 = arith.constant 0 : i32
        %dma_wait3A_1242 = arith.constant 0 : i32
        %dma_wait3A_1243 = tpu.memref_slice %arg3[%dma_wait3A_1241, %dma_wait3A_1242] : memref<2600000x128xf32, #tpu.memory_space<hbm>> -> memref<2600000x128xf32, #tpu.memory_space<hbm>>
        tpu.wait_indirect_dma semaphore(%arg9 : memref<!tpu.dma_semaphore, #tpu.memory_space<semaphore_mem>>) src(%dma_wait3A_1243 : memref<2600000x128xf32, #tpu.memory_space<hbm>>) dst(%dma_wait3A_1237 : memref<32x128xf32, #tpu.memory_space<vmem>>)
        %dma_wait3A_1244 = arith.constant 20 : i32
        %dma_wait3A_1245 = arith.constant 20 : i32
        %dma_wait3A_1246 = arith.constant 0 : i32
        %dma_wait3A_1247 = arith.constant 0 : i32
        %dma_wait3A_1248 = tpu.memref_slice %arg7[%dma_wait3A_1245, %dma_wait3A_1246, %dma_wait3A_1247] : memref<26x32x128xf32, #tpu.memory_space<vmem>> -> memref<1x32x128xf32, #tpu.memory_space<vmem>>
        %dma_wait3A_1249 = tpu.memref_squeeze %dma_wait3A_1248 : memref<1x32x128xf32, #tpu.memory_space<vmem>> -> memref<32x128xf32, #tpu.memory_space<vmem>>
        %dma_wait3A_1250 = arith.constant 0 : i32
        %dma_wait3A_1251 = tpu.memref_slice %arg6[%dma_wait3A_1244, %dma_wait3A_1250] : memref<26x32xi32, #tpu.memory_space<vmem>> -> memref<1x32xi32, #tpu.memory_space<vmem>>
        %dma_wait3A_1252 = tpu.memref_squeeze %dma_wait3A_1251 : memref<1x32xi32, #tpu.memory_space<vmem>> -> memref<32xi32, #tpu.memory_space<vmem>>
        %dma_wait3A_1253 = arith.constant 0 : i32
        %dma_wait3A_1254 = arith.constant 0 : i32
        %dma_wait3A_1255 = tpu.memref_slice %arg3[%dma_wait3A_1253, %dma_wait3A_1254] : memref<2600000x128xf32, #tpu.memory_space<hbm>> -> memref<2600000x128xf32, #tpu.memory_space<hbm>>
        tpu.wait_indirect_dma semaphore(%arg9 : memref<!tpu.dma_semaphore, #tpu.memory_space<semaphore_mem>>) src(%dma_wait3A_1255 : memref<2600000x128xf32, #tpu.memory_space<hbm>>) dst(%dma_wait3A_1249 : memref<32x128xf32, #tpu.memory_space<vmem>>)
        %dma_wait3A_1256 = arith.constant 21 : i32
        %dma_wait3A_1257 = arith.constant 21 : i32
        %dma_wait3A_1258 = arith.constant 0 : i32
        %dma_wait3A_1259 = arith.constant 0 : i32
        %dma_wait3A_1260 = tpu.memref_slice %arg7[%dma_wait3A_1257, %dma_wait3A_1258, %dma_wait3A_1259] : memref<26x32x128xf32, #tpu.memory_space<vmem>> -> memref<1x32x128xf32, #tpu.memory_space<vmem>>
        %dma_wait3A_1261 = tpu.memref_squeeze %dma_wait3A_1260 : memref<1x32x128xf32, #tpu.memory_space<vmem>> -> memref<32x128xf32, #tpu.memory_space<vmem>>
        %dma_wait3A_1262 = arith.constant 0 : i32
        %dma_wait3A_1263 = tpu.memref_slice %arg6[%dma_wait3A_1256, %dma_wait3A_1262] : memref<26x32xi32, #tpu.memory_space<vmem>> -> memref<1x32xi32, #tpu.memory_space<vmem>>
        %dma_wait3A_1264 = tpu.memref_squeeze %dma_wait3A_1263 : memref<1x32xi32, #tpu.memory_space<vmem>> -> memref<32xi32, #tpu.memory_space<vmem>>
        %dma_wait3A_1265 = arith.constant 0 : i32
        %dma_wait3A_1266 = arith.constant 0 : i32
        %dma_wait3A_1267 = tpu.memref_slice %arg3[%dma_wait3A_1265, %dma_wait3A_1266] : memref<2600000x128xf32, #tpu.memory_space<hbm>> -> memref<2600000x128xf32, #tpu.memory_space<hbm>>
        tpu.wait_indirect_dma semaphore(%arg9 : memref<!tpu.dma_semaphore, #tpu.memory_space<semaphore_mem>>) src(%dma_wait3A_1267 : memref<2600000x128xf32, #tpu.memory_space<hbm>>) dst(%dma_wait3A_1261 : memref<32x128xf32, #tpu.memory_space<vmem>>)
        %dma_wait3A_1268 = arith.constant 22 : i32
        %dma_wait3A_1269 = arith.constant 22 : i32
        %dma_wait3A_1270 = arith.constant 0 : i32
        %dma_wait3A_1271 = arith.constant 0 : i32
        %dma_wait3A_1272 = tpu.memref_slice %arg7[%dma_wait3A_1269, %dma_wait3A_1270, %dma_wait3A_1271] : memref<26x32x128xf32, #tpu.memory_space<vmem>> -> memref<1x32x128xf32, #tpu.memory_space<vmem>>
        %dma_wait3A_1273 = tpu.memref_squeeze %dma_wait3A_1272 : memref<1x32x128xf32, #tpu.memory_space<vmem>> -> memref<32x128xf32, #tpu.memory_space<vmem>>
        %dma_wait3A_1274 = arith.constant 0 : i32
        %dma_wait3A_1275 = tpu.memref_slice %arg6[%dma_wait3A_1268, %dma_wait3A_1274] : memref<26x32xi32, #tpu.memory_space<vmem>> -> memref<1x32xi32, #tpu.memory_space<vmem>>
        %dma_wait3A_1276 = tpu.memref_squeeze %dma_wait3A_1275 : memref<1x32xi32, #tpu.memory_space<vmem>> -> memref<32xi32, #tpu.memory_space<vmem>>
        %dma_wait3A_1277 = arith.constant 0 : i32
        %dma_wait3A_1278 = arith.constant 0 : i32
        %dma_wait3A_1279 = tpu.memref_slice %arg3[%dma_wait3A_1277, %dma_wait3A_1278] : memref<2600000x128xf32, #tpu.memory_space<hbm>> -> memref<2600000x128xf32, #tpu.memory_space<hbm>>
        tpu.wait_indirect_dma semaphore(%arg9 : memref<!tpu.dma_semaphore, #tpu.memory_space<semaphore_mem>>) src(%dma_wait3A_1279 : memref<2600000x128xf32, #tpu.memory_space<hbm>>) dst(%dma_wait3A_1273 : memref<32x128xf32, #tpu.memory_space<vmem>>)
        %dma_wait3A_1280 = arith.constant 23 : i32
        %dma_wait3A_1281 = arith.constant 23 : i32
        %dma_wait3A_1282 = arith.constant 0 : i32
        %dma_wait3A_1283 = arith.constant 0 : i32
        %dma_wait3A_1284 = tpu.memref_slice %arg7[%dma_wait3A_1281, %dma_wait3A_1282, %dma_wait3A_1283] : memref<26x32x128xf32, #tpu.memory_space<vmem>> -> memref<1x32x128xf32, #tpu.memory_space<vmem>>
        %dma_wait3A_1285 = tpu.memref_squeeze %dma_wait3A_1284 : memref<1x32x128xf32, #tpu.memory_space<vmem>> -> memref<32x128xf32, #tpu.memory_space<vmem>>
        %dma_wait3A_1286 = arith.constant 0 : i32
        %dma_wait3A_1287 = tpu.memref_slice %arg6[%dma_wait3A_1280, %dma_wait3A_1286] : memref<26x32xi32, #tpu.memory_space<vmem>> -> memref<1x32xi32, #tpu.memory_space<vmem>>
        %dma_wait3A_1288 = tpu.memref_squeeze %dma_wait3A_1287 : memref<1x32xi32, #tpu.memory_space<vmem>> -> memref<32xi32, #tpu.memory_space<vmem>>
        %dma_wait3A_1289 = arith.constant 0 : i32
        %dma_wait3A_1290 = arith.constant 0 : i32
        %dma_wait3A_1291 = tpu.memref_slice %arg3[%dma_wait3A_1289, %dma_wait3A_1290] : memref<2600000x128xf32, #tpu.memory_space<hbm>> -> memref<2600000x128xf32, #tpu.memory_space<hbm>>
        tpu.wait_indirect_dma semaphore(%arg9 : memref<!tpu.dma_semaphore, #tpu.memory_space<semaphore_mem>>) src(%dma_wait3A_1291 : memref<2600000x128xf32, #tpu.memory_space<hbm>>) dst(%dma_wait3A_1285 : memref<32x128xf32, #tpu.memory_space<vmem>>)
        %dma_wait3A_1292 = arith.constant 24 : i32
        %dma_wait3A_1293 = arith.constant 24 : i32
        %dma_wait3A_1294 = arith.constant 0 : i32
        %dma_wait3A_1295 = arith.constant 0 : i32
        %dma_wait3A_1296 = tpu.memref_slice %arg7[%dma_wait3A_1293, %dma_wait3A_1294, %dma_wait3A_1295] : memref<26x32x128xf32, #tpu.memory_space<vmem>> -> memref<1x32x128xf32, #tpu.memory_space<vmem>>
        %dma_wait3A_1297 = tpu.memref_squeeze %dma_wait3A_1296 : memref<1x32x128xf32, #tpu.memory_space<vmem>> -> memref<32x128xf32, #tpu.memory_space<vmem>>
        %dma_wait3A_1298 = arith.constant 0 : i32
        %dma_wait3A_1299 = tpu.memref_slice %arg6[%dma_wait3A_1292, %dma_wait3A_1298] : memref<26x32xi32, #tpu.memory_space<vmem>> -> memref<1x32xi32, #tpu.memory_space<vmem>>
        %dma_wait3A_1300 = tpu.memref_squeeze %dma_wait3A_1299 : memref<1x32xi32, #tpu.memory_space<vmem>> -> memref<32xi32, #tpu.memory_space<vmem>>
        %dma_wait3A_1301 = arith.constant 0 : i32
        %dma_wait3A_1302 = arith.constant 0 : i32
        %dma_wait3A_1303 = tpu.memref_slice %arg3[%dma_wait3A_1301, %dma_wait3A_1302] : memref<2600000x128xf32, #tpu.memory_space<hbm>> -> memref<2600000x128xf32, #tpu.memory_space<hbm>>
        tpu.wait_indirect_dma semaphore(%arg9 : memref<!tpu.dma_semaphore, #tpu.memory_space<semaphore_mem>>) src(%dma_wait3A_1303 : memref<2600000x128xf32, #tpu.memory_space<hbm>>) dst(%dma_wait3A_1297 : memref<32x128xf32, #tpu.memory_space<vmem>>)
        %dma_wait3A_1304 = arith.constant 25 : i32
        %dma_wait3A_1305 = arith.constant 25 : i32
        %dma_wait3A_1306 = arith.constant 0 : i32
        %dma_wait3A_1307 = arith.constant 0 : i32
        %dma_wait3A_1308 = tpu.memref_slice %arg7[%dma_wait3A_1305, %dma_wait3A_1306, %dma_wait3A_1307] : memref<26x32x128xf32, #tpu.memory_space<vmem>> -> memref<1x32x128xf32, #tpu.memory_space<vmem>>
        %dma_wait3A_1309 = tpu.memref_squeeze %dma_wait3A_1308 : memref<1x32x128xf32, #tpu.memory_space<vmem>> -> memref<32x128xf32, #tpu.memory_space<vmem>>
        %dma_wait3A_1310 = arith.constant 0 : i32
        %dma_wait3A_1311 = tpu.memref_slice %arg6[%dma_wait3A_1304, %dma_wait3A_1310] : memref<26x32xi32, #tpu.memory_space<vmem>> -> memref<1x32xi32, #tpu.memory_space<vmem>>
        %dma_wait3A_1312 = tpu.memref_squeeze %dma_wait3A_1311 : memref<1x32xi32, #tpu.memory_space<vmem>> -> memref<32xi32, #tpu.memory_space<vmem>>
        %dma_wait3A_1313 = arith.constant 0 : i32
        %dma_wait3A_1314 = arith.constant 0 : i32
        %dma_wait3A_1315 = tpu.memref_slice %arg3[%dma_wait3A_1313, %dma_wait3A_1314] : memref<2600000x128xf32, #tpu.memory_space<hbm>> -> memref<2600000x128xf32, #tpu.memory_space<hbm>>
        tpu.wait_indirect_dma semaphore(%arg9 : memref<!tpu.dma_semaphore, #tpu.memory_space<semaphore_mem>>) src(%dma_wait3A_1315 : memref<2600000x128xf32, #tpu.memory_space<hbm>>) dst(%dma_wait3A_1309 : memref<32x128xf32, #tpu.memory_space<vmem>>)
        %scan3A_1316 = arith.constant 0 : i32
        %scan3A_1317 = arith.constant 32 : i32
        %scan3A_1318 = arith.addi %scan3A_1316, %scan3A_1317 : i32
        %scan3A_1319 = arith.constant 1 : i32
        scf.for %scan3A_1321 = %scan3A_1316 to %scan3A_1318 step %scan3A_1319  : i32 {
          %broadcast_in_dim3A = arith.constant 0.000000e+00 : f32
          %broadcast_in_dim3A_1322 = vector.broadcast %broadcast_in_dim3A : f32 to vector<16xf32>
          %broadcast_in_dim3A_1323 = arith.constant 0.000000e+00 : f32
          %broadcast_in_dim3A_1324 = vector.broadcast %broadcast_in_dim3A_1323 : f32 to vector<16xf32>
          %get3A_1325 = arith.constant 0 : i32
          %get3A_1326 = arith.index_cast %get3A_1325 : i32 to index
          %get3A_1327 = arith.index_cast %scan3A_1321 : i32 to index
          %get3A_1328 = arith.constant 0 : index
          %get3A_1329 = tpu.vector_load %arg7[%get3A_1326, %get3A_1327, %get3A_1328] {strides = array<i32>} : memref<26x32x128xf32, #tpu.memory_space<vmem>>, vector<16xf32>,
          %add3A_1330 = arith.addf %broadcast_in_dim3A_1322, %get3A_1329 : vector<16xf32>
          %mul3A_1331 = arith.mulf %get3A_1329, %get3A_1329 : vector<16xf32>
          %add3A_1332 = arith.addf %broadcast_in_dim3A_1324, %mul3A_1331 : vector<16xf32>
          %get3A_1333 = arith.constant 1 : i32
          %get3A_1334 = arith.index_cast %get3A_1333 : i32 to index
          %get3A_1335 = arith.index_cast %scan3A_1321 : i32 to index
          %get3A_1336 = arith.constant 0 : index
          %get3A_1337 = tpu.vector_load %arg7[%get3A_1334, %get3A_1335, %get3A_1336] {strides = array<i32>} : memref<26x32x128xf32, #tpu.memory_space<vmem>>, vector<16xf32>,
          %add3A_1338 = arith.addf %add3A_1330, %get3A_1337 : vector<16xf32>
          %mul3A_1339 = arith.mulf %get3A_1337, %get3A_1337 : vector<16xf32>
          %add3A_1340 = arith.addf %add3A_1332, %mul3A_1339 : vector<16xf32>
          %get3A_1341 = arith.constant 2 : i32
          %get3A_1342 = arith.index_cast %get3A_1341 : i32 to index
          %get3A_1343 = arith.index_cast %scan3A_1321 : i32 to index
          %get3A_1344 = arith.constant 0 : index
          %get3A_1345 = tpu.vector_load %arg7[%get3A_1342, %get3A_1343, %get3A_1344] {strides = array<i32>} : memref<26x32x128xf32, #tpu.memory_space<vmem>>, vector<16xf32>,
          %add3A_1346 = arith.addf %add3A_1338, %get3A_1345 : vector<16xf32>
          %mul3A_1347 = arith.mulf %get3A_1345, %get3A_1345 : vector<16xf32>
          %add3A_1348 = arith.addf %add3A_1340, %mul3A_1347 : vector<16xf32>
          %get3A_1349 = arith.constant 3 : i32
          %get3A_1350 = arith.index_cast %get3A_1349 : i32 to index
          %get3A_1351 = arith.index_cast %scan3A_1321 : i32 to index
          %get3A_1352 = arith.constant 0 : index
          %get3A_1353 = tpu.vector_load %arg7[%get3A_1350, %get3A_1351, %get3A_1352] {strides = array<i32>} : memref<26x32x128xf32, #tpu.memory_space<vmem>>, vector<16xf32>,
          %add3A_1354 = arith.addf %add3A_1346, %get3A_1353 : vector<16xf32>
          %mul3A_1355 = arith.mulf %get3A_1353, %get3A_1353 : vector<16xf32>
          %add3A_1356 = arith.addf %add3A_1348, %mul3A_1355 : vector<16xf32>
          %get3A_1357 = arith.constant 4 : i32
          %get3A_1358 = arith.index_cast %get3A_1357 : i32 to index
          %get3A_1359 = arith.index_cast %scan3A_1321 : i32 to index
          %get3A_1360 = arith.constant 0 : index
          %get3A_1361 = tpu.vector_load %arg7[%get3A_1358, %get3A_1359, %get3A_1360] {strides = array<i32>} : memref<26x32x128xf32, #tpu.memory_space<vmem>>, vector<16xf32>,
          %add3A_1362 = arith.addf %add3A_1354, %get3A_1361 : vector<16xf32>
          %mul3A_1363 = arith.mulf %get3A_1361, %get3A_1361 : vector<16xf32>
          %add3A_1364 = arith.addf %add3A_1356, %mul3A_1363 : vector<16xf32>
          %get3A_1365 = arith.constant 5 : i32
          %get3A_1366 = arith.index_cast %get3A_1365 : i32 to index
          %get3A_1367 = arith.index_cast %scan3A_1321 : i32 to index
          %get3A_1368 = arith.constant 0 : index
          %get3A_1369 = tpu.vector_load %arg7[%get3A_1366, %get3A_1367, %get3A_1368] {strides = array<i32>} : memref<26x32x128xf32, #tpu.memory_space<vmem>>, vector<16xf32>,
          %add3A_1370 = arith.addf %add3A_1362, %get3A_1369 : vector<16xf32>
          %mul3A_1371 = arith.mulf %get3A_1369, %get3A_1369 : vector<16xf32>
          %add3A_1372 = arith.addf %add3A_1364, %mul3A_1371 : vector<16xf32>
          %get3A_1373 = arith.constant 6 : i32
          %get3A_1374 = arith.index_cast %get3A_1373 : i32 to index
          %get3A_1375 = arith.index_cast %scan3A_1321 : i32 to index
          %get3A_1376 = arith.constant 0 : index
          %get3A_1377 = tpu.vector_load %arg7[%get3A_1374, %get3A_1375, %get3A_1376] {strides = array<i32>} : memref<26x32x128xf32, #tpu.memory_space<vmem>>, vector<16xf32>,
          %add3A_1378 = arith.addf %add3A_1370, %get3A_1377 : vector<16xf32>
          %mul3A_1379 = arith.mulf %get3A_1377, %get3A_1377 : vector<16xf32>
          %add3A_1380 = arith.addf %add3A_1372, %mul3A_1379 : vector<16xf32>
          %get3A_1381 = arith.constant 7 : i32
          %get3A_1382 = arith.index_cast %get3A_1381 : i32 to index
          %get3A_1383 = arith.index_cast %scan3A_1321 : i32 to index
          %get3A_1384 = arith.constant 0 : index
          %get3A_1385 = tpu.vector_load %arg7[%get3A_1382, %get3A_1383, %get3A_1384] {strides = array<i32>} : memref<26x32x128xf32, #tpu.memory_space<vmem>>, vector<16xf32>,
          %add3A_1386 = arith.addf %add3A_1378, %get3A_1385 : vector<16xf32>
          %mul3A_1387 = arith.mulf %get3A_1385, %get3A_1385 : vector<16xf32>
          %add3A_1388 = arith.addf %add3A_1380, %mul3A_1387 : vector<16xf32>
          %get3A_1389 = arith.constant 8 : i32
          %get3A_1390 = arith.index_cast %get3A_1389 : i32 to index
          %get3A_1391 = arith.index_cast %scan3A_1321 : i32 to index
          %get3A_1392 = arith.constant 0 : index
          %get3A_1393 = tpu.vector_load %arg7[%get3A_1390, %get3A_1391, %get3A_1392] {strides = array<i32>} : memref<26x32x128xf32, #tpu.memory_space<vmem>>, vector<16xf32>,
          %add3A_1394 = arith.addf %add3A_1386, %get3A_1393 : vector<16xf32>
          %mul3A_1395 = arith.mulf %get3A_1393, %get3A_1393 : vector<16xf32>
          %add3A_1396 = arith.addf %add3A_1388, %mul3A_1395 : vector<16xf32>
          %get3A_1397 = arith.constant 9 : i32
          %get3A_1398 = arith.index_cast %get3A_1397 : i32 to index
          %get3A_1399 = arith.index_cast %scan3A_1321 : i32 to index
          %get3A_1400 = arith.constant 0 : index
          %get3A_1401 = tpu.vector_load %arg7[%get3A_1398, %get3A_1399, %get3A_1400] {strides = array<i32>} : memref<26x32x128xf32, #tpu.memory_space<vmem>>, vector<16xf32>,
          %add3A_1402 = arith.addf %add3A_1394, %get3A_1401 : vector<16xf32>
          %mul3A_1403 = arith.mulf %get3A_1401, %get3A_1401 : vector<16xf32>
          %add3A_1404 = arith.addf %add3A_1396, %mul3A_1403 : vector<16xf32>
          %get3A_1405 = arith.constant 10 : i32
          %get3A_1406 = arith.index_cast %get3A_1405 : i32 to index
          %get3A_1407 = arith.index_cast %scan3A_1321 : i32 to index
          %get3A_1408 = arith.constant 0 : index
          %get3A_1409 = tpu.vector_load %arg7[%get3A_1406, %get3A_1407, %get3A_1408] {strides = array<i32>} : memref<26x32x128xf32, #tpu.memory_space<vmem>>, vector<16xf32>,
          %add3A_1410 = arith.addf %add3A_1402, %get3A_1409 : vector<16xf32>
          %mul3A_1411 = arith.mulf %get3A_1409, %get3A_1409 : vector<16xf32>
          %add3A_1412 = arith.addf %add3A_1404, %mul3A_1411 : vector<16xf32>
          %get3A_1413 = arith.constant 11 : i32
          %get3A_1414 = arith.index_cast %get3A_1413 : i32 to index
          %get3A_1415 = arith.index_cast %scan3A_1321 : i32 to index
          %get3A_1416 = arith.constant 0 : index
          %get3A_1417 = tpu.vector_load %arg7[%get3A_1414, %get3A_1415, %get3A_1416] {strides = array<i32>} : memref<26x32x128xf32, #tpu.memory_space<vmem>>, vector<16xf32>,
          %add3A_1418 = arith.addf %add3A_1410, %get3A_1417 : vector<16xf32>
          %mul3A_1419 = arith.mulf %get3A_1417, %get3A_1417 : vector<16xf32>
          %add3A_1420 = arith.addf %add3A_1412, %mul3A_1419 : vector<16xf32>
          %get3A_1421 = arith.constant 12 : i32
          %get3A_1422 = arith.index_cast %get3A_1421 : i32 to index
          %get3A_1423 = arith.index_cast %scan3A_1321 : i32 to index
          %get3A_1424 = arith.constant 0 : index
          %get3A_1425 = tpu.vector_load %arg7[%get3A_1422, %get3A_1423, %get3A_1424] {strides = array<i32>} : memref<26x32x128xf32, #tpu.memory_space<vmem>>, vector<16xf32>,
          %add3A_1426 = arith.addf %add3A_1418, %get3A_1425 : vector<16xf32>
          %mul3A_1427 = arith.mulf %get3A_1425, %get3A_1425 : vector<16xf32>
          %add3A_1428 = arith.addf %add3A_1420, %mul3A_1427 : vector<16xf32>
          %get3A_1429 = arith.constant 13 : i32
          %get3A_1430 = arith.index_cast %get3A_1429 : i32 to index
          %get3A_1431 = arith.index_cast %scan3A_1321 : i32 to index
          %get3A_1432 = arith.constant 0 : index
          %get3A_1433 = tpu.vector_load %arg7[%get3A_1430, %get3A_1431, %get3A_1432] {strides = array<i32>} : memref<26x32x128xf32, #tpu.memory_space<vmem>>, vector<16xf32>,
          %add3A_1434 = arith.addf %add3A_1426, %get3A_1433 : vector<16xf32>
          %mul3A_1435 = arith.mulf %get3A_1433, %get3A_1433 : vector<16xf32>
          %add3A_1436 = arith.addf %add3A_1428, %mul3A_1435 : vector<16xf32>
          %get3A_1437 = arith.constant 14 : i32
          %get3A_1438 = arith.index_cast %get3A_1437 : i32 to index
          %get3A_1439 = arith.index_cast %scan3A_1321 : i32 to index
          %get3A_1440 = arith.constant 0 : index
          %get3A_1441 = tpu.vector_load %arg7[%get3A_1438, %get3A_1439, %get3A_1440] {strides = array<i32>} : memref<26x32x128xf32, #tpu.memory_space<vmem>>, vector<16xf32>,
          %add3A_1442 = arith.addf %add3A_1434, %get3A_1441 : vector<16xf32>
          %mul3A_1443 = arith.mulf %get3A_1441, %get3A_1441 : vector<16xf32>
          %add3A_1444 = arith.addf %add3A_1436, %mul3A_1443 : vector<16xf32>
          %get3A_1445 = arith.constant 15 : i32
          %get3A_1446 = arith.index_cast %get3A_1445 : i32 to index
          %get3A_1447 = arith.index_cast %scan3A_1321 : i32 to index
          %get3A_1448 = arith.constant 0 : index
          %get3A_1449 = tpu.vector_load %arg7[%get3A_1446, %get3A_1447, %get3A_1448] {strides = array<i32>} : memref<26x32x128xf32, #tpu.memory_space<vmem>>, vector<16xf32>,
          %add3A_1450 = arith.addf %add3A_1442, %get3A_1449 : vector<16xf32>
          %mul3A_1451 = arith.mulf %get3A_1449, %get3A_1449 : vector<16xf32>
          %add3A_1452 = arith.addf %add3A_1444, %mul3A_1451 : vector<16xf32>
          %get3A_1453 = arith.constant 16 : i32
          %get3A_1454 = arith.index_cast %get3A_1453 : i32 to index
          %get3A_1455 = arith.index_cast %scan3A_1321 : i32 to index
          %get3A_1456 = arith.constant 0 : index
          %get3A_1457 = tpu.vector_load %arg7[%get3A_1454, %get3A_1455, %get3A_1456] {strides = array<i32>} : memref<26x32x128xf32, #tpu.memory_space<vmem>>, vector<16xf32>,
          %add3A_1458 = arith.addf %add3A_1450, %get3A_1457 : vector<16xf32>
          %mul3A_1459 = arith.mulf %get3A_1457, %get3A_1457 : vector<16xf32>
          %add3A_1460 = arith.addf %add3A_1452, %mul3A_1459 : vector<16xf32>
          %get3A_1461 = arith.constant 17 : i32
          %get3A_1462 = arith.index_cast %get3A_1461 : i32 to index
          %get3A_1463 = arith.index_cast %scan3A_1321 : i32 to index
          %get3A_1464 = arith.constant 0 : index
          %get3A_1465 = tpu.vector_load %arg7[%get3A_1462, %get3A_1463, %get3A_1464] {strides = array<i32>} : memref<26x32x128xf32, #tpu.memory_space<vmem>>, vector<16xf32>,
          %add3A_1466 = arith.addf %add3A_1458, %get3A_1465 : vector<16xf32>
          %mul3A_1467 = arith.mulf %get3A_1465, %get3A_1465 : vector<16xf32>
          %add3A_1468 = arith.addf %add3A_1460, %mul3A_1467 : vector<16xf32>
          %get3A_1469 = arith.constant 18 : i32
          %get3A_1470 = arith.index_cast %get3A_1469 : i32 to index
          %get3A_1471 = arith.index_cast %scan3A_1321 : i32 to index
          %get3A_1472 = arith.constant 0 : index
          %get3A_1473 = tpu.vector_load %arg7[%get3A_1470, %get3A_1471, %get3A_1472] {strides = array<i32>} : memref<26x32x128xf32, #tpu.memory_space<vmem>>, vector<16xf32>,
          %add3A_1474 = arith.addf %add3A_1466, %get3A_1473 : vector<16xf32>
          %mul3A_1475 = arith.mulf %get3A_1473, %get3A_1473 : vector<16xf32>
          %add3A_1476 = arith.addf %add3A_1468, %mul3A_1475 : vector<16xf32>
          %get3A_1477 = arith.constant 19 : i32
          %get3A_1478 = arith.index_cast %get3A_1477 : i32 to index
          %get3A_1479 = arith.index_cast %scan3A_1321 : i32 to index
          %get3A_1480 = arith.constant 0 : index
          %get3A_1481 = tpu.vector_load %arg7[%get3A_1478, %get3A_1479, %get3A_1480] {strides = array<i32>} : memref<26x32x128xf32, #tpu.memory_space<vmem>>, vector<16xf32>,
          %add3A_1482 = arith.addf %add3A_1474, %get3A_1481 : vector<16xf32>
          %mul3A_1483 = arith.mulf %get3A_1481, %get3A_1481 : vector<16xf32>
          %add3A_1484 = arith.addf %add3A_1476, %mul3A_1483 : vector<16xf32>
          %get3A_1485 = arith.constant 20 : i32
          %get3A_1486 = arith.index_cast %get3A_1485 : i32 to index
          %get3A_1487 = arith.index_cast %scan3A_1321 : i32 to index
          %get3A_1488 = arith.constant 0 : index
          %get3A_1489 = tpu.vector_load %arg7[%get3A_1486, %get3A_1487, %get3A_1488] {strides = array<i32>} : memref<26x32x128xf32, #tpu.memory_space<vmem>>, vector<16xf32>,
          %add3A_1490 = arith.addf %add3A_1482, %get3A_1489 : vector<16xf32>
          %mul3A_1491 = arith.mulf %get3A_1489, %get3A_1489 : vector<16xf32>
          %add3A_1492 = arith.addf %add3A_1484, %mul3A_1491 : vector<16xf32>
          %get3A_1493 = arith.constant 21 : i32
          %get3A_1494 = arith.index_cast %get3A_1493 : i32 to index
          %get3A_1495 = arith.index_cast %scan3A_1321 : i32 to index
          %get3A_1496 = arith.constant 0 : index
          %get3A_1497 = tpu.vector_load %arg7[%get3A_1494, %get3A_1495, %get3A_1496] {strides = array<i32>} : memref<26x32x128xf32, #tpu.memory_space<vmem>>, vector<16xf32>,
          %add3A_1498 = arith.addf %add3A_1490, %get3A_1497 : vector<16xf32>
          %mul3A_1499 = arith.mulf %get3A_1497, %get3A_1497 : vector<16xf32>
          %add3A_1500 = arith.addf %add3A_1492, %mul3A_1499 : vector<16xf32>
          %get3A_1501 = arith.constant 22 : i32
          %get3A_1502 = arith.index_cast %get3A_1501 : i32 to index
          %get3A_1503 = arith.index_cast %scan3A_1321 : i32 to index
          %get3A_1504 = arith.constant 0 : index
          %get3A_1505 = tpu.vector_load %arg7[%get3A_1502, %get3A_1503, %get3A_1504] {strides = array<i32>} : memref<26x32x128xf32, #tpu.memory_space<vmem>>, vector<16xf32>,
          %add3A_1506 = arith.addf %add3A_1498, %get3A_1505 : vector<16xf32>
          %mul3A_1507 = arith.mulf %get3A_1505, %get3A_1505 : vector<16xf32>
          %add3A_1508 = arith.addf %add3A_1500, %mul3A_1507 : vector<16xf32>
          %get3A_1509 = arith.constant 23 : i32
          %get3A_1510 = arith.index_cast %get3A_1509 : i32 to index
          %get3A_1511 = arith.index_cast %scan3A_1321 : i32 to index
          %get3A_1512 = arith.constant 0 : index
          %get3A_1513 = tpu.vector_load %arg7[%get3A_1510, %get3A_1511, %get3A_1512] {strides = array<i32>} : memref<26x32x128xf32, #tpu.memory_space<vmem>>, vector<16xf32>,
          %add3A_1514 = arith.addf %add3A_1506, %get3A_1513 : vector<16xf32>
          %mul3A_1515 = arith.mulf %get3A_1513, %get3A_1513 : vector<16xf32>
          %add3A_1516 = arith.addf %add3A_1508, %mul3A_1515 : vector<16xf32>
          %get3A_1517 = arith.constant 24 : i32
          %get3A_1518 = arith.index_cast %get3A_1517 : i32 to index
          %get3A_1519 = arith.index_cast %scan3A_1321 : i32 to index
          %get3A_1520 = arith.constant 0 : index
          %get3A_1521 = tpu.vector_load %arg7[%get3A_1518, %get3A_1519, %get3A_1520] {strides = array<i32>} : memref<26x32x128xf32, #tpu.memory_space<vmem>>, vector<16xf32>,
          %add3A_1522 = arith.addf %add3A_1514, %get3A_1521 : vector<16xf32>
          %mul3A_1523 = arith.mulf %get3A_1521, %get3A_1521 : vector<16xf32>
          %add3A_1524 = arith.addf %add3A_1516, %mul3A_1523 : vector<16xf32>
          %get3A_1525 = arith.constant 25 : i32
          %get3A_1526 = arith.index_cast %get3A_1525 : i32 to index
          %get3A_1527 = arith.index_cast %scan3A_1321 : i32 to index
          %get3A_1528 = arith.constant 0 : index
          %get3A_1529 = tpu.vector_load %arg7[%get3A_1526, %get3A_1527, %get3A_1528] {strides = array<i32>} : memref<26x32x128xf32, #tpu.memory_space<vmem>>, vector<16xf32>,
          %add3A_1530 = arith.addf %add3A_1522, %get3A_1529 : vector<16xf32>
          %mul3A_1531 = arith.mulf %get3A_1529, %get3A_1529 : vector<16xf32>
          %add3A_1532 = arith.addf %add3A_1524, %mul3A_1531 : vector<16xf32>
          %mul3A_1533 = arith.mulf %add3A_1530, %add3A_1530 : vector<16xf32>
          %sub3A = arith.subf %mul3A_1533, %add3A_1532 : vector<16xf32>
          %mul3A_1534 = arith.constant 5.000000e-01 : f32
          %mul3A_1535 = vector.broadcast %mul3A_1534 : f32 to vector<16xf32>
          %mul3A_1536 = arith.mulf %mul3A_1535, %sub3A : vector<16xf32>
          %swap3A_1537 = arith.index_cast %scan3A_1321 : i32 to index
          %swap3A_1538 = arith.constant 0 : index
          %swap3A_1539 = tpu.vector_load %arg8[%swap3A_1537, %swap3A_1538] {strides = array<i32>} : memref<32x64xf32, #tpu.memory_space<vmem>>, vector<16xf32>,
          tpu.vector_store %arg8[%swap3A_1537, %swap3A_1538], %mul3A_1536 {strides = array<i32>} : memref<32x64xf32, #tpu.memory_space<vmem>>, vector<16xf32>,
          %broadcast_in_dim3A_1540 = arith.constant 0.000000e+00 : f32
          %broadcast_in_dim3A_1541 = vector.broadcast %broadcast_in_dim3A_1540 : f32 to vector<16xf32>
          %broadcast_in_dim3A_1542 = arith.constant 0.000000e+00 : f32
          %broadcast_in_dim3A_1543 = vector.broadcast %broadcast_in_dim3A_1542 : f32 to vector<16xf32>
          %get3A_1544 = arith.constant 0 : i32
          %get3A_1545 = arith.index_cast %get3A_1544 : i32 to index
          %get3A_1546 = arith.index_cast %scan3A_1321 : i32 to index
          %get3A_1547 = arith.constant 16 : index
          %get3A_1548 = tpu.vector_load %arg7[%get3A_1545, %get3A_1546, %get3A_1547] {strides = array<i32>} : memref<26x32x128xf32, #tpu.memory_space<vmem>>, vector<16xf32>,
          %add3A_1549 = arith.addf %broadcast_in_dim3A_1541, %get3A_1548 : vector<16xf32>
          %mul3A_1550 = arith.mulf %get3A_1548, %get3A_1548 : vector<16xf32>
          %add3A_1551 = arith.addf %broadcast_in_dim3A_1543, %mul3A_1550 : vector<16xf32>
          %get3A_1552 = arith.constant 1 : i32
          %get3A_1553 = arith.index_cast %get3A_1552 : i32 to index
          %get3A_1554 = arith.index_cast %scan3A_1321 : i32 to index
          %get3A_1555 = arith.constant 16 : index
          %get3A_1556 = tpu.vector_load %arg7[%get3A_1553, %get3A_1554, %get3A_1555] {strides = array<i32>} : memref<26x32x128xf32, #tpu.memory_space<vmem>>, vector<16xf32>,
          %add3A_1557 = arith.addf %add3A_1549, %get3A_1556 : vector<16xf32>
          %mul3A_1558 = arith.mulf %get3A_1556, %get3A_1556 : vector<16xf32>
          %add3A_1559 = arith.addf %add3A_1551, %mul3A_1558 : vector<16xf32>
          %get3A_1560 = arith.constant 2 : i32
          %get3A_1561 = arith.index_cast %get3A_1560 : i32 to index
          %get3A_1562 = arith.index_cast %scan3A_1321 : i32 to index
          %get3A_1563 = arith.constant 16 : index
          %get3A_1564 = tpu.vector_load %arg7[%get3A_1561, %get3A_1562, %get3A_1563] {strides = array<i32>} : memref<26x32x128xf32, #tpu.memory_space<vmem>>, vector<16xf32>,
          %add3A_1565 = arith.addf %add3A_1557, %get3A_1564 : vector<16xf32>
          %mul3A_1566 = arith.mulf %get3A_1564, %get3A_1564 : vector<16xf32>
          %add3A_1567 = arith.addf %add3A_1559, %mul3A_1566 : vector<16xf32>
          %get3A_1568 = arith.constant 3 : i32
          %get3A_1569 = arith.index_cast %get3A_1568 : i32 to index
          %get3A_1570 = arith.index_cast %scan3A_1321 : i32 to index
          %get3A_1571 = arith.constant 16 : index
          %get3A_1572 = tpu.vector_load %arg7[%get3A_1569, %get3A_1570, %get3A_1571] {strides = array<i32>} : memref<26x32x128xf32, #tpu.memory_space<vmem>>, vector<16xf32>,
          %add3A_1573 = arith.addf %add3A_1565, %get3A_1572 : vector<16xf32>
          %mul3A_1574 = arith.mulf %get3A_1572, %get3A_1572 : vector<16xf32>
          %add3A_1575 = arith.addf %add3A_1567, %mul3A_1574 : vector<16xf32>
          %get3A_1576 = arith.constant 4 : i32
          %get3A_1577 = arith.index_cast %get3A_1576 : i32 to index
          %get3A_1578 = arith.index_cast %scan3A_1321 : i32 to index
          %get3A_1579 = arith.constant 16 : index
          %get3A_1580 = tpu.vector_load %arg7[%get3A_1577, %get3A_1578, %get3A_1579] {strides = array<i32>} : memref<26x32x128xf32, #tpu.memory_space<vmem>>, vector<16xf32>,
          %add3A_1581 = arith.addf %add3A_1573, %get3A_1580 : vector<16xf32>
          %mul3A_1582 = arith.mulf %get3A_1580, %get3A_1580 : vector<16xf32>
          %add3A_1583 = arith.addf %add3A_1575, %mul3A_1582 : vector<16xf32>
          %get3A_1584 = arith.constant 5 : i32
          %get3A_1585 = arith.index_cast %get3A_1584 : i32 to index
          %get3A_1586 = arith.index_cast %scan3A_1321 : i32 to index
          %get3A_1587 = arith.constant 16 : index
          %get3A_1588 = tpu.vector_load %arg7[%get3A_1585, %get3A_1586, %get3A_1587] {strides = array<i32>} : memref<26x32x128xf32, #tpu.memory_space<vmem>>, vector<16xf32>,
          %add3A_1589 = arith.addf %add3A_1581, %get3A_1588 : vector<16xf32>
          %mul3A_1590 = arith.mulf %get3A_1588, %get3A_1588 : vector<16xf32>
          %add3A_1591 = arith.addf %add3A_1583, %mul3A_1590 : vector<16xf32>
          %get3A_1592 = arith.constant 6 : i32
          %get3A_1593 = arith.index_cast %get3A_1592 : i32 to index
          %get3A_1594 = arith.index_cast %scan3A_1321 : i32 to index
          %get3A_1595 = arith.constant 16 : index
          %get3A_1596 = tpu.vector_load %arg7[%get3A_1593, %get3A_1594, %get3A_1595] {strides = array<i32>} : memref<26x32x128xf32, #tpu.memory_space<vmem>>, vector<16xf32>,
          %add3A_1597 = arith.addf %add3A_1589, %get3A_1596 : vector<16xf32>
          %mul3A_1598 = arith.mulf %get3A_1596, %get3A_1596 : vector<16xf32>
          %add3A_1599 = arith.addf %add3A_1591, %mul3A_1598 : vector<16xf32>
          %get3A_1600 = arith.constant 7 : i32
          %get3A_1601 = arith.index_cast %get3A_1600 : i32 to index
          %get3A_1602 = arith.index_cast %scan3A_1321 : i32 to index
          %get3A_1603 = arith.constant 16 : index
          %get3A_1604 = tpu.vector_load %arg7[%get3A_1601, %get3A_1602, %get3A_1603] {strides = array<i32>} : memref<26x32x128xf32, #tpu.memory_space<vmem>>, vector<16xf32>,
          %add3A_1605 = arith.addf %add3A_1597, %get3A_1604 : vector<16xf32>
          %mul3A_1606 = arith.mulf %get3A_1604, %get3A_1604 : vector<16xf32>
          %add3A_1607 = arith.addf %add3A_1599, %mul3A_1606 : vector<16xf32>
          %get3A_1608 = arith.constant 8 : i32
          %get3A_1609 = arith.index_cast %get3A_1608 : i32 to index
          %get3A_1610 = arith.index_cast %scan3A_1321 : i32 to index
          %get3A_1611 = arith.constant 16 : index
          %get3A_1612 = tpu.vector_load %arg7[%get3A_1609, %get3A_1610, %get3A_1611] {strides = array<i32>} : memref<26x32x128xf32, #tpu.memory_space<vmem>>, vector<16xf32>,
          %add3A_1613 = arith.addf %add3A_1605, %get3A_1612 : vector<16xf32>
          %mul3A_1614 = arith.mulf %get3A_1612, %get3A_1612 : vector<16xf32>
          %add3A_1615 = arith.addf %add3A_1607, %mul3A_1614 : vector<16xf32>
          %get3A_1616 = arith.constant 9 : i32
          %get3A_1617 = arith.index_cast %get3A_1616 : i32 to index
          %get3A_1618 = arith.index_cast %scan3A_1321 : i32 to index
          %get3A_1619 = arith.constant 16 : index
          %get3A_1620 = tpu.vector_load %arg7[%get3A_1617, %get3A_1618, %get3A_1619] {strides = array<i32>} : memref<26x32x128xf32, #tpu.memory_space<vmem>>, vector<16xf32>,
          %add3A_1621 = arith.addf %add3A_1613, %get3A_1620 : vector<16xf32>
          %mul3A_1622 = arith.mulf %get3A_1620, %get3A_1620 : vector<16xf32>
          %add3A_1623 = arith.addf %add3A_1615, %mul3A_1622 : vector<16xf32>
          %get3A_1624 = arith.constant 10 : i32
          %get3A_1625 = arith.index_cast %get3A_1624 : i32 to index
          %get3A_1626 = arith.index_cast %scan3A_1321 : i32 to index
          %get3A_1627 = arith.constant 16 : index
          %get3A_1628 = tpu.vector_load %arg7[%get3A_1625, %get3A_1626, %get3A_1627] {strides = array<i32>} : memref<26x32x128xf32, #tpu.memory_space<vmem>>, vector<16xf32>,
          %add3A_1629 = arith.addf %add3A_1621, %get3A_1628 : vector<16xf32>
          %mul3A_1630 = arith.mulf %get3A_1628, %get3A_1628 : vector<16xf32>
          %add3A_1631 = arith.addf %add3A_1623, %mul3A_1630 : vector<16xf32>
          %get3A_1632 = arith.constant 11 : i32
          %get3A_1633 = arith.index_cast %get3A_1632 : i32 to index
          %get3A_1634 = arith.index_cast %scan3A_1321 : i32 to index
          %get3A_1635 = arith.constant 16 : index
          %get3A_1636 = tpu.vector_load %arg7[%get3A_1633, %get3A_1634, %get3A_1635] {strides = array<i32>} : memref<26x32x128xf32, #tpu.memory_space<vmem>>, vector<16xf32>,
          %add3A_1637 = arith.addf %add3A_1629, %get3A_1636 : vector<16xf32>
          %mul3A_1638 = arith.mulf %get3A_1636, %get3A_1636 : vector<16xf32>
          %add3A_1639 = arith.addf %add3A_1631, %mul3A_1638 : vector<16xf32>
          %get3A_1640 = arith.constant 12 : i32
          %get3A_1641 = arith.index_cast %get3A_1640 : i32 to index
          %get3A_1642 = arith.index_cast %scan3A_1321 : i32 to index
          %get3A_1643 = arith.constant 16 : index
          %get3A_1644 = tpu.vector_load %arg7[%get3A_1641, %get3A_1642, %get3A_1643] {strides = array<i32>} : memref<26x32x128xf32, #tpu.memory_space<vmem>>, vector<16xf32>,
          %add3A_1645 = arith.addf %add3A_1637, %get3A_1644 : vector<16xf32>
          %mul3A_1646 = arith.mulf %get3A_1644, %get3A_1644 : vector<16xf32>
          %add3A_1647 = arith.addf %add3A_1639, %mul3A_1646 : vector<16xf32>
          %get3A_1648 = arith.constant 13 : i32
          %get3A_1649 = arith.index_cast %get3A_1648 : i32 to index
          %get3A_1650 = arith.index_cast %scan3A_1321 : i32 to index
          %get3A_1651 = arith.constant 16 : index
          %get3A_1652 = tpu.vector_load %arg7[%get3A_1649, %get3A_1650, %get3A_1651] {strides = array<i32>} : memref<26x32x128xf32, #tpu.memory_space<vmem>>, vector<16xf32>,
          %add3A_1653 = arith.addf %add3A_1645, %get3A_1652 : vector<16xf32>
          %mul3A_1654 = arith.mulf %get3A_1652, %get3A_1652 : vector<16xf32>
          %add3A_1655 = arith.addf %add3A_1647, %mul3A_1654 : vector<16xf32>
          %get3A_1656 = arith.constant 14 : i32
          %get3A_1657 = arith.index_cast %get3A_1656 : i32 to index
          %get3A_1658 = arith.index_cast %scan3A_1321 : i32 to index
          %get3A_1659 = arith.constant 16 : index
          %get3A_1660 = tpu.vector_load %arg7[%get3A_1657, %get3A_1658, %get3A_1659] {strides = array<i32>} : memref<26x32x128xf32, #tpu.memory_space<vmem>>, vector<16xf32>,
          %add3A_1661 = arith.addf %add3A_1653, %get3A_1660 : vector<16xf32>
          %mul3A_1662 = arith.mulf %get3A_1660, %get3A_1660 : vector<16xf32>
          %add3A_1663 = arith.addf %add3A_1655, %mul3A_1662 : vector<16xf32>
          %get3A_1664 = arith.constant 15 : i32
          %get3A_1665 = arith.index_cast %get3A_1664 : i32 to index
          %get3A_1666 = arith.index_cast %scan3A_1321 : i32 to index
          %get3A_1667 = arith.constant 16 : index
          %get3A_1668 = tpu.vector_load %arg7[%get3A_1665, %get3A_1666, %get3A_1667] {strides = array<i32>} : memref<26x32x128xf32, #tpu.memory_space<vmem>>, vector<16xf32>,
          %add3A_1669 = arith.addf %add3A_1661, %get3A_1668 : vector<16xf32>
          %mul3A_1670 = arith.mulf %get3A_1668, %get3A_1668 : vector<16xf32>
          %add3A_1671 = arith.addf %add3A_1663, %mul3A_1670 : vector<16xf32>
          %get3A_1672 = arith.constant 16 : i32
          %get3A_1673 = arith.index_cast %get3A_1672 : i32 to index
          %get3A_1674 = arith.index_cast %scan3A_1321 : i32 to index
          %get3A_1675 = arith.constant 16 : index
          %get3A_1676 = tpu.vector_load %arg7[%get3A_1673, %get3A_1674, %get3A_1675] {strides = array<i32>} : memref<26x32x128xf32, #tpu.memory_space<vmem>>, vector<16xf32>,
          %add3A_1677 = arith.addf %add3A_1669, %get3A_1676 : vector<16xf32>
          %mul3A_1678 = arith.mulf %get3A_1676, %get3A_1676 : vector<16xf32>
          %add3A_1679 = arith.addf %add3A_1671, %mul3A_1678 : vector<16xf32>
          %get3A_1680 = arith.constant 17 : i32
          %get3A_1681 = arith.index_cast %get3A_1680 : i32 to index
          %get3A_1682 = arith.index_cast %scan3A_1321 : i32 to index
          %get3A_1683 = arith.constant 16 : index
          %get3A_1684 = tpu.vector_load %arg7[%get3A_1681, %get3A_1682, %get3A_1683] {strides = array<i32>} : memref<26x32x128xf32, #tpu.memory_space<vmem>>, vector<16xf32>,
          %add3A_1685 = arith.addf %add3A_1677, %get3A_1684 : vector<16xf32>
          %mul3A_1686 = arith.mulf %get3A_1684, %get3A_1684 : vector<16xf32>
          %add3A_1687 = arith.addf %add3A_1679, %mul3A_1686 : vector<16xf32>
          %get3A_1688 = arith.constant 18 : i32
          %get3A_1689 = arith.index_cast %get3A_1688 : i32 to index
          %get3A_1690 = arith.index_cast %scan3A_1321 : i32 to index
          %get3A_1691 = arith.constant 16 : index
          %get3A_1692 = tpu.vector_load %arg7[%get3A_1689, %get3A_1690, %get3A_1691] {strides = array<i32>} : memref<26x32x128xf32, #tpu.memory_space<vmem>>, vector<16xf32>,
          %add3A_1693 = arith.addf %add3A_1685, %get3A_1692 : vector<16xf32>
          %mul3A_1694 = arith.mulf %get3A_1692, %get3A_1692 : vector<16xf32>
          %add3A_1695 = arith.addf %add3A_1687, %mul3A_1694 : vector<16xf32>
          %get3A_1696 = arith.constant 19 : i32
          %get3A_1697 = arith.index_cast %get3A_1696 : i32 to index
          %get3A_1698 = arith.index_cast %scan3A_1321 : i32 to index
          %get3A_1699 = arith.constant 16 : index
          %get3A_1700 = tpu.vector_load %arg7[%get3A_1697, %get3A_1698, %get3A_1699] {strides = array<i32>} : memref<26x32x128xf32, #tpu.memory_space<vmem>>, vector<16xf32>,
          %add3A_1701 = arith.addf %add3A_1693, %get3A_1700 : vector<16xf32>
          %mul3A_1702 = arith.mulf %get3A_1700, %get3A_1700 : vector<16xf32>
          %add3A_1703 = arith.addf %add3A_1695, %mul3A_1702 : vector<16xf32>
          %get3A_1704 = arith.constant 20 : i32
          %get3A_1705 = arith.index_cast %get3A_1704 : i32 to index
          %get3A_1706 = arith.index_cast %scan3A_1321 : i32 to index
          %get3A_1707 = arith.constant 16 : index
          %get3A_1708 = tpu.vector_load %arg7[%get3A_1705, %get3A_1706, %get3A_1707] {strides = array<i32>} : memref<26x32x128xf32, #tpu.memory_space<vmem>>, vector<16xf32>,
          %add3A_1709 = arith.addf %add3A_1701, %get3A_1708 : vector<16xf32>
          %mul3A_1710 = arith.mulf %get3A_1708, %get3A_1708 : vector<16xf32>
          %add3A_1711 = arith.addf %add3A_1703, %mul3A_1710 : vector<16xf32>
          %get3A_1712 = arith.constant 21 : i32
          %get3A_1713 = arith.index_cast %get3A_1712 : i32 to index
          %get3A_1714 = arith.index_cast %scan3A_1321 : i32 to index
          %get3A_1715 = arith.constant 16 : index
          %get3A_1716 = tpu.vector_load %arg7[%get3A_1713, %get3A_1714, %get3A_1715] {strides = array<i32>} : memref<26x32x128xf32, #tpu.memory_space<vmem>>, vector<16xf32>,
          %add3A_1717 = arith.addf %add3A_1709, %get3A_1716 : vector<16xf32>
          %mul3A_1718 = arith.mulf %get3A_1716, %get3A_1716 : vector<16xf32>
          %add3A_1719 = arith.addf %add3A_1711, %mul3A_1718 : vector<16xf32>
          %get3A_1720 = arith.constant 22 : i32
          %get3A_1721 = arith.index_cast %get3A_1720 : i32 to index
          %get3A_1722 = arith.index_cast %scan3A_1321 : i32 to index
          %get3A_1723 = arith.constant 16 : index
          %get3A_1724 = tpu.vector_load %arg7[%get3A_1721, %get3A_1722, %get3A_1723] {strides = array<i32>} : memref<26x32x128xf32, #tpu.memory_space<vmem>>, vector<16xf32>,
          %add3A_1725 = arith.addf %add3A_1717, %get3A_1724 : vector<16xf32>
          %mul3A_1726 = arith.mulf %get3A_1724, %get3A_1724 : vector<16xf32>
          %add3A_1727 = arith.addf %add3A_1719, %mul3A_1726 : vector<16xf32>
          %get3A_1728 = arith.constant 23 : i32
          %get3A_1729 = arith.index_cast %get3A_1728 : i32 to index
          %get3A_1730 = arith.index_cast %scan3A_1321 : i32 to index
          %get3A_1731 = arith.constant 16 : index
          %get3A_1732 = tpu.vector_load %arg7[%get3A_1729, %get3A_1730, %get3A_1731] {strides = array<i32>} : memref<26x32x128xf32, #tpu.memory_space<vmem>>, vector<16xf32>,
          %add3A_1733 = arith.addf %add3A_1725, %get3A_1732 : vector<16xf32>
          %mul3A_1734 = arith.mulf %get3A_1732, %get3A_1732 : vector<16xf32>
          %add3A_1735 = arith.addf %add3A_1727, %mul3A_1734 : vector<16xf32>
          %get3A_1736 = arith.constant 24 : i32
          %get3A_1737 = arith.index_cast %get3A_1736 : i32 to index
          %get3A_1738 = arith.index_cast %scan3A_1321 : i32 to index
          %get3A_1739 = arith.constant 16 : index
          %get3A_1740 = tpu.vector_load %arg7[%get3A_1737, %get3A_1738, %get3A_1739] {strides = array<i32>} : memref<26x32x128xf32, #tpu.memory_space<vmem>>, vector<16xf32>,
          %add3A_1741 = arith.addf %add3A_1733, %get3A_1740 : vector<16xf32>
          %mul3A_1742 = arith.mulf %get3A_1740, %get3A_1740 : vector<16xf32>
          %add3A_1743 = arith.addf %add3A_1735, %mul3A_1742 : vector<16xf32>
          %get3A_1744 = arith.constant 25 : i32
          %get3A_1745 = arith.index_cast %get3A_1744 : i32 to index
          %get3A_1746 = arith.index_cast %scan3A_1321 : i32 to index
          %get3A_1747 = arith.constant 16 : index
          %get3A_1748 = tpu.vector_load %arg7[%get3A_1745, %get3A_1746, %get3A_1747] {strides = array<i32>} : memref<26x32x128xf32, #tpu.memory_space<vmem>>, vector<16xf32>,
          %add3A_1749 = arith.addf %add3A_1741, %get3A_1748 : vector<16xf32>
          %mul3A_1750 = arith.mulf %get3A_1748, %get3A_1748 : vector<16xf32>
          %add3A_1751 = arith.addf %add3A_1743, %mul3A_1750 : vector<16xf32>
          %mul3A_1752 = arith.mulf %add3A_1749, %add3A_1749 : vector<16xf32>
          %sub3A_1753 = arith.subf %mul3A_1752, %add3A_1751 : vector<16xf32>
          %mul3A_1754 = arith.constant 5.000000e-01 : f32
          %mul3A_1755 = vector.broadcast %mul3A_1754 : f32 to vector<16xf32>
          %mul3A_1756 = arith.mulf %mul3A_1755, %sub3A_1753 : vector<16xf32>
          %swap3A_1757 = arith.index_cast %scan3A_1321 : i32 to index
          %swap3A_1758 = arith.constant 16 : index
          %swap3A_1759 = tpu.vector_load %arg8[%swap3A_1757, %swap3A_1758] {strides = array<i32>} : memref<32x64xf32, #tpu.memory_space<vmem>>, vector<16xf32>,
          tpu.vector_store %arg8[%swap3A_1757, %swap3A_1758], %mul3A_1756 {strides = array<i32>} : memref<32x64xf32, #tpu.memory_space<vmem>>, vector<16xf32>,
          %broadcast_in_dim3A_1760 = arith.constant 0.000000e+00 : f32
          %broadcast_in_dim3A_1761 = vector.broadcast %broadcast_in_dim3A_1760 : f32 to vector<16xf32>
          %broadcast_in_dim3A_1762 = arith.constant 0.000000e+00 : f32
          %broadcast_in_dim3A_1763 = vector.broadcast %broadcast_in_dim3A_1762 : f32 to vector<16xf32>
          %get3A_1764 = arith.constant 0 : i32
          %get3A_1765 = arith.index_cast %get3A_1764 : i32 to index
          %get3A_1766 = arith.index_cast %scan3A_1321 : i32 to index
          %get3A_1767 = arith.constant 32 : index
          %get3A_1768 = tpu.vector_load %arg7[%get3A_1765, %get3A_1766, %get3A_1767] {strides = array<i32>} : memref<26x32x128xf32, #tpu.memory_space<vmem>>, vector<16xf32>,
          %add3A_1769 = arith.addf %broadcast_in_dim3A_1761, %get3A_1768 : vector<16xf32>
          %mul3A_1770 = arith.mulf %get3A_1768, %get3A_1768 : vector<16xf32>
          %add3A_1771 = arith.addf %broadcast_in_dim3A_1763, %mul3A_1770 : vector<16xf32>
          %get3A_1772 = arith.constant 1 : i32
          %get3A_1773 = arith.index_cast %get3A_1772 : i32 to index
          %get3A_1774 = arith.index_cast %scan3A_1321 : i32 to index
          %get3A_1775 = arith.constant 32 : index
          %get3A_1776 = tpu.vector_load %arg7[%get3A_1773, %get3A_1774, %get3A_1775] {strides = array<i32>} : memref<26x32x128xf32, #tpu.memory_space<vmem>>, vector<16xf32>,
          %add3A_1777 = arith.addf %add3A_1769, %get3A_1776 : vector<16xf32>
          %mul3A_1778 = arith.mulf %get3A_1776, %get3A_1776 : vector<16xf32>
          %add3A_1779 = arith.addf %add3A_1771, %mul3A_1778 : vector<16xf32>
          %get3A_1780 = arith.constant 2 : i32
          %get3A_1781 = arith.index_cast %get3A_1780 : i32 to index
          %get3A_1782 = arith.index_cast %scan3A_1321 : i32 to index
          %get3A_1783 = arith.constant 32 : index
          %get3A_1784 = tpu.vector_load %arg7[%get3A_1781, %get3A_1782, %get3A_1783] {strides = array<i32>} : memref<26x32x128xf32, #tpu.memory_space<vmem>>, vector<16xf32>,
          %add3A_1785 = arith.addf %add3A_1777, %get3A_1784 : vector<16xf32>
          %mul3A_1786 = arith.mulf %get3A_1784, %get3A_1784 : vector<16xf32>
          %add3A_1787 = arith.addf %add3A_1779, %mul3A_1786 : vector<16xf32>
          %get3A_1788 = arith.constant 3 : i32
          %get3A_1789 = arith.index_cast %get3A_1788 : i32 to index
          %get3A_1790 = arith.index_cast %scan3A_1321 : i32 to index
          %get3A_1791 = arith.constant 32 : index
          %get3A_1792 = tpu.vector_load %arg7[%get3A_1789, %get3A_1790, %get3A_1791] {strides = array<i32>} : memref<26x32x128xf32, #tpu.memory_space<vmem>>, vector<16xf32>,
          %add3A_1793 = arith.addf %add3A_1785, %get3A_1792 : vector<16xf32>
          %mul3A_1794 = arith.mulf %get3A_1792, %get3A_1792 : vector<16xf32>
          %add3A_1795 = arith.addf %add3A_1787, %mul3A_1794 : vector<16xf32>
          %get3A_1796 = arith.constant 4 : i32
          %get3A_1797 = arith.index_cast %get3A_1796 : i32 to index
          %get3A_1798 = arith.index_cast %scan3A_1321 : i32 to index
          %get3A_1799 = arith.constant 32 : index
          %get3A_1800 = tpu.vector_load %arg7[%get3A_1797, %get3A_1798, %get3A_1799] {strides = array<i32>} : memref<26x32x128xf32, #tpu.memory_space<vmem>>, vector<16xf32>,
          %add3A_1801 = arith.addf %add3A_1793, %get3A_1800 : vector<16xf32>
          %mul3A_1802 = arith.mulf %get3A_1800, %get3A_1800 : vector<16xf32>
          %add3A_1803 = arith.addf %add3A_1795, %mul3A_1802 : vector<16xf32>
          %get3A_1804 = arith.constant 5 : i32
          %get3A_1805 = arith.index_cast %get3A_1804 : i32 to index
          %get3A_1806 = arith.index_cast %scan3A_1321 : i32 to index
          %get3A_1807 = arith.constant 32 : index
          %get3A_1808 = tpu.vector_load %arg7[%get3A_1805, %get3A_1806, %get3A_1807] {strides = array<i32>} : memref<26x32x128xf32, #tpu.memory_space<vmem>>, vector<16xf32>,
          %add3A_1809 = arith.addf %add3A_1801, %get3A_1808 : vector<16xf32>
          %mul3A_1810 = arith.mulf %get3A_1808, %get3A_1808 : vector<16xf32>
          %add3A_1811 = arith.addf %add3A_1803, %mul3A_1810 : vector<16xf32>
          %get3A_1812 = arith.constant 6 : i32
          %get3A_1813 = arith.index_cast %get3A_1812 : i32 to index
          %get3A_1814 = arith.index_cast %scan3A_1321 : i32 to index
          %get3A_1815 = arith.constant 32 : index
          %get3A_1816 = tpu.vector_load %arg7[%get3A_1813, %get3A_1814, %get3A_1815] {strides = array<i32>} : memref<26x32x128xf32, #tpu.memory_space<vmem>>, vector<16xf32>,
          %add3A_1817 = arith.addf %add3A_1809, %get3A_1816 : vector<16xf32>
          %mul3A_1818 = arith.mulf %get3A_1816, %get3A_1816 : vector<16xf32>
          %add3A_1819 = arith.addf %add3A_1811, %mul3A_1818 : vector<16xf32>
          %get3A_1820 = arith.constant 7 : i32
          %get3A_1821 = arith.index_cast %get3A_1820 : i32 to index
          %get3A_1822 = arith.index_cast %scan3A_1321 : i32 to index
          %get3A_1823 = arith.constant 32 : index
          %get3A_1824 = tpu.vector_load %arg7[%get3A_1821, %get3A_1822, %get3A_1823] {strides = array<i32>} : memref<26x32x128xf32, #tpu.memory_space<vmem>>, vector<16xf32>,
          %add3A_1825 = arith.addf %add3A_1817, %get3A_1824 : vector<16xf32>
          %mul3A_1826 = arith.mulf %get3A_1824, %get3A_1824 : vector<16xf32>
          %add3A_1827 = arith.addf %add3A_1819, %mul3A_1826 : vector<16xf32>
          %get3A_1828 = arith.constant 8 : i32
          %get3A_1829 = arith.index_cast %get3A_1828 : i32 to index
          %get3A_1830 = arith.index_cast %scan3A_1321 : i32 to index
          %get3A_1831 = arith.constant 32 : index
          %get3A_1832 = tpu.vector_load %arg7[%get3A_1829, %get3A_1830, %get3A_1831] {strides = array<i32>} : memref<26x32x128xf32, #tpu.memory_space<vmem>>, vector<16xf32>,
          %add3A_1833 = arith.addf %add3A_1825, %get3A_1832 : vector<16xf32>
          %mul3A_1834 = arith.mulf %get3A_1832, %get3A_1832 : vector<16xf32>
          %add3A_1835 = arith.addf %add3A_1827, %mul3A_1834 : vector<16xf32>
          %get3A_1836 = arith.constant 9 : i32
          %get3A_1837 = arith.index_cast %get3A_1836 : i32 to index
          %get3A_1838 = arith.index_cast %scan3A_1321 : i32 to index
          %get3A_1839 = arith.constant 32 : index
          %get3A_1840 = tpu.vector_load %arg7[%get3A_1837, %get3A_1838, %get3A_1839] {strides = array<i32>} : memref<26x32x128xf32, #tpu.memory_space<vmem>>, vector<16xf32>,
          %add3A_1841 = arith.addf %add3A_1833, %get3A_1840 : vector<16xf32>
          %mul3A_1842 = arith.mulf %get3A_1840, %get3A_1840 : vector<16xf32>
          %add3A_1843 = arith.addf %add3A_1835, %mul3A_1842 : vector<16xf32>
          %get3A_1844 = arith.constant 10 : i32
          %get3A_1845 = arith.index_cast %get3A_1844 : i32 to index
          %get3A_1846 = arith.index_cast %scan3A_1321 : i32 to index
          %get3A_1847 = arith.constant 32 : index
          %get3A_1848 = tpu.vector_load %arg7[%get3A_1845, %get3A_1846, %get3A_1847] {strides = array<i32>} : memref<26x32x128xf32, #tpu.memory_space<vmem>>, vector<16xf32>,
          %add3A_1849 = arith.addf %add3A_1841, %get3A_1848 : vector<16xf32>
          %mul3A_1850 = arith.mulf %get3A_1848, %get3A_1848 : vector<16xf32>
          %add3A_1851 = arith.addf %add3A_1843, %mul3A_1850 : vector<16xf32>
          %get3A_1852 = arith.constant 11 : i32
          %get3A_1853 = arith.index_cast %get3A_1852 : i32 to index
          %get3A_1854 = arith.index_cast %scan3A_1321 : i32 to index
          %get3A_1855 = arith.constant 32 : index
          %get3A_1856 = tpu.vector_load %arg7[%get3A_1853, %get3A_1854, %get3A_1855] {strides = array<i32>} : memref<26x32x128xf32, #tpu.memory_space<vmem>>, vector<16xf32>,
          %add3A_1857 = arith.addf %add3A_1849, %get3A_1856 : vector<16xf32>
          %mul3A_1858 = arith.mulf %get3A_1856, %get3A_1856 : vector<16xf32>
          %add3A_1859 = arith.addf %add3A_1851, %mul3A_1858 : vector<16xf32>
          %get3A_1860 = arith.constant 12 : i32
          %get3A_1861 = arith.index_cast %get3A_1860 : i32 to index
          %get3A_1862 = arith.index_cast %scan3A_1321 : i32 to index
          %get3A_1863 = arith.constant 32 : index
          %get3A_1864 = tpu.vector_load %arg7[%get3A_1861, %get3A_1862, %get3A_1863] {strides = array<i32>} : memref<26x32x128xf32, #tpu.memory_space<vmem>>, vector<16xf32>,
          %add3A_1865 = arith.addf %add3A_1857, %get3A_1864 : vector<16xf32>
          %mul3A_1866 = arith.mulf %get3A_1864, %get3A_1864 : vector<16xf32>
          %add3A_1867 = arith.addf %add3A_1859, %mul3A_1866 : vector<16xf32>
          %get3A_1868 = arith.constant 13 : i32
          %get3A_1869 = arith.index_cast %get3A_1868 : i32 to index
          %get3A_1870 = arith.index_cast %scan3A_1321 : i32 to index
          %get3A_1871 = arith.constant 32 : index
          %get3A_1872 = tpu.vector_load %arg7[%get3A_1869, %get3A_1870, %get3A_1871] {strides = array<i32>} : memref<26x32x128xf32, #tpu.memory_space<vmem>>, vector<16xf32>,
          %add3A_1873 = arith.addf %add3A_1865, %get3A_1872 : vector<16xf32>
          %mul3A_1874 = arith.mulf %get3A_1872, %get3A_1872 : vector<16xf32>
          %add3A_1875 = arith.addf %add3A_1867, %mul3A_1874 : vector<16xf32>
          %get3A_1876 = arith.constant 14 : i32
          %get3A_1877 = arith.index_cast %get3A_1876 : i32 to index
          %get3A_1878 = arith.index_cast %scan3A_1321 : i32 to index
          %get3A_1879 = arith.constant 32 : index
          %get3A_1880 = tpu.vector_load %arg7[%get3A_1877, %get3A_1878, %get3A_1879] {strides = array<i32>} : memref<26x32x128xf32, #tpu.memory_space<vmem>>, vector<16xf32>,
          %add3A_1881 = arith.addf %add3A_1873, %get3A_1880 : vector<16xf32>
          %mul3A_1882 = arith.mulf %get3A_1880, %get3A_1880 : vector<16xf32>
          %add3A_1883 = arith.addf %add3A_1875, %mul3A_1882 : vector<16xf32>
          %get3A_1884 = arith.constant 15 : i32
          %get3A_1885 = arith.index_cast %get3A_1884 : i32 to index
          %get3A_1886 = arith.index_cast %scan3A_1321 : i32 to index
          %get3A_1887 = arith.constant 32 : index
          %get3A_1888 = tpu.vector_load %arg7[%get3A_1885, %get3A_1886, %get3A_1887] {strides = array<i32>} : memref<26x32x128xf32, #tpu.memory_space<vmem>>, vector<16xf32>,
          %add3A_1889 = arith.addf %add3A_1881, %get3A_1888 : vector<16xf32>
          %mul3A_1890 = arith.mulf %get3A_1888, %get3A_1888 : vector<16xf32>
          %add3A_1891 = arith.addf %add3A_1883, %mul3A_1890 : vector<16xf32>
          %get3A_1892 = arith.constant 16 : i32
          %get3A_1893 = arith.index_cast %get3A_1892 : i32 to index
          %get3A_1894 = arith.index_cast %scan3A_1321 : i32 to index
          %get3A_1895 = arith.constant 32 : index
          %get3A_1896 = tpu.vector_load %arg7[%get3A_1893, %get3A_1894, %get3A_1895] {strides = array<i32>} : memref<26x32x128xf32, #tpu.memory_space<vmem>>, vector<16xf32>,
          %add3A_1897 = arith.addf %add3A_1889, %get3A_1896 : vector<16xf32>
          %mul3A_1898 = arith.mulf %get3A_1896, %get3A_1896 : vector<16xf32>
          %add3A_1899 = arith.addf %add3A_1891, %mul3A_1898 : vector<16xf32>
          %get3A_1900 = arith.constant 17 : i32
          %get3A_1901 = arith.index_cast %get3A_1900 : i32 to index
          %get3A_1902 = arith.index_cast %scan3A_1321 : i32 to index
          %get3A_1903 = arith.constant 32 : index
          %get3A_1904 = tpu.vector_load %arg7[%get3A_1901, %get3A_1902, %get3A_1903] {strides = array<i32>} : memref<26x32x128xf32, #tpu.memory_space<vmem>>, vector<16xf32>,
          %add3A_1905 = arith.addf %add3A_1897, %get3A_1904 : vector<16xf32>
          %mul3A_1906 = arith.mulf %get3A_1904, %get3A_1904 : vector<16xf32>
          %add3A_1907 = arith.addf %add3A_1899, %mul3A_1906 : vector<16xf32>
          %get3A_1908 = arith.constant 18 : i32
          %get3A_1909 = arith.index_cast %get3A_1908 : i32 to index
          %get3A_1910 = arith.index_cast %scan3A_1321 : i32 to index
          %get3A_1911 = arith.constant 32 : index
          %get3A_1912 = tpu.vector_load %arg7[%get3A_1909, %get3A_1910, %get3A_1911] {strides = array<i32>} : memref<26x32x128xf32, #tpu.memory_space<vmem>>, vector<16xf32>,
          %add3A_1913 = arith.addf %add3A_1905, %get3A_1912 : vector<16xf32>
          %mul3A_1914 = arith.mulf %get3A_1912, %get3A_1912 : vector<16xf32>
          %add3A_1915 = arith.addf %add3A_1907, %mul3A_1914 : vector<16xf32>
          %get3A_1916 = arith.constant 19 : i32
          %get3A_1917 = arith.index_cast %get3A_1916 : i32 to index
          %get3A_1918 = arith.index_cast %scan3A_1321 : i32 to index
          %get3A_1919 = arith.constant 32 : index
          %get3A_1920 = tpu.vector_load %arg7[%get3A_1917, %get3A_1918, %get3A_1919] {strides = array<i32>} : memref<26x32x128xf32, #tpu.memory_space<vmem>>, vector<16xf32>,
          %add3A_1921 = arith.addf %add3A_1913, %get3A_1920 : vector<16xf32>
          %mul3A_1922 = arith.mulf %get3A_1920, %get3A_1920 : vector<16xf32>
          %add3A_1923 = arith.addf %add3A_1915, %mul3A_1922 : vector<16xf32>
          %get3A_1924 = arith.constant 20 : i32
          %get3A_1925 = arith.index_cast %get3A_1924 : i32 to index
          %get3A_1926 = arith.index_cast %scan3A_1321 : i32 to index
          %get3A_1927 = arith.constant 32 : index
          %get3A_1928 = tpu.vector_load %arg7[%get3A_1925, %get3A_1926, %get3A_1927] {strides = array<i32>} : memref<26x32x128xf32, #tpu.memory_space<vmem>>, vector<16xf32>,
          %add3A_1929 = arith.addf %add3A_1921, %get3A_1928 : vector<16xf32>
          %mul3A_1930 = arith.mulf %get3A_1928, %get3A_1928 : vector<16xf32>
          %add3A_1931 = arith.addf %add3A_1923, %mul3A_1930 : vector<16xf32>
          %get3A_1932 = arith.constant 21 : i32
          %get3A_1933 = arith.index_cast %get3A_1932 : i32 to index
          %get3A_1934 = arith.index_cast %scan3A_1321 : i32 to index
          %get3A_1935 = arith.constant 32 : index
          %get3A_1936 = tpu.vector_load %arg7[%get3A_1933, %get3A_1934, %get3A_1935] {strides = array<i32>} : memref<26x32x128xf32, #tpu.memory_space<vmem>>, vector<16xf32>,
          %add3A_1937 = arith.addf %add3A_1929, %get3A_1936 : vector<16xf32>
          %mul3A_1938 = arith.mulf %get3A_1936, %get3A_1936 : vector<16xf32>
          %add3A_1939 = arith.addf %add3A_1931, %mul3A_1938 : vector<16xf32>
          %get3A_1940 = arith.constant 22 : i32
          %get3A_1941 = arith.index_cast %get3A_1940 : i32 to index
          %get3A_1942 = arith.index_cast %scan3A_1321 : i32 to index
          %get3A_1943 = arith.constant 32 : index
          %get3A_1944 = tpu.vector_load %arg7[%get3A_1941, %get3A_1942, %get3A_1943] {strides = array<i32>} : memref<26x32x128xf32, #tpu.memory_space<vmem>>, vector<16xf32>,
          %add3A_1945 = arith.addf %add3A_1937, %get3A_1944 : vector<16xf32>
          %mul3A_1946 = arith.mulf %get3A_1944, %get3A_1944 : vector<16xf32>
          %add3A_1947 = arith.addf %add3A_1939, %mul3A_1946 : vector<16xf32>
          %get3A_1948 = arith.constant 23 : i32
          %get3A_1949 = arith.index_cast %get3A_1948 : i32 to index
          %get3A_1950 = arith.index_cast %scan3A_1321 : i32 to index
          %get3A_1951 = arith.constant 32 : index
          %get3A_1952 = tpu.vector_load %arg7[%get3A_1949, %get3A_1950, %get3A_1951] {strides = array<i32>} : memref<26x32x128xf32, #tpu.memory_space<vmem>>, vector<16xf32>,
          %add3A_1953 = arith.addf %add3A_1945, %get3A_1952 : vector<16xf32>
          %mul3A_1954 = arith.mulf %get3A_1952, %get3A_1952 : vector<16xf32>
          %add3A_1955 = arith.addf %add3A_1947, %mul3A_1954 : vector<16xf32>
          %get3A_1956 = arith.constant 24 : i32
          %get3A_1957 = arith.index_cast %get3A_1956 : i32 to index
          %get3A_1958 = arith.index_cast %scan3A_1321 : i32 to index
          %get3A_1959 = arith.constant 32 : index
          %get3A_1960 = tpu.vector_load %arg7[%get3A_1957, %get3A_1958, %get3A_1959] {strides = array<i32>} : memref<26x32x128xf32, #tpu.memory_space<vmem>>, vector<16xf32>,
          %add3A_1961 = arith.addf %add3A_1953, %get3A_1960 : vector<16xf32>
          %mul3A_1962 = arith.mulf %get3A_1960, %get3A_1960 : vector<16xf32>
          %add3A_1963 = arith.addf %add3A_1955, %mul3A_1962 : vector<16xf32>
          %get3A_1964 = arith.constant 25 : i32
          %get3A_1965 = arith.index_cast %get3A_1964 : i32 to index
          %get3A_1966 = arith.index_cast %scan3A_1321 : i32 to index
          %get3A_1967 = arith.constant 32 : index
          %get3A_1968 = tpu.vector_load %arg7[%get3A_1965, %get3A_1966, %get3A_1967] {strides = array<i32>} : memref<26x32x128xf32, #tpu.memory_space<vmem>>, vector<16xf32>,
          %add3A_1969 = arith.addf %add3A_1961, %get3A_1968 : vector<16xf32>
          %mul3A_1970 = arith.mulf %get3A_1968, %get3A_1968 : vector<16xf32>
          %add3A_1971 = arith.addf %add3A_1963, %mul3A_1970 : vector<16xf32>
          %mul3A_1972 = arith.mulf %add3A_1969, %add3A_1969 : vector<16xf32>
          %sub3A_1973 = arith.subf %mul3A_1972, %add3A_1971 : vector<16xf32>
          %mul3A_1974 = arith.constant 5.000000e-01 : f32
          %mul3A_1975 = vector.broadcast %mul3A_1974 : f32 to vector<16xf32>
          %mul3A_1976 = arith.mulf %mul3A_1975, %sub3A_1973 : vector<16xf32>
          %swap3A_1977 = arith.index_cast %scan3A_1321 : i32 to index
          %swap3A_1978 = arith.constant 32 : index
          %swap3A_1979 = tpu.vector_load %arg8[%swap3A_1977, %swap3A_1978] {strides = array<i32>} : memref<32x64xf32, #tpu.memory_space<vmem>>, vector<16xf32>,
          tpu.vector_store %arg8[%swap3A_1977, %swap3A_1978], %mul3A_1976 {strides = array<i32>} : memref<32x64xf32, #tpu.memory_space<vmem>>, vector<16xf32>,
          %broadcast_in_dim3A_1980 = arith.constant 0.000000e+00 : f32
          %broadcast_in_dim3A_1981 = vector.broadcast %broadcast_in_dim3A_1980 : f32 to vector<16xf32>
          %broadcast_in_dim3A_1982 = arith.constant 0.000000e+00 : f32
          %broadcast_in_dim3A_1983 = vector.broadcast %broadcast_in_dim3A_1982 : f32 to vector<16xf32>
          %get3A_1984 = arith.constant 0 : i32
          %get3A_1985 = arith.index_cast %get3A_1984 : i32 to index
          %get3A_1986 = arith.index_cast %scan3A_1321 : i32 to index
          %get3A_1987 = arith.constant 48 : index
          %get3A_1988 = tpu.vector_load %arg7[%get3A_1985, %get3A_1986, %get3A_1987] {strides = array<i32>} : memref<26x32x128xf32, #tpu.memory_space<vmem>>, vector<16xf32>,
          %add3A_1989 = arith.addf %broadcast_in_dim3A_1981, %get3A_1988 : vector<16xf32>
          %mul3A_1990 = arith.mulf %get3A_1988, %get3A_1988 : vector<16xf32>
          %add3A_1991 = arith.addf %broadcast_in_dim3A_1983, %mul3A_1990 : vector<16xf32>
          %get3A_1992 = arith.constant 1 : i32
          %get3A_1993 = arith.index_cast %get3A_1992 : i32 to index
          %get3A_1994 = arith.index_cast %scan3A_1321 : i32 to index
          %get3A_1995 = arith.constant 48 : index
          %get3A_1996 = tpu.vector_load %arg7[%get3A_1993, %get3A_1994, %get3A_1995] {strides = array<i32>} : memref<26x32x128xf32, #tpu.memory_space<vmem>>, vector<16xf32>,
          %add3A_1997 = arith.addf %add3A_1989, %get3A_1996 : vector<16xf32>
          %mul3A_1998 = arith.mulf %get3A_1996, %get3A_1996 : vector<16xf32>
          %add3A_1999 = arith.addf %add3A_1991, %mul3A_1998 : vector<16xf32>
          %get3A_2000 = arith.constant 2 : i32
          %get3A_2001 = arith.index_cast %get3A_2000 : i32 to index
          %get3A_2002 = arith.index_cast %scan3A_1321 : i32 to index
          %get3A_2003 = arith.constant 48 : index
          %get3A_2004 = tpu.vector_load %arg7[%get3A_2001, %get3A_2002, %get3A_2003] {strides = array<i32>} : memref<26x32x128xf32, #tpu.memory_space<vmem>>, vector<16xf32>,
          %add3A_2005 = arith.addf %add3A_1997, %get3A_2004 : vector<16xf32>
          %mul3A_2006 = arith.mulf %get3A_2004, %get3A_2004 : vector<16xf32>
          %add3A_2007 = arith.addf %add3A_1999, %mul3A_2006 : vector<16xf32>
          %get3A_2008 = arith.constant 3 : i32
          %get3A_2009 = arith.index_cast %get3A_2008 : i32 to index
          %get3A_2010 = arith.index_cast %scan3A_1321 : i32 to index
          %get3A_2011 = arith.constant 48 : index
          %get3A_2012 = tpu.vector_load %arg7[%get3A_2009, %get3A_2010, %get3A_2011] {strides = array<i32>} : memref<26x32x128xf32, #tpu.memory_space<vmem>>, vector<16xf32>,
          %add3A_2013 = arith.addf %add3A_2005, %get3A_2012 : vector<16xf32>
          %mul3A_2014 = arith.mulf %get3A_2012, %get3A_2012 : vector<16xf32>
          %add3A_2015 = arith.addf %add3A_2007, %mul3A_2014 : vector<16xf32>
          %get3A_2016 = arith.constant 4 : i32
          %get3A_2017 = arith.index_cast %get3A_2016 : i32 to index
          %get3A_2018 = arith.index_cast %scan3A_1321 : i32 to index
          %get3A_2019 = arith.constant 48 : index
          %get3A_2020 = tpu.vector_load %arg7[%get3A_2017, %get3A_2018, %get3A_2019] {strides = array<i32>} : memref<26x32x128xf32, #tpu.memory_space<vmem>>, vector<16xf32>,
          %add3A_2021 = arith.addf %add3A_2013, %get3A_2020 : vector<16xf32>
          %mul3A_2022 = arith.mulf %get3A_2020, %get3A_2020 : vector<16xf32>
          %add3A_2023 = arith.addf %add3A_2015, %mul3A_2022 : vector<16xf32>
          %get3A_2024 = arith.constant 5 : i32
          %get3A_2025 = arith.index_cast %get3A_2024 : i32 to index
          %get3A_2026 = arith.index_cast %scan3A_1321 : i32 to index
          %get3A_2027 = arith.constant 48 : index
          %get3A_2028 = tpu.vector_load %arg7[%get3A_2025, %get3A_2026, %get3A_2027] {strides = array<i32>} : memref<26x32x128xf32, #tpu.memory_space<vmem>>, vector<16xf32>,
          %add3A_2029 = arith.addf %add3A_2021, %get3A_2028 : vector<16xf32>
          %mul3A_2030 = arith.mulf %get3A_2028, %get3A_2028 : vector<16xf32>
          %add3A_2031 = arith.addf %add3A_2023, %mul3A_2030 : vector<16xf32>
          %get3A_2032 = arith.constant 6 : i32
          %get3A_2033 = arith.index_cast %get3A_2032 : i32 to index
          %get3A_2034 = arith.index_cast %scan3A_1321 : i32 to index
          %get3A_2035 = arith.constant 48 : index
          %get3A_2036 = tpu.vector_load %arg7[%get3A_2033, %get3A_2034, %get3A_2035] {strides = array<i32>} : memref<26x32x128xf32, #tpu.memory_space<vmem>>, vector<16xf32>,
          %add3A_2037 = arith.addf %add3A_2029, %get3A_2036 : vector<16xf32>
          %mul3A_2038 = arith.mulf %get3A_2036, %get3A_2036 : vector<16xf32>
          %add3A_2039 = arith.addf %add3A_2031, %mul3A_2038 : vector<16xf32>
          %get3A_2040 = arith.constant 7 : i32
          %get3A_2041 = arith.index_cast %get3A_2040 : i32 to index
          %get3A_2042 = arith.index_cast %scan3A_1321 : i32 to index
          %get3A_2043 = arith.constant 48 : index
          %get3A_2044 = tpu.vector_load %arg7[%get3A_2041, %get3A_2042, %get3A_2043] {strides = array<i32>} : memref<26x32x128xf32, #tpu.memory_space<vmem>>, vector<16xf32>,
          %add3A_2045 = arith.addf %add3A_2037, %get3A_2044 : vector<16xf32>
          %mul3A_2046 = arith.mulf %get3A_2044, %get3A_2044 : vector<16xf32>
          %add3A_2047 = arith.addf %add3A_2039, %mul3A_2046 : vector<16xf32>
          %get3A_2048 = arith.constant 8 : i32
          %get3A_2049 = arith.index_cast %get3A_2048 : i32 to index
          %get3A_2050 = arith.index_cast %scan3A_1321 : i32 to index
          %get3A_2051 = arith.constant 48 : index
          %get3A_2052 = tpu.vector_load %arg7[%get3A_2049, %get3A_2050, %get3A_2051] {strides = array<i32>} : memref<26x32x128xf32, #tpu.memory_space<vmem>>, vector<16xf32>,
          %add3A_2053 = arith.addf %add3A_2045, %get3A_2052 : vector<16xf32>
          %mul3A_2054 = arith.mulf %get3A_2052, %get3A_2052 : vector<16xf32>
          %add3A_2055 = arith.addf %add3A_2047, %mul3A_2054 : vector<16xf32>
          %get3A_2056 = arith.constant 9 : i32
          %get3A_2057 = arith.index_cast %get3A_2056 : i32 to index
          %get3A_2058 = arith.index_cast %scan3A_1321 : i32 to index
          %get3A_2059 = arith.constant 48 : index
          %get3A_2060 = tpu.vector_load %arg7[%get3A_2057, %get3A_2058, %get3A_2059] {strides = array<i32>} : memref<26x32x128xf32, #tpu.memory_space<vmem>>, vector<16xf32>,
          %add3A_2061 = arith.addf %add3A_2053, %get3A_2060 : vector<16xf32>
          %mul3A_2062 = arith.mulf %get3A_2060, %get3A_2060 : vector<16xf32>
          %add3A_2063 = arith.addf %add3A_2055, %mul3A_2062 : vector<16xf32>
          %get3A_2064 = arith.constant 10 : i32
          %get3A_2065 = arith.index_cast %get3A_2064 : i32 to index
          %get3A_2066 = arith.index_cast %scan3A_1321 : i32 to index
          %get3A_2067 = arith.constant 48 : index
          %get3A_2068 = tpu.vector_load %arg7[%get3A_2065, %get3A_2066, %get3A_2067] {strides = array<i32>} : memref<26x32x128xf32, #tpu.memory_space<vmem>>, vector<16xf32>,
          %add3A_2069 = arith.addf %add3A_2061, %get3A_2068 : vector<16xf32>
          %mul3A_2070 = arith.mulf %get3A_2068, %get3A_2068 : vector<16xf32>
          %add3A_2071 = arith.addf %add3A_2063, %mul3A_2070 : vector<16xf32>
          %get3A_2072 = arith.constant 11 : i32
          %get3A_2073 = arith.index_cast %get3A_2072 : i32 to index
          %get3A_2074 = arith.index_cast %scan3A_1321 : i32 to index
          %get3A_2075 = arith.constant 48 : index
          %get3A_2076 = tpu.vector_load %arg7[%get3A_2073, %get3A_2074, %get3A_2075] {strides = array<i32>} : memref<26x32x128xf32, #tpu.memory_space<vmem>>, vector<16xf32>,
          %add3A_2077 = arith.addf %add3A_2069, %get3A_2076 : vector<16xf32>
          %mul3A_2078 = arith.mulf %get3A_2076, %get3A_2076 : vector<16xf32>
          %add3A_2079 = arith.addf %add3A_2071, %mul3A_2078 : vector<16xf32>
          %get3A_2080 = arith.constant 12 : i32
          %get3A_2081 = arith.index_cast %get3A_2080 : i32 to index
          %get3A_2082 = arith.index_cast %scan3A_1321 : i32 to index
          %get3A_2083 = arith.constant 48 : index
          %get3A_2084 = tpu.vector_load %arg7[%get3A_2081, %get3A_2082, %get3A_2083] {strides = array<i32>} : memref<26x32x128xf32, #tpu.memory_space<vmem>>, vector<16xf32>,
          %add3A_2085 = arith.addf %add3A_2077, %get3A_2084 : vector<16xf32>
          %mul3A_2086 = arith.mulf %get3A_2084, %get3A_2084 : vector<16xf32>
          %add3A_2087 = arith.addf %add3A_2079, %mul3A_2086 : vector<16xf32>
          %get3A_2088 = arith.constant 13 : i32
          %get3A_2089 = arith.index_cast %get3A_2088 : i32 to index
          %get3A_2090 = arith.index_cast %scan3A_1321 : i32 to index
          %get3A_2091 = arith.constant 48 : index
          %get3A_2092 = tpu.vector_load %arg7[%get3A_2089, %get3A_2090, %get3A_2091] {strides = array<i32>} : memref<26x32x128xf32, #tpu.memory_space<vmem>>, vector<16xf32>,
          %add3A_2093 = arith.addf %add3A_2085, %get3A_2092 : vector<16xf32>
          %mul3A_2094 = arith.mulf %get3A_2092, %get3A_2092 : vector<16xf32>
          %add3A_2095 = arith.addf %add3A_2087, %mul3A_2094 : vector<16xf32>
          %get3A_2096 = arith.constant 14 : i32
          %get3A_2097 = arith.index_cast %get3A_2096 : i32 to index
          %get3A_2098 = arith.index_cast %scan3A_1321 : i32 to index
          %get3A_2099 = arith.constant 48 : index
          %get3A_2100 = tpu.vector_load %arg7[%get3A_2097, %get3A_2098, %get3A_2099] {strides = array<i32>} : memref<26x32x128xf32, #tpu.memory_space<vmem>>, vector<16xf32>,
          %add3A_2101 = arith.addf %add3A_2093, %get3A_2100 : vector<16xf32>
          %mul3A_2102 = arith.mulf %get3A_2100, %get3A_2100 : vector<16xf32>
          %add3A_2103 = arith.addf %add3A_2095, %mul3A_2102 : vector<16xf32>
          %get3A_2104 = arith.constant 15 : i32
          %get3A_2105 = arith.index_cast %get3A_2104 : i32 to index
          %get3A_2106 = arith.index_cast %scan3A_1321 : i32 to index
          %get3A_2107 = arith.constant 48 : index
          %get3A_2108 = tpu.vector_load %arg7[%get3A_2105, %get3A_2106, %get3A_2107] {strides = array<i32>} : memref<26x32x128xf32, #tpu.memory_space<vmem>>, vector<16xf32>,
          %add3A_2109 = arith.addf %add3A_2101, %get3A_2108 : vector<16xf32>
          %mul3A_2110 = arith.mulf %get3A_2108, %get3A_2108 : vector<16xf32>
          %add3A_2111 = arith.addf %add3A_2103, %mul3A_2110 : vector<16xf32>
          %get3A_2112 = arith.constant 16 : i32
          %get3A_2113 = arith.index_cast %get3A_2112 : i32 to index
          %get3A_2114 = arith.index_cast %scan3A_1321 : i32 to index
          %get3A_2115 = arith.constant 48 : index
          %get3A_2116 = tpu.vector_load %arg7[%get3A_2113, %get3A_2114, %get3A_2115] {strides = array<i32>} : memref<26x32x128xf32, #tpu.memory_space<vmem>>, vector<16xf32>,
          %add3A_2117 = arith.addf %add3A_2109, %get3A_2116 : vector<16xf32>
          %mul3A_2118 = arith.mulf %get3A_2116, %get3A_2116 : vector<16xf32>
          %add3A_2119 = arith.addf %add3A_2111, %mul3A_2118 : vector<16xf32>
          %get3A_2120 = arith.constant 17 : i32
          %get3A_2121 = arith.index_cast %get3A_2120 : i32 to index
          %get3A_2122 = arith.index_cast %scan3A_1321 : i32 to index
          %get3A_2123 = arith.constant 48 : index
          %get3A_2124 = tpu.vector_load %arg7[%get3A_2121, %get3A_2122, %get3A_2123] {strides = array<i32>} : memref<26x32x128xf32, #tpu.memory_space<vmem>>, vector<16xf32>,
          %add3A_2125 = arith.addf %add3A_2117, %get3A_2124 : vector<16xf32>
          %mul3A_2126 = arith.mulf %get3A_2124, %get3A_2124 : vector<16xf32>
          %add3A_2127 = arith.addf %add3A_2119, %mul3A_2126 : vector<16xf32>
          %get3A_2128 = arith.constant 18 : i32
          %get3A_2129 = arith.index_cast %get3A_2128 : i32 to index
          %get3A_2130 = arith.index_cast %scan3A_1321 : i32 to index
          %get3A_2131 = arith.constant 48 : index
          %get3A_2132 = tpu.vector_load %arg7[%get3A_2129, %get3A_2130, %get3A_2131] {strides = array<i32>} : memref<26x32x128xf32, #tpu.memory_space<vmem>>, vector<16xf32>,
          %add3A_2133 = arith.addf %add3A_2125, %get3A_2132 : vector<16xf32>
          %mul3A_2134 = arith.mulf %get3A_2132, %get3A_2132 : vector<16xf32>
          %add3A_2135 = arith.addf %add3A_2127, %mul3A_2134 : vector<16xf32>
          %get3A_2136 = arith.constant 19 : i32
          %get3A_2137 = arith.index_cast %get3A_2136 : i32 to index
          %get3A_2138 = arith.index_cast %scan3A_1321 : i32 to index
          %get3A_2139 = arith.constant 48 : index
          %get3A_2140 = tpu.vector_load %arg7[%get3A_2137, %get3A_2138, %get3A_2139] {strides = array<i32>} : memref<26x32x128xf32, #tpu.memory_space<vmem>>, vector<16xf32>,
          %add3A_2141 = arith.addf %add3A_2133, %get3A_2140 : vector<16xf32>
          %mul3A_2142 = arith.mulf %get3A_2140, %get3A_2140 : vector<16xf32>
          %add3A_2143 = arith.addf %add3A_2135, %mul3A_2142 : vector<16xf32>
          %get3A_2144 = arith.constant 20 : i32
          %get3A_2145 = arith.index_cast %get3A_2144 : i32 to index
          %get3A_2146 = arith.index_cast %scan3A_1321 : i32 to index
          %get3A_2147 = arith.constant 48 : index
          %get3A_2148 = tpu.vector_load %arg7[%get3A_2145, %get3A_2146, %get3A_2147] {strides = array<i32>} : memref<26x32x128xf32, #tpu.memory_space<vmem>>, vector<16xf32>,
          %add3A_2149 = arith.addf %add3A_2141, %get3A_2148 : vector<16xf32>
          %mul3A_2150 = arith.mulf %get3A_2148, %get3A_2148 : vector<16xf32>
          %add3A_2151 = arith.addf %add3A_2143, %mul3A_2150 : vector<16xf32>
          %get3A_2152 = arith.constant 21 : i32
          %get3A_2153 = arith.index_cast %get3A_2152 : i32 to index
          %get3A_2154 = arith.index_cast %scan3A_1321 : i32 to index
          %get3A_2155 = arith.constant 48 : index
          %get3A_2156 = tpu.vector_load %arg7[%get3A_2153, %get3A_2154, %get3A_2155] {strides = array<i32>} : memref<26x32x128xf32, #tpu.memory_space<vmem>>, vector<16xf32>,
          %add3A_2157 = arith.addf %add3A_2149, %get3A_2156 : vector<16xf32>
          %mul3A_2158 = arith.mulf %get3A_2156, %get3A_2156 : vector<16xf32>
          %add3A_2159 = arith.addf %add3A_2151, %mul3A_2158 : vector<16xf32>
          %get3A_2160 = arith.constant 22 : i32
          %get3A_2161 = arith.index_cast %get3A_2160 : i32 to index
          %get3A_2162 = arith.index_cast %scan3A_1321 : i32 to index
          %get3A_2163 = arith.constant 48 : index
          %get3A_2164 = tpu.vector_load %arg7[%get3A_2161, %get3A_2162, %get3A_2163] {strides = array<i32>} : memref<26x32x128xf32, #tpu.memory_space<vmem>>, vector<16xf32>,
          %add3A_2165 = arith.addf %add3A_2157, %get3A_2164 : vector<16xf32>
          %mul3A_2166 = arith.mulf %get3A_2164, %get3A_2164 : vector<16xf32>
          %add3A_2167 = arith.addf %add3A_2159, %mul3A_2166 : vector<16xf32>
          %get3A_2168 = arith.constant 23 : i32
          %get3A_2169 = arith.index_cast %get3A_2168 : i32 to index
          %get3A_2170 = arith.index_cast %scan3A_1321 : i32 to index
          %get3A_2171 = arith.constant 48 : index
          %get3A_2172 = tpu.vector_load %arg7[%get3A_2169, %get3A_2170, %get3A_2171] {strides = array<i32>} : memref<26x32x128xf32, #tpu.memory_space<vmem>>, vector<16xf32>,
          %add3A_2173 = arith.addf %add3A_2165, %get3A_2172 : vector<16xf32>
          %mul3A_2174 = arith.mulf %get3A_2172, %get3A_2172 : vector<16xf32>
          %add3A_2175 = arith.addf %add3A_2167, %mul3A_2174 : vector<16xf32>
          %get3A_2176 = arith.constant 24 : i32
          %get3A_2177 = arith.index_cast %get3A_2176 : i32 to index
          %get3A_2178 = arith.index_cast %scan3A_1321 : i32 to index
          %get3A_2179 = arith.constant 48 : index
          %get3A_2180 = tpu.vector_load %arg7[%get3A_2177, %get3A_2178, %get3A_2179] {strides = array<i32>} : memref<26x32x128xf32, #tpu.memory_space<vmem>>, vector<16xf32>,
          %add3A_2181 = arith.addf %add3A_2173, %get3A_2180 : vector<16xf32>
          %mul3A_2182 = arith.mulf %get3A_2180, %get3A_2180 : vector<16xf32>
          %add3A_2183 = arith.addf %add3A_2175, %mul3A_2182 : vector<16xf32>
          %get3A_2184 = arith.constant 25 : i32
          %get3A_2185 = arith.index_cast %get3A_2184 : i32 to index
          %get3A_2186 = arith.index_cast %scan3A_1321 : i32 to index
          %get3A_2187 = arith.constant 48 : index
          %get3A_2188 = tpu.vector_load %arg7[%get3A_2185, %get3A_2186, %get3A_2187] {strides = array<i32>} : memref<26x32x128xf32, #tpu.memory_space<vmem>>, vector<16xf32>,
          %add3A_2189 = arith.addf %add3A_2181, %get3A_2188 : vector<16xf32>
          %mul3A_2190 = arith.mulf %get3A_2188, %get3A_2188 : vector<16xf32>
          %add3A_2191 = arith.addf %add3A_2183, %mul3A_2190 : vector<16xf32>
          %mul3A_2192 = arith.mulf %add3A_2189, %add3A_2189 : vector<16xf32>
          %sub3A_2193 = arith.subf %mul3A_2192, %add3A_2191 : vector<16xf32>
          %mul3A_2194 = arith.constant 5.000000e-01 : f32
          %mul3A_2195 = vector.broadcast %mul3A_2194 : f32 to vector<16xf32>
          %mul3A_2196 = arith.mulf %mul3A_2195, %sub3A_2193 : vector<16xf32>
          %swap3A_2197 = arith.index_cast %scan3A_1321 : i32 to index
          %swap3A_2198 = arith.constant 48 : index
          %swap3A_2199 = tpu.vector_load %arg8[%swap3A_2197, %swap3A_2198] {strides = array<i32>} : memref<32x64xf32, #tpu.memory_space<vmem>>, vector<16xf32>,
          tpu.vector_store %arg8[%swap3A_2197, %swap3A_2198], %mul3A_2196 {strides = array<i32>} : memref<32x64xf32, #tpu.memory_space<vmem>>, vector<16xf32>,
        }
        %scan3A_1320 = arith.constant 32 : i32
        "tpu.region"() ({
          %run_scoped3A = tpu.sem_alloc : memref<!tpu.dma_semaphore, #tpu.memory_space<semaphore_mem>>
          %dma_start3A_1321 = arith.constant 0 : i32
          %dma_start3A_1322 = tpu.memref_slice %arg4[%add3A_19, %dma_start3A_1321] : memref<16384x64xf32, #tpu.memory_space<hbm>> -> memref<32x64xf32, #tpu.memory_space<hbm>>
          %dma_start3A_1323 = arith.constant 0 : i32
          %dma_start3A_1324 = tpu.memref_slice %arg4[%add3A_19, %dma_start3A_1323] : memref<16384x64xf32, #tpu.memory_space<hbm>> -> memref<32x64xf32, #tpu.memory_space<hbm>>
          tpu.enqueue_dma source(%arg8 : memref<32x64xf32, #tpu.memory_space<vmem>>) target(%dma_start3A_1324 : memref<32x64xf32, #tpu.memory_space<hbm>>) target_semaphore(%run_scoped3A : memref<!tpu.dma_semaphore, #tpu.memory_space<semaphore_mem>>)
          %dma_wait3A_1325 = arith.constant 0 : i32
          %dma_wait3A_1326 = tpu.memref_slice %arg4[%add3A_19, %dma_wait3A_1325] : memref<16384x64xf32, #tpu.memory_space<hbm>> -> memref<32x64xf32, #tpu.memory_space<hbm>>
          %dma_wait3A_1327 = arith.constant 0 : i32
          %dma_wait3A_1328 = tpu.memref_slice %arg4[%add3A_19, %dma_wait3A_1327] : memref<16384x64xf32, #tpu.memory_space<hbm>> -> memref<32x64xf32, #tpu.memory_space<hbm>>
          tpu.wait_dma2 semaphore(%run_scoped3A : memref<!tpu.dma_semaphore, #tpu.memory_space<semaphore_mem>>) src(%arg8 : memref<32x64xf32, #tpu.memory_space<vmem>>) dst(%dma_wait3A_1328 : memref<32x64xf32, #tpu.memory_space<hbm>>)
          tpu.yield
        }) : () -> ()
      }
      %scan3A_15 = arith.constant 8 : i32
    }
    %scan3A_6 = arith.constant 2 : i32
    return
  }
}

module attributes {stable_mosaic.version = 14 : i64} {
  func.func @body(%arg0: i32, %arg1: i32, %arg2: memref<1x64x16384xf32, #tpu.memory_space<vmem>>, %arg3: memref<1x16384x128xf32, #tpu.memory_space<vmem>>) attributes {dimension_semantics = [#tpu.dimension_semantics<arbitrary>, #tpu.dimension_semantics<arbitrary>], iteration_bounds = array<i64: 26, 7>, scalar_prefetch = 0 : i64, scratch_operands = 0 : i64, tpu.core_type = #tpu.core_type<tc>, window_params = [{transform_indices = @transform_0, window_bounds = array<i64: 1, 64, 16384>}, {transform_indices = @transform_1, window_bounds = array<i64: 1, 16384, 128>}]} {
    %get3A = arith.constant 0 : index
    %get3A_0 = arith.constant 0 : index
    %get3A_1 = arith.constant 0 : index
    %get3A_2 = vector.load %arg2[%get3A, %get3A_0, %get3A_1] : memref<1x64x16384xf32, #tpu.memory_space<vmem>>, vector<1x64x16384xf32>
    %get3A_3 = vector.shape_cast %get3A_2 : vector<1x64x16384xf32> to vector<64x16384xf32>
    %transpose3A = tpu.transpose %get3A_3, [1, 0] : vector<64x16384xf32> -> vector<16384x64xf32>
    %concatenate3A = tpu.concatenate %transpose3A, %transpose3A in 1 : vector<16384x64xf32>, vector<16384x64xf32> -> vector<16384x128xf32>
    %swap3A = arith.constant 0 : index
    %swap3A_4 = arith.constant 0 : index
    %swap3A_5 = arith.constant 0 : index
    %swap3A_6 = vector.load %arg3[%swap3A, %swap3A_4, %swap3A_5] : memref<1x16384x128xf32, #tpu.memory_space<vmem>>, vector<1x16384x128xf32>
    %swap3A_7 = vector.shape_cast %swap3A_6 : vector<1x16384x128xf32> to vector<16384x128xf32>
    %swap3A_8 = vector.shape_cast %concatenate3A : vector<16384x128xf32> to vector<1x16384x128xf32>
    tpu.vector_store %arg3[%swap3A, %swap3A_4, %swap3A_5], %swap3A_8 {strides = array<i32>} : memref<1x16384x128xf32, #tpu.memory_space<vmem>>, vector<1x16384x128xf32>,
    return
  }
  func.func @transform_0(%arg0: i32, %arg1: i32) -> (i32, i32, i32) {
    %c0_i32 = arith.constant 0 : i32
    %c0_i32_0 = arith.constant 0 : i32
    return %arg0, %c0_i32, %arg1 : i32, i32, i32
  }
  func.func @transform_1(%arg0: i32, %arg1: i32) -> (i32, i32, i32) {
    %c0_i32 = arith.constant 0 : i32
    %c0_i32_0 = arith.constant 0 : i32
    return %arg0, %arg1, %c0_i32 : i32, i32, i32
  }
}

module attributes {stable_mosaic.version = 14 : i64} {
  func.func @body(%arg0: i32, %arg1: memref<512x64xf32, #tpu.memory_space<vmem>>, %arg2: memref<512x26xi32, #tpu.memory_space<vmem>>, %arg3: memref<64x256xf32, #tpu.memory_space<vmem>>, %arg4: memref<1x256xf32, #tpu.memory_space<vmem>>, %arg5: memref<256x128xf32, #tpu.memory_space<vmem>>, %arg6: memref<1x128xf32, #tpu.memory_space<vmem>>, %arg7: memref<1x128xf32, #tpu.memory_space<vmem>>, %arg8: memref<1x1xf32, #tpu.memory_space<vmem>>, %arg9: memref<26x1xf32, #tpu.memory_space<vmem>>, %arg10: memref<1x1xf32, #tpu.memory_space<vmem>>, %arg11: memref<512x1xf32, #tpu.memory_space<vmem>>) attributes {dimension_semantics = [#tpu.dimension_semantics<arbitrary>], iteration_bounds = array<i64: 32>, scalar_prefetch = 0 : i64, scratch_operands = 0 : i64, tpu.core_type = #tpu.core_type<tc>, window_params = [{transform_indices = @transform_0, window_bounds = array<i64: 512, 64>}, {transform_indices = @transform_1, window_bounds = array<i64: 512, 26>}, {pipeline_mode = #tpu.pipeline_mode<synchronous>, transform_indices = @transform_2, window_bounds = array<i64: 64, 256>}, {pipeline_mode = #tpu.pipeline_mode<synchronous>, transform_indices = @transform_3, window_bounds = array<i64: 1, 256>}, {pipeline_mode = #tpu.pipeline_mode<synchronous>, transform_indices = @transform_4, window_bounds = array<i64: 256, 128>}, {pipeline_mode = #tpu.pipeline_mode<synchronous>, transform_indices = @transform_5, window_bounds = array<i64: 1, 128>}, {pipeline_mode = #tpu.pipeline_mode<synchronous>, transform_indices = @transform_6, window_bounds = array<i64: 1, 128>}, {pipeline_mode = #tpu.pipeline_mode<synchronous>, transform_indices = @transform_7, window_bounds = array<i64: 1, 1>}, {pipeline_mode = #tpu.pipeline_mode<synchronous>, transform_indices = @transform_8, window_bounds = array<i64: 26, 1>}, {pipeline_mode = #tpu.pipeline_mode<synchronous>, transform_indices = @transform_9, window_bounds = array<i64: 1, 1>}, {transform_indices = @transform_10, window_bounds = array<i64: 512, 1>}]} {
    %get3A = arith.constant 0 : index
    %get3A_0 = arith.constant 0 : index
    %get3A_1 = vector.load %arg1[%get3A, %get3A_0] : memref<512x64xf32, #tpu.memory_space<vmem>>, vector<512x64xf32>
    %get3A_2 = arith.constant 0 : index
    %get3A_3 = arith.constant 0 : index
    %get3A_4 = vector.load %arg3[%get3A_2, %get3A_3] : memref<64x256xf32, #tpu.memory_space<vmem>>, vector<64x256xf32>
    %dot_general3A = arith.constant dense<0.000000e+00> : vector<512x256xf32>
    %dot_general3A_5 = tpu.matmul %get3A_1, %get3A_4, %dot_general3A {dimension_numbers = #tpu.dot_dimension_numbers<[1], [0], [0], [1], [0, 0, 1, 1], [], []>, transpose_lhs_hint = false} : vector<512x64xf32>, vector<64x256xf32>, vector<512x256xf32> -> vector<512x256xf32>
    %get3A_6 = arith.constant 0 : index
    %get3A_7 = arith.constant 0 : index
    %get3A_8 = vector.load %arg4[%get3A_6, %get3A_7] : memref<1x256xf32, #tpu.memory_space<vmem>>, vector<1x256xf32>
    %add3A = vector.broadcast %get3A_8 : vector<1x256xf32> to vector<512x256xf32>
    %add3A_9 = arith.addf %dot_general3A_5, %add3A : vector<512x256xf32>
    %max3A = arith.constant 0.000000e+00 : f32
    %max3A_10 = vector.broadcast %max3A : f32 to vector<512x256xf32>
    %max3A_11 = arith.maximumf %add3A_9, %max3A_10 : vector<512x256xf32>
    %get3A_12 = arith.constant 0 : index
    %get3A_13 = arith.constant 0 : index
    %get3A_14 = vector.load %arg5[%get3A_12, %get3A_13] : memref<256x128xf32, #tpu.memory_space<vmem>>, vector<256x128xf32>
    %dot_general3A_15 = arith.constant dense<0.000000e+00> : vector<512x128xf32>
    %dot_general3A_16 = tpu.matmul %max3A_11, %get3A_14, %dot_general3A_15 {dimension_numbers = #tpu.dot_dimension_numbers<[1], [0], [0], [1], [0, 0, 1, 1], [], []>, transpose_lhs_hint = false} : vector<512x256xf32>, vector<256x128xf32>, vector<512x128xf32> -> vector<512x128xf32>
    %get3A_17 = arith.constant 0 : index
    %get3A_18 = arith.constant 0 : index
    %get3A_19 = vector.load %arg6[%get3A_17, %get3A_18] : memref<1x128xf32, #tpu.memory_space<vmem>>, vector<1x128xf32>
    %add3A_20 = vector.broadcast %get3A_19 : vector<1x128xf32> to vector<512x128xf32>
    %add3A_21 = arith.addf %dot_general3A_16, %add3A_20 : vector<512x128xf32>
    %max3A_22 = arith.constant 0.000000e+00 : f32
    %max3A_23 = vector.broadcast %max3A_22 : f32 to vector<512x128xf32>
    %max3A_24 = arith.maximumf %add3A_21, %max3A_23 : vector<512x128xf32>
    %get3A_25 = arith.constant 0 : index
    %get3A_26 = arith.constant 0 : index
    %get3A_27 = vector.load %arg7[%get3A_25, %get3A_26] : memref<1x128xf32, #tpu.memory_space<vmem>>, vector<1x128xf32>
    %mul3A = vector.broadcast %get3A_27 : vector<1x128xf32> to vector<512x128xf32>
    %mul3A_28 = arith.mulf %max3A_24, %mul3A : vector<512x128xf32>
    %reduce_sum3A = arith.constant dense<0.000000e+00> : vector<512xf32>
    %reduce_sum3A_29 = vector.multi_reduction <add>, %mul3A_28, %reduce_sum3A [1] : vector<512x128xf32> to vector<512xf32>
    %broadcast_in_dim3A = vector.shape_cast %reduce_sum3A_29 : vector<512xf32> to vector<512x1xf32>
    %get3A_30 = arith.constant 0 : index
    %get3A_31 = arith.constant 0 : index
    %get3A_32 = vector.load %arg2[%get3A_30, %get3A_31] : memref<512x26xi32, #tpu.memory_space<vmem>>, vector<512x26xi32>
    %convert_element_type3A = arith.sitofp %get3A_32 : vector<512x26xi32> to vector<512x26xf32>
    %get3A_33 = arith.constant 0 : index
    %get3A_34 = arith.constant 0 : index
    %get3A_35 = vector.load %arg9[%get3A_33, %get3A_34] : memref<26x1xf32, #tpu.memory_space<vmem>>, vector<26x1xf32>
    %dot_general3A_36 = arith.constant dense<0.000000e+00> : vector<512x1xf32>
    %dot_general3A_37 = tpu.matmul %convert_element_type3A, %get3A_35, %dot_general3A_36 {dimension_numbers = #tpu.dot_dimension_numbers<[1], [0], [0], [1], [0, 0, 1, 1], [], []>, transpose_lhs_hint = false} : vector<512x26xf32>, vector<26x1xf32>, vector<512x1xf32> -> vector<512x1xf32>
    %add3A_38 = arith.addf %dot_general3A_37, %broadcast_in_dim3A : vector<512x1xf32>
    %get3A_39 = arith.constant 0 : index
    %get3A_40 = arith.constant 0 : index
    %get3A_41 = vector.load %arg8[%get3A_39, %get3A_40] : memref<1x1xf32, #tpu.memory_space<vmem>>, vector<1x1xf32>
    %get3A_42 = vector.extract %get3A_41[0, 0] : f32 from vector<1x1xf32>
    %add3A_43 = vector.broadcast %get3A_42 : f32 to vector<512x1xf32>
    %add3A_44 = arith.addf %add3A_38, %add3A_43 : vector<512x1xf32>
    %get3A_45 = arith.constant 0 : index
    %get3A_46 = arith.constant 0 : index
    %get3A_47 = vector.load %arg10[%get3A_45, %get3A_46] : memref<1x1xf32, #tpu.memory_space<vmem>>, vector<1x1xf32>
    %get3A_48 = vector.extract %get3A_47[0, 0] : f32 from vector<1x1xf32>
    %add3A_49 = vector.broadcast %get3A_48 : f32 to vector<512x1xf32>
    %add3A_50 = arith.addf %add3A_44, %add3A_49 : vector<512x1xf32>
    %logistic3A = arith.negf %add3A_50 : vector<512x1xf32>
    %logistic3A_51 = math.exp %logistic3A : vector<512x1xf32>
    %logistic3A_52 = arith.constant 1.000000e+00 : f32
    %logistic3A_53 = vector.broadcast %logistic3A_52 : f32 to vector<512x1xf32>
    %logistic3A_54 = arith.addf %logistic3A_53, %logistic3A_51 : vector<512x1xf32>
    %logistic3A_55 = arith.divf %logistic3A_53, %logistic3A_54 : vector<512x1xf32>
    %swap3A = arith.constant 0 : index
    %swap3A_56 = arith.constant 0 : index
    %swap3A_57 = vector.load %arg11[%swap3A, %swap3A_56] : memref<512x1xf32, #tpu.memory_space<vmem>>, vector<512x1xf32>
    tpu.vector_store %arg11[%swap3A, %swap3A_56], %logistic3A_55 {strides = array<i32>} : memref<512x1xf32, #tpu.memory_space<vmem>>, vector<512x1xf32>,
    return
  }
  func.func @transform_0(%arg0: i32) -> (i32, i32) {
    %c0_i32 = arith.constant 0 : i32
    %c0_i32_0 = arith.constant 0 : i32
    return %arg0, %c0_i32 : i32, i32
  }
  func.func @transform_1(%arg0: i32) -> (i32, i32) {
    %c0_i32 = arith.constant 0 : i32
    %c0_i32_0 = arith.constant 0 : i32
    return %arg0, %c0_i32 : i32, i32
  }
  func.func @transform_2(%arg0: i32) -> (i32, i32) {
    %c0_i32 = arith.constant 0 : i32
    %c0_i32_0 = arith.constant 0 : i32
    %c0_i32_1 = arith.constant 0 : i32
    return %c0_i32, %c0_i32_0 : i32, i32
  }
  func.func @transform_3(%arg0: i32) -> (i32, i32) {
    %c0_i32 = arith.constant 0 : i32
    %c0_i32_0 = arith.constant 0 : i32
    %c0_i32_1 = arith.constant 0 : i32
    return %c0_i32, %c0_i32_0 : i32, i32
  }
  func.func @transform_4(%arg0: i32) -> (i32, i32) {
    %c0_i32 = arith.constant 0 : i32
    %c0_i32_0 = arith.constant 0 : i32
    %c0_i32_1 = arith.constant 0 : i32
    return %c0_i32, %c0_i32_0 : i32, i32
  }
  func.func @transform_5(%arg0: i32) -> (i32, i32) {
    %c0_i32 = arith.constant 0 : i32
    %c0_i32_0 = arith.constant 0 : i32
    %c0_i32_1 = arith.constant 0 : i32
    return %c0_i32, %c0_i32_0 : i32, i32
  }
  func.func @transform_6(%arg0: i32) -> (i32, i32) {
    %c0_i32 = arith.constant 0 : i32
    %c0_i32_0 = arith.constant 0 : i32
    %c0_i32_1 = arith.constant 0 : i32
    return %c0_i32, %c0_i32_0 : i32, i32
  }
  func.func @transform_7(%arg0: i32) -> (i32, i32) {
    %c0_i32 = arith.constant 0 : i32
    %c0_i32_0 = arith.constant 0 : i32
    %c0_i32_1 = arith.constant 0 : i32
    return %c0_i32, %c0_i32_0 : i32, i32
  }
  func.func @transform_8(%arg0: i32) -> (i32, i32) {
    %c0_i32 = arith.constant 0 : i32
    %c0_i32_0 = arith.constant 0 : i32
    %c0_i32_1 = arith.constant 0 : i32
    return %c0_i32, %c0_i32_0 : i32, i32
  }
  func.func @transform_9(%arg0: i32) -> (i32, i32) {
    %c0_i32 = arith.constant 0 : i32
    %c0_i32_0 = arith.constant 0 : i32
    %c0_i32_1 = arith.constant 0 : i32
    return %c0_i32, %c0_i32_0 : i32, i32
  }
  func.func @transform_10(%arg0: i32) -> (i32, i32) {
    %c0_i32 = arith.constant 0 : i32
    %c0_i32_0 = arith.constant 0 : i32
    return %arg0, %c0_i32 : i32, i32
  }
}

</mosaic_0001>

<sc_bundles>
// kernel: kernel.5.cloned.1.call-start
scs
__scs_entry_jumppad:
0x0: {  	(pc) =	sbr.rel $0x88, $3  }
0x1: {  	(tag) =	ssettag $0x0;
	lr =	simm.s32 $0x1  }
0x2: {  	[smem:$0x3F97] =	sst lr;
	_ =	strace $0xD0000000  }
0x3: {  	_ = 	snop  }
0x4: {  	_ = 	snop  }
0x5: {  	_ = 	snop  }
0x6: {  	_ = 	snop  }
0x7: {  	_ = 	snop  }
__scs_overlays_trampoline_lowered:
0x8: {  	[smem:$0x3FA6] =	sst s0  }
0x9: {  	[smem:$0x3FA7] =	sst s1  }
0xa: {  	[smem:$0x3FA8] =	sst s2  }
0xb: {  	[smem:$0x3FA9] =	sst s3  }
0xc: {  	[smem:$0x3FAA] =	sst s4  }
0xd: {  	[smem:$0x3FAB] =	sst s5  }
0xe: {  	[smem:$0x3FAC] =	sst s6  }
0xf: {  	[smem:$0x3FAD] =	sst s7  }
0x10: {  	[smem:$0x3FAE] =	sst s8  }
0x11: {  	[smem:$0x3FAF] =	sst s9;
	s0 =	simm.s32 @!p0 $0x0  }
0x12: {  	s1 =	sld [smem:$0x3F95];
	s0 =	simm.s32 @p0 $0x1  }
0x13: {  	[smem:$0x3FB0] =	sst s0;
	s0 =	simm.s32 @!p1 $0x0  }
0x14: {  	s2 =	sld [smem:$0x3F94];
	s0 =	simm.s32 @p1 $0x1  }
0x15: {  	[smem:$0x3FB1] =	sst s0;
	s0 =	simm.s32 @!p2 $0x0  }
0x16: {  	s3 =	sld [smem:$0x3FDB];
	s0 =	simm.s32 @p2 $0x1  }
0x17: {  	s4 =	simm.s32 $0x1BF5;
	[smem:$0x3FB3] =	sst s0  }
0x18: {  	s0 =	sld [smem:$0x3F96];
	_ =	swait.ge [sflag:s4], $0x0  }
0x19: {  	s7 =	sld [smem:$0x3F97]  }
0x1a: {  	s8 =	sadd.s32 $0xFFFFE003, lr  }
0x1b: {  	s9 =	sadd.s32 $0xFFFFFEF7, lr;
	s5 =	simm.s32 $0xFFFFFFFF;
	p2 =	slt.u32 s8, $0xFFFFF086  }
0x1c: {  	p1 =	slt.u32 s9, $0xF7A;
	s5 =	simm.s32 @!p2 $0x0  }
0x1d: {  	s5 =	simm.s32 @p1 $0x1;
	p0 =	seq.s32 s7, s2  }
0x1e: {  	s7 =	smul.u32 @!p0 $0xF7A, s2;
	p2 =	seq.s32 @!p0 s5, $0x0  }
0x1f: {  	s9 =	smul.u32 $0xF7A, s1;
	s8 =	simm.s32 @!p0 $0x1BF5;
	p2 =	por !p2, p0  }
0x20: {  	[sflag:s8] =	ssyncset.s32 @!p0 $0xFFFFF086;
	s6 =	sadd.s32 @!p0 s3, s7;
	s7 =	simm.s32 @!p0 $0x108  }
0x21: {  	s3 =	sadd.s32 s3, s9;
	s6 =	sadd.s32 @!p0 $0x88, s6;
	s7 =	simm.s32 @p2 $0x1082  }
0x22: {  	[simem:s7], [sflag:s8] =	dma.local @!p0 [hbm:s6], $0xF7A  }
0x23: {  	s9 =	sor.u32 $0xD0000000, s2;
	s6 =	simm.s32 $0x108;
	_ =	swait.ge @!p0 [sflag:s8], $0x0  }
0x24: {  	s3 =	sadd.s32 $0x88, s3;
	s6 =	simm.s32 @!p1 $0x1082;
	[sflag:s4] =	ssyncset.s32 $0xFFFFF086  }
0x25: {  	[simem:s6], [sflag:s4] =	dma.local [hbm:s3], $0xF7A  }
0x26: {  	[smem:$0x3F97] =	sst s1;
	(tag) =	ssettag s2;
	_ =	strace s9  }
0x27: {  	s1 =	sld [smem:$0x3FA7]  }
0x28: {  	s2 =	sld [smem:$0x3FA8]  }
0x29: {  	s4 =	sld [smem:$0x3FAA]  }
0x2a: {  	p0 =	seq.s32 s5, $0x0;
	s5 =	sld [smem:$0x3FAB]  }
0x2b: {  	s6 =	sld [smem:$0x3FAC]  }
0x2c: {  	s7 =	sld [smem:$0x3FAD]  }
0x2d: {  	s3 =	simm.s32 $0x108;
	s8 =	sld [smem:$0x3FAE]  }
0x2e: {  	s3 =	simm.s32 @!p0 $0x1082;
	s9 =	sld [smem:$0x3FAF]  }
0x2f: {  	lr =	sadd.s32 s0, s3;
	s0 =	sld [smem:$0x3FA6]  }
0x30: {  	s3 =	sld [smem:$0x3FA9]  }
0x31: {  	[smem:$0x3FB2] =	sst s10  }
0x32: {  	s10 =	sld [smem:$0x3FB0];
	_ =	sdelay $0x3  }
0x33: {  	p0 =	seq.s32 s10, $0x1;
	s10 =	sld [smem:$0x3FB2];
	_ =	sdelay $0x3  }
0x34: {  	[smem:$0x3FB2] =	sst s10  }
0x35: {  	s10 =	sld [smem:$0x3FB1];
	_ =	sdelay $0x3  }
0x36: {  	p1 =	seq.s32 s10, $0x1;
	s10 =	sld [smem:$0x3FB2];
	_ =	sdelay $0x3  }
0x37: {  	[smem:$0x3FB2] =	sst s10  }
0x38: {  	s10 =	sld [smem:$0x3FB3]  }
0x39: {  	_ = 	snop;
	(pc) =	sbr.ind lr, $3  }
0x3a: {  	_ = 	snop  }
0x3b: {  	_ = 	snop  }
0x3c: {  	p2 =	seq.s32 s10, $0x1;
	s10 =	sld [smem:$0x3FB2]  }
0x3d: {  	_ =	shalt  }
0x3e: {  	_ =	shalt  }
0x3f: {  	_ =	shalt  }
0x40: {  	_ =	shalt  }
0x41: {  	_ =	shalt  }
0x42: {  	_ =	shalt  }
0x43: {  	_ =	shalt  }
0x44: {  	_ =	shalt  }
0x45: {  	_ =	shalt  }
0x46: {  	_ =	shalt  }
0x47: {  	_ =	shalt  }
0x48: {  	_ =	shalt  }
0x49: {  	_ =	shalt  }
0x4a: {  	_ =	shalt  }
0x4b: {  	_ =	shalt  }
0x4c: {  	_ =	shalt  }
0x4d: {  	_ =	shalt  }
0x4e: {  	_ =	shalt  }
0x4f: {  	_ =	shalt  }
0x50: {  	_ =	shalt  }
0x51: {  	_ =	shalt  }
0x52: {  	_ =	shalt  }
0x53: {  	_ =	shalt  }
0x54: {  	_ =	shalt  }
0x55: {  	_ =	shalt  }
0x56: {  	_ =	shalt  }
0x57: {  	_ =	shalt  }
0x58: {  	_ =	shalt  }
0x59: {  	_ =	shalt  }
0x5a: {  	_ =	shalt  }
0x5b: {  	_ =	shalt  }
0x5c: {  	_ =	shalt  }
0x5d: {  	_ =	shalt  }
0x5e: {  	_ =	shalt  }
0x5f: {  	_ =	shalt  }
0x60: {  	_ =	shalt  }
0x61: {  	_ =	shalt  }
0x62: {  	_ =	shalt  }
0x63: {  	_ =	shalt  }
0x64: {  	_ =	shalt  }
0x65: {  	_ =	shalt  }
0x66: {  	_ =	shalt  }
0x67: {  	_ =	shalt  }
0x68: {  	_ =	shalt  }
0x69: {  	_ =	shalt  }
0x6a: {  	_ =	shalt  }
0x6b: {  	_ =	shalt  }
0x6c: {  	_ =	shalt  }
0x6d: {  	_ =	shalt  }
0x6e: {  	_ =	shalt  }
0x6f: {  	_ =	shalt  }
0x70: {  	_ =	shalt  }
0x71: {  	_ =	shalt  }
0x72: {  	_ =	shalt  }
0x73: {  	_ =	shalt  }
0x74: {  	_ =	shalt  }
0x75: {  	_ =	shalt  }
0x76: {  	_ =	shalt  }
0x77: {  	_ =	shalt  }
0x78: {  	_ =	shalt  }
0x79: {  	_ =	shalt  }
0x7a: {  	_ =	shalt  }
0x7b: {  	_ =	shalt  }
0x7c: {  	_ =	shalt  }
0x7d: {  	_ =	shalt  }
0x7e: {  	_ =	shalt  }
0x7f: {  	_ =	shalt  }
0x80: {  	_ =	shalt  }
0x81: {  	_ =	shalt  }
0x82: {  	_ =	shalt  }
0x83: {  	_ =	shalt  }
0x84: {  	_ =	shalt  }
0x85: {  	_ =	shalt  }
0x86: {  	_ =	shalt  }
0x87: {  	_ =	shalt  }
.Lfunc_end0:
.L_simem_size_0:
called_computation_lowered:
.L_overlay_start_0:
0x88: {  	s2 =	sld [smem:$0x3FD9]  }
0x89: {  	s3 =	sld [smem:$0x3FFE];
	_ =	sdelay $0x1  }
0x8a: {  	s1 =	srdreg.scid  }
0x8b: {  	s0 =	sand.u32 $0x1, s1  }
0x8c: {  	s17 =	sshll.u32 s0, $0xA;
	s2 =	sadd.s32 s3, s2  }
0x8d: {  	s2 =	sadd.s32 s2, s17  }
0x8e: {  	[smem:$0x3FBE] =	sst s2  }
0x8f: {  	_ = 	snop  }
0x90: {  	s2 =	sld [smem:$0x3FC9];
	(tm) =	ssettm $0x1  }
0x91: {  	s18 =	sld [smem:$0x3FFB];
	_ =	sdelay $0x3  }
0x92: {  	_ =	strace s18  }
0x93: {  	s3 =	sld [smem:$0x3FFC];
	_ =	sdelay $0x3  }
0x94: {  	_ =	strace s3  }
0x95: {  	s3 =	sld [smem:$0x3FFD];
	_ =	sdelay $0x3  }
0x96: {  	_ =	strace s3  }
0x97: {  	_ =	strace $0x8FFFFFFF  }
0x98: {  	s19 =	sld [smem:$0x3FDB];
	_ =	sdelay $0x1  }
0x99: {  	s4 =	simm.s32 $_scs_section_size  }
0x9a: {  	s5 =	simm.s32 $_size__tile_overlayer_lowered;
	s6 =	simm.s32 $_tile_overlayer_lowered  }
0x9b: {  	s22 =	simm.s32 $0x1BFF;
	s21 =	sshll.u32 s6, $0x1;
	s3 =	sadd.s32 s4, s19  }
0x9c: {  	s7 =	simm.s32 $0x0;
	s20 =	sshll.u32 s5, $0x1;
	s5 =	sadd.s32 s21, s3  }
0x9d: {  	[timem:s7], [sflag:s22] =	dma.local [hbm:s5], s20  }
0x9e: {  	_ =	swait.ge [sflag:s22], s20  }
0x9f: {  	s4 =	ssub.s32 $0x0, s20;
	[sflag:s22] =	ssyncset.done $0x0  }
0xa0: {  	[sflag:s22] =	ssyncadd.s32 s4;
	_ =	sdelay $0x1  }
0xa1: {  	s23 =	simm.s32 $0x1B8B  }
0xa2: {  	_ =	swait.ge [sflag:s23], $0x1  }
0xa3: {  	[sflag:s23] =	ssyncset.done $0x0  }
0xa4: {  	s25 =	simm.s32 $0x1B8E;
	s24 =	sld [smem:$0x3FFE];
	[sflag:s23] =	ssyncadd.s32 $0xFFFFFFFF  }
0xa5: {  	s26 =	simm.s32 $execute0_lowered;
	[smem:$0x3FD2] =	sst s25  }
0xa6: {  	s5 =	sshll.u32 s26, $0x1;
	_ =	strace $0x80000046;
	[dreg:$0x1] =	wrdreg $0xFFFFFFFF  }
0xa7: {  	s28 =	simm.s32 $_size_execute0_lowered;
	s3 =	sadd.s32 s3, s5;
	[dreg:$0x0] =	wrdreg $0x0  }
0xa8: {  	s5 =	sshll.u32 s28, $0x1;
	[dreg:$0x2] =	wrdreg s3  }
0xa9: {  	[dreg:$0x3] =	wrdreg s5  }
0xaa: {  	[dreg:$0x4] =	wrdreg $0xC0  }
0xab: {  	_ =	task [dreg:s7], $0x5FFFF  }
0xac: {  	[dreg:$0x1] =	wrdreg $0xFFFFFFFF  }
0xad: {  	[dreg:$0x0] =	wrdreg $0x60  }
0xae: {  	[dreg:$0x2] =	wrdreg s2  }
0xaf: {  	[dreg:$0x3] =	wrdreg s24  }
0xb0: {  	[dreg:$0x4] =	wrdreg $0x9  }
0xb1: {  	_ =	task.clear_ibuf [dreg:s7], $0x5FFFF;
	_ =	strace $0x90000046  }
0xb2: {  	s29 =	simm.s32 $0x9;
	_ =	strace $0x80000048  }
0xb3: {  	_ =	swait.ge [sflag:s29], $0x1  }
0xb4: {  	[sflag:s29] =	ssyncadd.s32 $0xFFFFFFFF  }
0xb5: {  	_ =	strace $0x90000048  }
0xb6: {  	_ =	sfence  }
0xb7: {  	s30 =	sld [smem:$0x0];
	_ =	sdelay $0x2  }
0xb8: {  	s31 =	sshll.u32 s1, $0xD;
	s1 =	sshrl.u32 s1, $0x2  }
0xb9: {  	s3 =	sand.u32 $0x4000, s31;
	s1 =	sadd.s32 s1, s30  }
0xba: {  	s0 =	sor.u32 s3, s0;
	s1 =	sshll.u32 s1, $0x11  }
0xbb: {  	s0 =	sor.u32 s1, s0  }
0xbc: {  	s0 =	sadd.s32 $0x8F2B, s0  }
0xbd: {  	[sflag:s0] =	ssyncadd.remote.s32 $0x1  }
0xbe: {  	_ =	sfence.sel $0xFFFF  }
0xbf: {  	[dreg:$0x0] =	wrdreg $0xFFFFFFFF;
	(pc) =	sbr.abs _section_cstart, $3  }
0xc0: {  	[dreg:$0x1] =	wrdreg $0xFFFFFFFF  }
0xc1: {  	_ =	task.clear_ibuf [dreg:s7], $0x2FFFF;
	_ =	strace $0x9FFFFFFF  }
0xc2: {  	(tm) =	ssettm $0x7FFFFFFF  }
0xc3: {  	_ =	shalt  }
tec
execute0_lowered:
.L_overlay_start_1:
0x0: {  	(tag) =	ssettag $0x1  }
0x1: {  	s0 =	rddreg [dreg:$0x1];
	s1 =	simm.s32 $0x0;
	s25 =	srdreg.scid  }
0x2: {  	s5 =	stileid.u32;
	s10 =	simm.s32 $0x2;
	s11 =	simm.s32 $0x20  }
0x3: {  	s21 =	simm.s32 $0x2900;
	s22 =	simm.s32 $0x15000;
	s23 =	simm.s32 $0x2980  }
0x4: {  	s24 =	simm.s32 $0x16000;
	s28 =	simm.s32 $0x2A80;
	s29 =	simm.s32 $0x18000  }
0x5: {  	s30 =	simm.s32 $0x2B00;
	s31 =	simm.s32 $0x19000;
	s7 =	simm.s32 $0x2C00  }
0x6: {  	s8 =	simm.s32 $0x2C80;
	s9 =	simm.s32 $0x1C000;
	s13 =	simm.s32 $0x0  }
0x7: {  	[smem:$0x7FF] =	sst s1;
	s1 =	sand.u32 $0x1, s25;
	s4 =	sadd.s32 $0x1400, s0  }
0x8: {  	s6 =	sshll.u32 s5, $0xA;
	s5 =	sadd.s32 $0x27AD800, s0;
	s25 =	simm.s32 $0x2A00  }
0x9: {  	_ =	strace $0x80000047;
	s2 =	ssub.s32 $0x2, s1;
	s1 =	sshll.u32 s1, $0x9  }
0xa: {  	s3 =	sshrl.u32 s2, $0x1;
	s1 =	sor.u32 s1, s6;
	s6 =	simm.s32 $0x1  }
0xb: {  	s26 =	ssub.s32 s2, s3;
	[dreg:$0x3] =	wrdreg s1;
	s3 =	simm.s32 $0x1A000  }
0xc: {  	s1 =	simm.s32 $0x1B000;
	s2 =	simm.s32 $0x1D000;
	s0 =	smax.u32 s26, $0x1  }
0xd: {  	s26 =	simm.s32 $0x17000;
	[dreg:$0x4] =	wrdreg s0;
	s0 =	simm.s32 $0x2B80  }
.LBB2_1:
0xe: {  	[dreg:$0x5] =	wrdreg s13;
	p1 =	por $0x1, $0x1;
	s12 =	simm.s32 $0x0  }
.LBB2_2:
0xf: {  	s13 =	rddreg [dreg:$0x3]  }
0x10: {  	s20 =	rddreg [dreg:$0x0];
	s15 =	simm.s32 $0x800;
	s12 =	sor.u32 s13, s12  }
0x11: {  	s16 =	simm.s32 $0x20000;
	s13 =	simm.s32 $0x0;
	s14 =	sadd.s32 s20, s12  }
0x12: {  	[tilespmem:s13], [sflag:$0x2] =	stream.strided.gather [hbm4b:s14+s15], $0x2000, s16, s15, $0x38;
	[tilespmem:$0x1E000] =	vst v63  }
0x13: {  	_ =	swait.ge [sflag:s10], $0x2000  }
0x14: {  	[sflag:s10] =	ssyncset.done $0x0  }
0x15: {  	p0 =	por p1, p1;
	[sflag:s10] =	ssyncadd.s32 $0xFFFFE000  }
.LBB2_3:
0x16: {  	s14 =	sshll.u32 s13, $0x5;
	s18 =	sshll.u32 s13, $0x8  }
0x17: {  	s15 =	sand.u32 $0x60, s14;
	s17 =	sand.u32 $0x400, s18  }
0x18: {  	s19 =	sor.u32 s15, s17  }
0x19: {  	v0 =	vld [tilespmem:s19+$0x0];
	_ =	sdelay $0x3  }
0x1a: {  	s16 =	sor.u32 $0x10, s15  }
0x1b: {  	s20 =	sor.u32 s16, s17;
	[tilespmem:$0x2000] =	vst v0  }
0x1c: {  	v0 =	vld [tilespmem:s20+$0x0];
	_ =	sdelay $0x4  }
0x1d: {  	[tilespmem:$0x2010] =	vst v0  }
0x1e: {  	v0 =	vld [tilespmem:s19+$0x80];
	_ =	sdelay $0x4  }
0x1f: {  	v0 =	vadd.s32 $0x186A0, v0  }
0x20: {  	[tilespmem:$0x2080] =	vst v0  }
0x21: {  	v0 =	vld [tilespmem:s20+$0x80];
	_ =	sdelay $0x4  }
0x22: {  	v0 =	vadd.s32 $0x186A0, v0  }
0x23: {  	[tilespmem:$0x2090] =	vst v0  }
0x24: {  	v0 =	vld [tilespmem:s19+$0x100];
	_ =	sdelay $0x4  }
0x25: {  	v0 =	vadd.s32 $0x30D40, v0  }
0x26: {  	[tilespmem:$0x2100] =	vst v0  }
0x27: {  	v0 =	vld [tilespmem:s20+$0x100];
	_ =	sdelay $0x4  }
0x28: {  	v0 =	vadd.s32 $0x30D40, v0  }
0x29: {  	[tilespmem:$0x2110] =	vst v0  }
0x2a: {  	v0 =	vld [tilespmem:s19+$0x180];
	_ =	sdelay $0x4  }
0x2b: {  	v0 =	vadd.s32 $0x493E0, v0  }
0x2c: {  	[tilespmem:$0x2180] =	vst v0  }
0x2d: {  	v0 =	vld [tilespmem:s20+$0x180];
	_ =	sdelay $0x4  }
0x2e: {  	v0 =	vadd.s32 $0x493E0, v0  }
0x2f: {  	[tilespmem:$0x2190] =	vst v0  }
0x30: {  	v0 =	vld [tilespmem:s19+$0x200];
	_ =	sdelay $0x4  }
0x31: {  	v0 =	vadd.s32 $0x61A80, v0  }
0x32: {  	[tilespmem:$0x2200] =	vst v0  }
0x33: {  	v0 =	vld [tilespmem:s20+$0x200];
	_ =	sdelay $0x4  }
0x34: {  	v0 =	vadd.s32 $0x61A80, v0  }
0x35: {  	[tilespmem:$0x2210] =	vst v0  }
0x36: {  	v0 =	vld [tilespmem:s19+$0x280];
	_ =	sdelay $0x4  }
0x37: {  	v0 =	vadd.s32 $0x7A120, v0  }
0x38: {  	[tilespmem:$0x2280] =	vst v0  }
0x39: {  	v0 =	vld [tilespmem:s20+$0x280];
	_ =	sdelay $0x4  }
0x3a: {  	s20 =	sor.u32 s15, s18;
	v0 =	vadd.s32 $0x7A120, v0  }
0x3b: {  	s19 =	sor.u32 $0x300, s20;
	[tilespmem:$0x2290] =	vst v0  }
0x3c: {  	v0 =	vld [tilespmem:s19+$0x0];
	_ =	sdelay $0x4  }
0x3d: {  	s19 =	sor.u32 s18, s16;
	v0 =	vadd.s32 $0x927C0, v0  }
0x3e: {  	s20 =	sor.u32 $0x300, s19;
	[tilespmem:$0x2300] =	vst v0  }
0x3f: {  	v0 =	vld [tilespmem:s20+$0x0];
	_ =	sdelay $0x4  }
0x40: {  	s18 =	sor.u32 s18, s14;
	v0 =	vadd.s32 $0x927C0, v0  }
0x41: {  	s18 =	sor.u32 $0x380, s18;
	[tilespmem:$0x2310] =	vst v0  }
0x42: {  	v0 =	vld [tilespmem:s18+$0x0];
	_ =	sdelay $0x4  }
0x43: {  	v0 =	vadd.s32 $0xAAE60, v0  }
0x44: {  	s19 =	sor.u32 $0x380, s19;
	[tilespmem:$0x2380] =	vst v0  }
0x45: {  	v0 =	vld [tilespmem:s19+$0x0];
	_ =	sdelay $0x4  }
0x46: {  	s18 =	sor.u32 $0x800, s17;
	v0 =	vadd.s32 $0xAAE60, v0  }
0x47: {  	s20 =	sor.u32 s15, s18;
	[tilespmem:$0x2390] =	vst v0  }
0x48: {  	v0 =	vld [tilespmem:s20+$0x0];
	_ =	sdelay $0x4  }
0x49: {  	v0 =	vadd.s32 $0xC3500, v0  }
0x4a: {  	s18 =	sor.u32 s16, s18;
	[tilespmem:$0x2400] =	vst v0  }
0x4b: {  	v0 =	vld [tilespmem:s18+$0x0];
	_ =	sdelay $0x4  }
0x4c: {  	s18 =	sor.u32 $0x880, s17;
	v0 =	vadd.s32 $0xC3500, v0  }
0x4d: {  	s20 =	sor.u32 s15, s18;
	[tilespmem:$0x2410] =	vst v0  }
0x4e: {  	v0 =	vld [tilespmem:s20+$0x0];
	_ =	sdelay $0x4  }
0x4f: {  	v0 =	vadd.s32 $0xDBBA0, v0  }
0x50: {  	s18 =	sor.u32 s16, s18;
	[tilespmem:$0x2480] =	vst v0  }
0x51: {  	v0 =	vld [tilespmem:s18+$0x0];
	_ =	sdelay $0x4  }
0x52: {  	s18 =	sor.u32 $0x900, s17;
	v0 =	vadd.s32 $0xDBBA0, v0  }
0x53: {  	s20 =	sor.u32 s15, s18;
	[tilespmem:$0x2490] =	vst v0  }
0x54: {  	v0 =	vld [tilespmem:s20+$0x0];
	_ =	sdelay $0x4  }
0x55: {  	v0 =	vadd.s32 $0xF4240, v0  }
0x56: {  	s18 =	sor.u32 s16, s18;
	[tilespmem:$0x2500] =	vst v0  }
0x57: {  	v0 =	vld [tilespmem:s18+$0x0];
	_ =	sdelay $0x4  }
0x58: {  	s18 =	sor.u32 $0x980, s17;
	v0 =	vadd.s32 $0xF4240, v0  }
0x59: {  	s20 =	sor.u32 s15, s18;
	[tilespmem:$0x2510] =	vst v0  }
0x5a: {  	v0 =	vld [tilespmem:s20+$0x0];
	_ =	sdelay $0x4  }
0x5b: {  	v0 =	vadd.s32 $0x10C8E0, v0  }
0x5c: {  	s18 =	sor.u32 s16, s18;
	[tilespmem:$0x2580] =	vst v0  }
0x5d: {  	v0 =	vld [tilespmem:s18+$0x0];
	_ =	sdelay $0x4  }
0x5e: {  	s18 =	sor.u32 $0xA00, s17;
	v0 =	vadd.s32 $0x10C8E0, v0  }
0x5f: {  	s20 =	sor.u32 s15, s18;
	[tilespmem:$0x2590] =	vst v0  }
0x60: {  	v0 =	vld [tilespmem:s20+$0x0];
	_ =	sdelay $0x4  }
0x61: {  	v0 =	vadd.s32 $0x124F80, v0  }
0x62: {  	s18 =	sor.u32 s16, s18;
	[tilespmem:$0x2600] =	vst v0  }
0x63: {  	v0 =	vld [tilespmem:s18+$0x0];
	_ =	sdelay $0x4  }
0x64: {  	s18 =	sor.u32 $0xA80, s17;
	v0 =	vadd.s32 $0x124F80, v0  }
0x65: {  	s20 =	sor.u32 s15, s18;
	[tilespmem:$0x2610] =	vst v0  }
0x66: {  	v0 =	vld [tilespmem:s20+$0x0];
	_ =	sdelay $0x4  }
0x67: {  	v0 =	vadd.s32 $0x13D620, v0  }
0x68: {  	s18 =	sor.u32 s16, s18;
	[tilespmem:$0x2680] =	vst v0  }
0x69: {  	v0 =	vld [tilespmem:s18+$0x0];
	_ =	sdelay $0x4  }
0x6a: {  	s18 =	sor.u32 $0xB00, s17;
	v0 =	vadd.s32 $0x13D620, v0  }
0x6b: {  	s20 =	sor.u32 s15, s18;
	[tilespmem:$0x2690] =	vst v0  }
0x6c: {  	v0 =	vld [tilespmem:s20+$0x0];
	_ =	sdelay $0x4  }
0x6d: {  	v0 =	vadd.s32 $0x155CC0, v0  }
0x6e: {  	s18 =	sor.u32 s16, s18;
	[tilespmem:$0x2700] =	vst v0  }
0x6f: {  	v0 =	vld [tilespmem:s18+$0x0];
	_ =	sdelay $0x4  }
0x70: {  	s18 =	sor.u32 $0xB80, s17;
	v0 =	vadd.s32 $0x155CC0, v0  }
0x71: {  	s20 =	sor.u32 s15, s18;
	[tilespmem:$0x2710] =	vst v0  }
0x72: {  	v0 =	vld [tilespmem:s20+$0x0];
	_ =	sdelay $0x4  }
0x73: {  	v0 =	vadd.s32 $0x16E360, v0  }
0x74: {  	s18 =	sor.u32 s16, s18;
	[tilespmem:$0x2780] =	vst v0  }
0x75: {  	v0 =	vld [tilespmem:s18+$0x0];
	_ =	sdelay $0x4  }
0x76: {  	s18 =	sor.u32 $0x1000, s17;
	v0 =	vadd.s32 $0x16E360, v0  }
0x77: {  	s20 =	sor.u32 s15, s18;
	[tilespmem:$0x2790] =	vst v0  }
0x78: {  	v0 =	vld [tilespmem:s20+$0x0];
	_ =	sdelay $0x4  }
0x79: {  	v0 =	vadd.s32 $0x186A00, v0  }
0x7a: {  	s18 =	sor.u32 s16, s18;
	[tilespmem:$0x2800] =	vst v0  }
0x7b: {  	v0 =	vld [tilespmem:s18+$0x0];
	_ =	sdelay $0x4  }
0x7c: {  	s18 =	sor.u32 $0x1080, s17;
	v0 =	vadd.s32 $0x186A00, v0  }
0x7d: {  	s20 =	sor.u32 s15, s18;
	[tilespmem:$0x2810] =	vst v0  }
0x7e: {  	v0 =	vld [tilespmem:s20+$0x0];
	_ =	sdelay $0x4  }
0x7f: {  	v0 =	vadd.s32 $0x19F0A0, v0  }
0x80: {  	s18 =	sor.u32 s16, s18;
	[tilespmem:$0x2880] =	vst v0  }
0x81: {  	v0 =	vld [tilespmem:s18+$0x0];
	_ =	sdelay $0x4  }
0x82: {  	s18 =	sor.u32 $0x1100, s17;
	v0 =	vadd.s32 $0x19F0A0, v0  }
0x83: {  	s20 =	sor.u32 s15, s18;
	[tilespmem:$0x2890] =	vst v0  }
0x84: {  	v0 =	vld [tilespmem:s20+$0x0];
	_ =	sdelay $0x4  }
0x85: {  	v0 =	vadd.s32 $0x1B7740, v0  }
0x86: {  	s18 =	sor.u32 s16, s18;
	[tilespmem:$0x2900] =	vst v0  }
0x87: {  	v0 =	vld [tilespmem:s18+$0x0];
	_ =	sdelay $0x4  }
0x88: {  	s18 =	sor.u32 $0x1180, s17;
	v0 =	vadd.s32 $0x1B7740, v0  }
0x89: {  	s20 =	sor.u32 s15, s18;
	[tilespmem:$0x2910] =	vst v0  }
0x8a: {  	v0 =	vld [tilespmem:s20+$0x0];
	_ =	sdelay $0x4  }
0x8b: {  	v0 =	vadd.s32 $0x1CFDE0, v0  }
0x8c: {  	s18 =	sor.u32 s16, s18;
	[tilespmem:$0x2980] =	vst v0  }
0x8d: {  	v0 =	vld [tilespmem:s18+$0x0];
	_ =	sdelay $0x4  }
0x8e: {  	s18 =	sor.u32 $0x1200, s17;
	v0 =	vadd.s32 $0x1CFDE0, v0  }
0x8f: {  	s20 =	sor.u32 s15, s18;
	[tilespmem:$0x2990] =	vst v0  }
0x90: {  	v0 =	vld [tilespmem:s20+$0x0];
	_ =	sdelay $0x4  }
0x91: {  	v0 =	vadd.s32 $0x1E8480, v0  }
0x92: {  	s18 =	sor.u32 s16, s18;
	[tilespmem:$0x2A00] =	vst v0  }
0x93: {  	v0 =	vld [tilespmem:s18+$0x0];
	_ =	sdelay $0x4  }
0x94: {  	s18 =	sor.u32 $0x1280, s17;
	v0 =	vadd.s32 $0x1E8480, v0  }
0x95: {  	s20 =	sor.u32 s15, s18;
	[tilespmem:$0x2A10] =	vst v0  }
0x96: {  	v0 =	vld [tilespmem:s20+$0x0];
	_ =	sdelay $0x4  }
0x97: {  	v0 =	vadd.s32 $0x200B20, v0  }
0x98: {  	s18 =	sor.u32 s16, s18;
	[tilespmem:$0x2A80] =	vst v0  }
0x99: {  	v0 =	vld [tilespmem:s18+$0x0];
	_ =	sdelay $0x4  }
0x9a: {  	s18 =	sor.u32 $0x1300, s17;
	v0 =	vadd.s32 $0x200B20, v0  }
0x9b: {  	s20 =	sor.u32 s15, s18;
	[tilespmem:$0x2A90] =	vst v0  }
0x9c: {  	v0 =	vld [tilespmem:s20+$0x0];
	_ =	sdelay $0x4  }
0x9d: {  	v0 =	vadd.s32 $0x2191C0, v0  }
0x9e: {  	s18 =	sor.u32 s16, s18;
	[tilespmem:$0x2B00] =	vst v0  }
0x9f: {  	v0 =	vld [tilespmem:s18+$0x0];
	_ =	sdelay $0x4  }
0xa0: {  	s18 =	sor.u32 $0x1380, s17;
	v0 =	vadd.s32 $0x2191C0, v0  }
0xa1: {  	s20 =	sor.u32 s15, s18;
	[tilespmem:$0x2B10] =	vst v0  }
0xa2: {  	v0 =	vld [tilespmem:s20+$0x0];
	_ =	sdelay $0x4  }
0xa3: {  	v0 =	vadd.s32 $0x231860, v0  }
0xa4: {  	s18 =	sor.u32 s16, s18;
	[tilespmem:$0x2B80] =	vst v0  }
0xa5: {  	v0 =	vld [tilespmem:s18+$0x0];
	_ =	sdelay $0x4  }
0xa6: {  	s18 =	sor.u32 $0x1800, s17;
	v0 =	vadd.s32 $0x231860, v0  }
0xa7: {  	s20 =	sor.u32 s15, s18;
	[tilespmem:$0x2B90] =	vst v0  }
0xa8: {  	v0 =	vld [tilespmem:s20+$0x0];
	_ =	sdelay $0x4  }
0xa9: {  	v0 =	vadd.s32 $0x249F00, v0  }
0xaa: {  	s18 =	sor.u32 s16, s18;
	[tilespmem:$0x2C00] =	vst v0  }
0xab: {  	v0 =	vld [tilespmem:s18+$0x0];
	_ =	sdelay $0x4  }
0xac: {  	s17 =	sor.u32 $0x1880, s17;
	v0 =	vadd.s32 $0x249F00, v0  }
0xad: {  	s15 =	sor.u32 s15, s17;
	[tilespmem:$0x2C10] =	vst v0  }
0xae: {  	v0 =	vld [tilespmem:s15+$0x0];
	_ =	sdelay $0x4  }
0xaf: {  	v0 =	vadd.s32 $0x2625A0, v0  }
0xb0: {  	s16 =	sor.u32 s16, s17;
	[tilespmem:$0x2C80] =	vst v0  }
0xb1: {  	v0 =	vld [tilespmem:s16+$0x0];
	_ =	sdelay $0x4  }
0xb2: {  	v0 =	vadd.s32 $0x2625A0, v0  }
0xb3: {  	s17 =	simm.s32 $0x2000;
	s18 =	simm.s32 $0x3000;
	[tilespmem:$0x2C90] =	vst v0  }
0xb4: {  	[tilespmem:s18], [sflag:$0x1] =	stream.indirect.gather [hbm4b:s4+s11], $0x80, s17, s11, $0xb8;
	[tilespmem:$0x1E000] =	vst v63  }
0xb5: {  	s19 =	simm.s32 $0x2080;
	s20 =	simm.s32 $0x4000  }
0xb6: {  	[tilespmem:s20], [sflag:$0x1] =	stream.indirect.gather [hbm4b:s4+s11], $0x80, s19, s11, $0xb8;
	[tilespmem:$0x1E000] =	vst v63  }
0xb7: {  	s17 =	simm.s32 $0x2100;
	s18 =	simm.s32 $0x5000  }
0xb8: {  	[tilespmem:s18], [sflag:$0x1] =	stream.indirect.gather [hbm4b:s4+s11], $0x80, s17, s11, $0xb8;
	[tilespmem:$0x1E000] =	vst v63  }
0xb9: {  	s19 =	simm.s32 $0x2180;
	s20 =	simm.s32 $0x6000  }
0xba: {  	[tilespmem:s20], [sflag:$0x1] =	stream.indirect.gather [hbm4b:s4+s11], $0x80, s19, s11, $0xb8;
	[tilespmem:$0x1E000] =	vst v63  }
0xbb: {  	s17 =	simm.s32 $0x2200;
	s18 =	simm.s32 $0x7000  }
0xbc: {  	[tilespmem:s18], [sflag:$0x1] =	stream.indirect.gather [hbm4b:s4+s11], $0x80, s17, s11, $0xb8;
	[tilespmem:$0x1E000] =	vst v63  }
0xbd: {  	s19 =	simm.s32 $0x2280;
	s20 =	simm.s32 $0x8000  }
0xbe: {  	[tilespmem:s20], [sflag:$0x1] =	stream.indirect.gather [hbm4b:s4+s11], $0x80, s19, s11, $0xb8;
	[tilespmem:$0x1E000] =	vst v63  }
0xbf: {  	s17 =	simm.s32 $0x2300;
	s18 =	simm.s32 $0x9000  }
0xc0: {  	[tilespmem:s18], [sflag:$0x1] =	stream.indirect.gather [hbm4b:s4+s11], $0x80, s17, s11, $0xb8;
	[tilespmem:$0x1E000] =	vst v63  }
0xc1: {  	s19 =	simm.s32 $0x2380;
	s20 =	simm.s32 $0xA000  }
0xc2: {  	[tilespmem:s20], [sflag:$0x1] =	stream.indirect.gather [hbm4b:s4+s11], $0x80, s19, s11, $0xb8;
	[tilespmem:$0x1E000] =	vst v63  }
0xc3: {  	s17 =	simm.s32 $0x2400;
	s18 =	simm.s32 $0xB000  }
0xc4: {  	[tilespmem:s18], [sflag:$0x1] =	stream.indirect.gather [hbm4b:s4+s11], $0x80, s17, s11, $0xb8;
	[tilespmem:$0x1E000] =	vst v63  }
0xc5: {  	s19 =	simm.s32 $0x2480;
	s20 =	simm.s32 $0xC000  }
0xc6: {  	[tilespmem:s20], [sflag:$0x1] =	stream.indirect.gather [hbm4b:s4+s11], $0x80, s19, s11, $0xb8;
	[tilespmem:$0x1E000] =	vst v63  }
0xc7: {  	s17 =	simm.s32 $0x2500;
	s18 =	simm.s32 $0xD000  }
0xc8: {  	[tilespmem:s18], [sflag:$0x1] =	stream.indirect.gather [hbm4b:s4+s11], $0x80, s17, s11, $0xb8;
	[tilespmem:$0x1E000] =	vst v63  }
0xc9: {  	s19 =	simm.s32 $0x2580;
	s20 =	simm.s32 $0xE000  }
0xca: {  	[tilespmem:s20], [sflag:$0x1] =	stream.indirect.gather [hbm4b:s4+s11], $0x80, s19, s11, $0xb8;
	[tilespmem:$0x1E000] =	vst v63  }
0xcb: {  	s17 =	simm.s32 $0x2600;
	s18 =	simm.s32 $0xF000  }
0xcc: {  	[tilespmem:s18], [sflag:$0x1] =	stream.indirect.gather [hbm4b:s4+s11], $0x80, s17, s11, $0xb8;
	[tilespmem:$0x1E000] =	vst v63  }
0xcd: {  	s19 =	simm.s32 $0x2680;
	s20 =	simm.s32 $0x10000  }
0xce: {  	[tilespmem:s20], [sflag:$0x1] =	stream.indirect.gather [hbm4b:s4+s11], $0x80, s19, s11, $0xb8;
	[tilespmem:$0x1E000] =	vst v63  }
0xcf: {  	s17 =	simm.s32 $0x2700;
	s18 =	simm.s32 $0x11000  }
0xd0: {  	[tilespmem:s18], [sflag:$0x1] =	stream.indirect.gather [hbm4b:s4+s11], $0x80, s17, s11, $0xb8;
	[tilespmem:$0x1E000] =	vst v63  }
0xd1: {  	s19 =	simm.s32 $0x2780;
	s20 =	simm.s32 $0x12000  }
0xd2: {  	[tilespmem:s20], [sflag:$0x1] =	stream.indirect.gather [hbm4b:s4+s11], $0x80, s19, s11, $0xb8;
	[tilespmem:$0x1E000] =	vst v63  }
0xd3: {  	s17 =	simm.s32 $0x2800;
	s18 =	simm.s32 $0x13000  }
0xd4: {  	[tilespmem:s18], [sflag:$0x1] =	stream.indirect.gather [hbm4b:s4+s11], $0x80, s17, s11, $0xb8;
	[tilespmem:$0x1E000] =	vst v63  }
0xd5: {  	s19 =	simm.s32 $0x2880;
	s20 =	simm.s32 $0x14000  }
0xd6: {  	[tilespmem:s20], [sflag:$0x1] =	stream.indirect.gather [hbm4b:s4+s11], $0x80, s19, s11, $0xb8;
	[tilespmem:$0x1E000] =	vst v63  }
0xd7: {  	_ = 	snop  }
0xd8: {  	[tilespmem:s22], [sflag:$0x1] =	stream.indirect.gather [hbm4b:s4+s11], $0x80, s21, s11, $0xb8;
	[tilespmem:$0x1E000] =	vst v63  }
0xd9: {  	_ = 	snop  }
0xda: {  	[tilespmem:s24], [sflag:$0x1] =	stream.indirect.gather [hbm4b:s4+s11], $0x80, s23, s11, $0xb8;
	[tilespmem:$0x1E000] =	vst v63  }
0xdb: {  	_ = 	snop  }
0xdc: {  	[tilespmem:s26], [sflag:$0x1] =	stream.indirect.gather [hbm4b:s4+s11], $0x80, s25, s11, $0xb8;
	[tilespmem:$0x1E000] =	vst v63  }
0xdd: {  	_ = 	snop  }
0xde: {  	[tilespmem:s29], [sflag:$0x1] =	stream.indirect.gather [hbm4b:s4+s11], $0x80, s28, s11, $0xb8;
	[tilespmem:$0x1E000] =	vst v63  }
0xdf: {  	_ = 	snop  }
0xe0: {  	[tilespmem:s31], [sflag:$0x1] =	stream.indirect.gather [hbm4b:s4+s11], $0x80, s30, s11, $0xb8;
	[tilespmem:$0x1E000] =	vst v63  }
0xe1: {  	_ = 	snop  }
0xe2: {  	[tilespmem:s3], [sflag:$0x1] =	stream.indirect.gather [hbm4b:s4+s11], $0x80, s0, s11, $0xb8;
	[tilespmem:$0x1E000] =	vst v63  }
0xe3: {  	_ = 	snop  }
0xe4: {  	[tilespmem:s1], [sflag:$0x1] =	stream.indirect.gather [hbm4b:s4+s11], $0x80, s7, s11, $0xb8;
	[tilespmem:$0x1E000] =	vst v63  }
0xe5: {  	_ = 	snop  }
0xe6: {  	[tilespmem:s9], [sflag:$0x1] =	stream.indirect.gather [hbm4b:s4+s11], $0x80, s8, s11, $0xb8;
	[tilespmem:$0x1E000] =	vst v63  }
0xe7: {  	_ =	swait.ge [sflag:s6], $0x1000  }
0xe8: {  	[sflag:s6] =	ssyncset.done $0x0  }
0xe9: {  	[sflag:s6] =	ssyncadd.s32 $0xFFFFF000  }
0xea: {  	_ =	swait.ge [sflag:s6], $0x1000  }
0xeb: {  	[sflag:s6] =	ssyncset.done $0x0  }
0xec: {  	[sflag:s6] =	ssyncadd.s32 $0xFFFFF000  }
0xed: {  	_ =	swait.ge [sflag:s6], $0x1000  }
0xee: {  	[sflag:s6] =	ssyncset.done $0x0  }
0xef: {  	[sflag:s6] =	ssyncadd.s32 $0xFFFFF000  }
0xf0: {  	_ =	swait.ge [sflag:s6], $0x1000  }
0xf1: {  	[sflag:s6] =	ssyncset.done $0x0  }
0xf2: {  	[sflag:s6] =	ssyncadd.s32 $0xFFFFF000  }
0xf3: {  	_ =	swait.ge [sflag:s6], $0x1000  }
0xf4: {  	[sflag:s6] =	ssyncset.done $0x0  }
0xf5: {  	[sflag:s6] =	ssyncadd.s32 $0xFFFFF000  }
0xf6: {  	_ =	swait.ge [sflag:s6], $0x1000  }
0xf7: {  	[sflag:s6] =	ssyncset.done $0x0  }
0xf8: {  	[sflag:s6] =	ssyncadd.s32 $0xFFFFF000  }
0xf9: {  	_ =	swait.ge [sflag:s6], $0x1000  }
0xfa: {  	[sflag:s6] =	ssyncset.done $0x0  }
0xfb: {  	[sflag:s6] =	ssyncadd.s32 $0xFFFFF000  }
0xfc: {  	_ =	swait.ge [sflag:s6], $0x1000  }
0xfd: {  	[sflag:s6] =	ssyncset.done $0x0  }
0xfe: {  	[sflag:s6] =	ssyncadd.s32 $0xFFFFF000  }
0xff: {  	_ =	swait.ge [sflag:s6], $0x1000  }
0x100: {  	[sflag:s6] =	ssyncset.done $0x0  }
0x101: {  	[sflag:s6] =	ssyncadd.s32 $0xFFFFF000  }
0x102: {  	_ =	swait.ge [sflag:s6], $0x1000  }
0x103: {  	[sflag:s6] =	ssyncset.done $0x0  }
0x104: {  	[sflag:s6] =	ssyncadd.s32 $0xFFFFF000  }
0x105: {  	_ =	swait.ge [sflag:s6], $0x1000  }
0x106: {  	[sflag:s6] =	ssyncset.done $0x0  }
0x107: {  	[sflag:s6] =	ssyncadd.s32 $0xFFFFF000  }
0x108: {  	_ =	swait.ge [sflag:s6], $0x1000  }
0x109: {  	[sflag:s6] =	ssyncset.done $0x0  }
0x10a: {  	[sflag:s6] =	ssyncadd.s32 $0xFFFFF000  }
0x10b: {  	_ =	swait.ge [sflag:s6], $0x1000  }
0x10c: {  	[sflag:s6] =	ssyncset.done $0x0  }
0x10d: {  	[sflag:s6] =	ssyncadd.s32 $0xFFFFF000  }
0x10e: {  	_ =	swait.ge [sflag:s6], $0x1000  }
0x10f: {  	[sflag:s6] =	ssyncset.done $0x0  }
0x110: {  	[sflag:s6] =	ssyncadd.s32 $0xFFFFF000  }
0x111: {  	_ =	swait.ge [sflag:s6], $0x1000  }
0x112: {  	[sflag:s6] =	ssyncset.done $0x0  }
0x113: {  	[sflag:s6] =	ssyncadd.s32 $0xFFFFF000  }
0x114: {  	_ =	swait.ge [sflag:s6], $0x1000  }
0x115: {  	[sflag:s6] =	ssyncset.done $0x0  }
0x116: {  	[sflag:s6] =	ssyncadd.s32 $0xFFFFF000  }
0x117: {  	_ =	swait.ge [sflag:s6], $0x1000  }
0x118: {  	[sflag:s6] =	ssyncset.done $0x0  }
0x119: {  	[sflag:s6] =	ssyncadd.s32 $0xFFFFF000  }
0x11a: {  	_ =	swait.ge [sflag:s6], $0x1000  }
0x11b: {  	[sflag:s6] =	ssyncset.done $0x0  }
0x11c: {  	[sflag:s6] =	ssyncadd.s32 $0xFFFFF000  }
0x11d: {  	_ =	swait.ge [sflag:s6], $0x1000  }
0x11e: {  	[sflag:s6] =	ssyncset.done $0x0  }
0x11f: {  	[sflag:s6] =	ssyncadd.s32 $0xFFFFF000  }
0x120: {  	_ =	swait.ge [sflag:s6], $0x1000  }
0x121: {  	[sflag:s6] =	ssyncset.done $0x0  }
0x122: {  	[sflag:s6] =	ssyncadd.s32 $0xFFFFF000  }
0x123: {  	_ =	swait.ge [sflag:s6], $0x1000  }
0x124: {  	[sflag:s6] =	ssyncset.done $0x0  }
0x125: {  	[sflag:s6] =	ssyncadd.s32 $0xFFFFF000  }
0x126: {  	_ =	swait.ge [sflag:s6], $0x1000  }
0x127: {  	[sflag:s6] =	ssyncset.done $0x0  }
0x128: {  	[sflag:s6] =	ssyncadd.s32 $0xFFFFF000  }
0x129: {  	_ =	swait.ge [sflag:s6], $0x1000  }
0x12a: {  	[sflag:s6] =	ssyncset.done $0x0  }
0x12b: {  	[sflag:s6] =	ssyncadd.s32 $0xFFFFF000  }
0x12c: {  	_ =	swait.ge [sflag:s6], $0x1000  }
0x12d: {  	[sflag:s6] =	ssyncset.done $0x0  }
0x12e: {  	[sflag:s6] =	ssyncadd.s32 $0xFFFFF000  }
0x12f: {  	_ =	swait.ge [sflag:s6], $0x1000  }
0x130: {  	[sflag:s6] =	ssyncset.done $0x0  }
0x131: {  	[sflag:s6] =	ssyncadd.s32 $0xFFFFF000  }
0x132: {  	_ =	swait.ge [sflag:s6], $0x1000  }
0x133: {  	[sflag:s6] =	ssyncset.done $0x0  }
0x134: {  	s16 =	simm.s32 $0x0;
	[sflag:s6] =	ssyncadd.s32 $0xFFFFF000  }
0x135: {  	v0 =	vld [tilespmem:s16+$0x3030]  }
0x136: {  	v1 =	vld [tilespmem:s16+$0x3000]  }
0x137: {  	v2 =	vld [tilespmem:s16+$0x4030]  }
0x138: {  	v3 =	vld [tilespmem:s16+$0x3010]  }
0x139: {  	v5 =	vld [tilespmem:s16+$0x3020]  }
0x13a: {  	v8 =	vld [tilespmem:s16+$0x4000]  }
0x13b: {  	v4 =	vld [tilespmem:s16+$0x5030]  }
0x13c: {  	v11 =	vld [tilespmem:s16+$0x4010];
	v6 =	vadd.f32 $0.0e+00, v0;
	v0 =	vmul.f32 v0, v0;
	v10 =	vadd.f32 $0.0e+00, v1  }
0x13d: {  	v7 =	vld [tilespmem:s16+$0x6030];
	v1 =	vmul.f32 v1, v1;
	v12 =	vadd.f32 $0.0e+00, v3;
	v3 =	vmul.f32 v3, v3  }
0x13e: {  	v14 =	vld [tilespmem:s16+$0x4020];
	v13 =	vadd.f32 $0.0e+00, v5;
	v6 =	vadd.f32 v2, v6;
	v2 =	vmul.f32 v2, v2  }
0x13f: {  	v9 =	vld [tilespmem:s16+$0x7030];
	v5 =	vmul.f32 v5, v5;
	v10 =	vadd.f32 v8, v10;
	v8 =	vmul.f32 v8, v8  }
0x140: {  	v15 =	vld [tilespmem:s16+$0x5000];
	v0 =	vadd.f32 v2, v0;
	v2 =	vadd.f32 v4, v6;
	v4 =	vmul.f32 v4, v4  }
0x141: {  	v6 =	vld [tilespmem:s16+$0x8030];
	v1 =	vadd.f32 v8, v1;
	v8 =	vadd.f32 v11, v12;
	v11 =	vmul.f32 v11, v11  }
0x142: {  	v12 =	vld [tilespmem:s16+$0x5010];
	v0 =	vadd.f32 v4, v0;
	v2 =	vadd.f32 v7, v2;
	v4 =	vmul.f32 v7, v7  }
0x143: {  	v7 =	vld [tilespmem:s16+$0x9030];
	v3 =	vadd.f32 v11, v3;
	v11 =	vadd.f32 v14, v13;
	v13 =	vmul.f32 v14, v14  }
0x144: {  	v14 =	vld [tilespmem:s16+$0x5020];
	v0 =	vadd.f32 v4, v0;
	v2 =	vadd.f32 v9, v2;
	v4 =	vmul.f32 v9, v9  }
0x145: {  	v10 =	vadd.f32 v15, v10;
	v15 =	vmul.f32 v15, v15;
	v9 =	vld [tilespmem:s16+$0xA030];
	v5 =	vadd.f32 v13, v5  }
0x146: {  	v13 =	vld [tilespmem:s16+$0x6000];
	v0 =	vadd.f32 v4, v0;
	v2 =	vadd.f32 v6, v2;
	v4 =	vmul.f32 v6, v6  }
0x147: {  	v1 =	vadd.f32 v15, v1;
	v8 =	vadd.f32 v12, v8;
	v12 =	vmul.f32 v12, v12;
	v6 =	vld [tilespmem:s16+$0xB030]  }
0x148: {  	v15 =	vld [tilespmem:s16+$0x6010];
	v0 =	vadd.f32 v4, v0;
	v2 =	vadd.f32 v7, v2;
	v4 =	vmul.f32 v7, v7  }
0x149: {  	v3 =	vadd.f32 v12, v3;
	v11 =	vadd.f32 v14, v11;
	v12 =	vmul.f32 v14, v14;
	v7 =	vld [tilespmem:s16+$0xC030]  }
0x14a: {  	v14 =	vld [tilespmem:s16+$0x6020];
	v0 =	vadd.f32 v4, v0;
	v2 =	vadd.f32 v9, v2;
	v4 =	vmul.f32 v9, v9  }
0x14b: {  	v10 =	vadd.f32 v13, v10;
	v13 =	vmul.f32 v13, v13;
	v5 =	vadd.f32 v12, v5;
	v9 =	vld [tilespmem:s16+$0xD030]  }
0x14c: {  	v12 =	vld [tilespmem:s16+$0x7000];
	v0 =	vadd.f32 v4, v0;
	v2 =	vadd.f32 v6, v2;
	v4 =	vmul.f32 v6, v6  }
0x14d: {  	v8 =	vadd.f32 v15, v8;
	v1 =	vadd.f32 v13, v1;
	v13 =	vmul.f32 v15, v15;
	v6 =	vld [tilespmem:s16+$0xE030]  }
0x14e: {  	v15 =	vld [tilespmem:s16+$0x7010];
	v0 =	vadd.f32 v4, v0;
	v2 =	vadd.f32 v7, v2;
	v4 =	vmul.f32 v7, v7  }
0x14f: {  	v11 =	vadd.f32 v14, v11;
	v3 =	vadd.f32 v13, v3;
	v13 =	vmul.f32 v14, v14;
	v7 =	vld [tilespmem:s16+$0xF030]  }
0x150: {  	v14 =	vld [tilespmem:s16+$0x7020];
	v0 =	vadd.f32 v4, v0;
	v2 =	vadd.f32 v9, v2;
	v4 =	vmul.f32 v9, v9  }
0x151: {  	v10 =	vadd.f32 v12, v10;
	v12 =	vmul.f32 v12, v12;
	v5 =	vadd.f32 v13, v5;
	v9 =	vld [tilespmem:s16+$0x10030]  }
0x152: {  	v13 =	vld [tilespmem:s16+$0x8000];
	v0 =	vadd.f32 v4, v0;
	v2 =	vadd.f32 v6, v2;
	v4 =	vmul.f32 v6, v6  }
0x153: {  	v1 =	vadd.f32 v12, v1;
	v8 =	vadd.f32 v15, v8;
	v12 =	vmul.f32 v15, v15;
	v6 =	vld [tilespmem:s16+$0x11030]  }
0x154: {  	v15 =	vld [tilespmem:s16+$0x8010];
	v0 =	vadd.f32 v4, v0;
	v2 =	vadd.f32 v7, v2;
	v4 =	vmul.f32 v7, v7  }
0x155: {  	v3 =	vadd.f32 v12, v3;
	v11 =	vadd.f32 v14, v11;
	v12 =	vmul.f32 v14, v14;
	v7 =	vld [tilespmem:s16+$0x12030]  }
0x156: {  	v14 =	vld [tilespmem:s16+$0x8020];
	v0 =	vadd.f32 v4, v0;
	v2 =	vadd.f32 v9, v2;
	v4 =	vmul.f32 v9, v9  }
0x157: {  	v10 =	vadd.f32 v13, v10;
	v13 =	vmul.f32 v13, v13;
	v5 =	vadd.f32 v12, v5;
	v9 =	vld [tilespmem:s16+$0x13030]  }
0x158: {  	v12 =	vld [tilespmem:s16+$0x9000];
	v0 =	vadd.f32 v4, v0;
	v2 =	vadd.f32 v6, v2;
	v4 =	vmul.f32 v6, v6  }
0x159: {  	v8 =	vadd.f32 v15, v8;
	v1 =	vadd.f32 v13, v1;
	v13 =	vmul.f32 v15, v15;
	v6 =	vld [tilespmem:s16+$0x14030]  }
0x15a: {  	v15 =	vld [tilespmem:s16+$0x9010];
	v0 =	vadd.f32 v4, v0;
	v2 =	vadd.f32 v7, v2;
	v4 =	vmul.f32 v7, v7  }
0x15b: {  	v11 =	vadd.f32 v14, v11;
	v3 =	vadd.f32 v13, v3;
	v13 =	vmul.f32 v14, v14;
	v7 =	vld [tilespmem:s16+$0x15030]  }
0x15c: {  	v14 =	vld [tilespmem:s16+$0x9020];
	v0 =	vadd.f32 v4, v0;
	v2 =	vadd.f32 v9, v2;
	v4 =	vmul.f32 v9, v9  }
0x15d: {  	v10 =	vadd.f32 v12, v10;
	v12 =	vmul.f32 v12, v12;
	v5 =	vadd.f32 v13, v5;
	v9 =	vld [tilespmem:s16+$0x16030]  }
0x15e: {  	v13 =	vld [tilespmem:s16+$0xA000];
	v0 =	vadd.f32 v4, v0;
	v2 =	vadd.f32 v6, v2;
	v4 =	vmul.f32 v6, v6  }
0x15f: {  	v1 =	vadd.f32 v12, v1;
	v8 =	vadd.f32 v15, v8;
	v12 =	vmul.f32 v15, v15;
	v6 =	vld [tilespmem:s16+$0x17030]  }
0x160: {  	v15 =	vld [tilespmem:s16+$0xA010];
	v0 =	vadd.f32 v4, v0;
	v2 =	vadd.f32 v7, v2;
	v4 =	vmul.f32 v7, v7  }
0x161: {  	v3 =	vadd.f32 v12, v3;
	v11 =	vadd.f32 v14, v11;
	v12 =	vmul.f32 v14, v14;
	v7 =	vld [tilespmem:s16+$0x18030]  }
0x162: {  	v14 =	vld [tilespmem:s16+$0xA020];
	v0 =	vadd.f32 v4, v0;
	v2 =	vadd.f32 v9, v2;
	v4 =	vmul.f32 v9, v9  }
0x163: {  	v10 =	vadd.f32 v13, v10;
	v13 =	vmul.f32 v13, v13;
	v5 =	vadd.f32 v12, v5;
	v9 =	vld [tilespmem:s16+$0x19030]  }
0x164: {  	v12 =	vld [tilespmem:s16+$0xB000];
	v0 =	vadd.f32 v4, v0;
	v2 =	vadd.f32 v6, v2;
	v4 =	vmul.f32 v6, v6  }
0x165: {  	v8 =	vadd.f32 v15, v8;
	v1 =	vadd.f32 v13, v1;
	v13 =	vmul.f32 v15, v15;
	v6 =	vld [tilespmem:s16+$0x1A030]  }
0x166: {  	v15 =	vld [tilespmem:s16+$0xB010];
	v0 =	vadd.f32 v4, v0;
	v2 =	vadd.f32 v7, v2;
	v4 =	vmul.f32 v7, v7  }
0x167: {  	v11 =	vadd.f32 v14, v11;
	v3 =	vadd.f32 v13, v3;
	v13 =	vmul.f32 v14, v14;
	v7 =	vld [tilespmem:s16+$0x1B030]  }
0x168: {  	v14 =	vld [tilespmem:s16+$0xC000];
	v0 =	vadd.f32 v4, v0;
	v2 =	vadd.f32 v9, v2;
	v4 =	vmul.f32 v9, v9  }
0x169: {  	v10 =	vadd.f32 v12, v10;
	v12 =	vmul.f32 v12, v12;
	v9 =	vld [tilespmem:s16+$0x1C030]  }
0x16a: {  	v0 =	vadd.f32 v4, v0;
	v2 =	vadd.f32 v6, v2;
	v4 =	vmul.f32 v6, v6;
	v6 =	vld [tilespmem:s16+$0xB020]  }
0x16b: {  	v5 =	vadd.f32 v13, v5;
	v1 =	vadd.f32 v12, v1  }
0x16c: {  	v0 =	vadd.f32 v4, v0;
	v2 =	vadd.f32 v7, v2;
	v4 =	vmul.f32 v7, v7;
	v7 =	vld [tilespmem:s16+$0xC010]  }
0x16d: {  	v13 =	vld [tilespmem:s16+$0xC020];
	v8 =	vadd.f32 v15, v8;
	v15 =	vmul.f32 v15, v15;
	v10 =	vadd.f32 v14, v10  }
0x16e: {  	v0 =	vadd.f32 v4, v0;
	v2 =	vadd.f32 v9, v2;
	v4 =	vmul.f32 v9, v9;
	v9 =	vld [tilespmem:s16+$0xD000]  }
0x16f: {  	v12 =	vld [tilespmem:s16+$0xD010];
	v3 =	vadd.f32 v15, v3;
	v14 =	vmul.f32 v14, v14;
	v11 =	vadd.f32 v6, v11  }
0x170: {  	v6 =	vmul.f32 v6, v6;
	v0 =	vadd.f32 v4, v0;
	v2 =	vmul.f32 v2, v2;
	v4 =	vld [tilespmem:s16+$0xD020]  }
0x171: {  	v16 =	vld [tilespmem:s16+$0xE000];
	v1 =	vadd.f32 v14, v1;
	v8 =	vadd.f32 v7, v8  }
0x172: {  	v7 =	vmul.f32 v7, v7;
	v5 =	vadd.f32 v6, v5;
	v0 =	vsub.f32 v2, v0;
	v2 =	vld [tilespmem:s16+$0xE010]  }
0x173: {  	v6 =	vld [tilespmem:s16+$0xE020];
	v11 =	vadd.f32 v13, v11;
	v13 =	vmul.f32 v13, v13;
	v10 =	vadd.f32 v9, v10  }
0x174: {  	v15 =	vld [tilespmem:s16+$0xF000];
	v8 =	vadd.f32 v12, v8;
	v9 =	vmul.f32 v9, v9;
	v3 =	vadd.f32 v7, v3  }
0x175: {  	v14 =	vld [tilespmem:s16+$0xF010];
	v5 =	vadd.f32 v13, v5;
	v0 =	vmul.f32 $5.000000000e-01, v0;
	v7 =	vadd.f32 v4, v11  }
0x176: {  	v10 =	vadd.f32 v16, v10;
	v11 =	vld [tilespmem:s16+$0xF020];
	v4 =	vmul.f32 v4, v4;
	v1 =	vadd.f32 v9, v1  }
0x177: {  	v9 =	vld [tilespmem:s16+$0x10000];
	[tilespmem:s16+$0x1D030] =	vst v0;
	v0 =	vmul.f32 v12, v12;
	v12 =	vmul.f32 v16, v16;
	v8 =	vadd.f32 v2, v8  }
0x178: {  	v7 =	vadd.f32 v6, v7;
	v2 =	vmul.f32 v2, v2;
	v4 =	vadd.f32 v4, v5;
	v5 =	vld [tilespmem:s16+$0x10020]  }
0x179: {  	v10 =	vadd.f32 v15, v10;
	v6 =	vmul.f32 v6, v6;
	v0 =	vadd.f32 v0, v3;
	v3 =	vld [tilespmem:s16+$0x10010]  }
0x17a: {  	v13 =	vmul.f32 v15, v15;
	v1 =	vadd.f32 v12, v1;
	v12 =	vld [tilespmem:s16+$0x11000];
	v8 =	vadd.f32 v14, v8  }
0x17b: {  	v14 =	vmul.f32 v14, v14;
	v4 =	vadd.f32 v6, v4;
	v6 =	vld [tilespmem:s16+$0x11020];
	v0 =	vadd.f32 v2, v0  }
0x17c: {  	v2 =	vld [tilespmem:s16+$0x11010];
	v7 =	vadd.f32 v11, v7;
	v10 =	vadd.f32 v9, v10;
	v11 =	vmul.f32 v11, v11  }
0x17d: {  	v1 =	vadd.f32 v13, v1;
	v13 =	vld [tilespmem:s16+$0x12000];
	v9 =	vmul.f32 v9, v9;
	v0 =	vadd.f32 v14, v0  }
0x17e: {  	v14 =	vld [tilespmem:s16+$0x12010];
	v7 =	vadd.f32 v5, v7;
	v4 =	vadd.f32 v11, v4;
	v5 =	vmul.f32 v5, v5  }
0x17f: {  	v11 =	vld [tilespmem:s16+$0x12020];
	v1 =	vadd.f32 v9, v1;
	v8 =	vadd.f32 v3, v8;
	v3 =	vmul.f32 v3, v3  }
0x180: {  	v9 =	vld [tilespmem:s16+$0x13000];
	v10 =	vadd.f32 v12, v10;
	v12 =	vmul.f32 v12, v12;
	v7 =	vadd.f32 v6, v7  }
0x181: {  	v4 =	vadd.f32 v5, v4;
	v5 =	vld [tilespmem:s16+$0x13020];
	v6 =	vmul.f32 v6, v6;
	v8 =	vadd.f32 v2, v8  }
0x182: {  	v0 =	vadd.f32 v3, v0;
	v3 =	vld [tilespmem:s16+$0x13010];
	v2 =	vmul.f32 v2, v2;
	v10 =	vadd.f32 v13, v10  }
0x183: {  	v1 =	vadd.f32 v12, v1;
	v12 =	vld [tilespmem:s16+$0x14000];
	v13 =	vmul.f32 v13, v13;
	v4 =	vadd.f32 v6, v4  }
0x184: {  	v6 =	vld [tilespmem:s16+$0x14020];
	v8 =	vadd.f32 v14, v8;
	v0 =	vadd.f32 v2, v0;
	v14 =	vmul.f32 v14, v14  }
0x185: {  	v2 =	vld [tilespmem:s16+$0x14010];
	v7 =	vadd.f32 v11, v7;
	v10 =	vadd.f32 v9, v10;
	v11 =	vmul.f32 v11, v11  }
0x186: {  	v1 =	vadd.f32 v13, v1;
	v13 =	vld [tilespmem:s16+$0x15000];
	v9 =	vmul.f32 v9, v9;
	v0 =	vadd.f32 v14, v0  }
0x187: {  	v14 =	vld [tilespmem:s16+$0x15010];
	v7 =	vadd.f32 v5, v7;
	v4 =	vadd.f32 v11, v4;
	v5 =	vmul.f32 v5, v5  }
0x188: {  	v11 =	vld [tilespmem:s16+$0x15020];
	v1 =	vadd.f32 v9, v1;
	v8 =	vadd.f32 v3, v8;
	v3 =	vmul.f32 v3, v3  }
0x189: {  	v9 =	vld [tilespmem:s16+$0x16000];
	v10 =	vadd.f32 v12, v10;
	v12 =	vmul.f32 v12, v12;
	v7 =	vadd.f32 v6, v7  }
0x18a: {  	v4 =	vadd.f32 v5, v4;
	v5 =	vld [tilespmem:s16+$0x16020];
	v6 =	vmul.f32 v6, v6;
	v8 =	vadd.f32 v2, v8  }
0x18b: {  	v0 =	vadd.f32 v3, v0;
	v3 =	vld [tilespmem:s16+$0x16010];
	v2 =	vmul.f32 v2, v2;
	v10 =	vadd.f32 v13, v10  }
0x18c: {  	v1 =	vadd.f32 v12, v1;
	v12 =	vld [tilespmem:s16+$0x17000];
	v13 =	vmul.f32 v13, v13;
	v4 =	vadd.f32 v6, v4  }
0x18d: {  	v6 =	vld [tilespmem:s16+$0x17020];
	v8 =	vadd.f32 v14, v8;
	v0 =	vadd.f32 v2, v0;
	v14 =	vmul.f32 v14, v14  }
0x18e: {  	v2 =	vld [tilespmem:s16+$0x17010];
	v7 =	vadd.f32 v11, v7;
	v10 =	vadd.f32 v9, v10;
	v11 =	vmul.f32 v11, v11  }
0x18f: {  	v1 =	vadd.f32 v13, v1;
	v13 =	vld [tilespmem:s16+$0x18000];
	v9 =	vmul.f32 v9, v9;
	v0 =	vadd.f32 v14, v0  }
0x190: {  	v14 =	vld [tilespmem:s16+$0x18010];
	v7 =	vadd.f32 v5, v7;
	v4 =	vadd.f32 v11, v4;
	v5 =	vmul.f32 v5, v5  }
0x191: {  	v11 =	vld [tilespmem:s16+$0x18020];
	v1 =	vadd.f32 v9, v1;
	v8 =	vadd.f32 v3, v8;
	v3 =	vmul.f32 v3, v3  }
0x192: {  	v9 =	vld [tilespmem:s16+$0x19000];
	v10 =	vadd.f32 v12, v10;
	v12 =	vmul.f32 v12, v12;
	v7 =	vadd.f32 v6, v7  }
0x193: {  	v4 =	vadd.f32 v5, v4;
	v5 =	vld [tilespmem:s16+$0x19020];
	v6 =	vmul.f32 v6, v6;
	v8 =	vadd.f32 v2, v8  }
0x194: {  	v0 =	vadd.f32 v3, v0;
	v3 =	vld [tilespmem:s16+$0x19010];
	v2 =	vmul.f32 v2, v2;
	v10 =	vadd.f32 v13, v10  }
0x195: {  	v1 =	vadd.f32 v12, v1;
	v12 =	vld [tilespmem:s16+$0x1A000];
	v13 =	vmul.f32 v13, v13;
	v4 =	vadd.f32 v6, v4  }
0x196: {  	v6 =	vld [tilespmem:s16+$0x1A020];
	v8 =	vadd.f32 v14, v8;
	v0 =	vadd.f32 v2, v0;
	v14 =	vmul.f32 v14, v14  }
0x197: {  	v2 =	vld [tilespmem:s16+$0x1A010];
	v7 =	vadd.f32 v11, v7;
	v10 =	vadd.f32 v9, v10;
	v11 =	vmul.f32 v11, v11  }
0x198: {  	v1 =	vadd.f32 v13, v1;
	v13 =	vld [tilespmem:s16+$0x1B000];
	v9 =	vmul.f32 v9, v9;
	v0 =	vadd.f32 v14, v0  }
0x199: {  	v7 =	vadd.f32 v5, v7;
	v4 =	vadd.f32 v11, v4;
	v5 =	vmul.f32 v5, v5  }
0x19a: {  	v14 =	vld [tilespmem:s16+$0x1B010];
	v1 =	vadd.f32 v9, v1;
	v8 =	vadd.f32 v3, v8;
	v3 =	vmul.f32 v3, v3  }
0x19b: {  	v11 =	vld [tilespmem:s16+$0x1B020];
	v10 =	vadd.f32 v12, v10;
	v12 =	vmul.f32 v12, v12;
	v7 =	vadd.f32 v6, v7  }
0x19c: {  	v9 =	vld [tilespmem:s16+$0x1C000];
	v4 =	vadd.f32 v5, v4;
	v6 =	vmul.f32 v6, v6;
	v8 =	vadd.f32 v2, v8  }
0x19d: {  	v5 =	vld [tilespmem:s16+$0x1C020];
	v0 =	vadd.f32 v3, v0;
	v2 =	vmul.f32 v2, v2;
	v10 =	vadd.f32 v13, v10  }
0x19e: {  	s15 =	simm.s32 $0x80;
	v3 =	vld [tilespmem:s16+$0x1C010];
	v1 =	vadd.f32 v12, v1;
	v4 =	vadd.f32 v6, v4  }
0x19f: {  	v12 =	vld [tilespmem:s15+$0x3030];
	v13 =	vmul.f32 v13, v13;
	v8 =	vadd.f32 v14, v8;
	v0 =	vadd.f32 v2, v0  }
0x1a0: {  	v6 =	vld [tilespmem:s15+$0x4030];
	v2 =	vadd.f32 v11, v7;
	v14 =	vmul.f32 v14, v14;
	v11 =	vmul.f32 v11, v11  }
0x1a1: {  	v7 =	vld [tilespmem:s15+$0x3000];
	v10 =	vadd.f32 v9, v10;
	v1 =	vadd.f32 v13, v1;
	v9 =	vmul.f32 v9, v9  }
0x1a2: {  	v13 =	vld [tilespmem:s15+$0x3010];
	v2 =	vadd.f32 v5, v2;
	v4 =	vadd.f32 v11, v4;
	v5 =	vmul.f32 v5, v5  }
0x1a3: {  	v0 =	vadd.f32 v14, v0;
	v10 =	vmul.f32 v10, v10;
	v1 =	vadd.f32 v9, v1  }
0x1a4: {  	v14 =	vld [tilespmem:s15+$0x5030];
	v8 =	vadd.f32 v3, v8;
	v3 =	vmul.f32 v3, v3;
	v4 =	vadd.f32 v5, v4  }
0x1a5: {  	v9 =	vld [tilespmem:s15+$0x4000];
	v5 =	vadd.f32 $0.0e+00, v12;
	v2 =	vmul.f32 v2, v2;
	v1 =	vsub.f32 v10, v1  }
0x1a6: {  	v12 =	vmul.f32 v12, v12;
	v0 =	vadd.f32 v3, v0;
	v3 =	vld [tilespmem:s15+$0x6030];
	v8 =	vmul.f32 v8, v8  }
0x1a7: {  	v15 =	vld [tilespmem:s15+$0x7030];
	v50 =	vmul.f32 v6, v6;
	v10 =	vadd.f32 $0.0e+00, v7;
	v51 =	vadd.f32 $0.0e+00, v13  }
0x1a8: {  	v11 =	vld [tilespmem:s15+$0x3020];
	v7 =	vmul.f32 v7, v7;
	v5 =	vadd.f32 v6, v5;
	v8 =	vsub.f32 v8, v0  }
0x1a9: {  	v17 =	vld [tilespmem:s15+$0x4010];
	v0 =	vsub.f32 v2, v4;
	v4 =	vadd.f32 v50, v12;
	v6 =	vmul.f32 v14, v14  }
0x1aa: {  	v13 =	vmul.f32 v13, v13;
	v1 =	vmul.f32 $5.000000000e-01, v1;
	v12 =	vld [tilespmem:s15+$0x4020];
	v5 =	vadd.f32 v14, v5  }
0x1ab: {  	v2 =	vld [tilespmem:s15+$0x8030];
	v10 =	vadd.f32 v9, v10;
	v4 =	vadd.f32 v6, v4;
	v6 =	vmul.f32 v3, v3  }
0x1ac: {  	v9 =	vmul.f32 v9, v9;
	v14 =	vld [tilespmem:s15+$0x9030];
	[tilespmem:s16+$0x1D000] =	vst v1;
	v3 =	vadd.f32 v3, v5;
	v5 =	vmul.f32 $5.000000000e-01, v8  }
0x1ad: {  	v1 =	vadd.f32 $0.0e+00, v11;
	v11 =	vmul.f32 v11, v11;
	v8 =	vld [tilespmem:s15+$0x5000];
	v4 =	vadd.f32 v6, v4  }
0x1ae: {  	v6 =	vld [tilespmem:s15+$0xA030];
	v3 =	vadd.f32 v15, v3;
	v15 =	vmul.f32 v15, v15;
	[tilespmem:s16+$0x1D010] =	vst v5;
	v5 =	vadd.f32 v9, v7  }
0x1af: {  	v9 =	vmul.f32 v17, v17;
	v1 =	vadd.f32 v12, v1;
	v12 =	vmul.f32 v12, v12;
	v52 =	vld [tilespmem:s15+$0x5010]  }
0x1b0: {  	v4 =	vadd.f32 v15, v4;
	v3 =	vadd.f32 v2, v3;
	v2 =	vmul.f32 v2, v2;
	v15 =	vld [tilespmem:s15+$0xB030]  }
0x1b1: {  	v9 =	vadd.f32 v9, v13;
	v13 =	vld [tilespmem:s15+$0x5020]  }
0x1b2: {  	v53 =	vld [tilespmem:s15+$0x6010];
	v11 =	vadd.f32 v12, v11;
	v2 =	vadd.f32 v2, v4;
	v4 =	vmul.f32 v14, v14  }
0x1b3: {  	v12 =	vld [tilespmem:s15+$0x6000];
	v10 =	vadd.f32 v8, v10;
	v8 =	vmul.f32 v8, v8;
	v3 =	vadd.f32 v14, v3  }
0x1b4: {  	v7 =	vadd.f32 v17, v51;
	v14 =	vld [tilespmem:s15+$0xC030];
	v2 =	vadd.f32 v4, v2;
	v4 =	vmul.f32 v6, v6  }
0x1b5: {  	v54 =	vld [tilespmem:s15+$0x7010];
	v5 =	vadd.f32 v8, v5;
	v3 =	vadd.f32 v6, v3;
	v8 =	vmul.f32 v52, v52  }
0x1b6: {  	v6 =	vld [tilespmem:s15+$0xD030];
	v1 =	vadd.f32 v13, v1;
	v2 =	vadd.f32 v4, v2;
	v4 =	vmul.f32 v15, v15  }
0x1b7: {  	v3 =	vadd.f32 v15, v3;
	v8 =	vadd.f32 v8, v9;
	v9 =	vmul.f32 v13, v13;
	v13 =	vld [tilespmem:s15+$0x6020]  }
0x1b8: {  	v10 =	vadd.f32 v12, v10;
	v12 =	vmul.f32 v12, v12;
	v15 =	vld [tilespmem:s15+$0xE030];
	v2 =	vadd.f32 v4, v2  }
0x1b9: {  	v3 =	vadd.f32 v14, v3;
	v4 =	vmul.f32 v14, v14;
	v9 =	vadd.f32 v9, v11;
	v11 =	vld [tilespmem:s15+$0x7000]  }
0x1ba: {  	v7 =	vadd.f32 v52, v7;
	v5 =	vadd.f32 v12, v5;
	v12 =	vmul.f32 v53, v53;
	v14 =	vld [tilespmem:s15+$0xF030]  }
0x1bb: {  	v55 =	vld [tilespmem:s15+$0x8010];
	v2 =	vadd.f32 v4, v2;
	v3 =	vadd.f32 v6, v3;
	v4 =	vmul.f32 v6, v6  }
0x1bc: {  	v8 =	vadd.f32 v12, v8;
	v6 =	vld [tilespmem:s15+$0x10030];
	v1 =	vadd.f32 v13, v1;
	v12 =	vmul.f32 v13, v13  }
0x1bd: {  	v13 =	vld [tilespmem:s15+$0x7020];
	v2 =	vadd.f32 v4, v2;
	v3 =	vadd.f32 v15, v3;
	v4 =	vmul.f32 v15, v15  }
0x1be: {  	v15 =	vld [tilespmem:s15+$0x11030];
	v10 =	vadd.f32 v11, v10;
	v11 =	vmul.f32 v11, v11;
	v9 =	vadd.f32 v12, v9  }
0x1bf: {  	v12 =	vld [tilespmem:s15+$0x8000];
	v2 =	vadd.f32 v4, v2;
	v3 =	vadd.f32 v14, v3;
	v4 =	vmul.f32 v14, v14  }
0x1c0: {  	v7 =	vadd.f32 v53, v7;
	v14 =	vld [tilespmem:s15+$0x12030];
	v5 =	vadd.f32 v11, v5;
	v11 =	vmul.f32 v54, v54  }
0x1c1: {  	v56 =	vld [tilespmem:s15+$0x9010];
	v2 =	vadd.f32 v4, v2;
	v3 =	vadd.f32 v6, v3;
	v4 =	vmul.f32 v6, v6  }
0x1c2: {  	v6 =	vld [tilespmem:s15+$0x13030];
	v1 =	vadd.f32 v13, v1;
	v8 =	vadd.f32 v11, v8;
	v11 =	vmul.f32 v13, v13  }
0x1c3: {  	v13 =	vld [tilespmem:s15+$0x8020];
	v2 =	vadd.f32 v4, v2;
	v3 =	vadd.f32 v15, v3;
	v4 =	vmul.f32 v15, v15  }
0x1c4: {  	v15 =	vld [tilespmem:s15+$0x14030];
	v10 =	vadd.f32 v12, v10;
	v12 =	vmul.f32 v12, v12;
	v9 =	vadd.f32 v11, v9  }
0x1c5: {  	v11 =	vld [tilespmem:s15+$0x9000];
	v2 =	vadd.f32 v4, v2;
	v3 =	vadd.f32 v14, v3;
	v4 =	vmul.f32 v14, v14  }
0x1c6: {  	v7 =	vadd.f32 v54, v7;
	v14 =	vld [tilespmem:s15+$0x15030];
	v5 =	vadd.f32 v12, v5;
	v12 =	vmul.f32 v55, v55  }
0x1c7: {  	v2 =	vadd.f32 v4, v2;
	v3 =	vadd.f32 v6, v3;
	v4 =	vmul.f32 v6, v6;
	v6 =	vld [tilespmem:s15+$0x16030]  }
0x1c8: {  	v8 =	vadd.f32 v12, v8;
	v1 =	vadd.f32 v13, v1;
	v12 =	vmul.f32 v13, v13;
	v13 =	vld [tilespmem:s15+$0x9020]  }
0x1c9: {  	v2 =	vadd.f32 v4, v2;
	v3 =	vadd.f32 v15, v3;
	v4 =	vmul.f32 v15, v15  }
0x1ca: {  	v10 =	vadd.f32 v11, v10;
	v11 =	vmul.f32 v11, v11;
	v9 =	vadd.f32 v12, v9;
	v12 =	vld [tilespmem:s15+$0xA000]  }
0x1cb: {  	v7 =	vadd.f32 v55, v7;
	v15 =	vld [tilespmem:s15+$0x17030];
	v2 =	vadd.f32 v4, v2;
	v4 =	vmul.f32 v14, v14  }
0x1cc: {  	v57 =	vld [tilespmem:s15+$0xA010];
	v3 =	vadd.f32 v14, v3;
	v5 =	vadd.f32 v11, v5;
	v11 =	vmul.f32 v56, v56  }
0x1cd: {  	v14 =	vld [tilespmem:s15+$0x18030];
	v1 =	vadd.f32 v13, v1;
	v2 =	vadd.f32 v4, v2;
	v4 =	vmul.f32 v6, v6  }
0x1ce: {  	v3 =	vadd.f32 v6, v3;
	v8 =	vadd.f32 v11, v8;
	v11 =	vmul.f32 v13, v13;
	v13 =	vld [tilespmem:s15+$0xA020]  }
0x1cf: {  	v6 =	vld [tilespmem:s15+$0x19030];
	v10 =	vadd.f32 v12, v10;
	v12 =	vmul.f32 v12, v12;
	v2 =	vadd.f32 v4, v2  }
0x1d0: {  	v3 =	vadd.f32 v15, v3;
	v4 =	vmul.f32 v15, v15;
	v9 =	vadd.f32 v11, v9;
	v11 =	vld [tilespmem:s15+$0xB000]  }
0x1d1: {  	v7 =	vadd.f32 v56, v7;
	v15 =	vld [tilespmem:s15+$0x1A030];
	v5 =	vadd.f32 v12, v5;
	v12 =	vmul.f32 v57, v57  }
0x1d2: {  	v58 =	vld [tilespmem:s15+$0xB010];
	v2 =	vadd.f32 v4, v2;
	v3 =	vadd.f32 v14, v3;
	v4 =	vmul.f32 v14, v14  }
0x1d3: {  	v14 =	vld [tilespmem:s15+$0x1B030];
	v8 =	vadd.f32 v12, v8;
	v1 =	vadd.f32 v13, v1;
	v12 =	vmul.f32 v13, v13  }
0x1d4: {  	v13 =	vld [tilespmem:s15+$0xC000];
	v2 =	vadd.f32 v4, v2;
	v3 =	vadd.f32 v6, v3;
	v4 =	vmul.f32 v6, v6  }
0x1d5: {  	v7 =	vadd.f32 v57, v7;
	v6 =	vld [tilespmem:s15+$0x1C030];
	v10 =	vadd.f32 v11, v10;
	v11 =	vmul.f32 v11, v11  }
0x1d6: {  	v2 =	vadd.f32 v4, v2;
	v3 =	vadd.f32 v15, v3;
	v4 =	vmul.f32 v15, v15  }
0x1d7: {  	v9 =	vadd.f32 v12, v9;
	v15 =	vld [tilespmem:s15+$0xB020];
	v5 =	vadd.f32 v11, v5  }
0x1d8: {  	v2 =	vadd.f32 v4, v2;
	v3 =	vadd.f32 v14, v3;
	v4 =	vmul.f32 v14, v14;
	v14 =	vld [tilespmem:s15+$0xC010]  }
0x1d9: {  	v12 =	vld [tilespmem:s15+$0xC020];
	v11 =	vmul.f32 v58, v58;
	v10 =	vadd.f32 v13, v10;
	v13 =	vmul.f32 v13, v13  }
0x1da: {  	v2 =	vadd.f32 v4, v2;
	v3 =	vadd.f32 v6, v3;
	v4 =	vmul.f32 v6, v6;
	v6 =	vld [tilespmem:s15+$0xD000]  }
0x1db: {  	v59 =	vld [tilespmem:s15+$0xD010];
	v7 =	vadd.f32 v58, v7;
	v8 =	vadd.f32 v11, v8  }
0x1dc: {  	v5 =	vadd.f32 v13, v5;
	v1 =	vadd.f32 v15, v1;
	v11 =	vmul.f32 v15, v15;
	v15 =	vld [tilespmem:s15+$0xE000]  }
0x1dd: {  	v2 =	vadd.f32 v4, v2;
	v3 =	vmul.f32 v3, v3;
	v4 =	vld [tilespmem:s15+$0xD020];
	v7 =	vadd.f32 v14, v7  }
0x1de: {  	v14 =	vmul.f32 v14, v14;
	v9 =	vadd.f32 v11, v9;
	v1 =	vadd.f32 v12, v1;
	v11 =	vld [tilespmem:s15+$0xE020]  }
0x1df: {  	v12 =	vmul.f32 v12, v12;
	v2 =	vsub.f32 v3, v2;
	v3 =	vld [tilespmem:s15+$0xE010];
	v10 =	vadd.f32 v6, v10  }
0x1e0: {  	v60 =	vld [tilespmem:s15+$0xF000];
	v6 =	vmul.f32 v6, v6;
	v7 =	vadd.f32 v59, v7;
	v8 =	vadd.f32 v14, v8  }
0x1e1: {  	v13 =	vld [tilespmem:s15+$0xF010];
	v14 =	vmul.f32 v59, v59;
	v9 =	vadd.f32 v12, v9;
	v2 =	vmul.f32 $5.000000000e-01, v2  }
0x1e2: {  	v12 =	vld [tilespmem:s15+$0x10000];
	v1 =	vadd.f32 v4, v1;
	v4 =	vmul.f32 v4, v4;
	v5 =	vadd.f32 v6, v5  }
0x1e3: {  	v6 =	vmul.f32 v15, v15;
	v8 =	vadd.f32 v14, v8;
	v14 =	vld [tilespmem:s15+$0x10010];
	[tilespmem:s15+$0x1D030] =	vst v2;
	v2 =	vadd.f32 v15, v10  }
0x1e4: {  	v10 =	vld [tilespmem:s15+$0xF020];
	v7 =	vadd.f32 v3, v7;
	v3 =	vmul.f32 v3, v3;
	v1 =	vadd.f32 v11, v1  }
0x1e5: {  	v15 =	vld [tilespmem:s15+$0x11000];
	v4 =	vadd.f32 v4, v9;
	v9 =	vmul.f32 v11, v11;
	v5 =	vadd.f32 v6, v5  }
0x1e6: {  	v11 =	vld [tilespmem:s15+$0x10020];
	v6 =	vmul.f32 v60, v60;
	v2 =	vadd.f32 v60, v2;
	v7 =	vadd.f32 v13, v7  }
0x1e7: {  	v3 =	vadd.f32 v3, v8;
	v8 =	vmul.f32 v13, v13;
	v13 =	vld [tilespmem:s15+$0x11010];
	v4 =	vadd.f32 v9, v4  }
0x1e8: {  	v5 =	vadd.f32 v6, v5;
	v6 =	vmul.f32 v12, v12;
	v2 =	vadd.f32 v12, v2;
	v12 =	vld [tilespmem:s15+$0x12000]  }
0x1e9: {  	v1 =	vadd.f32 v10, v1;
	v9 =	vmul.f32 v10, v10;
	v10 =	vld [tilespmem:s15+$0x11020];
	v7 =	vadd.f32 v14, v7  }
0x1ea: {  	v3 =	vadd.f32 v8, v3;
	v8 =	vmul.f32 v14, v14;
	v14 =	vld [tilespmem:s15+$0x12010];
	v5 =	vadd.f32 v6, v5  }
0x1eb: {  	v6 =	vmul.f32 v15, v15;
	v2 =	vadd.f32 v15, v2;
	v15 =	vld [tilespmem:s15+$0x13000];
	v1 =	vadd.f32 v11, v1  }
0x1ec: {  	v4 =	vadd.f32 v9, v4;
	v9 =	vmul.f32 v11, v11;
	v11 =	vld [tilespmem:s15+$0x12020];
	v3 =	vadd.f32 v8, v3  }
0x1ed: {  	v5 =	vadd.f32 v6, v5;
	v7 =	vadd.f32 v13, v7;
	v8 =	vmul.f32 v13, v13;
	v13 =	vld [tilespmem:s15+$0x13010]  }
0x1ee: {  	v2 =	vadd.f32 v12, v2;
	v4 =	vadd.f32 v9, v4;
	v6 =	vmul.f32 v12, v12;
	v12 =	vld [tilespmem:s15+$0x14000]  }
0x1ef: {  	v1 =	vadd.f32 v10, v1;
	v9 =	vmul.f32 v10, v10;
	v10 =	vld [tilespmem:s15+$0x13020];
	v7 =	vadd.f32 v14, v7  }
0x1f0: {  	v3 =	vadd.f32 v8, v3;
	v8 =	vmul.f32 v14, v14;
	v14 =	vld [tilespmem:s15+$0x14010];
	v2 =	vadd.f32 v15, v2  }
0x1f1: {  	v5 =	vadd.f32 v6, v5;
	v6 =	vmul.f32 v15, v15;
	v15 =	vld [tilespmem:s15+$0x15000];
	v1 =	vadd.f32 v11, v1  }
0x1f2: {  	v4 =	vadd.f32 v9, v4;
	v9 =	vmul.f32 v11, v11;
	v11 =	vld [tilespmem:s15+$0x14020];
	v3 =	vadd.f32 v8, v3  }
0x1f3: {  	v7 =	vadd.f32 v13, v7;
	v8 =	vmul.f32 v13, v13;
	v13 =	vld [tilespmem:s15+$0x15010];
	v5 =	vadd.f32 v6, v5  }
0x1f4: {  	v2 =	vadd.f32 v12, v2;
	v4 =	vadd.f32 v9, v4;
	v6 =	vmul.f32 v12, v12;
	v12 =	vld [tilespmem:s15+$0x16000]  }
0x1f5: {  	v1 =	vadd.f32 v10, v1;
	v9 =	vmul.f32 v10, v10;
	v10 =	vld [tilespmem:s15+$0x15020];
	v7 =	vadd.f32 v14, v7  }
0x1f6: {  	v3 =	vadd.f32 v8, v3;
	v8 =	vmul.f32 v14, v14;
	v14 =	vld [tilespmem:s15+$0x16010];
	v2 =	vadd.f32 v15, v2  }
0x1f7: {  	v5 =	vadd.f32 v6, v5;
	v6 =	vmul.f32 v15, v15;
	v15 =	vld [tilespmem:s15+$0x17000];
	v1 =	vadd.f32 v11, v1  }
0x1f8: {  	v4 =	vadd.f32 v9, v4;
	v9 =	vmul.f32 v11, v11;
	v11 =	vld [tilespmem:s15+$0x16020];
	v3 =	vadd.f32 v8, v3  }
0x1f9: {  	v7 =	vadd.f32 v13, v7;
	v8 =	vmul.f32 v13, v13;
	v13 =	vld [tilespmem:s15+$0x17010];
	v5 =	vadd.f32 v6, v5  }
0x1fa: {  	v2 =	vadd.f32 v12, v2;
	v4 =	vadd.f32 v9, v4;
	v6 =	vmul.f32 v12, v12;
	v12 =	vld [tilespmem:s15+$0x18000]  }
0x1fb: {  	v1 =	vadd.f32 v10, v1;
	v9 =	vmul.f32 v10, v10;
	v10 =	vld [tilespmem:s15+$0x17020];
	v7 =	vadd.f32 v14, v7  }
0x1fc: {  	v3 =	vadd.f32 v8, v3;
	v8 =	vmul.f32 v14, v14;
	v14 =	vld [tilespmem:s15+$0x18010];
	v2 =	vadd.f32 v15, v2  }
0x1fd: {  	v5 =	vadd.f32 v6, v5;
	v6 =	vmul.f32 v15, v15;
	v15 =	vld [tilespmem:s15+$0x19000];
	v1 =	vadd.f32 v11, v1  }
0x1fe: {  	v4 =	vadd.f32 v9, v4;
	v9 =	vmul.f32 v11, v11;
	v11 =	vld [tilespmem:s15+$0x18020];
	v3 =	vadd.f32 v8, v3  }
0x1ff: {  	v7 =	vadd.f32 v13, v7;
	v8 =	vmul.f32 v13, v13;
	v13 =	vld [tilespmem:s15+$0x19010];
	v5 =	vadd.f32 v6, v5  }
0x200: {  	v2 =	vadd.f32 v12, v2;
	v4 =	vadd.f32 v9, v4;
	v6 =	vmul.f32 v12, v12;
	v12 =	vld [tilespmem:s15+$0x1A000]  }
0x201: {  	v1 =	vadd.f32 v10, v1;
	v9 =	vmul.f32 v10, v10;
	v10 =	vld [tilespmem:s15+$0x19020];
	v7 =	vadd.f32 v14, v7  }
0x202: {  	v3 =	vadd.f32 v8, v3;
	v8 =	vmul.f32 v14, v14;
	v14 =	vld [tilespmem:s15+$0x1A010];
	v2 =	vadd.f32 v15, v2  }
0x203: {  	v5 =	vadd.f32 v6, v5;
	v6 =	vmul.f32 v15, v15;
	v15 =	vld [tilespmem:s15+$0x1B000];
	v1 =	vadd.f32 v11, v1  }
0x204: {  	v4 =	vadd.f32 v9, v4;
	v9 =	vmul.f32 v11, v11;
	v11 =	vld [tilespmem:s15+$0x1A020];
	v3 =	vadd.f32 v8, v3  }
0x205: {  	v7 =	vadd.f32 v13, v7;
	v8 =	vmul.f32 v13, v13;
	v13 =	vld [tilespmem:s15+$0x1B010];
	v5 =	vadd.f32 v6, v5  }
0x206: {  	v2 =	vadd.f32 v12, v2;
	v4 =	vadd.f32 v9, v4  }
0x207: {  	v62 =	vld [tilespmem:s15+$0x1B020];
	v6 =	vmul.f32 v12, v12;
	v61 =	vadd.f32 v10, v1;
	v7 =	vadd.f32 v14, v7  }
0x208: {  	v1 =	vld [tilespmem:s15+$0x1C000];
	v3 =	vadd.f32 v8, v3;
	v12 =	vmul.f32 v14, v14;
	v63 =	vadd.f32 v15, v2  }
0x209: {  	v9 =	vmul.f32 v10, v10;
	v8 =	vadd.f32 v6, v5;
	v2 =	vld [tilespmem:s15+$0x1C010];
	v14 =	vadd.f32 v11, v61  }
0x20a: {  	v6 =	vadd.f32 v13, v7;
	v7 =	vadd.f32 v12, v3;
	v3 =	vld [tilespmem:s15+$0x1C020]  }
0x20b: {  	v18 =	vadd.f32 v9, v4;
	v11 =	vmul.f32 v11, v11  }
0x20c: {  	v10 =	vmul.f32 v15, v15;
	v9 =	vmul.f32 v13, v13;
	v4 =	vadd.f32 v62, v14  }
0x20d: {  	s18 =	simm.s32 $0x100;
	s17 =	simm.s32 $0x600;
	v12 =	vmul.f32 v62, v62;
	v11 =	vadd.f32 v11, v18;
	v5 =	vadd.f32 v1, v63  }
.LBB2_4:
0x20e: {  	p1 =	sne.s32 s17, $0x3E00;
	v13 =	vld [tilespmem:s18+$0x3030];
	v8 =	vadd.f32 v10, v8;
	v1 =	vmul.f32 v1, v1;
	v6 =	vadd.f32 v2, v6  }
0x20f: {  	v7 =	vadd.f32 v9, v7;
	v2 =	vmul.f32 v2, v2;
	v10 =	vld [tilespmem:s18+$0x3000];
	v4 =	vadd.f32 v3, v4  }
0x210: {  	v5 =	vmul.f32 v5, v5;
	v11 =	vadd.f32 v12, v11;
	v3 =	vmul.f32 v3, v3;
	v9 =	vld [tilespmem:s18+$0x4030]  }
0x211: {  	v1 =	vadd.f32 v1, v8;
	v6 =	vmul.f32 v6, v6;
	v12 =	vld [tilespmem:s18+$0x3010];
	v4 =	vmul.f32 v4, v4  }
0x212: {  	v0 =	vmul.f32 $5.000000000e-01, v0;
	v2 =	vadd.f32 v2, v7;
	v3 =	vadd.f32 v3, v11;
	v8 =	vld [tilespmem:s18+$0x5030]  }
0x213: {  	v1 =	vsub.f32 v5, v1;
	v7 =	vld [tilespmem:s18+$0x3020];
	v11 =	vadd.f32 $0.0e+00, v13  }
0x214: {  	v2 =	vsub.f32 v6, v2;
	v5 =	vadd.f32 $0.0e+00, v10;
	v10 =	vmul.f32 v10, v10;
	v14 =	vld [tilespmem:s18+$0x6030];
	[tilespmem:s16+$0x1D020] =	vst v0;
	s16 =	smov.u32 s15;
	s15 =	smov.u32 s18  }
0x215: {  	v13 =	vmul.f32 v13, v13;
	v6 =	vld [tilespmem:s15+$0x4000];
	v11 =	vadd.f32 v9, v11;
	v9 =	vmul.f32 v9, v9  }
0x216: {  	v0 =	vsub.f32 v4, v3;
	v15 =	vadd.f32 $0.0e+00, v12;
	v12 =	vmul.f32 v12, v12;
	v16 =	vld [tilespmem:s15+$0x7030]  }
0x217: {  	v3 =	vld [tilespmem:s15+$0x4010];
	v4 =	vadd.f32 v9, v13;
	v9 =	vadd.f32 v8, v11;
	v8 =	vmul.f32 v8, v8  }
0x218: {  	v1 =	vmul.f32 $5.000000000e-01, v1;
	v11 =	vadd.f32 $0.0e+00, v7;
	v7 =	vmul.f32 v7, v7;
	v13 =	vld [tilespmem:s15+$0x8030]  }
0x219: {  	v17 =	vld [tilespmem:s15+$0x4020];
	v4 =	vadd.f32 v8, v4;
	v8 =	vadd.f32 v14, v9;
	v9 =	vmul.f32 v14, v14  }
0x21a: {  	v5 =	vadd.f32 v6, v5;
	v6 =	vmul.f32 v6, v6;
	v14 =	vld [tilespmem:s15+$0x9030];
	[tilespmem:s16+$0x1D000] =	vst v1;
	v1 =	vmul.f32 $5.000000000e-01, v2  }
0x21b: {  	v2 =	vld [tilespmem:s15+$0x5000];
	v4 =	vadd.f32 v9, v4;
	v8 =	vadd.f32 v16, v8;
	v9 =	vmul.f32 v16, v16  }
0x21c: {  	v6 =	vadd.f32 v6, v10;
	v10 =	vadd.f32 v3, v15;
	v3 =	vmul.f32 v3, v3;
	v15 =	vld [tilespmem:s15+$0xA030];
	[tilespmem:s16+$0x1D010] =	vst v1  }
0x21d: {  	v1 =	vld [tilespmem:s15+$0x5010];
	v4 =	vadd.f32 v9, v4;
	v8 =	vadd.f32 v13, v8;
	v9 =	vmul.f32 v13, v13  }
0x21e: {  	v3 =	vadd.f32 v3, v12;
	v11 =	vadd.f32 v17, v11;
	v12 =	vmul.f32 v17, v17;
	v13 =	vld [tilespmem:s15+$0xB030]  }
0x21f: {  	v16 =	vld [tilespmem:s15+$0x5020];
	v4 =	vadd.f32 v9, v4;
	v8 =	vadd.f32 v14, v8;
	v9 =	vmul.f32 v14, v14  }
0x220: {  	v5 =	vadd.f32 v2, v5;
	v2 =	vmul.f32 v2, v2;
	v7 =	vadd.f32 v12, v7;
	v12 =	vld [tilespmem:s15+$0xC030]  }
0x221: {  	v14 =	vld [tilespmem:s15+$0x6000];
	v4 =	vadd.f32 v9, v4;
	v8 =	vadd.f32 v15, v8;
	v9 =	vmul.f32 v15, v15  }
0x222: {  	v2 =	vadd.f32 v2, v6;
	v6 =	vadd.f32 v1, v10;
	v1 =	vmul.f32 v1, v1;
	v10 =	vld [tilespmem:s15+$0xD030]  }
0x223: {  	v15 =	vld [tilespmem:s15+$0x6010];
	v4 =	vadd.f32 v9, v4;
	v8 =	vadd.f32 v13, v8;
	v9 =	vmul.f32 v13, v13  }
0x224: {  	v1 =	vadd.f32 v1, v3;
	v3 =	vadd.f32 v16, v11;
	v11 =	vmul.f32 v16, v16;
	v13 =	vld [tilespmem:s15+$0xE030]  }
0x225: {  	v16 =	vld [tilespmem:s15+$0x6020];
	v4 =	vadd.f32 v9, v4;
	v8 =	vadd.f32 v12, v8;
	v9 =	vmul.f32 v12, v12  }
0x226: {  	v5 =	vadd.f32 v14, v5;
	v12 =	vmul.f32 v14, v14;
	v7 =	vadd.f32 v11, v7;
	v11 =	vld [tilespmem:s15+$0xF030]  }
0x227: {  	v14 =	vld [tilespmem:s15+$0x7000];
	v4 =	vadd.f32 v9, v4;
	v8 =	vadd.f32 v10, v8;
	v9 =	vmul.f32 v10, v10  }
0x228: {  	v2 =	vadd.f32 v12, v2;
	v6 =	vadd.f32 v15, v6;
	v10 =	vmul.f32 v15, v15;
	v12 =	vld [tilespmem:s15+$0x10030]  }
0x229: {  	v15 =	vld [tilespmem:s15+$0x7010];
	v4 =	vadd.f32 v9, v4;
	v8 =	vadd.f32 v13, v8;
	v9 =	vmul.f32 v13, v13  }
0x22a: {  	v1 =	vadd.f32 v10, v1;
	v3 =	vadd.f32 v16, v3;
	v10 =	vmul.f32 v16, v16;
	v13 =	vld [tilespmem:s15+$0x11030]  }
0x22b: {  	v16 =	vld [tilespmem:s15+$0x7020];
	v4 =	vadd.f32 v9, v4;
	v8 =	vadd.f32 v11, v8;
	v9 =	vmul.f32 v11, v11  }
0x22c: {  	v5 =	vadd.f32 v14, v5;
	v11 =	vmul.f32 v14, v14;
	v7 =	vadd.f32 v10, v7;
	v10 =	vld [tilespmem:s15+$0x12030]  }
0x22d: {  	v14 =	vld [tilespmem:s15+$0x8000];
	v4 =	vadd.f32 v9, v4;
	v8 =	vadd.f32 v12, v8;
	v9 =	vmul.f32 v12, v12  }
0x22e: {  	v2 =	vadd.f32 v11, v2;
	v6 =	vadd.f32 v15, v6;
	v11 =	vmul.f32 v15, v15;
	v12 =	vld [tilespmem:s15+$0x13030]  }
0x22f: {  	v15 =	vld [tilespmem:s15+$0x8010];
	v4 =	vadd.f32 v9, v4;
	v8 =	vadd.f32 v13, v8;
	v9 =	vmul.f32 v13, v13  }
0x230: {  	v1 =	vadd.f32 v11, v1;
	v3 =	vadd.f32 v16, v3;
	v11 =	vmul.f32 v16, v16;
	v13 =	vld [tilespmem:s15+$0x14030]  }
0x231: {  	v16 =	vld [tilespmem:s15+$0x8020];
	v4 =	vadd.f32 v9, v4;
	v8 =	vadd.f32 v10, v8;
	v9 =	vmul.f32 v10, v10  }
0x232: {  	v5 =	vadd.f32 v14, v5;
	v10 =	vmul.f32 v14, v14;
	v7 =	vadd.f32 v11, v7;
	v11 =	vld [tilespmem:s15+$0x15030]  }
0x233: {  	v14 =	vld [tilespmem:s15+$0x9000];
	v4 =	vadd.f32 v9, v4;
	v8 =	vadd.f32 v12, v8;
	v9 =	vmul.f32 v12, v12  }
0x234: {  	v2 =	vadd.f32 v10, v2;
	v6 =	vadd.f32 v15, v6;
	v10 =	vmul.f32 v15, v15;
	v12 =	vld [tilespmem:s15+$0x16030]  }
0x235: {  	v15 =	vld [tilespmem:s15+$0x9010];
	v4 =	vadd.f32 v9, v4;
	v8 =	vadd.f32 v13, v8;
	v9 =	vmul.f32 v13, v13  }
0x236: {  	v1 =	vadd.f32 v10, v1;
	v3 =	vadd.f32 v16, v3;
	v10 =	vmul.f32 v16, v16;
	v13 =	vld [tilespmem:s15+$0x17030]  }
0x237: {  	v16 =	vld [tilespmem:s15+$0x9020];
	v4 =	vadd.f32 v9, v4;
	v8 =	vadd.f32 v11, v8;
	v9 =	vmul.f32 v11, v11  }
0x238: {  	v5 =	vadd.f32 v14, v5;
	v11 =	vmul.f32 v14, v14;
	v7 =	vadd.f32 v10, v7;
	v10 =	vld [tilespmem:s15+$0x18030]  }
0x239: {  	v14 =	vld [tilespmem:s15+$0xA000];
	v4 =	vadd.f32 v9, v4;
	v8 =	vadd.f32 v12, v8;
	v9 =	vmul.f32 v12, v12  }
0x23a: {  	v2 =	vadd.f32 v11, v2;
	v6 =	vadd.f32 v15, v6;
	v11 =	vmul.f32 v15, v15;
	v12 =	vld [tilespmem:s15+$0x19030]  }
0x23b: {  	v15 =	vld [tilespmem:s15+$0xA010];
	v4 =	vadd.f32 v9, v4;
	v8 =	vadd.f32 v13, v8;
	v9 =	vmul.f32 v13, v13  }
0x23c: {  	v1 =	vadd.f32 v11, v1;
	v3 =	vadd.f32 v16, v3;
	v11 =	vmul.f32 v16, v16;
	v13 =	vld [tilespmem:s15+$0x1A030]  }
0x23d: {  	v16 =	vld [tilespmem:s15+$0xA020];
	v4 =	vadd.f32 v9, v4;
	v8 =	vadd.f32 v10, v8;
	v9 =	vmul.f32 v10, v10  }
0x23e: {  	v5 =	vadd.f32 v14, v5;
	v10 =	vmul.f32 v14, v14;
	v7 =	vadd.f32 v11, v7;
	v11 =	vld [tilespmem:s15+$0x1B030]  }
0x23f: {  	v14 =	vld [tilespmem:s15+$0xB000];
	v4 =	vadd.f32 v9, v4;
	v8 =	vadd.f32 v12, v8;
	v9 =	vmul.f32 v12, v12  }
0x240: {  	v2 =	vadd.f32 v10, v2;
	v6 =	vadd.f32 v15, v6;
	v10 =	vmul.f32 v15, v15;
	v12 =	vld [tilespmem:s15+$0x1C030]  }
0x241: {  	v15 =	vld [tilespmem:s15+$0xB010];
	v4 =	vadd.f32 v9, v4;
	v8 =	vadd.f32 v13, v8;
	v9 =	vmul.f32 v13, v13  }
0x242: {  	v1 =	vadd.f32 v10, v1;
	v3 =	vadd.f32 v16, v3;
	v10 =	vmul.f32 v16, v16;
	v13 =	vld [tilespmem:s15+$0xB020]  }
0x243: {  	v16 =	vld [tilespmem:s15+$0xC000];
	v4 =	vadd.f32 v9, v4;
	v8 =	vadd.f32 v11, v8;
	v9 =	vmul.f32 v11, v11  }
0x244: {  	v5 =	vadd.f32 v14, v5;
	v11 =	vmul.f32 v14, v14;
	v14 =	vld [tilespmem:s15+$0xC010];
	v7 =	vadd.f32 v10, v7  }
0x245: {  	v10 =	vld [tilespmem:s15+$0xC020];
	v4 =	vadd.f32 v9, v4;
	v8 =	vadd.f32 v12, v8;
	v9 =	vmul.f32 v12, v12  }
0x246: {  	v2 =	vadd.f32 v11, v2;
	v11 =	vld [tilespmem:s15+$0xD000];
	v6 =	vadd.f32 v15, v6;
	v12 =	vmul.f32 v15, v15  }
0x247: {  	v15 =	vld [tilespmem:s15+$0xD010];
	v3 =	vadd.f32 v13, v3;
	v4 =	vadd.f32 v9, v4;
	v8 =	vmul.f32 v8, v8  }
0x248: {  	v9 =	vmul.f32 v13, v13;
	v5 =	vadd.f32 v16, v5;
	v1 =	vadd.f32 v12, v1;
	v12 =	vld [tilespmem:s15+$0xD020]  }
0x249: {  	v13 =	vmul.f32 v16, v16;
	v16 =	vld [tilespmem:s15+$0xE000];
	v6 =	vadd.f32 v14, v6;
	v4 =	vsub.f32 v8, v4  }
0x24a: {  	v8 =	vmul.f32 v14, v14;
	v7 =	vadd.f32 v9, v7;
	v14 =	vld [tilespmem:s15+$0xE010];
	v3 =	vadd.f32 v10, v3  }
0x24b: {  	v9 =	vmul.f32 v10, v10;
	v5 =	vadd.f32 v11, v5;
	v10 =	vld [tilespmem:s15+$0xE020];
	v4 =	vmul.f32 $5.000000000e-01, v4  }
0x24c: {  	v2 =	vadd.f32 v13, v2;
	v11 =	vmul.f32 v11, v11;
	v13 =	vld [tilespmem:s15+$0xF000];
	v6 =	vadd.f32 v15, v6  }
0x24d: {  	v1 =	vadd.f32 v8, v1;
	v8 =	vmul.f32 v15, v15;
	v15 =	vld [tilespmem:s15+$0xF010];
	v3 =	vadd.f32 v12, v3;
	[tilespmem:s15+$0x1D030] =	vst v4  }
0x24e: {  	v4 =	vadd.f32 v16, v5;
	v5 =	vadd.f32 v9, v7;
	v7 =	vmul.f32 v12, v12;
	v9 =	vld [tilespmem:s15+$0xF020]  }
0x24f: {  	v2 =	vadd.f32 v11, v2;
	v11 =	vmul.f32 v16, v16;
	v12 =	vld [tilespmem:s15+$0x10000];
	v6 =	vadd.f32 v14, v6  }
0x250: {  	v1 =	vadd.f32 v8, v1;
	v8 =	vmul.f32 v14, v14;
	v14 =	vld [tilespmem:s15+$0x10010];
	v3 =	vadd.f32 v10, v3  }
0x251: {  	v5 =	vadd.f32 v7, v5;
	v7 =	vmul.f32 v10, v10;
	v4 =	vadd.f32 v13, v4;
	v10 =	vld [tilespmem:s15+$0x10020]  }
0x252: {  	v2 =	vadd.f32 v11, v2;
	v11 =	vmul.f32 v13, v13;
	v13 =	vld [tilespmem:s15+$0x11000];
	v6 =	vadd.f32 v15, v6  }
0x253: {  	v1 =	vadd.f32 v8, v1;
	v8 =	vmul.f32 v15, v15;
	v15 =	vld [tilespmem:s15+$0x11010];
	v3 =	vadd.f32 v9, v3  }
0x254: {  	v5 =	vadd.f32 v7, v5;
	v7 =	vmul.f32 v9, v9;
	v4 =	vadd.f32 v12, v4;
	v9 =	vld [tilespmem:s15+$0x11020]  }
0x255: {  	v2 =	vadd.f32 v11, v2;
	v11 =	vmul.f32 v12, v12;
	v12 =	vld [tilespmem:s15+$0x12000];
	v6 =	vadd.f32 v14, v6  }
0x256: {  	v1 =	vadd.f32 v8, v1;
	v8 =	vmul.f32 v14, v14;
	v14 =	vld [tilespmem:s15+$0x12010];
	v3 =	vadd.f32 v10, v3  }
0x257: {  	v5 =	vadd.f32 v7, v5;
	v7 =	vmul.f32 v10, v10;
	v4 =	vadd.f32 v13, v4;
	v10 =	vld [tilespmem:s15+$0x12020]  }
0x258: {  	v2 =	vadd.f32 v11, v2;
	v11 =	vmul.f32 v13, v13;
	v13 =	vld [tilespmem:s15+$0x13000];
	v6 =	vadd.f32 v15, v6  }
0x259: {  	v1 =	vadd.f32 v8, v1;
	v8 =	vmul.f32 v15, v15;
	v15 =	vld [tilespmem:s15+$0x13010];
	v3 =	vadd.f32 v9, v3  }
0x25a: {  	v5 =	vadd.f32 v7, v5;
	v7 =	vmul.f32 v9, v9;
	v4 =	vadd.f32 v12, v4;
	v9 =	vld [tilespmem:s15+$0x13020]  }
0x25b: {  	v2 =	vadd.f32 v11, v2;
	v11 =	vmul.f32 v12, v12;
	v12 =	vld [tilespmem:s15+$0x14000];
	v6 =	vadd.f32 v14, v6  }
0x25c: {  	v1 =	vadd.f32 v8, v1;
	v8 =	vmul.f32 v14, v14;
	v14 =	vld [tilespmem:s15+$0x14010];
	v3 =	vadd.f32 v10, v3  }
0x25d: {  	v5 =	vadd.f32 v7, v5;
	v7 =	vmul.f32 v10, v10;
	v4 =	vadd.f32 v13, v4;
	v10 =	vld [tilespmem:s15+$0x14020]  }
0x25e: {  	v2 =	vadd.f32 v11, v2;
	v11 =	vmul.f32 v13, v13;
	v13 =	vld [tilespmem:s15+$0x15000];
	v6 =	vadd.f32 v15, v6  }
0x25f: {  	v1 =	vadd.f32 v8, v1;
	v8 =	vmul.f32 v15, v15;
	v15 =	vld [tilespmem:s15+$0x15010];
	v3 =	vadd.f32 v9, v3  }
0x260: {  	v5 =	vadd.f32 v7, v5;
	v7 =	vmul.f32 v9, v9;
	v4 =	vadd.f32 v12, v4;
	v9 =	vld [tilespmem:s15+$0x15020]  }
0x261: {  	v2 =	vadd.f32 v11, v2;
	v11 =	vmul.f32 v12, v12;
	v12 =	vld [tilespmem:s15+$0x16000];
	v6 =	vadd.f32 v14, v6  }
0x262: {  	v1 =	vadd.f32 v8, v1;
	v8 =	vmul.f32 v14, v14;
	v14 =	vld [tilespmem:s15+$0x16010];
	v3 =	vadd.f32 v10, v3  }
0x263: {  	v5 =	vadd.f32 v7, v5;
	v7 =	vmul.f32 v10, v10;
	v4 =	vadd.f32 v13, v4;
	v10 =	vld [tilespmem:s15+$0x16020]  }
0x264: {  	v2 =	vadd.f32 v11, v2;
	v11 =	vmul.f32 v13, v13;
	v13 =	vld [tilespmem:s15+$0x17000];
	v6 =	vadd.f32 v15, v6  }
0x265: {  	v1 =	vadd.f32 v8, v1;
	v8 =	vmul.f32 v15, v15;
	v15 =	vld [tilespmem:s15+$0x17010];
	v3 =	vadd.f32 v9, v3  }
0x266: {  	v5 =	vadd.f32 v7, v5;
	v7 =	vmul.f32 v9, v9;
	v4 =	vadd.f32 v12, v4;
	v9 =	vld [tilespmem:s15+$0x17020]  }
0x267: {  	v2 =	vadd.f32 v11, v2;
	v11 =	vmul.f32 v12, v12;
	v12 =	vld [tilespmem:s15+$0x18000];
	v6 =	vadd.f32 v14, v6  }
0x268: {  	v1 =	vadd.f32 v8, v1;
	v8 =	vmul.f32 v14, v14;
	v14 =	vld [tilespmem:s15+$0x18010];
	v3 =	vadd.f32 v10, v3  }
0x269: {  	v5 =	vadd.f32 v7, v5;
	v7 =	vmul.f32 v10, v10;
	v4 =	vadd.f32 v13, v4;
	v10 =	vld [tilespmem:s15+$0x18020]  }
0x26a: {  	v2 =	vadd.f32 v11, v2;
	v11 =	vmul.f32 v13, v13;
	v13 =	vld [tilespmem:s15+$0x19000];
	v6 =	vadd.f32 v15, v6  }
0x26b: {  	v1 =	vadd.f32 v8, v1;
	v8 =	vmul.f32 v15, v15;
	v15 =	vld [tilespmem:s15+$0x19010];
	v3 =	vadd.f32 v9, v3  }
0x26c: {  	v5 =	vadd.f32 v7, v5;
	v7 =	vmul.f32 v9, v9;
	v4 =	vadd.f32 v12, v4;
	v9 =	vld [tilespmem:s15+$0x19020]  }
0x26d: {  	v2 =	vadd.f32 v11, v2;
	v11 =	vmul.f32 v12, v12;
	v12 =	vld [tilespmem:s15+$0x1A000];
	v6 =	vadd.f32 v14, v6  }
0x26e: {  	v1 =	vadd.f32 v8, v1;
	v8 =	vmul.f32 v14, v14;
	v14 =	vld [tilespmem:s15+$0x1A010];
	v3 =	vadd.f32 v10, v3  }
0x26f: {  	v5 =	vadd.f32 v7, v5;
	v7 =	vmul.f32 v10, v10;
	v4 =	vadd.f32 v13, v4;
	v10 =	vld [tilespmem:s15+$0x1A020]  }
0x270: {  	v2 =	vadd.f32 v11, v2;
	v11 =	vmul.f32 v13, v13;
	v13 =	vld [tilespmem:s15+$0x1B000];
	v6 =	vadd.f32 v15, v6  }
0x271: {  	v8 =	vadd.f32 v8, v1;
	v15 =	vmul.f32 v15, v15;
	v16 =	vld [tilespmem:s15+$0x1B010];
	v3 =	vadd.f32 v9, v3  }
0x272: {  	v5 =	vadd.f32 v7, v5;
	v7 =	vmul.f32 v9, v9;
	v4 =	vadd.f32 v12, v4;
	v17 =	vld [tilespmem:s15+$0x1B020]  }
0x273: {  	v9 =	vadd.f32 v11, v2;
	v11 =	vmul.f32 v12, v12;
	v1 =	vld [tilespmem:s15+$0x1C000];
	v6 =	vadd.f32 v14, v6  }
.Ltmp0:
0x274: {  	v12 =	vadd.f32 v15, v8;
	v14 =	vmul.f32 v14, v14;
	v2 =	vld [tilespmem:s15+$0x1C010];
	v15 =	vadd.f32 v10, v3;
	(pc) =	sbr.rel @p1 .LBB2_4-.Ltmp0, $4  }
0x275: {  	v19 =	vadd.f32 v7, v5;
	v20 =	vmul.f32 v10, v10;
	v18 =	vadd.f32 v13, v4;
	v3 =	vld [tilespmem:s15+$0x1C020]  }
0x276: {  	v8 =	vadd.f32 v11, v9;
	v10 =	vmul.f32 v13, v13;
	v6 =	vadd.f32 v16, v6  }
0x277: {  	v7 =	vadd.f32 v14, v12;
	v9 =	vmul.f32 v16, v16;
	v4 =	vadd.f32 v17, v15  }
0x278: {  	s18 =	sshra.s32 s17, $0x2;
	s17 =	sadd.s32 $0x200, s17;
	v11 =	vadd.f32 v20, v19;
	v12 =	vmul.f32 v17, v17;
	v5 =	vadd.f32 v1, v18  }
0x279: {  	v13 =	vld [tilespmem:s18+$0x3030]  }
0x27a: {  	v14 =	vld [tilespmem:s18+$0x3000]  }
0x27b: {  	v15 =	vld [tilespmem:s18+$0x4030]  }
0x27c: {  	v16 =	vld [tilespmem:s18+$0x3010]  }
0x27d: {  	v8 =	vadd.f32 v10, v8;
	v24 =	vmul.f32 v1, v1;
	v17 =	vld [tilespmem:s18+$0x5030];
	v0 =	vmul.f32 $5.000000000e-01, v0  }
0x27e: {  	v6 =	vadd.f32 v2, v6;
	v7 =	vadd.f32 v9, v7;
	v25 =	vld [tilespmem:s18+$0x3020]  }
0x27f: {  	v26 =	vmul.f32 v2, v2;
	v18 =	vld [tilespmem:s18+$0x6030];
	v28 =	vmul.f32 v5, v5;
	v29 =	vadd.f32 v24, v8;
	[tilespmem:s16+$0x1D020] =	vst v0  }
0x280: {  	v27 =	vmul.f32 v3, v3;
	v1 =	vadd.f32 v3, v4;
	v30 =	vld [tilespmem:s18+$0x4000]  }
0x281: {  	v2 =	vadd.f32 v26, v7;
	v6 =	vmul.f32 v6, v6;
	v32 =	vld [tilespmem:s18+$0x7030];
	v3 =	vsub.f32 v28, v29  }
0x282: {  	v36 =	vld [tilespmem:s18+$0x4010]  }
0x283: {  	v38 =	vld [tilespmem:s18+$0x8030];
	v2 =	vsub.f32 v6, v2;
	v3 =	vmul.f32 $5.000000000e-01, v3  }
0x284: {  	v11 =	vadd.f32 v12, v11;
	v40 =	vld [tilespmem:s18+$0x4020]  }
0x285: {  	v42 =	vld [tilespmem:s18+$0x9030];
	v2 =	vmul.f32 $5.000000000e-01, v2;
	[tilespmem:s15+$0x1D000] =	vst v3  }
0x286: {  	v0 =	vadd.f32 v27, v11;
	v1 =	vmul.f32 v1, v1;
	v31 =	vadd.f32 $0.0e+00, v13;
	v45 =	vld [tilespmem:s18+$0x5000]  }
0x287: {  	v33 =	vadd.f32 $0.0e+00, v14;
	v34 =	vmul.f32 v13, v13;
	v35 =	vmul.f32 v15, v15;
	v46 =	vld [tilespmem:s18+$0xA030];
	[tilespmem:s15+$0x1D010] =	vst v2  }
0x288: {  	v39 =	vmul.f32 v17, v17;
	v14 =	vmul.f32 v14, v14;
	v41 =	vadd.f32 $0.0e+00, v16;
	v49 =	vld [tilespmem:s18+$0x5010]  }
0x289: {  	v16 =	vmul.f32 v16, v16;
	v43 =	vmul.f32 v18, v18;
	v37 =	vadd.f32 v15, v31;
	v50 =	vld [tilespmem:s18+$0xB030]  }
0x28a: {  	v44 =	vadd.f32 $0.0e+00, v25;
	v9 =	vmul.f32 v25, v25;
	v10 =	vadd.f32 v35, v34;
	v51 =	vld [tilespmem:s18+$0x5020]  }
0x28b: {  	v8 =	vadd.f32 v30, v33;
	v5 =	vmul.f32 v30, v30;
	v6 =	vadd.f32 v17, v37;
	v53 =	vld [tilespmem:s18+$0xC030]  }
0x28c: {  	v4 =	vmul.f32 v32, v32;
	v48 =	vadd.f32 v36, v41;
	v10 =	vadd.f32 v39, v10;
	v55 =	vld [tilespmem:s18+$0x6000]  }
0x28d: {  	v12 =	vmul.f32 v36, v36;
	v3 =	vadd.f32 v40, v44;
	v57 =	vld [tilespmem:s18+$0xD030];
	v6 =	vadd.f32 v18, v6  }
0x28e: {  	v13 =	vmul.f32 v40, v40;
	v47 =	vadd.f32 v5, v14;
	v58 =	vld [tilespmem:s18+$0x6010];
	v10 =	vadd.f32 v43, v10  }
0x28f: {  	v7 =	vmul.f32 v38, v38;
	v12 =	vadd.f32 v12, v16;
	v60 =	vld [tilespmem:s18+$0xE030];
	v6 =	vadd.f32 v32, v6  }
0x290: {  	v52 =	vmul.f32 v42, v42;
	v9 =	vadd.f32 v13, v9;
	v62 =	vld [tilespmem:s18+$0x6020];
	v4 =	vadd.f32 v4, v10  }
0x291: {  	v20 =	vld [tilespmem:s18+$0xF030];
	v8 =	vadd.f32 v45, v8;
	v54 =	vmul.f32 v45, v45;
	v6 =	vadd.f32 v38, v6  }
0x292: {  	v21 =	vld [tilespmem:s18+$0x7000];
	v56 =	vmul.f32 v46, v46;
	v4 =	vadd.f32 v7, v4;
	v5 =	vadd.f32 v49, v48  }
0x293: {  	v23 =	vld [tilespmem:s18+$0x10030];
	v14 =	vmul.f32 v49, v49;
	v59 =	vmul.f32 v50, v50;
	v3 =	vadd.f32 v51, v3  }
0x294: {  	v25 =	vld [tilespmem:s18+$0x7010];
	v61 =	vmul.f32 v51, v51;
	v2 =	vadd.f32 v54, v47;
	v8 =	vadd.f32 v55, v8  }
0x295: {  	v27 =	vld [tilespmem:s18+$0x11030];
	v63 =	vmul.f32 v53, v53;
	v6 =	vadd.f32 v42, v6;
	v4 =	vadd.f32 v52, v4  }
0x296: {  	v29 =	vld [tilespmem:s18+$0x7020];
	v13 =	vmul.f32 v55, v55;
	v12 =	vadd.f32 v14, v12;
	v9 =	vadd.f32 v61, v9  }
0x297: {  	v32 =	vld [tilespmem:s18+$0x8000];
	v24 =	vmul.f32 v58, v58;
	v5 =	vadd.f32 v58, v5;
	v3 =	vadd.f32 v62, v3  }
0x298: {  	v31 =	vld [tilespmem:s18+$0x12030];
	v28 =	vmul.f32 v62, v62;
	v2 =	vadd.f32 v13, v2;
	v8 =	vadd.f32 v21, v8  }
0x299: {  	v36 =	vld [tilespmem:s18+$0x8010];
	v22 =	vmul.f32 v57, v57;
	v6 =	vadd.f32 v46, v6;
	v4 =	vadd.f32 v56, v4  }
0x29a: {  	v40 =	vld [tilespmem:s18+$0x8020];
	v14 =	vmul.f32 v21, v21;
	v12 =	vadd.f32 v24, v12;
	v9 =	vadd.f32 v28, v9  }
0x29b: {  	v43 =	vld [tilespmem:s18+$0x9000];
	v35 =	vmul.f32 v25, v25;
	v5 =	vadd.f32 v25, v5;
	v3 =	vadd.f32 v29, v3  }
0x29c: {  	v34 =	vld [tilespmem:s18+$0x13030];
	v39 =	vmul.f32 v29, v29;
	v2 =	vadd.f32 v14, v2;
	v8 =	vadd.f32 v32, v8  }
0x29d: {  	v26 =	vmul.f32 v60, v60;
	v51 =	vld [tilespmem:s18+$0x9020];
	v6 =	vadd.f32 v50, v6;
	v4 =	vadd.f32 v59, v4  }
0x29e: {  	v47 =	vld [tilespmem:s18+$0x9010];
	v13 =	vmul.f32 v32, v32;
	v12 =	vadd.f32 v35, v12;
	v9 =	vadd.f32 v39, v9  }
0x29f: {  	v54 =	vld [tilespmem:s18+$0xA000];
	v46 =	vmul.f32 v36, v36;
	v5 =	vadd.f32 v36, v5;
	v3 =	vadd.f32 v40, v3  }
0x2a0: {  	v45 =	vld [tilespmem:s18+$0x16030];
	v50 =	vmul.f32 v40, v40;
	v2 =	vadd.f32 v13, v2;
	v8 =	vadd.f32 v43, v8  }
0x2a1: {  	v30 =	vmul.f32 v20, v20;
	v58 =	vld [tilespmem:s18+$0xA010];
	v6 =	vadd.f32 v53, v6;
	v4 =	vadd.f32 v63, v4  }
0x2a2: {  	v62 =	vld [tilespmem:s18+$0xA020];
	v14 =	vmul.f32 v43, v43;
	v12 =	vadd.f32 v46, v12;
	v9 =	vadd.f32 v50, v9  }
0x2a3: {  	v33 =	vmul.f32 v23, v23;
	v38 =	vld [tilespmem:s18+$0x14030];
	v5 =	vadd.f32 v47, v5;
	v3 =	vadd.f32 v51, v3  }
0x2a4: {  	v21 =	vld [tilespmem:s18+$0xB000];
	v61 =	vmul.f32 v51, v51;
	v2 =	vadd.f32 v14, v2;
	v8 =	vadd.f32 v54, v8  }
0x2a5: {  	v49 =	vld [tilespmem:s18+$0x17030];
	v13 =	vmul.f32 v54, v54;
	v6 =	vadd.f32 v57, v6;
	v4 =	vadd.f32 v22, v4  }
0x2a6: {  	v37 =	vmul.f32 v27, v27;
	v25 =	vld [tilespmem:s18+$0xB010];
	v9 =	vadd.f32 v61, v9;
	v5 =	vadd.f32 v58, v5  }
0x2a7: {  	v42 =	vld [tilespmem:s18+$0x15030];
	v57 =	vmul.f32 v47, v47;
	v3 =	vadd.f32 v62, v3;
	v2 =	vadd.f32 v13, v2  }
0x2a8: {  	v41 =	vmul.f32 v31, v31;
	v28 =	vld [tilespmem:s18+$0xC000];
	v6 =	vadd.f32 v60, v6;
	v4 =	vadd.f32 v26, v4  }
0x2a9: {  	v56 =	vld [tilespmem:s18+$0x19030];
	v15 =	vmul.f32 v62, v62;
	v8 =	vadd.f32 v21, v8;
	v12 =	vadd.f32 v57, v12  }
0x2aa: {  	v44 =	vmul.f32 v34, v34;
	v35 =	vld [tilespmem:s18+$0xD010];
	v6 =	vadd.f32 v20, v6;
	v4 =	vadd.f32 v30, v4  }
0x2ab: {  	v14 =	vmul.f32 v21, v21;
	v9 =	vadd.f32 v15, v9;
	v5 =	vadd.f32 v25, v5;
	v30 =	vld [tilespmem:s18+$0xC010]  }
0x2ac: {  	v24 =	vmul.f32 v58, v58;
	v6 =	vadd.f32 v23, v6;
	v4 =	vadd.f32 v33, v4;
	v33 =	vld [tilespmem:s18+$0xD000]  }
0x2ad: {  	v36 =	vld [tilespmem:s18+$0xD020];
	v13 =	vmul.f32 v28, v28;
	v2 =	vadd.f32 v14, v2;
	v8 =	vadd.f32 v28, v8  }
0x2ae: {  	v55 =	vmul.f32 v45, v45;
	v12 =	vadd.f32 v24, v12;
	v6 =	vadd.f32 v27, v6;
	v27 =	vld [tilespmem:s18+$0xB020]  }
0x2af: {  	v48 =	vmul.f32 v38, v38;
	v2 =	vadd.f32 v13, v2;
	v4 =	vadd.f32 v37, v4;
	v37 =	vld [tilespmem:s18+$0xE000]  }
0x2b0: {  	v59 =	vmul.f32 v49, v49;
	v39 =	vld [tilespmem:s18+$0xE020];
	v5 =	vadd.f32 v30, v5;
	v6 =	vadd.f32 v31, v6  }
0x2b1: {  	v40 =	vld [tilespmem:s18+$0xF000];
	v52 =	vmul.f32 v42, v42;
	v4 =	vadd.f32 v41, v4;
	v8 =	vadd.f32 v33, v8  }
0x2b2: {  	v31 =	vld [tilespmem:s18+$0xC020];
	v11 =	vmul.f32 v33, v33;
	v5 =	vadd.f32 v35, v5;
	v6 =	vadd.f32 v34, v6  }
0x2b3: {  	v53 =	vld [tilespmem:s18+$0x18030];
	v4 =	vadd.f32 v44, v4;
	v34 =	vmul.f32 v25, v25;
	v3 =	vadd.f32 v27, v3  }
0x2b4: {  	v46 =	vld [tilespmem:s18+$0x10010];
	v10 =	vmul.f32 v27, v27;
	v8 =	vadd.f32 v37, v8;
	v2 =	vadd.f32 v11, v2  }
0x2b5: {  	v22 =	vmul.f32 v56, v56;
	v47 =	vld [tilespmem:s18+$0x10020];
	v6 =	vadd.f32 v38, v6;
	v4 =	vadd.f32 v48, v4  }
0x2b6: {  	v60 =	vld [tilespmem:s18+$0x1A030];
	v14 =	vmul.f32 v37, v37;
	v12 =	vadd.f32 v34, v12;
	v9 =	vadd.f32 v10, v9  }
0x2b7: {  	v16 =	vmul.f32 v30, v30;
	v38 =	vld [tilespmem:s18+$0xE010];
	v3 =	vadd.f32 v31, v3;
	v8 =	vadd.f32 v40, v8  }
0x2b8: {  	v20 =	vld [tilespmem:s18+$0x1B030];
	v13 =	vmul.f32 v40, v40;
	v2 =	vadd.f32 v14, v2;
	v6 =	vadd.f32 v42, v6  }
0x2b9: {  	v43 =	vmul.f32 v35, v35;
	v41 =	vld [tilespmem:s18+$0xF010];
	v4 =	vadd.f32 v52, v4;
	v12 =	vadd.f32 v16, v12  }
0x2ba: {  	v44 =	vld [tilespmem:s18+$0xF020];
	v42 =	vmul.f32 v31, v31;
	v3 =	vadd.f32 v36, v3;
	v2 =	vadd.f32 v13, v2  }
0x2bb: {  	v7 =	vmul.f32 v36, v36;
	v23 =	vld [tilespmem:s18+$0x1C030];
	v6 =	vadd.f32 v45, v6;
	v4 =	vadd.f32 v55, v4  }
0x2bc: {  	v63 =	vmul.f32 v53, v53;
	v9 =	vadd.f32 v42, v9;
	v45 =	vld [tilespmem:s18+$0x10000];
	v5 =	vadd.f32 v38, v5  }
0x2bd: {  	v50 =	vld [tilespmem:s18+$0x11010];
	v57 =	vmul.f32 v47, v47;
	v3 =	vadd.f32 v39, v3;
	v6 =	vadd.f32 v49, v6  }
0x2be: {  	v24 =	vld [tilespmem:s18+$0x15020];
	v26 =	vmul.f32 v60, v60;
	v4 =	vadd.f32 v59, v4;
	v7 =	vadd.f32 v7, v9  }
0x2bf: {  	v48 =	vmul.f32 v39, v39;
	v49 =	vld [tilespmem:s18+$0x11000];
	v5 =	vadd.f32 v41, v5;
	v3 =	vadd.f32 v44, v3  }
0x2c0: {  	v28 =	vld [tilespmem:s18+$0x16020];
	v29 =	vmul.f32 v20, v20;
	v6 =	vadd.f32 v53, v6;
	v4 =	vadd.f32 v63, v4  }
0x2c1: {  	v32 =	vmul.f32 v23, v23;
	v52 =	vld [tilespmem:s18+$0x11020];
	v7 =	vadd.f32 v48, v7;
	v8 =	vadd.f32 v45, v8  }
0x2c2: {  	v54 =	vld [tilespmem:s18+$0x12000];
	v53 =	vmul.f32 v44, v44;
	v5 =	vadd.f32 v46, v5;
	v3 =	vadd.f32 v47, v3  }
0x2c3: {  	v11 =	vmul.f32 v45, v45;
	v6 =	vadd.f32 v56, v6;
	v4 =	vadd.f32 v22, v4  }
0x2c4: {  	v58 =	vld [tilespmem:s18+$0x13000];
	v33 =	vmul.f32 v24, v24;
	v7 =	vadd.f32 v53, v7;
	v8 =	vadd.f32 v49, v8  }
0x2c5: {  	v37 =	vmul.f32 v28, v28;
	v55 =	vld [tilespmem:s18+$0x12010];
	v2 =	vadd.f32 v11, v2;
	v6 =	vadd.f32 v60, v6  }
0x2c6: {  	v62 =	vld [tilespmem:s18+$0x14000];
	v51 =	vmul.f32 v41, v41;
	v5 =	vadd.f32 v50, v5;
	v3 =	vadd.f32 v52, v3  }
0x2c7: {  	v13 =	vmul.f32 v54, v54;
	v56 =	vld [tilespmem:s18+$0x12020];
	v4 =	vadd.f32 v26, v4;
	v6 =	vadd.f32 v20, v6  }
0x2c8: {  	v59 =	vld [tilespmem:s18+$0x13010];
	v10 =	vmul.f32 v49, v49;
	v7 =	vadd.f32 v57, v7;
	v8 =	vadd.f32 v54, v8  }
0x2c9: {  	v61 =	vmul.f32 v52, v52;
	v60 =	vld [tilespmem:s18+$0x13020];
	v4 =	vadd.f32 v29, v4;
	v6 =	vadd.f32 v23, v6  }
0x2ca: {  	v36 =	vld [tilespmem:s18+$0x18020];
	v14 =	vmul.f32 v55, v55;
	v2 =	vadd.f32 v10, v2;
	v5 =	vadd.f32 v55, v5  }
0x2cb: {  	v63 =	vld [tilespmem:s18+$0x14010];
	v7 =	vadd.f32 v61, v7;
	v4 =	vadd.f32 v32, v4;
	v6 =	vmul.f32 v6, v6  }
0x2cc: {  	v11 =	vmul.f32 v58, v58;
	v20 =	vld [tilespmem:s18+$0x14020];
	v3 =	vadd.f32 v56, v3;
	v8 =	vadd.f32 v58, v8  }
0x2cd: {  	v22 =	vld [tilespmem:s18+$0x15000];
	v21 =	vmul.f32 v56, v56;
	v2 =	vadd.f32 v13, v2;
	v4 =	vsub.f32 v6, v4  }
0x2ce: {  	v10 =	vmul.f32 v62, v62;
	v5 =	vadd.f32 v59, v5;
	v3 =	vadd.f32 v60, v3  }
0x2cf: {  	v23 =	vld [tilespmem:s18+$0x15010];
	v8 =	vadd.f32 v62, v8;
	v7 =	vadd.f32 v21, v7;
	v4 =	vmul.f32 $5.000000000e-01, v4  }
0x2d0: {  	v26 =	vld [tilespmem:s18+$0x16000];
	v25 =	vmul.f32 v60, v60;
	v2 =	vadd.f32 v11, v2;
	v5 =	vadd.f32 v63, v5  }
0x2d1: {  	v40 =	vld [tilespmem:s18+$0x19020];
	v3 =	vadd.f32 v20, v3;
	v6 =	vmul.f32 v38, v38;
	[tilespmem:s18+$0x1D030] =	vst v4;
	v4 =	vadd.f32 v43, v12  }
0x2d2: {  	v27 =	vld [tilespmem:s18+$0x16010];
	v45 =	vmul.f32 v36, v36;
	v8 =	vadd.f32 v22, v8;
	v7 =	vadd.f32 v25, v7  }
0x2d3: {  	v30 =	vld [tilespmem:s18+$0x17000];
	v13 =	vmul.f32 v22, v22;
	v2 =	vadd.f32 v10, v2;
	v4 =	vadd.f32 v6, v4  }
0x2d4: {  	v44 =	vld [tilespmem:s18+$0x1A020];
	v29 =	vmul.f32 v20, v20;
	v5 =	vadd.f32 v23, v5;
	v3 =	vadd.f32 v24, v3  }
0x2d5: {  	v31 =	vld [tilespmem:s18+$0x17010];
	v8 =	vadd.f32 v26, v8;
	v12 =	vmul.f32 v46, v46;
	v4 =	vadd.f32 v51, v4  }
0x2d6: {  	v49 =	vmul.f32 v40, v40;
	v32 =	vld [tilespmem:s18+$0x17020];
	v7 =	vadd.f32 v29, v7;
	v2 =	vadd.f32 v13, v2  }
0x2d7: {  	v34 =	vld [tilespmem:s18+$0x18000];
	v5 =	vadd.f32 v27, v5;
	v6 =	vmul.f32 v50, v50;
	v4 =	vadd.f32 v12, v4  }
0x2d8: {  	v11 =	vmul.f32 v26, v26;
	v3 =	vadd.f32 v28, v3;
	v8 =	vadd.f32 v30, v8  }
0x2d9: {  	v35 =	vld [tilespmem:s18+$0x18010];
	v52 =	vmul.f32 v44, v44;
	v7 =	vadd.f32 v33, v7;
	v4 =	vadd.f32 v6, v4  }
0x2da: {  	v10 =	vmul.f32 v30, v30;
	v38 =	vld [tilespmem:s18+$0x19000];
	v2 =	vadd.f32 v11, v2;
	v5 =	vadd.f32 v31, v5  }
0x2db: {  	v47 =	vld [tilespmem:s18+$0x1B010];
	v3 =	vadd.f32 v32, v3;
	v12 =	vmul.f32 v59, v59;
	v4 =	vadd.f32 v14, v4  }
0x2dc: {  	v39 =	vld [tilespmem:s18+$0x19010];
	v41 =	vmul.f32 v32, v32;
	v8 =	vadd.f32 v34, v8;
	v7 =	vadd.f32 v37, v7  }
0x2dd: {  	v42 =	vld [tilespmem:s18+$0x1A000];
	v2 =	vadd.f32 v10, v2;
	v6 =	vmul.f32 v63, v63;
	v4 =	vadd.f32 v12, v4  }
0x2de: {  	v13 =	vmul.f32 v34, v34;
	v5 =	vadd.f32 v35, v5;
	v3 =	vadd.f32 v36, v3  }
0x2df: {  	v43 =	vld [tilespmem:s18+$0x1A010];
	v8 =	vadd.f32 v38, v8;
	v14 =	vmul.f32 v23, v23;
	v4 =	vadd.f32 v6, v4  }
0x2e0: {  	v48 =	vld [tilespmem:s18+$0x1B020];
	v55 =	vmul.f32 v47, v47;
	v7 =	vadd.f32 v41, v7;
	v2 =	vadd.f32 v13, v2  }
0x2e1: {  	v46 =	vld [tilespmem:s18+$0x1B000];
	v5 =	vadd.f32 v39, v5;
	v12 =	vmul.f32 v27, v27;
	v4 =	vadd.f32 v14, v4  }
0x2e2: {  	v11 =	vmul.f32 v38, v38;
	v3 =	vadd.f32 v40, v3;
	v8 =	vadd.f32 v42, v8  }
0x2e3: {  	v7 =	vadd.f32 v45, v7;
	v6 =	vmul.f32 v31, v31;
	v4 =	vadd.f32 v12, v4  }
0x2e4: {  	v10 =	vmul.f32 v42, v42;
	v50 =	vld [tilespmem:s18+$0x1C000];
	v2 =	vadd.f32 v11, v2;
	v5 =	vadd.f32 v43, v5  }
0x2e5: {  	v53 =	vld [tilespmem:s18+$0x1C020];
	v3 =	vadd.f32 v44, v3;
	v14 =	vmul.f32 v35, v35;
	v4 =	vadd.f32 v6, v4  }
0x2e6: {  	v56 =	vmul.f32 v48, v48;
	v51 =	vld [tilespmem:s18+$0x1C010];
	v8 =	vadd.f32 v46, v8;
	v7 =	vadd.f32 v49, v7  }
0x2e7: {  	v2 =	vadd.f32 v10, v2;
	v12 =	vmul.f32 v39, v39;
	v4 =	vadd.f32 v14, v4  }
0x2e8: {  	v54 =	vmul.f32 v46, v46;
	v5 =	vadd.f32 v47, v5;
	v3 =	vadd.f32 v48, v3  }
0x2e9: {  	v8 =	vadd.f32 v50, v8;
	v6 =	vmul.f32 v43, v43;
	v4 =	vadd.f32 v12, v4  }
0x2ea: {  	v59 =	vmul.f32 v53, v53;
	v7 =	vadd.f32 v52, v7;
	v2 =	vadd.f32 v54, v2  }
0x2eb: {  	v57 =	vmul.f32 v50, v50;
	v5 =	vadd.f32 v51, v5;
	v4 =	vadd.f32 v6, v4  }
0x2ec: {  	v58 =	vmul.f32 v51, v51;
	v3 =	vadd.f32 v53, v3;
	v7 =	vadd.f32 v56, v7  }
0x2ed: {  	v8 =	vmul.f32 v8, v8;
	v2 =	vadd.f32 v57, v2;
	v4 =	vadd.f32 v55, v4  }
0x2ee: {  	v0 =	vsub.f32 v1, v0;
	v3 =	vmul.f32 v3, v3;
	v61 =	vadd.f32 v59, v7  }
0x2ef: {  	v60 =	vmul.f32 v5, v5;
	v2 =	vsub.f32 v8, v2;
	v4 =	vadd.f32 v58, v4  }
0x2f0: {  	v0 =	vmul.f32 $5.000000000e-01, v0;
	v3 =	vsub.f32 v3, v61  }
0x2f1: {  	v2 =	vmul.f32 $5.000000000e-01, v2;
	v1 =	vsub.f32 v60, v4  }
0x2f2: {  	[tilespmem:s15+$0x1D020] =	vst v0;
	v63 =	vmul.f32 $5.000000000e-01, v3  }
0x2f3: {  	s14 =	sadd.s32 s12, s14;
	s13 =	sadd.s32 $0x1, s13;
	[tilespmem:s18+$0x1D000] =	vst v2;
	v62 =	vmul.f32 $5.000000000e-01, v1  }
0x2f4: {  	s14 =	sshll.u32 s14, $0x4;
	p1 =	sne.s32 s13, $0x8;
	[tilespmem:s18+$0x1D020] =	vst v63  }
.Ltmp1:
0x2f5: {  	s20 =	simm.s32 $0x0;
	s14 =	sadd.s32 s5, s14;
	[tilespmem:s18+$0x1D010] =	vst v62;
	(pc) =	sbr.rel @p1 .LBB2_3-.Ltmp1, $4  }
0x2f6: {  	[hbm4b:s14+s20] =	stream.linear.scatter [tilespmem:s2], [sflag:$0x2], $0x1000, $0x38;
	[tilespmem:$0x1E000] =	vst v63  }
0x2f7: {  	_ =	swait.ge [sflag:s10], $0x1000  }
0x2f8: {  	[sflag:s10] =	ssyncset.done $0x0  }
0x2f9: {  	[sflag:s10] =	ssyncadd.s32 $0xFFFFF000  }
.Ltmp2:
0x2fa: {  	(pc) =	sbr.rel @p0 .LBB2_2-.Ltmp2, $2  }
0x2fb: {  	_ =	sdelay $0x2  }
0x2fc: {  	s12 =	simm.s32 $0x100;
	p1 =	por $0x0, $0x0  }
0x2fd: {  	s13 =	rddreg [dreg:$0x5]  }
0x2fe: {  	s12 =	rddreg [dreg:$0x4];
	s13 =	sadd.s32 $0x1, s13  }
0x2ff: {  	p0 =	sne.s32 s13, s12  }
.Ltmp3:
0x300: {  	_ = 	snop;
	(pc) =	sbr.rel @p0 .LBB2_1-.Ltmp3, $1  }
0x301: {  	_ =	sdelay $0x3  }
0x302: {  	_ =	sfence.sel $0x180000  }
0x303: {  	[bflag:$0x0] =	sbarrier.arrive $0xFFFF  }
0x304: {  	_ =	strace $0x90000047  }
0x305: {  	s0 =	stileid.u32;
	[bflag:$0x2] =	sbarrier.arrive $0xFFFF  }
0x306: {  	p0 =	sne.s32 s0, $0x0;
	s0 =	rddreg [dreg:$0x2]  }
0x307: {  	s0 =	sadd.s32 @!p0 $0x100000, s0  }
0x308: {  	[sflag:s0] =	ssyncadd.tile.s32 @!p0 $0x1;
	_ =	shalt  }
.Lfunc_end2:
_tile_overlayer_lowered:
.L_overlay_start_2:
0x309: {  	(tag) =	ssettag $0x2  }
0x30a: {  	s0 =	rddreg [dreg:$0x0];
	s2 =	stileid.u32  }
0x30b: {  	s1 =	rddreg [dreg:$0x1];
	p0 =	sne.s32 s2, $0x0  }
0x30c: {  	s3 =	rddreg [dreg:$0x2];
	[bflag:$0x3] =	sbarrier.arrive $0xFFFF;
	s2 =	simm.s32 @!p0 $0x1C02  }
0x30d: {  	[timem:s3], [sflag:s2] =	dma.local @!p0 [hbm:s0], s1  }
0x30e: {  	s0 =	simm.s32 @!p0 $0x2  }
0x30f: {  	_ =	swait.ge @!p0 [sflag:s0], s1  }
0x310: {  	s1 =	ssub.s32 @!p0 $0x0, s1;
	[sflag:s0] =	ssyncset.done @!p0 $0x0  }
0x311: {  	[sflag:s0] =	ssyncadd.s32 @!p0 s1  }
0x312: {  	[bflag:$0x3] =	sbarrier.arrive $0xFFFF  }
0x313: {  	_ =	shalt  }

</sc_bundles>
